<compile_context>
chip_gen: v7x
topology: tpu7x:2x2x1
jax: 0.10.2.dev20260603
libtpu: 0.0.44.dev20260713+nightly
codegen_flags: <defaults>
</compile_context>

<pallas_src>
import dataclasses
import functools

import jax
import jax.numpy as jnp
from jax import lax
from jax.experimental import pallas as pl
from jax.experimental.pallas import tpu as pltpu
from jax.experimental.pallas import tpu_sc as plsc

N = 10000
D = 128
BLK = 128
NC, NS = 2, 16
NW = NC * NS
BPW = 80
NBLK = NW * BPW
E_PAD = NBLK * BLK
ROWS = 10112
RPS = ROWS // NS
DUMMY = N
TBLK = 32
NBUF = 5
TPW = E_PAD // (NW * TBLK)
NTR = E_PAD // TBLK
PHASES = 4
HPW = TPW // PHASES
EPW = TPW * TBLK
EPP = HPW * TBLK

_mesh = plsc.VectorSubcoreMesh(
    core_axis_name="c", subcore_axis_name="s", num_cores=NC, num_subcores=NS
)

_sc_params = pltpu.CompilerParams()
if "needs_layout_passes" in pltpu.CompilerParams.__dataclass_fields__:
    _sc_params = dataclasses.replace(_sc_params, needs_layout_passes=False)



@functools.partial(
    pl.kernel,
    out_type=jax.ShapeDtypeStruct((NW, ROWS), jnp.float32),
    mesh=_mesh,
    scratch_types=[
        pltpu.VMEM((ROWS,), jnp.float32),
        pltpu.VMEM((EPW,), jnp.int32),
    ],
    compiler_params=_sc_params,
)
def _sc_degree(dst_hbm, out_hbm, hist_v, idx_v):
    c = lax.axis_index("c")
    s = lax.axis_index("s")
    w = c * NS + s

    @pl.loop(0, ROWS, step=16)
    def _zero(i):
        hist_v[pl.ds(i, 16)] = jnp.zeros((16,), jnp.float32)

    pltpu.sync_copy(dst_hbm.at[pl.ds(w * EPW, EPW)], idx_v)
    ones = jnp.ones((16,), jnp.float32)

    @pl.loop(0, EPW, step=16)
    def _grp(k):
        idx = idx_v[pl.ds(k, 16)]
        plsc.addupdate_scatter(hist_v, [idx], ones)

    pltpu.sync_copy(hist_v, out_hbm.at[w])



@functools.partial(
    pl.kernel,
    out_type=jax.ShapeDtypeStruct((NC, ROWS, D), jnp.float32),
    mesh=_mesh,
    scratch_types=[
        pltpu.VMEM((2 * EPP,), jnp.int32),
        pltpu.VMEM((HPW, TBLK), jnp.int32),
        pltpu.VMEM((NBUF * TBLK, D), jnp.float32),
        pltpu.VMEM_SHARED((ROWS, D), jnp.float32),
        pltpu.SemaphoreType.DMA,
    ],
)
def _sc_aggregate(g_hbm, src_hbm, dst_hbm, out_hbm,
                  idx_v, di_v, rows_v, acc_sh, sem):
    c = lax.axis_index("c")
    s = lax.axis_index("s")
    w = c * NS + s
    bufs = tuple(rows_v.at[pl.ds(i * TBLK, TBLK)] for i in range(NBUF))

    @pl.loop(0, NBUF * TBLK)
    def _z0(i):
        @pl.loop(0, D, step=16)
        def _z1(k):
            rows_v[i, pl.ds(k, 16)] = jnp.zeros((16,), jnp.float32)

    zstep = NBUF * TBLK
    zmain = RPS - RPS % zstep
    ztail = RPS - zmain

    @pl.loop(0, zmain, step=zstep)
    def _z2(r):
        pltpu.sync_copy(rows_v, acc_sh.at[pl.ds(s * RPS + r, zstep)])

    if ztail:
        pltpu.sync_copy(
            rows_v.at[pl.ds(0, ztail)],
            acc_sh.at[pl.ds(s * RPS + zmain, ztail)],
        )

    plsc.subcore_barrier()

    def _gref(t):
        return idx_v.at[pl.ds(t * TBLK, TBLK)]

    for ph in range(PHASES):
        base = (w * TPW + ph * HPW) * TBLK
        pltpu.sync_copy(src_hbm.at[pl.ds(base, EPP)], idx_v.at[pl.ds(0, EPP)])
        pltpu.sync_copy(dst_hbm.at[pl.ds(base, EPP)], idx_v.at[pl.ds(EPP, EPP)])

        @pl.loop(0, HPW)
        def _re(t):
            di_v[t, pl.ds(0, 16)] = idx_v[pl.ds(EPP + t * TBLK, 16)]
            di_v[t, pl.ds(16, 16)] = idx_v[pl.ds(EPP + t * TBLK + 16, 16)]

        for t in range(NBUF - 1):
            pltpu.async_copy(g_hbm.at[_gref(t)], bufs[t], sem)

        @pl.loop(0, HPW - NBUF, step=NBUF)
        def _edge(j):
            for i in range(NBUF):
                buf = bufs[i]
                nbuf = bufs[(i + NBUF - 1) % NBUF]
                t = j + i
                pltpu.make_async_copy(g_hbm.at[_gref(t)], buf, sem).wait()
                pltpu.async_copy(g_hbm.at[_gref(t + NBUF - 1)], nbuf, sem)
                pltpu.sync_copy(buf, acc_sh.at[di_v.at[t]], add=True)

        for i in range(NBUF):
            buf = bufs[i]
            nbuf = bufs[(i + NBUF - 1) % NBUF]
            t = HPW - NBUF + i
            pltpu.make_async_copy(g_hbm.at[_gref(t)], buf, sem).wait()
            if t + NBUF - 1 < HPW:
                pltpu.async_copy(g_hbm.at[_gref(t + NBUF - 1)], nbuf, sem)
            pltpu.sync_copy(buf, acc_sh.at[di_v.at[t]], add=True)

    plsc.subcore_barrier()

    pltpu.sync_copy(
        acc_sh.at[pl.ds(s * RPS, RPS)],
        out_hbm.at[c, pl.ds(s * RPS, RPS)],
    )



def _mm_body(x_ref, w_ref, o_ref):
    o_ref[...] = lax.dot_general(
        x_ref[...], w_ref[...], (((1,), (1,)), ((), ())),
        preferred_element_type=jnp.float32,
        precision=lax.Precision.HIGHEST,
    )


def _tc_linear(x, W):
    R = 2000
    return pl.pallas_call(
        _mm_body,
        grid=(N // R,),
        in_specs=[
            pl.BlockSpec((R, D), lambda i: (i, 0)),
            pl.BlockSpec((D, D), lambda i: (0, 0)),
        ],
        out_specs=pl.BlockSpec((R, D), lambda i: (i, 0)),
        out_shape=jax.ShapeDtypeStruct((N, D), jnp.float32),
    )(x, W)


def _scale_body(hist_ref, h_ref, g_ref, d_ref):
    ones = jnp.ones((NW, 1), jnp.float32)
    deg = lax.dot_general(
        hist_ref[...], ones, (((0,), (0,)), ((), ())),
        preferred_element_type=jnp.float32,
        precision=lax.Precision.HIGHEST,
    ) + 1.0
    dis = lax.rsqrt(deg[:N])
    d_ref[...] = dis
    g_ref[...] = h_ref[...] * dis


def _tc_scale(hist, h):
    return pl.pallas_call(
        _scale_body,
        out_shape=[
            jax.ShapeDtypeStruct((N, D), jnp.float32),
            jax.ShapeDtypeStruct((N, 1), jnp.float32),
        ],
    )(hist, h)


def _epi_body(p_ref0, p_ref1, g_ref, d_ref, b_ref, o_ref):
    p0 = p_ref0[0]
    p1 = p_ref1[0]
    o_ref[...] = d_ref[...] * (p0 + p1 + g_ref[...]) + b_ref[...]


def _tc_epilogue(parts, g, dis_col, b_row):
    R = 2000
    return pl.pallas_call(
        _epi_body,
        grid=(N // R,),
        in_specs=[
            pl.BlockSpec((1, R, D), lambda i: (0, i, 0)),
            pl.BlockSpec((1, R, D), lambda i: (1, i, 0)),
            pl.BlockSpec((R, D), lambda i: (i, 0)),
            pl.BlockSpec((R, 1), lambda i: (i, 0)),
            pl.BlockSpec((1, D), lambda i: (0, 0)),
        ],
        out_specs=pl.BlockSpec((R, D), lambda i: (i, 0)),
        out_shape=jax.ShapeDtypeStruct((N, D), jnp.float32),
    )(parts, parts, g, dis_col, b_row)



def kernel(x, edge_index, W, b):
    e = edge_index.shape[1]
    src = edge_index[0].astype(jnp.int32)
    dst = edge_index[1].astype(jnp.int32)
    pad = E_PAD - e
    pad_ar = jnp.arange(pad, dtype=jnp.int32)
    src_p = jnp.concatenate([src, pad_ar % N])
    dst_p = jnp.concatenate([dst, DUMMY + pad_ar % (ROWS - N)])

    h = _tc_linear(x, W)
    hist = _sc_degree(dst_p)
    g, dis_col = _tc_scale(hist, h)
    parts = _sc_aggregate(g, src_p, dst_p)
    out = _tc_epilogue(parts, g, dis_col, b.reshape(1, D))
    return out

# --- scband reference (transcript-rebuilt; emitter-appended) ---
"""Pipeline reference for scband-gcnmodel-15590731284703 (READ-ONLY COPY).

The authoritative reference and input builder live on the scoring server;
editing this copy changes nothing except your own understanding.
"""

import jax, jax.numpy as jnp
import numpy as np

N_NODES = 10000
N_EDGES = 320000
IN_DIM = 128
OUT_DIM = 128


def setup_inputs(seed: int = 0) -> dict:
    key = jax.random.key(seed)
    k1, k2, k3, k4 = jax.random.split(key, 4)
    x = jax.random.normal(k1, (N_NODES, IN_DIM), dtype=jnp.float32)
    edge_index = jax.random.randint(k2, (2, N_EDGES), 0, N_NODES, dtype=jnp.int64)
    # GCNConv linear weight [out, in] (PyG convention: out = x @ W.T), glorot init
    limit = float(np.sqrt(6.0 / (IN_DIM + OUT_DIM)))
    W = jax.random.uniform(k3, (OUT_DIM, IN_DIM), dtype=jnp.float32, minval=-limit, maxval=limit)
    b = jnp.zeros((OUT_DIM,), dtype=jnp.float32)
    return {"x": x, "edge_index": edge_index, "W": W, "b": b}


def reference(x, edge_index, W, b):
    # Faithful GCNConv (Kipf & Welling) with self-loops and symmetric normalization.
    N = x.shape[0]
    src = edge_index[0]
    dst = edge_index[1]
    loop = jnp.arange(N, dtype=src.dtype)
    src = jnp.concatenate([src, loop], axis=0)
    dst = jnp.concatenate([dst, loop], axis=0)
    # linear transform first (in->out)
    h = x @ W.T
    # degree computed on destination nodes (edge_weight = 1 incl. self loops)
    ones = jnp.ones((src.shape[0],), dtype=h.dtype)
    deg = jax.ops.segment_sum(ones, dst, num_segments=N)
    deg_inv_sqrt = jnp.where(deg > 0, deg ** -0.5, 0.0)
    norm = deg_inv_sqrt[src] * deg_inv_sqrt[dst]
    # gather messages from src, scale, scatter-add to dst
    msgs = norm[:, None] * jnp.take(h, src, axis=0)
    out = jax.ops.segment_sum(msgs, dst, num_segments=N)
    out = out + b
    return out

if __name__ == "__main__":
    import jax
    _d = setup_inputs()
    print(jax.jit(kernel)(*tuple(_d.values())))

</pallas_src>

<mosaic_0001>
#map = affine_map<(d0, d1) -> (0, 0)>
#map1 = affine_map<(d0, d1) -> (0)>
#map2 = affine_map<(d0, d1) -> (0, 0, 0)>
module attributes {stable_mosaic.version = 14 : i64} {
  func.func @_sc_aggregate(%arg0: i32, %arg1: i32, %arg2: memref<10000x128xf32, #tpu.memory_space<hbm>>, %arg3: memref<327680xi32, #tpu.memory_space<hbm>>, %arg4: memref<327680xi32, #tpu.memory_space<hbm>>, %arg5: memref<2x10112x128xf32, #tpu.memory_space<hbm>>, %arg6: memref<5120xi32, #tpu.memory_space<vmem>>, %arg7: memref<80x32xi32, #tpu.memory_space<vmem>>, %arg8: memref<160x128xf32, #tpu.memory_space<vmem>>, %arg9: memref<10112x128xf32, #tpu.memory_space<vmem_shared>>, %arg10: memref<!tpu.dma_semaphore, #tpu.memory_space<semaphore_mem>>) attributes {dimension_semantics = [#tpu.dimension_semantics<core_parallel>, #tpu.dimension_semantics<subcore_parallel>], iteration_bounds = array<i64: 2, 16>, scalar_prefetch = 0 : i64, scratch_operands = 5 : i64, tpu.core_type = #tpu.core_type<sc_vector_subcore>, window_params = [{transform_indices = #map}, {transform_indices = #map1}, {transform_indices = #map1}, {transform_indices = #map2}]} {
    %mul3A = arith.constant 16 : i32
    %mul3A_0 = arith.muli %arg0, %mul3A : i32
    %add3A = arith.addi %mul3A_0, %arg1 : i32
    %scan3A = arith.constant 0 : i32
    %scan3A_1 = arith.constant 160 : i32
    %scan3A_2 = arith.addi %scan3A, %scan3A_1 : i32
    %scan3A_3 = arith.constant 1 : i32
    scf.for %scan3A_420 = %scan3A to %scan3A_2 step %scan3A_3  : i32 {
      %mul3A_421 = arith.constant 1 : i32
      %mul3A_422 = arith.muli %scan3A_420, %mul3A_421 : i32
      %add3A_423 = arith.constant 0 : i32
      %add3A_424 = arith.addi %add3A_423, %mul3A_422 : i32
      %scan3A_425 = arith.constant 0 : i32
      %scan3A_426 = arith.constant 8 : i32
      %scan3A_427 = arith.addi %scan3A_425, %scan3A_426 : i32
      %scan3A_428 = arith.constant 1 : i32
      scf.for %scan3A_430 = %scan3A_425 to %scan3A_427 step %scan3A_428  : i32 {
        %mul3A_431 = arith.constant 16 : i32
        %mul3A_432 = arith.muli %scan3A_430, %mul3A_431 : i32
        %add3A_433 = arith.constant 0 : i32
        %add3A_434 = arith.addi %add3A_433, %mul3A_432 : i32
        %broadcast_in_dim3A = arith.constant 0.000000e+00 : f32
        %broadcast_in_dim3A_435 = vector.broadcast %broadcast_in_dim3A : f32 to vector<16xf32>
        %swap3A = arith.index_cast %add3A_424 : i32 to index
        %swap3A_436 = arith.index_cast %add3A_434 : i32 to index
        %swap3A_437 = tpu.vector_load %arg8[%swap3A, %swap3A_436] {strides = array<i32>} : memref<160x128xf32, #tpu.memory_space<vmem>>, vector<1x16xf32>,
        %swap3A_438 = vector.shape_cast %swap3A_437 : vector<1x16xf32> to vector<16xf32>
        %swap3A_439 = vector.shape_cast %broadcast_in_dim3A_435 : vector<16xf32> to vector<1x16xf32>
        tpu.vector_store %arg8[%swap3A, %swap3A_436], %swap3A_439 {strides = array<i32>} : memref<160x128xf32, #tpu.memory_space<vmem>>, vector<1x16xf32>,
      }
      %scan3A_429 = arith.constant 8 : i32
    }
    %scan3A_4 = arith.constant 160 : i32
    %scan3A_5 = arith.constant 0 : i32
    %scan3A_6 = arith.constant 3 : i32
    %scan3A_7 = arith.addi %scan3A_5, %scan3A_6 : i32
    %scan3A_8 = arith.constant 1 : i32
    scf.for %scan3A_420 = %scan3A_5 to %scan3A_7 step %scan3A_8  : i32 {
      %mul3A_421 = arith.constant 160 : i32
      %mul3A_422 = arith.muli %scan3A_420, %mul3A_421 : i32
      %add3A_423 = arith.constant 0 : i32
      %add3A_424 = arith.addi %add3A_423, %mul3A_422 : i32
      %mul3A_425 = arith.constant 632 : i32
      %mul3A_426 = arith.muli %arg1, %mul3A_425 : i32
      %add3A_427 = arith.addi %mul3A_426, %add3A_424 : i32
      "tpu.region"() ({
        %run_scoped3A_428 = tpu.sem_alloc : memref<!tpu.dma_semaphore, #tpu.memory_space<semaphore_mem>>
        %dma_start3A_429 = arith.constant 0 : i32
        %dma_start3A_430 = tpu.memref_slice %arg9[%add3A_427, %dma_start3A_429] : memref<10112x128xf32, #tpu.memory_space<vmem_shared>> -> memref<160x128xf32, #tpu.memory_space<vmem_shared>>
        %dma_start3A_431 = arith.constant 0 : i32
        %dma_start3A_432 = tpu.memref_slice %arg9[%add3A_427, %dma_start3A_431] : memref<10112x128xf32, #tpu.memory_space<vmem_shared>> -> memref<160x128xf32, #tpu.memory_space<vmem_shared>>
        tpu.enqueue_dma source(%arg8 : memref<160x128xf32, #tpu.memory_space<vmem>>) target(%dma_start3A_432 : memref<160x128xf32, #tpu.memory_space<vmem_shared>>) target_semaphore(%run_scoped3A_428 : memref<!tpu.dma_semaphore, #tpu.memory_space<semaphore_mem>>)
        %dma_wait3A_433 = arith.constant 0 : i32
        %dma_wait3A_434 = tpu.memref_slice %arg9[%add3A_427, %dma_wait3A_433] : memref<10112x128xf32, #tpu.memory_space<vmem_shared>> -> memref<160x128xf32, #tpu.memory_space<vmem_shared>>
        %dma_wait3A_435 = arith.constant 0 : i32
        %dma_wait3A_436 = tpu.memref_slice %arg9[%add3A_427, %dma_wait3A_435] : memref<10112x128xf32, #tpu.memory_space<vmem_shared>> -> memref<160x128xf32, #tpu.memory_space<vmem_shared>>
        tpu.wait_dma2 semaphore(%run_scoped3A_428 : memref<!tpu.dma_semaphore, #tpu.memory_space<semaphore_mem>>) src(%arg8 : memref<160x128xf32, #tpu.memory_space<vmem>>) dst(%dma_wait3A_436 : memref<160x128xf32, #tpu.memory_space<vmem_shared>>)
        tpu.yield
      }) : () -> ()
    }
    %scan3A_9 = arith.constant 3 : i32
    %mul3A_10 = arith.constant 632 : i32
    %mul3A_11 = arith.muli %arg1, %mul3A_10 : i32
    %add3A_12 = arith.constant 480 : i32
    %add3A_13 = arith.addi %mul3A_11, %add3A_12 : i32
    "tpu.region"() ({
      %run_scoped3A_420 = tpu.sem_alloc : memref<!tpu.dma_semaphore, #tpu.memory_space<semaphore_mem>>
      %dma_start3A_421 = arith.constant 0 : i32
      %dma_start3A_422 = arith.constant 0 : i32
      %dma_start3A_423 = tpu.memref_slice %arg8[%dma_start3A_421, %dma_start3A_422] : memref<160x128xf32, #tpu.memory_space<vmem>> -> memref<152x128xf32, #tpu.memory_space<vmem>>
      %dma_start3A_424 = arith.constant 0 : i32
      %dma_start3A_425 = tpu.memref_slice %arg9[%add3A_13, %dma_start3A_424] : memref<10112x128xf32, #tpu.memory_space<vmem_shared>> -> memref<152x128xf32, #tpu.memory_space<vmem_shared>>
      %dma_start3A_426 = arith.constant 0 : i32
      %dma_start3A_427 = tpu.memref_slice %arg9[%add3A_13, %dma_start3A_426] : memref<10112x128xf32, #tpu.memory_space<vmem_shared>> -> memref<152x128xf32, #tpu.memory_space<vmem_shared>>
      %dma_start3A_428 = arith.constant 0 : i32
      %dma_start3A_429 = arith.constant 0 : i32
      %dma_start3A_430 = tpu.memref_slice %arg8[%dma_start3A_428, %dma_start3A_429] : memref<160x128xf32, #tpu.memory_space<vmem>> -> memref<152x128xf32, #tpu.memory_space<vmem>>
      tpu.enqueue_dma source(%dma_start3A_430 : memref<152x128xf32, #tpu.memory_space<vmem>>) target(%dma_start3A_427 : memref<152x128xf32, #tpu.memory_space<vmem_shared>>) target_semaphore(%run_scoped3A_420 : memref<!tpu.dma_semaphore, #tpu.memory_space<semaphore_mem>>)
      %dma_wait3A_431 = arith.constant 0 : i32
      %dma_wait3A_432 = arith.constant 0 : i32
      %dma_wait3A_433 = tpu.memref_slice %arg8[%dma_wait3A_431, %dma_wait3A_432] : memref<160x128xf32, #tpu.memory_space<vmem>> -> memref<152x128xf32, #tpu.memory_space<vmem>>
      %dma_wait3A_434 = arith.constant 0 : i32
      %dma_wait3A_435 = tpu.memref_slice %arg9[%add3A_13, %dma_wait3A_434] : memref<10112x128xf32, #tpu.memory_space<vmem_shared>> -> memref<152x128xf32, #tpu.memory_space<vmem_shared>>
      %dma_wait3A_436 = arith.constant 0 : i32
      %dma_wait3A_437 = tpu.memref_slice %arg9[%add3A_13, %dma_wait3A_436] : memref<10112x128xf32, #tpu.memory_space<vmem_shared>> -> memref<152x128xf32, #tpu.memory_space<vmem_shared>>
      %dma_wait3A_438 = arith.constant 0 : i32
      %dma_wait3A_439 = arith.constant 0 : i32
      %dma_wait3A_440 = tpu.memref_slice %arg8[%dma_wait3A_438, %dma_wait3A_439] : memref<160x128xf32, #tpu.memory_space<vmem>> -> memref<152x128xf32, #tpu.memory_space<vmem>>
      tpu.wait_dma2 semaphore(%run_scoped3A_420 : memref<!tpu.dma_semaphore, #tpu.memory_space<semaphore_mem>>) src(%dma_wait3A_440 : memref<152x128xf32, #tpu.memory_space<vmem>>) dst(%dma_wait3A_437 : memref<152x128xf32, #tpu.memory_space<vmem_shared>>)
      tpu.yield
    }) : () -> ()
    %barrier3A = arith.constant 0 : index
    tpu.barrier barrier_id(%barrier3A)
    %mul3A_14 = arith.constant 320 : i32
    %mul3A_15 = arith.muli %add3A, %mul3A_14 : i32
    %add3A_16 = arith.constant 0 : i32
    %add3A_17 = arith.addi %mul3A_15, %add3A_16 : i32
    %mul3A_18 = arith.constant 32 : i32
    %mul3A_19 = arith.muli %add3A_17, %mul3A_18 : i32
    "tpu.region"() ({
      %run_scoped3A_420 = tpu.sem_alloc : memref<!tpu.dma_semaphore, #tpu.memory_space<semaphore_mem>>
      %dma_start3A_421 = arith.constant 0 : i32
      %dma_start3A_422 = tpu.memref_slice %arg6[%dma_start3A_421] : memref<5120xi32, #tpu.memory_space<vmem>> -> memref<2560xi32, #tpu.memory_space<vmem>>
      %dma_start3A_423 = tpu.memref_slice %arg3[%mul3A_19] : memref<327680xi32, #tpu.memory_space<hbm>> -> memref<2560xi32, #tpu.memory_space<hbm>>
      %dma_start3A_424 = arith.constant 0 : i32
      %dma_start3A_425 = tpu.memref_slice %arg6[%dma_start3A_424] : memref<5120xi32, #tpu.memory_space<vmem>> -> memref<2560xi32, #tpu.memory_space<vmem>>
      %dma_start3A_426 = tpu.memref_slice %arg3[%mul3A_19] : memref<327680xi32, #tpu.memory_space<hbm>> -> memref<2560xi32, #tpu.memory_space<hbm>>
      tpu.enqueue_dma source(%dma_start3A_426 : memref<2560xi32, #tpu.memory_space<hbm>>) target(%dma_start3A_425 : memref<2560xi32, #tpu.memory_space<vmem>>) target_semaphore(%run_scoped3A_420 : memref<!tpu.dma_semaphore, #tpu.memory_space<semaphore_mem>>)
      %dma_wait3A_427 = arith.constant 0 : i32
      %dma_wait3A_428 = tpu.memref_slice %arg6[%dma_wait3A_427] : memref<5120xi32, #tpu.memory_space<vmem>> -> memref<2560xi32, #tpu.memory_space<vmem>>
      %dma_wait3A_429 = tpu.memref_slice %arg3[%mul3A_19] : memref<327680xi32, #tpu.memory_space<hbm>> -> memref<2560xi32, #tpu.memory_space<hbm>>
      %dma_wait3A_430 = arith.constant 0 : i32
      %dma_wait3A_431 = tpu.memref_slice %arg6[%dma_wait3A_430] : memref<5120xi32, #tpu.memory_space<vmem>> -> memref<2560xi32, #tpu.memory_space<vmem>>
      %dma_wait3A_432 = tpu.memref_slice %arg3[%mul3A_19] : memref<327680xi32, #tpu.memory_space<hbm>> -> memref<2560xi32, #tpu.memory_space<hbm>>
      tpu.wait_dma2 semaphore(%run_scoped3A_420 : memref<!tpu.dma_semaphore, #tpu.memory_space<semaphore_mem>>) src(%dma_wait3A_432 : memref<2560xi32, #tpu.memory_space<hbm>>) dst(%dma_wait3A_431 : memref<2560xi32, #tpu.memory_space<vmem>>)
      tpu.yield
    }) : () -> ()
    "tpu.region"() ({
      %run_scoped3A_420 = tpu.sem_alloc : memref<!tpu.dma_semaphore, #tpu.memory_space<semaphore_mem>>
      %dma_start3A_421 = arith.constant 2560 : i32
      %dma_start3A_422 = tpu.memref_slice %arg6[%dma_start3A_421] : memref<5120xi32, #tpu.memory_space<vmem>> -> memref<2560xi32, #tpu.memory_space<vmem>>
      %dma_start3A_423 = tpu.memref_slice %arg4[%mul3A_19] : memref<327680xi32, #tpu.memory_space<hbm>> -> memref<2560xi32, #tpu.memory_space<hbm>>
      %dma_start3A_424 = arith.constant 2560 : i32
      %dma_start3A_425 = tpu.memref_slice %arg6[%dma_start3A_424] : memref<5120xi32, #tpu.memory_space<vmem>> -> memref<2560xi32, #tpu.memory_space<vmem>>
      %dma_start3A_426 = tpu.memref_slice %arg4[%mul3A_19] : memref<327680xi32, #tpu.memory_space<hbm>> -> memref<2560xi32, #tpu.memory_space<hbm>>
      tpu.enqueue_dma source(%dma_start3A_426 : memref<2560xi32, #tpu.memory_space<hbm>>) target(%dma_start3A_425 : memref<2560xi32, #tpu.memory_space<vmem>>) target_semaphore(%run_scoped3A_420 : memref<!tpu.dma_semaphore, #tpu.memory_space<semaphore_mem>>)
      %dma_wait3A_427 = arith.constant 2560 : i32
      %dma_wait3A_428 = tpu.memref_slice %arg6[%dma_wait3A_427] : memref<5120xi32, #tpu.memory_space<vmem>> -> memref<2560xi32, #tpu.memory_space<vmem>>
      %dma_wait3A_429 = tpu.memref_slice %arg4[%mul3A_19] : memref<327680xi32, #tpu.memory_space<hbm>> -> memref<2560xi32, #tpu.memory_space<hbm>>
      %dma_wait3A_430 = arith.constant 2560 : i32
      %dma_wait3A_431 = tpu.memref_slice %arg6[%dma_wait3A_430] : memref<5120xi32, #tpu.memory_space<vmem>> -> memref<2560xi32, #tpu.memory_space<vmem>>
      %dma_wait3A_432 = tpu.memref_slice %arg4[%mul3A_19] : memref<327680xi32, #tpu.memory_space<hbm>> -> memref<2560xi32, #tpu.memory_space<hbm>>
      tpu.wait_dma2 semaphore(%run_scoped3A_420 : memref<!tpu.dma_semaphore, #tpu.memory_space<semaphore_mem>>) src(%dma_wait3A_432 : memref<2560xi32, #tpu.memory_space<hbm>>) dst(%dma_wait3A_431 : memref<2560xi32, #tpu.memory_space<vmem>>)
      tpu.yield
    }) : () -> ()
    %scan3A_20 = arith.constant 0 : i32
    %scan3A_21 = arith.constant 80 : i32
    %scan3A_22 = arith.addi %scan3A_20, %scan3A_21 : i32
    %scan3A_23 = arith.constant 1 : i32
    scf.for %scan3A_420 = %scan3A_20 to %scan3A_22 step %scan3A_23  : i32 {
      %mul3A_421 = arith.constant 1 : i32
      %mul3A_422 = arith.muli %scan3A_420, %mul3A_421 : i32
      %add3A_423 = arith.constant 0 : i32
      %add3A_424 = arith.addi %add3A_423, %mul3A_422 : i32
      %mul3A_425 = arith.constant 32 : i32
      %mul3A_426 = arith.muli %add3A_424, %mul3A_425 : i32
      %add3A_427 = arith.constant 2560 : i32
      %add3A_428 = arith.addi %add3A_427, %mul3A_426 : i32
      %get3A = arith.index_cast %add3A_428 : i32 to index
      %get3A_429 = tpu.vector_load %arg6[%get3A] {strides = array<i32>} : memref<5120xi32, #tpu.memory_space<vmem>>, vector<16xi32>,
      %get3A_430 = vector.shape_cast %get3A_429 : vector<16xi32> to vector<16xi32>
      %swap3A = arith.index_cast %add3A_424 : i32 to index
      %swap3A_431 = arith.constant 0 : index
      %swap3A_432 = tpu.vector_load %arg7[%swap3A, %swap3A_431] {strides = array<i32>} : memref<80x32xi32, #tpu.memory_space<vmem>>, vector<1x16xi32>,
      %swap3A_433 = vector.shape_cast %swap3A_432 : vector<1x16xi32> to vector<16xi32>
      %swap3A_434 = vector.shape_cast %get3A_430 : vector<16xi32> to vector<1x16xi32>
      tpu.vector_store %arg7[%swap3A, %swap3A_431], %swap3A_434 {strides = array<i32>} : memref<80x32xi32, #tpu.memory_space<vmem>>, vector<1x16xi32>,
      %mul3A_435 = arith.constant 32 : i32
      %mul3A_436 = arith.muli %add3A_424, %mul3A_435 : i32
      %add3A_437 = arith.constant 2560 : i32
      %add3A_438 = arith.addi %add3A_437, %mul3A_436 : i32
      %add3A_439 = arith.constant 16 : i32
      %add3A_440 = arith.addi %add3A_438, %add3A_439 : i32
      %get3A_441 = arith.index_cast %add3A_440 : i32 to index
      %get3A_442 = tpu.vector_load %arg6[%get3A_441] {strides = array<i32>} : memref<5120xi32, #tpu.memory_space<vmem>>, vector<16xi32>,
      %get3A_443 = vector.shape_cast %get3A_442 : vector<16xi32> to vector<16xi32>
      %swap3A_444 = arith.index_cast %add3A_424 : i32 to index
      %swap3A_445 = arith.constant 16 : index
      %swap3A_446 = tpu.vector_load %arg7[%swap3A_444, %swap3A_445] {strides = array<i32>} : memref<80x32xi32, #tpu.memory_space<vmem>>, vector<1x16xi32>,
      %swap3A_447 = vector.shape_cast %swap3A_446 : vector<1x16xi32> to vector<16xi32>
      %swap3A_448 = vector.shape_cast %get3A_443 : vector<16xi32> to vector<1x16xi32>
      tpu.vector_store %arg7[%swap3A_444, %swap3A_445], %swap3A_448 {strides = array<i32>} : memref<80x32xi32, #tpu.memory_space<vmem>>, vector<1x16xi32>,
    }
    %scan3A_24 = arith.constant 80 : i32
    %dma_start3A = arith.constant 0 : i32
    %dma_start3A_25 = arith.constant 0 : i32
    %dma_start3A_26 = tpu.memref_slice %arg8[%dma_start3A, %dma_start3A_25] : memref<160x128xf32, #tpu.memory_space<vmem>> -> memref<32x128xf32, #tpu.memory_space<vmem>>
    %dma_start3A_27 = arith.constant 0 : i32
    %dma_start3A_28 = tpu.memref_slice %arg6[%dma_start3A_27] : memref<5120xi32, #tpu.memory_space<vmem>> -> memref<32xi32, #tpu.memory_space<vmem>>
    %dma_start3A_29 = arith.constant 0 : i32
    %dma_start3A_30 = arith.constant 0 : i32
    %dma_start3A_31 = tpu.memref_slice %arg2[%dma_start3A_29, %dma_start3A_30] : memref<10000x128xf32, #tpu.memory_space<hbm>> -> memref<10000x128xf32, #tpu.memory_space<hbm>>
    tpu.enqueue_indirect_dma source(%dma_start3A_31 : memref<10000x128xf32, #tpu.memory_space<hbm>>) target(%dma_start3A_26 : memref<32x128xf32, #tpu.memory_space<vmem>>) offsets(%dma_start3A_28 : memref<32xi32, #tpu.memory_space<vmem>>) semaphore(%arg10 : memref<!tpu.dma_semaphore, #tpu.memory_space<semaphore_mem>>)
    %dma_start3A_32 = arith.constant 32 : i32
    %dma_start3A_33 = arith.constant 0 : i32
    %dma_start3A_34 = tpu.memref_slice %arg8[%dma_start3A_32, %dma_start3A_33] : memref<160x128xf32, #tpu.memory_space<vmem>> -> memref<32x128xf32, #tpu.memory_space<vmem>>
    %dma_start3A_35 = arith.constant 32 : i32
    %dma_start3A_36 = tpu.memref_slice %arg6[%dma_start3A_35] : memref<5120xi32, #tpu.memory_space<vmem>> -> memref<32xi32, #tpu.memory_space<vmem>>
    %dma_start3A_37 = arith.constant 0 : i32
    %dma_start3A_38 = arith.constant 0 : i32
    %dma_start3A_39 = tpu.memref_slice %arg2[%dma_start3A_37, %dma_start3A_38] : memref<10000x128xf32, #tpu.memory_space<hbm>> -> memref<10000x128xf32, #tpu.memory_space<hbm>>
    tpu.enqueue_indirect_dma source(%dma_start3A_39 : memref<10000x128xf32, #tpu.memory_space<hbm>>) target(%dma_start3A_34 : memref<32x128xf32, #tpu.memory_space<vmem>>) offsets(%dma_start3A_36 : memref<32xi32, #tpu.memory_space<vmem>>) semaphore(%arg10 : memref<!tpu.dma_semaphore, #tpu.memory_space<semaphore_mem>>)
    %dma_start3A_40 = arith.constant 64 : i32
    %dma_start3A_41 = arith.constant 0 : i32
    %dma_start3A_42 = tpu.memref_slice %arg8[%dma_start3A_40, %dma_start3A_41] : memref<160x128xf32, #tpu.memory_space<vmem>> -> memref<32x128xf32, #tpu.memory_space<vmem>>
    %dma_start3A_43 = arith.constant 64 : i32
    %dma_start3A_44 = tpu.memref_slice %arg6[%dma_start3A_43] : memref<5120xi32, #tpu.memory_space<vmem>> -> memref<32xi32, #tpu.memory_space<vmem>>
    %dma_start3A_45 = arith.constant 0 : i32
    %dma_start3A_46 = arith.constant 0 : i32
    %dma_start3A_47 = tpu.memref_slice %arg2[%dma_start3A_45, %dma_start3A_46] : memref<10000x128xf32, #tpu.memory_space<hbm>> -> memref<10000x128xf32, #tpu.memory_space<hbm>>
    tpu.enqueue_indirect_dma source(%dma_start3A_47 : memref<10000x128xf32, #tpu.memory_space<hbm>>) target(%dma_start3A_42 : memref<32x128xf32, #tpu.memory_space<vmem>>) offsets(%dma_start3A_44 : memref<32xi32, #tpu.memory_space<vmem>>) semaphore(%arg10 : memref<!tpu.dma_semaphore, #tpu.memory_space<semaphore_mem>>)
    %dma_start3A_48 = arith.constant 96 : i32
    %dma_start3A_49 = arith.constant 0 : i32
    %dma_start3A_50 = tpu.memref_slice %arg8[%dma_start3A_48, %dma_start3A_49] : memref<160x128xf32, #tpu.memory_space<vmem>> -> memref<32x128xf32, #tpu.memory_space<vmem>>
    %dma_start3A_51 = arith.constant 96 : i32
    %dma_start3A_52 = tpu.memref_slice %arg6[%dma_start3A_51] : memref<5120xi32, #tpu.memory_space<vmem>> -> memref<32xi32, #tpu.memory_space<vmem>>
    %dma_start3A_53 = arith.constant 0 : i32
    %dma_start3A_54 = arith.constant 0 : i32
    %dma_start3A_55 = tpu.memref_slice %arg2[%dma_start3A_53, %dma_start3A_54] : memref<10000x128xf32, #tpu.memory_space<hbm>> -> memref<10000x128xf32, #tpu.memory_space<hbm>>
    tpu.enqueue_indirect_dma source(%dma_start3A_55 : memref<10000x128xf32, #tpu.memory_space<hbm>>) target(%dma_start3A_50 : memref<32x128xf32, #tpu.memory_space<vmem>>) offsets(%dma_start3A_52 : memref<32xi32, #tpu.memory_space<vmem>>) semaphore(%arg10 : memref<!tpu.dma_semaphore, #tpu.memory_space<semaphore_mem>>)
    %scan3A_56 = arith.constant 0 : i32
    %scan3A_57 = arith.constant 15 : i32
    %scan3A_58 = arith.addi %scan3A_56, %scan3A_57 : i32
    %scan3A_59 = arith.constant 1 : i32
    scf.for %scan3A_420 = %scan3A_56 to %scan3A_58 step %scan3A_59  : i32 {
      %mul3A_421 = arith.constant 5 : i32
      %mul3A_422 = arith.muli %scan3A_420, %mul3A_421 : i32
      %add3A_423 = arith.constant 0 : i32
      %add3A_424 = arith.addi %add3A_423, %mul3A_422 : i32
      %add3A_425 = arith.constant 0 : i32
      %add3A_426 = arith.addi %add3A_424, %add3A_425 : i32
      %mul3A_427 = arith.constant 32 : i32
      %mul3A_428 = arith.muli %add3A_426, %mul3A_427 : i32
      %dma_wait3A_429 = arith.constant 0 : i32
      %dma_wait3A_430 = arith.constant 0 : i32
      %dma_wait3A_431 = tpu.memref_slice %arg8[%dma_wait3A_429, %dma_wait3A_430] : memref<160x128xf32, #tpu.memory_space<vmem>> -> memref<32x128xf32, #tpu.memory_space<vmem>>
      %dma_wait3A_432 = tpu.memref_slice %arg6[%mul3A_428] : memref<5120xi32, #tpu.memory_space<vmem>> -> memref<32xi32, #tpu.memory_space<vmem>>
      %dma_wait3A_433 = arith.constant 0 : i32
      %dma_wait3A_434 = arith.constant 0 : i32
      %dma_wait3A_435 = tpu.memref_slice %arg2[%dma_wait3A_433, %dma_wait3A_434] : memref<10000x128xf32, #tpu.memory_space<hbm>> -> memref<10000x128xf32, #tpu.memory_space<hbm>>
      tpu.wait_indirect_dma semaphore(%arg10 : memref<!tpu.dma_semaphore, #tpu.memory_space<semaphore_mem>>) src(%dma_wait3A_435 : memref<10000x128xf32, #tpu.memory_space<hbm>>) dst(%dma_wait3A_431 : memref<32x128xf32, #tpu.memory_space<vmem>>)
      %add3A_436 = arith.constant 5 : i32
      %add3A_437 = arith.addi %add3A_426, %add3A_436 : i32
      %sub3A = arith.constant 1 : i32
      %sub3A_438 = arith.subi %add3A_437, %sub3A : i32
      %mul3A_439 = arith.constant 32 : i32
      %mul3A_440 = arith.muli %sub3A_438, %mul3A_439 : i32
      %dma_start3A_441 = arith.constant 128 : i32
      %dma_start3A_442 = arith.constant 0 : i32
      %dma_start3A_443 = tpu.memref_slice %arg8[%dma_start3A_441, %dma_start3A_442] : memref<160x128xf32, #tpu.memory_space<vmem>> -> memref<32x128xf32, #tpu.memory_space<vmem>>
      %dma_start3A_444 = tpu.memref_slice %arg6[%mul3A_440] : memref<5120xi32, #tpu.memory_space<vmem>> -> memref<32xi32, #tpu.memory_space<vmem>>
      %dma_start3A_445 = arith.constant 0 : i32
      %dma_start3A_446 = arith.constant 0 : i32
      %dma_start3A_447 = tpu.memref_slice %arg2[%dma_start3A_445, %dma_start3A_446] : memref<10000x128xf32, #tpu.memory_space<hbm>> -> memref<10000x128xf32, #tpu.memory_space<hbm>>
      tpu.enqueue_indirect_dma source(%dma_start3A_447 : memref<10000x128xf32, #tpu.memory_space<hbm>>) target(%dma_start3A_443 : memref<32x128xf32, #tpu.memory_space<vmem>>) offsets(%dma_start3A_444 : memref<32xi32, #tpu.memory_space<vmem>>) semaphore(%arg10 : memref<!tpu.dma_semaphore, #tpu.memory_space<semaphore_mem>>)
      "tpu.region"() ({
        %run_scoped3A_544 = tpu.sem_alloc : memref<!tpu.dma_semaphore, #tpu.memory_space<semaphore_mem>>
        %dma_start3A_545 = arith.constant 0 : i32
        %dma_start3A_546 = arith.constant 0 : i32
        %dma_start3A_547 = tpu.memref_slice %arg8[%dma_start3A_545, %dma_start3A_546] : memref<160x128xf32, #tpu.memory_space<vmem>> -> memref<32x128xf32, #tpu.memory_space<vmem>>
        %dma_start3A_548 = arith.constant 0 : i32
        %dma_start3A_549 = tpu.memref_slice %arg7[%add3A_426, %dma_start3A_548] : memref<80x32xi32, #tpu.memory_space<vmem>> -> memref<1x32xi32, #tpu.memory_space<vmem>>
        %dma_start3A_550 = tpu.memref_squeeze %dma_start3A_549 : memref<1x32xi32, #tpu.memory_space<vmem>> -> memref<32xi32, #tpu.memory_space<vmem>>
        %dma_start3A_551 = arith.constant 0 : i32
        %dma_start3A_552 = arith.constant 0 : i32
        %dma_start3A_553 = tpu.memref_slice %arg9[%dma_start3A_551, %dma_start3A_552] : memref<10112x128xf32, #tpu.memory_space<vmem_shared>> -> memref<10112x128xf32, #tpu.memory_space<vmem_shared>>
        tpu.enqueue_indirect_dma source(%dma_start3A_547 : memref<32x128xf32, #tpu.memory_space<vmem>>) target(%dma_start3A_553 : memref<10112x128xf32, #tpu.memory_space<vmem_shared>>) offsets(%dma_start3A_550 : memref<32xi32, #tpu.memory_space<vmem>>) semaphore(%run_scoped3A_544 : memref<!tpu.dma_semaphore, #tpu.memory_space<semaphore_mem>>) {add = true}
        %dma_wait3A_554 = arith.constant 0 : i32
        %dma_wait3A_555 = arith.constant 0 : i32
        %dma_wait3A_556 = tpu.memref_slice %arg8[%dma_wait3A_554, %dma_wait3A_555] : memref<160x128xf32, #tpu.memory_space<vmem>> -> memref<32x128xf32, #tpu.memory_space<vmem>>
        %dma_wait3A_557 = arith.constant 0 : i32
        %dma_wait3A_558 = tpu.memref_slice %arg7[%add3A_426, %dma_wait3A_557] : memref<80x32xi32, #tpu.memory_space<vmem>> -> memref<1x32xi32, #tpu.memory_space<vmem>>
        %dma_wait3A_559 = tpu.memref_squeeze %dma_wait3A_558 : memref<1x32xi32, #tpu.memory_space<vmem>> -> memref<32xi32, #tpu.memory_space<vmem>>
        %dma_wait3A_560 = arith.constant 0 : i32
        %dma_wait3A_561 = arith.constant 0 : i32
        %dma_wait3A_562 = tpu.memref_slice %arg9[%dma_wait3A_560, %dma_wait3A_561] : memref<10112x128xf32, #tpu.memory_space<vmem_shared>> -> memref<10112x128xf32, #tpu.memory_space<vmem_shared>>
        tpu.wait_indirect_dma semaphore(%run_scoped3A_544 : memref<!tpu.dma_semaphore, #tpu.memory_space<semaphore_mem>>) src(%dma_wait3A_556 : memref<32x128xf32, #tpu.memory_space<vmem>>) dst(%dma_wait3A_562 : memref<10112x128xf32, #tpu.memory_space<vmem_shared>>)
        tpu.yield
      }) : () -> ()
      %add3A_448 = arith.constant 1 : i32
      %add3A_449 = arith.addi %add3A_424, %add3A_448 : i32
      %mul3A_450 = arith.constant 32 : i32
      %mul3A_451 = arith.muli %add3A_449, %mul3A_450 : i32
      %dma_wait3A_452 = arith.constant 32 : i32
      %dma_wait3A_453 = arith.constant 0 : i32
      %dma_wait3A_454 = tpu.memref_slice %arg8[%dma_wait3A_452, %dma_wait3A_453] : memref<160x128xf32, #tpu.memory_space<vmem>> -> memref<32x128xf32, #tpu.memory_space<vmem>>
      %dma_wait3A_455 = tpu.memref_slice %arg6[%mul3A_451] : memref<5120xi32, #tpu.memory_space<vmem>> -> memref<32xi32, #tpu.memory_space<vmem>>
      %dma_wait3A_456 = arith.constant 0 : i32
      %dma_wait3A_457 = arith.constant 0 : i32
      %dma_wait3A_458 = tpu.memref_slice %arg2[%dma_wait3A_456, %dma_wait3A_457] : memref<10000x128xf32, #tpu.memory_space<hbm>> -> memref<10000x128xf32, #tpu.memory_space<hbm>>
      tpu.wait_indirect_dma semaphore(%arg10 : memref<!tpu.dma_semaphore, #tpu.memory_space<semaphore_mem>>) src(%dma_wait3A_458 : memref<10000x128xf32, #tpu.memory_space<hbm>>) dst(%dma_wait3A_454 : memref<32x128xf32, #tpu.memory_space<vmem>>)
      %add3A_459 = arith.constant 5 : i32
      %add3A_460 = arith.addi %add3A_449, %add3A_459 : i32
      %sub3A_461 = arith.constant 1 : i32
      %sub3A_462 = arith.subi %add3A_460, %sub3A_461 : i32
      %mul3A_463 = arith.constant 32 : i32
      %mul3A_464 = arith.muli %sub3A_462, %mul3A_463 : i32
      %dma_start3A_465 = arith.constant 0 : i32
      %dma_start3A_466 = arith.constant 0 : i32
      %dma_start3A_467 = tpu.memref_slice %arg8[%dma_start3A_465, %dma_start3A_466] : memref<160x128xf32, #tpu.memory_space<vmem>> -> memref<32x128xf32, #tpu.memory_space<vmem>>
      %dma_start3A_468 = tpu.memref_slice %arg6[%mul3A_464] : memref<5120xi32, #tpu.memory_space<vmem>> -> memref<32xi32, #tpu.memory_space<vmem>>
      %dma_start3A_469 = arith.constant 0 : i32
      %dma_start3A_470 = arith.constant 0 : i32
      %dma_start3A_471 = tpu.memref_slice %arg2[%dma_start3A_469, %dma_start3A_470] : memref<10000x128xf32, #tpu.memory_space<hbm>> -> memref<10000x128xf32, #tpu.memory_space<hbm>>
      tpu.enqueue_indirect_dma source(%dma_start3A_471 : memref<10000x128xf32, #tpu.memory_space<hbm>>) target(%dma_start3A_467 : memref<32x128xf32, #tpu.memory_space<vmem>>) offsets(%dma_start3A_468 : memref<32xi32, #tpu.memory_space<vmem>>) semaphore(%arg10 : memref<!tpu.dma_semaphore, #tpu.memory_space<semaphore_mem>>)
      "tpu.region"() ({
        %run_scoped3A_544 = tpu.sem_alloc : memref<!tpu.dma_semaphore, #tpu.memory_space<semaphore_mem>>
        %dma_start3A_545 = arith.constant 32 : i32
        %dma_start3A_546 = arith.constant 0 : i32
        %dma_start3A_547 = tpu.memref_slice %arg8[%dma_start3A_545, %dma_start3A_546] : memref<160x128xf32, #tpu.memory_space<vmem>> -> memref<32x128xf32, #tpu.memory_space<vmem>>
        %dma_start3A_548 = arith.constant 0 : i32
        %dma_start3A_549 = tpu.memref_slice %arg7[%add3A_449, %dma_start3A_548] : memref<80x32xi32, #tpu.memory_space<vmem>> -> memref<1x32xi32, #tpu.memory_space<vmem>>
        %dma_start3A_550 = tpu.memref_squeeze %dma_start3A_549 : memref<1x32xi32, #tpu.memory_space<vmem>> -> memref<32xi32, #tpu.memory_space<vmem>>
        %dma_start3A_551 = arith.constant 0 : i32
        %dma_start3A_552 = arith.constant 0 : i32
        %dma_start3A_553 = tpu.memref_slice %arg9[%dma_start3A_551, %dma_start3A_552] : memref<10112x128xf32, #tpu.memory_space<vmem_shared>> -> memref<10112x128xf32, #tpu.memory_space<vmem_shared>>
        tpu.enqueue_indirect_dma source(%dma_start3A_547 : memref<32x128xf32, #tpu.memory_space<vmem>>) target(%dma_start3A_553 : memref<10112x128xf32, #tpu.memory_space<vmem_shared>>) offsets(%dma_start3A_550 : memref<32xi32, #tpu.memory_space<vmem>>) semaphore(%run_scoped3A_544 : memref<!tpu.dma_semaphore, #tpu.memory_space<semaphore_mem>>) {add = true}
        %dma_wait3A_554 = arith.constant 32 : i32
        %dma_wait3A_555 = arith.constant 0 : i32
        %dma_wait3A_556 = tpu.memref_slice %arg8[%dma_wait3A_554, %dma_wait3A_555] : memref<160x128xf32, #tpu.memory_space<vmem>> -> memref<32x128xf32, #tpu.memory_space<vmem>>
        %dma_wait3A_557 = arith.constant 0 : i32
        %dma_wait3A_558 = tpu.memref_slice %arg7[%add3A_449, %dma_wait3A_557] : memref<80x32xi32, #tpu.memory_space<vmem>> -> memref<1x32xi32, #tpu.memory_space<vmem>>
        %dma_wait3A_559 = tpu.memref_squeeze %dma_wait3A_558 : memref<1x32xi32, #tpu.memory_space<vmem>> -> memref<32xi32, #tpu.memory_space<vmem>>
        %dma_wait3A_560 = arith.constant 0 : i32
        %dma_wait3A_561 = arith.constant 0 : i32
        %dma_wait3A_562 = tpu.memref_slice %arg9[%dma_wait3A_560, %dma_wait3A_561] : memref<10112x128xf32, #tpu.memory_space<vmem_shared>> -> memref<10112x128xf32, #tpu.memory_space<vmem_shared>>
        tpu.wait_indirect_dma semaphore(%run_scoped3A_544 : memref<!tpu.dma_semaphore, #tpu.memory_space<semaphore_mem>>) src(%dma_wait3A_556 : memref<32x128xf32, #tpu.memory_space<vmem>>) dst(%dma_wait3A_562 : memref<10112x128xf32, #tpu.memory_space<vmem_shared>>)
        tpu.yield
      }) : () -> ()
      %add3A_472 = arith.constant 2 : i32
      %add3A_473 = arith.addi %add3A_424, %add3A_472 : i32
      %mul3A_474 = arith.constant 32 : i32
      %mul3A_475 = arith.muli %add3A_473, %mul3A_474 : i32
      %dma_wait3A_476 = arith.constant 64 : i32
      %dma_wait3A_477 = arith.constant 0 : i32
      %dma_wait3A_478 = tpu.memref_slice %arg8[%dma_wait3A_476, %dma_wait3A_477] : memref<160x128xf32, #tpu.memory_space<vmem>> -> memref<32x128xf32, #tpu.memory_space<vmem>>
      %dma_wait3A_479 = tpu.memref_slice %arg6[%mul3A_475] : memref<5120xi32, #tpu.memory_space<vmem>> -> memref<32xi32, #tpu.memory_space<vmem>>
      %dma_wait3A_480 = arith.constant 0 : i32
      %dma_wait3A_481 = arith.constant 0 : i32
      %dma_wait3A_482 = tpu.memref_slice %arg2[%dma_wait3A_480, %dma_wait3A_481] : memref<10000x128xf32, #tpu.memory_space<hbm>> -> memref<10000x128xf32, #tpu.memory_space<hbm>>
      tpu.wait_indirect_dma semaphore(%arg10 : memref<!tpu.dma_semaphore, #tpu.memory_space<semaphore_mem>>) src(%dma_wait3A_482 : memref<10000x128xf32, #tpu.memory_space<hbm>>) dst(%dma_wait3A_478 : memref<32x128xf32, #tpu.memory_space<vmem>>)
      %add3A_483 = arith.constant 5 : i32
      %add3A_484 = arith.addi %add3A_473, %add3A_483 : i32
      %sub3A_485 = arith.constant 1 : i32
      %sub3A_486 = arith.subi %add3A_484, %sub3A_485 : i32
      %mul3A_487 = arith.constant 32 : i32
      %mul3A_488 = arith.muli %sub3A_486, %mul3A_487 : i32
      %dma_start3A_489 = arith.constant 32 : i32
      %dma_start3A_490 = arith.constant 0 : i32
      %dma_start3A_491 = tpu.memref_slice %arg8[%dma_start3A_489, %dma_start3A_490] : memref<160x128xf32, #tpu.memory_space<vmem>> -> memref<32x128xf32, #tpu.memory_space<vmem>>
      %dma_start3A_492 = tpu.memref_slice %arg6[%mul3A_488] : memref<5120xi32, #tpu.memory_space<vmem>> -> memref<32xi32, #tpu.memory_space<vmem>>
      %dma_start3A_493 = arith.constant 0 : i32
      %dma_start3A_494 = arith.constant 0 : i32
      %dma_start3A_495 = tpu.memref_slice %arg2[%dma_start3A_493, %dma_start3A_494] : memref<10000x128xf32, #tpu.memory_space<hbm>> -> memref<10000x128xf32, #tpu.memory_space<hbm>>
      tpu.enqueue_indirect_dma source(%dma_start3A_495 : memref<10000x128xf32, #tpu.memory_space<hbm>>) target(%dma_start3A_491 : memref<32x128xf32, #tpu.memory_space<vmem>>) offsets(%dma_start3A_492 : memref<32xi32, #tpu.memory_space<vmem>>) semaphore(%arg10 : memref<!tpu.dma_semaphore, #tpu.memory_space<semaphore_mem>>)
      "tpu.region"() ({
        %run_scoped3A_544 = tpu.sem_alloc : memref<!tpu.dma_semaphore, #tpu.memory_space<semaphore_mem>>
        %dma_start3A_545 = arith.constant 64 : i32
        %dma_start3A_546 = arith.constant 0 : i32
        %dma_start3A_547 = tpu.memref_slice %arg8[%dma_start3A_545, %dma_start3A_546] : memref<160x128xf32, #tpu.memory_space<vmem>> -> memref<32x128xf32, #tpu.memory_space<vmem>>
        %dma_start3A_548 = arith.constant 0 : i32
        %dma_start3A_549 = tpu.memref_slice %arg7[%add3A_473, %dma_start3A_548] : memref<80x32xi32, #tpu.memory_space<vmem>> -> memref<1x32xi32, #tpu.memory_space<vmem>>
        %dma_start3A_550 = tpu.memref_squeeze %dma_start3A_549 : memref<1x32xi32, #tpu.memory_space<vmem>> -> memref<32xi32, #tpu.memory_space<vmem>>
        %dma_start3A_551 = arith.constant 0 : i32
        %dma_start3A_552 = arith.constant 0 : i32
        %dma_start3A_553 = tpu.memref_slice %arg9[%dma_start3A_551, %dma_start3A_552] : memref<10112x128xf32, #tpu.memory_space<vmem_shared>> -> memref<10112x128xf32, #tpu.memory_space<vmem_shared>>
        tpu.enqueue_indirect_dma source(%dma_start3A_547 : memref<32x128xf32, #tpu.memory_space<vmem>>) target(%dma_start3A_553 : memref<10112x128xf32, #tpu.memory_space<vmem_shared>>) offsets(%dma_start3A_550 : memref<32xi32, #tpu.memory_space<vmem>>) semaphore(%run_scoped3A_544 : memref<!tpu.dma_semaphore, #tpu.memory_space<semaphore_mem>>) {add = true}
        %dma_wait3A_554 = arith.constant 64 : i32
        %dma_wait3A_555 = arith.constant 0 : i32
        %dma_wait3A_556 = tpu.memref_slice %arg8[%dma_wait3A_554, %dma_wait3A_555] : memref<160x128xf32, #tpu.memory_space<vmem>> -> memref<32x128xf32, #tpu.memory_space<vmem>>
        %dma_wait3A_557 = arith.constant 0 : i32
        %dma_wait3A_558 = tpu.memref_slice %arg7[%add3A_473, %dma_wait3A_557] : memref<80x32xi32, #tpu.memory_space<vmem>> -> memref<1x32xi32, #tpu.memory_space<vmem>>
        %dma_wait3A_559 = tpu.memref_squeeze %dma_wait3A_558 : memref<1x32xi32, #tpu.memory_space<vmem>> -> memref<32xi32, #tpu.memory_space<vmem>>
        %dma_wait3A_560 = arith.constant 0 : i32
        %dma_wait3A_561 = arith.constant 0 : i32
        %dma_wait3A_562 = tpu.memref_slice %arg9[%dma_wait3A_560, %dma_wait3A_561] : memref<10112x128xf32, #tpu.memory_space<vmem_shared>> -> memref<10112x128xf32, #tpu.memory_space<vmem_shared>>
        tpu.wait_indirect_dma semaphore(%run_scoped3A_544 : memref<!tpu.dma_semaphore, #tpu.memory_space<semaphore_mem>>) src(%dma_wait3A_556 : memref<32x128xf32, #tpu.memory_space<vmem>>) dst(%dma_wait3A_562 : memref<10112x128xf32, #tpu.memory_space<vmem_shared>>)
        tpu.yield
      }) : () -> ()
      %add3A_496 = arith.constant 3 : i32
      %add3A_497 = arith.addi %add3A_424, %add3A_496 : i32
      %mul3A_498 = arith.constant 32 : i32
      %mul3A_499 = arith.muli %add3A_497, %mul3A_498 : i32
      %dma_wait3A_500 = arith.constant 96 : i32
      %dma_wait3A_501 = arith.constant 0 : i32
      %dma_wait3A_502 = tpu.memref_slice %arg8[%dma_wait3A_500, %dma_wait3A_501] : memref<160x128xf32, #tpu.memory_space<vmem>> -> memref<32x128xf32, #tpu.memory_space<vmem>>
      %dma_wait3A_503 = tpu.memref_slice %arg6[%mul3A_499] : memref<5120xi32, #tpu.memory_space<vmem>> -> memref<32xi32, #tpu.memory_space<vmem>>
      %dma_wait3A_504 = arith.constant 0 : i32
      %dma_wait3A_505 = arith.constant 0 : i32
      %dma_wait3A_506 = tpu.memref_slice %arg2[%dma_wait3A_504, %dma_wait3A_505] : memref<10000x128xf32, #tpu.memory_space<hbm>> -> memref<10000x128xf32, #tpu.memory_space<hbm>>
      tpu.wait_indirect_dma semaphore(%arg10 : memref<!tpu.dma_semaphore, #tpu.memory_space<semaphore_mem>>) src(%dma_wait3A_506 : memref<10000x128xf32, #tpu.memory_space<hbm>>) dst(%dma_wait3A_502 : memref<32x128xf32, #tpu.memory_space<vmem>>)
      %add3A_507 = arith.constant 5 : i32
      %add3A_508 = arith.addi %add3A_497, %add3A_507 : i32
      %sub3A_509 = arith.constant 1 : i32
      %sub3A_510 = arith.subi %add3A_508, %sub3A_509 : i32
      %mul3A_511 = arith.constant 32 : i32
      %mul3A_512 = arith.muli %sub3A_510, %mul3A_511 : i32
      %dma_start3A_513 = arith.constant 64 : i32
      %dma_start3A_514 = arith.constant 0 : i32
      %dma_start3A_515 = tpu.memref_slice %arg8[%dma_start3A_513, %dma_start3A_514] : memref<160x128xf32, #tpu.memory_space<vmem>> -> memref<32x128xf32, #tpu.memory_space<vmem>>
      %dma_start3A_516 = tpu.memref_slice %arg6[%mul3A_512] : memref<5120xi32, #tpu.memory_space<vmem>> -> memref<32xi32, #tpu.memory_space<vmem>>
      %dma_start3A_517 = arith.constant 0 : i32
      %dma_start3A_518 = arith.constant 0 : i32
      %dma_start3A_519 = tpu.memref_slice %arg2[%dma_start3A_517, %dma_start3A_518] : memref<10000x128xf32, #tpu.memory_space<hbm>> -> memref<10000x128xf32, #tpu.memory_space<hbm>>
      tpu.enqueue_indirect_dma source(%dma_start3A_519 : memref<10000x128xf32, #tpu.memory_space<hbm>>) target(%dma_start3A_515 : memref<32x128xf32, #tpu.memory_space<vmem>>) offsets(%dma_start3A_516 : memref<32xi32, #tpu.memory_space<vmem>>) semaphore(%arg10 : memref<!tpu.dma_semaphore, #tpu.memory_space<semaphore_mem>>)
      "tpu.region"() ({
        %run_scoped3A_544 = tpu.sem_alloc : memref<!tpu.dma_semaphore, #tpu.memory_space<semaphore_mem>>
        %dma_start3A_545 = arith.constant 96 : i32
        %dma_start3A_546 = arith.constant 0 : i32
        %dma_start3A_547 = tpu.memref_slice %arg8[%dma_start3A_545, %dma_start3A_546] : memref<160x128xf32, #tpu.memory_space<vmem>> -> memref<32x128xf32, #tpu.memory_space<vmem>>
        %dma_start3A_548 = arith.constant 0 : i32
        %dma_start3A_549 = tpu.memref_slice %arg7[%add3A_497, %dma_start3A_548] : memref<80x32xi32, #tpu.memory_space<vmem>> -> memref<1x32xi32, #tpu.memory_space<vmem>>
        %dma_start3A_550 = tpu.memref_squeeze %dma_start3A_549 : memref<1x32xi32, #tpu.memory_space<vmem>> -> memref<32xi32, #tpu.memory_space<vmem>>
        %dma_start3A_551 = arith.constant 0 : i32
        %dma_start3A_552 = arith.constant 0 : i32
        %dma_start3A_553 = tpu.memref_slice %arg9[%dma_start3A_551, %dma_start3A_552] : memref<10112x128xf32, #tpu.memory_space<vmem_shared>> -> memref<10112x128xf32, #tpu.memory_space<vmem_shared>>
        tpu.enqueue_indirect_dma source(%dma_start3A_547 : memref<32x128xf32, #tpu.memory_space<vmem>>) target(%dma_start3A_553 : memref<10112x128xf32, #tpu.memory_space<vmem_shared>>) offsets(%dma_start3A_550 : memref<32xi32, #tpu.memory_space<vmem>>) semaphore(%run_scoped3A_544 : memref<!tpu.dma_semaphore, #tpu.memory_space<semaphore_mem>>) {add = true}
        %dma_wait3A_554 = arith.constant 96 : i32
        %dma_wait3A_555 = arith.constant 0 : i32
        %dma_wait3A_556 = tpu.memref_slice %arg8[%dma_wait3A_554, %dma_wait3A_555] : memref<160x128xf32, #tpu.memory_space<vmem>> -> memref<32x128xf32, #tpu.memory_space<vmem>>
        %dma_wait3A_557 = arith.constant 0 : i32
        %dma_wait3A_558 = tpu.memref_slice %arg7[%add3A_497, %dma_wait3A_557] : memref<80x32xi32, #tpu.memory_space<vmem>> -> memref<1x32xi32, #tpu.memory_space<vmem>>
        %dma_wait3A_559 = tpu.memref_squeeze %dma_wait3A_558 : memref<1x32xi32, #tpu.memory_space<vmem>> -> memref<32xi32, #tpu.memory_space<vmem>>
        %dma_wait3A_560 = arith.constant 0 : i32
        %dma_wait3A_561 = arith.constant 0 : i32
        %dma_wait3A_562 = tpu.memref_slice %arg9[%dma_wait3A_560, %dma_wait3A_561] : memref<10112x128xf32, #tpu.memory_space<vmem_shared>> -> memref<10112x128xf32, #tpu.memory_space<vmem_shared>>
        tpu.wait_indirect_dma semaphore(%run_scoped3A_544 : memref<!tpu.dma_semaphore, #tpu.memory_space<semaphore_mem>>) src(%dma_wait3A_556 : memref<32x128xf32, #tpu.memory_space<vmem>>) dst(%dma_wait3A_562 : memref<10112x128xf32, #tpu.memory_space<vmem_shared>>)
        tpu.yield
      }) : () -> ()
      %add3A_520 = arith.constant 4 : i32
      %add3A_521 = arith.addi %add3A_424, %add3A_520 : i32
      %mul3A_522 = arith.constant 32 : i32
      %mul3A_523 = arith.muli %add3A_521, %mul3A_522 : i32
      %dma_wait3A_524 = arith.constant 128 : i32
      %dma_wait3A_525 = arith.constant 0 : i32
      %dma_wait3A_526 = tpu.memref_slice %arg8[%dma_wait3A_524, %dma_wait3A_525] : memref<160x128xf32, #tpu.memory_space<vmem>> -> memref<32x128xf32, #tpu.memory_space<vmem>>
      %dma_wait3A_527 = tpu.memref_slice %arg6[%mul3A_523] : memref<5120xi32, #tpu.memory_space<vmem>> -> memref<32xi32, #tpu.memory_space<vmem>>
      %dma_wait3A_528 = arith.constant 0 : i32
      %dma_wait3A_529 = arith.constant 0 : i32
      %dma_wait3A_530 = tpu.memref_slice %arg2[%dma_wait3A_528, %dma_wait3A_529] : memref<10000x128xf32, #tpu.memory_space<hbm>> -> memref<10000x128xf32, #tpu.memory_space<hbm>>
      tpu.wait_indirect_dma semaphore(%arg10 : memref<!tpu.dma_semaphore, #tpu.memory_space<semaphore_mem>>) src(%dma_wait3A_530 : memref<10000x128xf32, #tpu.memory_space<hbm>>) dst(%dma_wait3A_526 : memref<32x128xf32, #tpu.memory_space<vmem>>)
      %add3A_531 = arith.constant 5 : i32
      %add3A_532 = arith.addi %add3A_521, %add3A_531 : i32
      %sub3A_533 = arith.constant 1 : i32
      %sub3A_534 = arith.subi %add3A_532, %sub3A_533 : i32
      %mul3A_535 = arith.constant 32 : i32
      %mul3A_536 = arith.muli %sub3A_534, %mul3A_535 : i32
      %dma_start3A_537 = arith.constant 96 : i32
      %dma_start3A_538 = arith.constant 0 : i32
      %dma_start3A_539 = tpu.memref_slice %arg8[%dma_start3A_537, %dma_start3A_538] : memref<160x128xf32, #tpu.memory_space<vmem>> -> memref<32x128xf32, #tpu.memory_space<vmem>>
      %dma_start3A_540 = tpu.memref_slice %arg6[%mul3A_536] : memref<5120xi32, #tpu.memory_space<vmem>> -> memref<32xi32, #tpu.memory_space<vmem>>
      %dma_start3A_541 = arith.constant 0 : i32
      %dma_start3A_542 = arith.constant 0 : i32
      %dma_start3A_543 = tpu.memref_slice %arg2[%dma_start3A_541, %dma_start3A_542] : memref<10000x128xf32, #tpu.memory_space<hbm>> -> memref<10000x128xf32, #tpu.memory_space<hbm>>
      tpu.enqueue_indirect_dma source(%dma_start3A_543 : memref<10000x128xf32, #tpu.memory_space<hbm>>) target(%dma_start3A_539 : memref<32x128xf32, #tpu.memory_space<vmem>>) offsets(%dma_start3A_540 : memref<32xi32, #tpu.memory_space<vmem>>) semaphore(%arg10 : memref<!tpu.dma_semaphore, #tpu.memory_space<semaphore_mem>>)
      "tpu.region"() ({
        %run_scoped3A_544 = tpu.sem_alloc : memref<!tpu.dma_semaphore, #tpu.memory_space<semaphore_mem>>
        %dma_start3A_545 = arith.constant 128 : i32
        %dma_start3A_546 = arith.constant 0 : i32
        %dma_start3A_547 = tpu.memref_slice %arg8[%dma_start3A_545, %dma_start3A_546] : memref<160x128xf32, #tpu.memory_space<vmem>> -> memref<32x128xf32, #tpu.memory_space<vmem>>
        %dma_start3A_548 = arith.constant 0 : i32
        %dma_start3A_549 = tpu.memref_slice %arg7[%add3A_521, %dma_start3A_548] : memref<80x32xi32, #tpu.memory_space<vmem>> -> memref<1x32xi32, #tpu.memory_space<vmem>>
        %dma_start3A_550 = tpu.memref_squeeze %dma_start3A_549 : memref<1x32xi32, #tpu.memory_space<vmem>> -> memref<32xi32, #tpu.memory_space<vmem>>
        %dma_start3A_551 = arith.constant 0 : i32
        %dma_start3A_552 = arith.constant 0 : i32
        %dma_start3A_553 = tpu.memref_slice %arg9[%dma_start3A_551, %dma_start3A_552] : memref<10112x128xf32, #tpu.memory_space<vmem_shared>> -> memref<10112x128xf32, #tpu.memory_space<vmem_shared>>
        tpu.enqueue_indirect_dma source(%dma_start3A_547 : memref<32x128xf32, #tpu.memory_space<vmem>>) target(%dma_start3A_553 : memref<10112x128xf32, #tpu.memory_space<vmem_shared>>) offsets(%dma_start3A_550 : memref<32xi32, #tpu.memory_space<vmem>>) semaphore(%run_scoped3A_544 : memref<!tpu.dma_semaphore, #tpu.memory_space<semaphore_mem>>) {add = true}
        %dma_wait3A_554 = arith.constant 128 : i32
        %dma_wait3A_555 = arith.constant 0 : i32
        %dma_wait3A_556 = tpu.memref_slice %arg8[%dma_wait3A_554, %dma_wait3A_555] : memref<160x128xf32, #tpu.memory_space<vmem>> -> memref<32x128xf32, #tpu.memory_space<vmem>>
        %dma_wait3A_557 = arith.constant 0 : i32
        %dma_wait3A_558 = tpu.memref_slice %arg7[%add3A_521, %dma_wait3A_557] : memref<80x32xi32, #tpu.memory_space<vmem>> -> memref<1x32xi32, #tpu.memory_space<vmem>>
        %dma_wait3A_559 = tpu.memref_squeeze %dma_wait3A_558 : memref<1x32xi32, #tpu.memory_space<vmem>> -> memref<32xi32, #tpu.memory_space<vmem>>
        %dma_wait3A_560 = arith.constant 0 : i32
        %dma_wait3A_561 = arith.constant 0 : i32
        %dma_wait3A_562 = tpu.memref_slice %arg9[%dma_wait3A_560, %dma_wait3A_561] : memref<10112x128xf32, #tpu.memory_space<vmem_shared>> -> memref<10112x128xf32, #tpu.memory_space<vmem_shared>>
        tpu.wait_indirect_dma semaphore(%run_scoped3A_544 : memref<!tpu.dma_semaphore, #tpu.memory_space<semaphore_mem>>) src(%dma_wait3A_556 : memref<32x128xf32, #tpu.memory_space<vmem>>) dst(%dma_wait3A_562 : memref<10112x128xf32, #tpu.memory_space<vmem_shared>>)
        tpu.yield
      }) : () -> ()
    }
    %scan3A_60 = arith.constant 15 : i32
    %dma_wait3A = arith.constant 0 : i32
    %dma_wait3A_61 = arith.constant 0 : i32
    %dma_wait3A_62 = tpu.memref_slice %arg8[%dma_wait3A, %dma_wait3A_61] : memref<160x128xf32, #tpu.memory_space<vmem>> -> memref<32x128xf32, #tpu.memory_space<vmem>>
    %dma_wait3A_63 = arith.constant 2400 : i32
    %dma_wait3A_64 = tpu.memref_slice %arg6[%dma_wait3A_63] : memref<5120xi32, #tpu.memory_space<vmem>> -> memref<32xi32, #tpu.memory_space<vmem>>
    %dma_wait3A_65 = arith.constant 0 : i32
    %dma_wait3A_66 = arith.constant 0 : i32
    %dma_wait3A_67 = tpu.memref_slice %arg2[%dma_wait3A_65, %dma_wait3A_66] : memref<10000x128xf32, #tpu.memory_space<hbm>> -> memref<10000x128xf32, #tpu.memory_space<hbm>>
    tpu.wait_indirect_dma semaphore(%arg10 : memref<!tpu.dma_semaphore, #tpu.memory_space<semaphore_mem>>) src(%dma_wait3A_67 : memref<10000x128xf32, #tpu.memory_space<hbm>>) dst(%dma_wait3A_62 : memref<32x128xf32, #tpu.memory_space<vmem>>)
    %dma_start3A_68 = arith.constant 128 : i32
    %dma_start3A_69 = arith.constant 0 : i32
    %dma_start3A_70 = tpu.memref_slice %arg8[%dma_start3A_68, %dma_start3A_69] : memref<160x128xf32, #tpu.memory_space<vmem>> -> memref<32x128xf32, #tpu.memory_space<vmem>>
    %dma_start3A_71 = arith.constant 2528 : i32
    %dma_start3A_72 = tpu.memref_slice %arg6[%dma_start3A_71] : memref<5120xi32, #tpu.memory_space<vmem>> -> memref<32xi32, #tpu.memory_space<vmem>>
    %dma_start3A_73 = arith.constant 0 : i32
    %dma_start3A_74 = arith.constant 0 : i32
    %dma_start3A_75 = tpu.memref_slice %arg2[%dma_start3A_73, %dma_start3A_74] : memref<10000x128xf32, #tpu.memory_space<hbm>> -> memref<10000x128xf32, #tpu.memory_space<hbm>>
    tpu.enqueue_indirect_dma source(%dma_start3A_75 : memref<10000x128xf32, #tpu.memory_space<hbm>>) target(%dma_start3A_70 : memref<32x128xf32, #tpu.memory_space<vmem>>) offsets(%dma_start3A_72 : memref<32xi32, #tpu.memory_space<vmem>>) semaphore(%arg10 : memref<!tpu.dma_semaphore, #tpu.memory_space<semaphore_mem>>)
    %run_scoped3A = arith.constant 75 : i32
    "tpu.region"() ({
      %run_scoped3A_420 = tpu.sem_alloc : memref<!tpu.dma_semaphore, #tpu.memory_space<semaphore_mem>>
      %dma_start3A_421 = arith.constant 0 : i32
      %dma_start3A_422 = arith.constant 0 : i32
      %dma_start3A_423 = tpu.memref_slice %arg8[%dma_start3A_421, %dma_start3A_422] : memref<160x128xf32, #tpu.memory_space<vmem>> -> memref<32x128xf32, #tpu.memory_space<vmem>>
      %dma_start3A_424 = arith.constant 0 : i32
      %dma_start3A_425 = tpu.memref_slice %arg7[%run_scoped3A, %dma_start3A_424] : memref<80x32xi32, #tpu.memory_space<vmem>> -> memref<1x32xi32, #tpu.memory_space<vmem>>
      %dma_start3A_426 = tpu.memref_squeeze %dma_start3A_425 : memref<1x32xi32, #tpu.memory_space<vmem>> -> memref<32xi32, #tpu.memory_space<vmem>>
      %dma_start3A_427 = arith.constant 0 : i32
      %dma_start3A_428 = arith.constant 0 : i32
      %dma_start3A_429 = tpu.memref_slice %arg9[%dma_start3A_427, %dma_start3A_428] : memref<10112x128xf32, #tpu.memory_space<vmem_shared>> -> memref<10112x128xf32, #tpu.memory_space<vmem_shared>>
      tpu.enqueue_indirect_dma source(%dma_start3A_423 : memref<32x128xf32, #tpu.memory_space<vmem>>) target(%dma_start3A_429 : memref<10112x128xf32, #tpu.memory_space<vmem_shared>>) offsets(%dma_start3A_426 : memref<32xi32, #tpu.memory_space<vmem>>) semaphore(%run_scoped3A_420 : memref<!tpu.dma_semaphore, #tpu.memory_space<semaphore_mem>>) {add = true}
      %dma_wait3A_430 = arith.constant 0 : i32
      %dma_wait3A_431 = arith.constant 0 : i32
      %dma_wait3A_432 = tpu.memref_slice %arg8[%dma_wait3A_430, %dma_wait3A_431] : memref<160x128xf32, #tpu.memory_space<vmem>> -> memref<32x128xf32, #tpu.memory_space<vmem>>
      %dma_wait3A_433 = arith.constant 0 : i32
      %dma_wait3A_434 = tpu.memref_slice %arg7[%run_scoped3A, %dma_wait3A_433] : memref<80x32xi32, #tpu.memory_space<vmem>> -> memref<1x32xi32, #tpu.memory_space<vmem>>
      %dma_wait3A_435 = tpu.memref_squeeze %dma_wait3A_434 : memref<1x32xi32, #tpu.memory_space<vmem>> -> memref<32xi32, #tpu.memory_space<vmem>>
      %dma_wait3A_436 = arith.constant 0 : i32
      %dma_wait3A_437 = arith.constant 0 : i32
      %dma_wait3A_438 = tpu.memref_slice %arg9[%dma_wait3A_436, %dma_wait3A_437] : memref<10112x128xf32, #tpu.memory_space<vmem_shared>> -> memref<10112x128xf32, #tpu.memory_space<vmem_shared>>
      tpu.wait_indirect_dma semaphore(%run_scoped3A_420 : memref<!tpu.dma_semaphore, #tpu.memory_space<semaphore_mem>>) src(%dma_wait3A_432 : memref<32x128xf32, #tpu.memory_space<vmem>>) dst(%dma_wait3A_438 : memref<10112x128xf32, #tpu.memory_space<vmem_shared>>)
      tpu.yield
    }) : () -> ()
    %dma_wait3A_76 = arith.constant 32 : i32
    %dma_wait3A_77 = arith.constant 0 : i32
    %dma_wait3A_78 = tpu.memref_slice %arg8[%dma_wait3A_76, %dma_wait3A_77] : memref<160x128xf32, #tpu.memory_space<vmem>> -> memref<32x128xf32, #tpu.memory_space<vmem>>
    %dma_wait3A_79 = arith.constant 2432 : i32
    %dma_wait3A_80 = tpu.memref_slice %arg6[%dma_wait3A_79] : memref<5120xi32, #tpu.memory_space<vmem>> -> memref<32xi32, #tpu.memory_space<vmem>>
    %dma_wait3A_81 = arith.constant 0 : i32
    %dma_wait3A_82 = arith.constant 0 : i32
    %dma_wait3A_83 = tpu.memref_slice %arg2[%dma_wait3A_81, %dma_wait3A_82] : memref<10000x128xf32, #tpu.memory_space<hbm>> -> memref<10000x128xf32, #tpu.memory_space<hbm>>
    tpu.wait_indirect_dma semaphore(%arg10 : memref<!tpu.dma_semaphore, #tpu.memory_space<semaphore_mem>>) src(%dma_wait3A_83 : memref<10000x128xf32, #tpu.memory_space<hbm>>) dst(%dma_wait3A_78 : memref<32x128xf32, #tpu.memory_space<vmem>>)
    %run_scoped3A_84 = arith.constant 76 : i32
    "tpu.region"() ({
      %run_scoped3A_420 = tpu.sem_alloc : memref<!tpu.dma_semaphore, #tpu.memory_space<semaphore_mem>>
      %dma_start3A_421 = arith.constant 32 : i32
      %dma_start3A_422 = arith.constant 0 : i32
      %dma_start3A_423 = tpu.memref_slice %arg8[%dma_start3A_421, %dma_start3A_422] : memref<160x128xf32, #tpu.memory_space<vmem>> -> memref<32x128xf32, #tpu.memory_space<vmem>>
      %dma_start3A_424 = arith.constant 0 : i32
      %dma_start3A_425 = tpu.memref_slice %arg7[%run_scoped3A_84, %dma_start3A_424] : memref<80x32xi32, #tpu.memory_space<vmem>> -> memref<1x32xi32, #tpu.memory_space<vmem>>
      %dma_start3A_426 = tpu.memref_squeeze %dma_start3A_425 : memref<1x32xi32, #tpu.memory_space<vmem>> -> memref<32xi32, #tpu.memory_space<vmem>>
      %dma_start3A_427 = arith.constant 0 : i32
      %dma_start3A_428 = arith.constant 0 : i32
      %dma_start3A_429 = tpu.memref_slice %arg9[%dma_start3A_427, %dma_start3A_428] : memref<10112x128xf32, #tpu.memory_space<vmem_shared>> -> memref<10112x128xf32, #tpu.memory_space<vmem_shared>>
      tpu.enqueue_indirect_dma source(%dma_start3A_423 : memref<32x128xf32, #tpu.memory_space<vmem>>) target(%dma_start3A_429 : memref<10112x128xf32, #tpu.memory_space<vmem_shared>>) offsets(%dma_start3A_426 : memref<32xi32, #tpu.memory_space<vmem>>) semaphore(%run_scoped3A_420 : memref<!tpu.dma_semaphore, #tpu.memory_space<semaphore_mem>>) {add = true}
      %dma_wait3A_430 = arith.constant 32 : i32
      %dma_wait3A_431 = arith.constant 0 : i32
      %dma_wait3A_432 = tpu.memref_slice %arg8[%dma_wait3A_430, %dma_wait3A_431] : memref<160x128xf32, #tpu.memory_space<vmem>> -> memref<32x128xf32, #tpu.memory_space<vmem>>
      %dma_wait3A_433 = arith.constant 0 : i32
      %dma_wait3A_434 = tpu.memref_slice %arg7[%run_scoped3A_84, %dma_wait3A_433] : memref<80x32xi32, #tpu.memory_space<vmem>> -> memref<1x32xi32, #tpu.memory_space<vmem>>
      %dma_wait3A_435 = tpu.memref_squeeze %dma_wait3A_434 : memref<1x32xi32, #tpu.memory_space<vmem>> -> memref<32xi32, #tpu.memory_space<vmem>>
      %dma_wait3A_436 = arith.constant 0 : i32
      %dma_wait3A_437 = arith.constant 0 : i32
      %dma_wait3A_438 = tpu.memref_slice %arg9[%dma_wait3A_436, %dma_wait3A_437] : memref<10112x128xf32, #tpu.memory_space<vmem_shared>> -> memref<10112x128xf32, #tpu.memory_space<vmem_shared>>
      tpu.wait_indirect_dma semaphore(%run_scoped3A_420 : memref<!tpu.dma_semaphore, #tpu.memory_space<semaphore_mem>>) src(%dma_wait3A_432 : memref<32x128xf32, #tpu.memory_space<vmem>>) dst(%dma_wait3A_438 : memref<10112x128xf32, #tpu.memory_space<vmem_shared>>)
      tpu.yield
    }) : () -> ()
    %dma_wait3A_85 = arith.constant 64 : i32
    %dma_wait3A_86 = arith.constant 0 : i32
    %dma_wait3A_87 = tpu.memref_slice %arg8[%dma_wait3A_85, %dma_wait3A_86] : memref<160x128xf32, #tpu.memory_space<vmem>> -> memref<32x128xf32, #tpu.memory_space<vmem>>
    %dma_wait3A_88 = arith.constant 2464 : i32
    %dma_wait3A_89 = tpu.memref_slice %arg6[%dma_wait3A_88] : memref<5120xi32, #tpu.memory_space<vmem>> -> memref<32xi32, #tpu.memory_space<vmem>>
    %dma_wait3A_90 = arith.constant 0 : i32
    %dma_wait3A_91 = arith.constant 0 : i32
    %dma_wait3A_92 = tpu.memref_slice %arg2[%dma_wait3A_90, %dma_wait3A_91] : memref<10000x128xf32, #tpu.memory_space<hbm>> -> memref<10000x128xf32, #tpu.memory_space<hbm>>
    tpu.wait_indirect_dma semaphore(%arg10 : memref<!tpu.dma_semaphore, #tpu.memory_space<semaphore_mem>>) src(%dma_wait3A_92 : memref<10000x128xf32, #tpu.memory_space<hbm>>) dst(%dma_wait3A_87 : memref<32x128xf32, #tpu.memory_space<vmem>>)
    %run_scoped3A_93 = arith.constant 77 : i32
    "tpu.region"() ({
      %run_scoped3A_420 = tpu.sem_alloc : memref<!tpu.dma_semaphore, #tpu.memory_space<semaphore_mem>>
      %dma_start3A_421 = arith.constant 64 : i32
      %dma_start3A_422 = arith.constant 0 : i32
      %dma_start3A_423 = tpu.memref_slice %arg8[%dma_start3A_421, %dma_start3A_422] : memref<160x128xf32, #tpu.memory_space<vmem>> -> memref<32x128xf32, #tpu.memory_space<vmem>>
      %dma_start3A_424 = arith.constant 0 : i32
      %dma_start3A_425 = tpu.memref_slice %arg7[%run_scoped3A_93, %dma_start3A_424] : memref<80x32xi32, #tpu.memory_space<vmem>> -> memref<1x32xi32, #tpu.memory_space<vmem>>
      %dma_start3A_426 = tpu.memref_squeeze %dma_start3A_425 : memref<1x32xi32, #tpu.memory_space<vmem>> -> memref<32xi32, #tpu.memory_space<vmem>>
      %dma_start3A_427 = arith.constant 0 : i32
      %dma_start3A_428 = arith.constant 0 : i32
      %dma_start3A_429 = tpu.memref_slice %arg9[%dma_start3A_427, %dma_start3A_428] : memref<10112x128xf32, #tpu.memory_space<vmem_shared>> -> memref<10112x128xf32, #tpu.memory_space<vmem_shared>>
      tpu.enqueue_indirect_dma source(%dma_start3A_423 : memref<32x128xf32, #tpu.memory_space<vmem>>) target(%dma_start3A_429 : memref<10112x128xf32, #tpu.memory_space<vmem_shared>>) offsets(%dma_start3A_426 : memref<32xi32, #tpu.memory_space<vmem>>) semaphore(%run_scoped3A_420 : memref<!tpu.dma_semaphore, #tpu.memory_space<semaphore_mem>>) {add = true}
      %dma_wait3A_430 = arith.constant 64 : i32
      %dma_wait3A_431 = arith.constant 0 : i32
      %dma_wait3A_432 = tpu.memref_slice %arg8[%dma_wait3A_430, %dma_wait3A_431] : memref<160x128xf32, #tpu.memory_space<vmem>> -> memref<32x128xf32, #tpu.memory_space<vmem>>
      %dma_wait3A_433 = arith.constant 0 : i32
      %dma_wait3A_434 = tpu.memref_slice %arg7[%run_scoped3A_93, %dma_wait3A_433] : memref<80x32xi32, #tpu.memory_space<vmem>> -> memref<1x32xi32, #tpu.memory_space<vmem>>
      %dma_wait3A_435 = tpu.memref_squeeze %dma_wait3A_434 : memref<1x32xi32, #tpu.memory_space<vmem>> -> memref<32xi32, #tpu.memory_space<vmem>>
      %dma_wait3A_436 = arith.constant 0 : i32
      %dma_wait3A_437 = arith.constant 0 : i32
      %dma_wait3A_438 = tpu.memref_slice %arg9[%dma_wait3A_436, %dma_wait3A_437] : memref<10112x128xf32, #tpu.memory_space<vmem_shared>> -> memref<10112x128xf32, #tpu.memory_space<vmem_shared>>
      tpu.wait_indirect_dma semaphore(%run_scoped3A_420 : memref<!tpu.dma_semaphore, #tpu.memory_space<semaphore_mem>>) src(%dma_wait3A_432 : memref<32x128xf32, #tpu.memory_space<vmem>>) dst(%dma_wait3A_438 : memref<10112x128xf32, #tpu.memory_space<vmem_shared>>)
      tpu.yield
    }) : () -> ()
    %dma_wait3A_94 = arith.constant 96 : i32
    %dma_wait3A_95 = arith.constant 0 : i32
    %dma_wait3A_96 = tpu.memref_slice %arg8[%dma_wait3A_94, %dma_wait3A_95] : memref<160x128xf32, #tpu.memory_space<vmem>> -> memref<32x128xf32, #tpu.memory_space<vmem>>
    %dma_wait3A_97 = arith.constant 2496 : i32
    %dma_wait3A_98 = tpu.memref_slice %arg6[%dma_wait3A_97] : memref<5120xi32, #tpu.memory_space<vmem>> -> memref<32xi32, #tpu.memory_space<vmem>>
    %dma_wait3A_99 = arith.constant 0 : i32
    %dma_wait3A_100 = arith.constant 0 : i32
    %dma_wait3A_101 = tpu.memref_slice %arg2[%dma_wait3A_99, %dma_wait3A_100] : memref<10000x128xf32, #tpu.memory_space<hbm>> -> memref<10000x128xf32, #tpu.memory_space<hbm>>
    tpu.wait_indirect_dma semaphore(%arg10 : memref<!tpu.dma_semaphore, #tpu.memory_space<semaphore_mem>>) src(%dma_wait3A_101 : memref<10000x128xf32, #tpu.memory_space<hbm>>) dst(%dma_wait3A_96 : memref<32x128xf32, #tpu.memory_space<vmem>>)
    %run_scoped3A_102 = arith.constant 78 : i32
    "tpu.region"() ({
      %run_scoped3A_420 = tpu.sem_alloc : memref<!tpu.dma_semaphore, #tpu.memory_space<semaphore_mem>>
      %dma_start3A_421 = arith.constant 96 : i32
      %dma_start3A_422 = arith.constant 0 : i32
      %dma_start3A_423 = tpu.memref_slice %arg8[%dma_start3A_421, %dma_start3A_422] : memref<160x128xf32, #tpu.memory_space<vmem>> -> memref<32x128xf32, #tpu.memory_space<vmem>>
      %dma_start3A_424 = arith.constant 0 : i32
      %dma_start3A_425 = tpu.memref_slice %arg7[%run_scoped3A_102, %dma_start3A_424] : memref<80x32xi32, #tpu.memory_space<vmem>> -> memref<1x32xi32, #tpu.memory_space<vmem>>
      %dma_start3A_426 = tpu.memref_squeeze %dma_start3A_425 : memref<1x32xi32, #tpu.memory_space<vmem>> -> memref<32xi32, #tpu.memory_space<vmem>>
      %dma_start3A_427 = arith.constant 0 : i32
      %dma_start3A_428 = arith.constant 0 : i32
      %dma_start3A_429 = tpu.memref_slice %arg9[%dma_start3A_427, %dma_start3A_428] : memref<10112x128xf32, #tpu.memory_space<vmem_shared>> -> memref<10112x128xf32, #tpu.memory_space<vmem_shared>>
      tpu.enqueue_indirect_dma source(%dma_start3A_423 : memref<32x128xf32, #tpu.memory_space<vmem>>) target(%dma_start3A_429 : memref<10112x128xf32, #tpu.memory_space<vmem_shared>>) offsets(%dma_start3A_426 : memref<32xi32, #tpu.memory_space<vmem>>) semaphore(%run_scoped3A_420 : memref<!tpu.dma_semaphore, #tpu.memory_space<semaphore_mem>>) {add = true}
      %dma_wait3A_430 = arith.constant 96 : i32
      %dma_wait3A_431 = arith.constant 0 : i32
      %dma_wait3A_432 = tpu.memref_slice %arg8[%dma_wait3A_430, %dma_wait3A_431] : memref<160x128xf32, #tpu.memory_space<vmem>> -> memref<32x128xf32, #tpu.memory_space<vmem>>
      %dma_wait3A_433 = arith.constant 0 : i32
      %dma_wait3A_434 = tpu.memref_slice %arg7[%run_scoped3A_102, %dma_wait3A_433] : memref<80x32xi32, #tpu.memory_space<vmem>> -> memref<1x32xi32, #tpu.memory_space<vmem>>
      %dma_wait3A_435 = tpu.memref_squeeze %dma_wait3A_434 : memref<1x32xi32, #tpu.memory_space<vmem>> -> memref<32xi32, #tpu.memory_space<vmem>>
      %dma_wait3A_436 = arith.constant 0 : i32
      %dma_wait3A_437 = arith.constant 0 : i32
      %dma_wait3A_438 = tpu.memref_slice %arg9[%dma_wait3A_436, %dma_wait3A_437] : memref<10112x128xf32, #tpu.memory_space<vmem_shared>> -> memref<10112x128xf32, #tpu.memory_space<vmem_shared>>
      tpu.wait_indirect_dma semaphore(%run_scoped3A_420 : memref<!tpu.dma_semaphore, #tpu.memory_space<semaphore_mem>>) src(%dma_wait3A_432 : memref<32x128xf32, #tpu.memory_space<vmem>>) dst(%dma_wait3A_438 : memref<10112x128xf32, #tpu.memory_space<vmem_shared>>)
      tpu.yield
    }) : () -> ()
    %dma_wait3A_103 = arith.constant 128 : i32
    %dma_wait3A_104 = arith.constant 0 : i32
    %dma_wait3A_105 = tpu.memref_slice %arg8[%dma_wait3A_103, %dma_wait3A_104] : memref<160x128xf32, #tpu.memory_space<vmem>> -> memref<32x128xf32, #tpu.memory_space<vmem>>
    %dma_wait3A_106 = arith.constant 2528 : i32
    %dma_wait3A_107 = tpu.memref_slice %arg6[%dma_wait3A_106] : memref<5120xi32, #tpu.memory_space<vmem>> -> memref<32xi32, #tpu.memory_space<vmem>>
    %dma_wait3A_108 = arith.constant 0 : i32
    %dma_wait3A_109 = arith.constant 0 : i32
    %dma_wait3A_110 = tpu.memref_slice %arg2[%dma_wait3A_108, %dma_wait3A_109] : memref<10000x128xf32, #tpu.memory_space<hbm>> -> memref<10000x128xf32, #tpu.memory_space<hbm>>
    tpu.wait_indirect_dma semaphore(%arg10 : memref<!tpu.dma_semaphore, #tpu.memory_space<semaphore_mem>>) src(%dma_wait3A_110 : memref<10000x128xf32, #tpu.memory_space<hbm>>) dst(%dma_wait3A_105 : memref<32x128xf32, #tpu.memory_space<vmem>>)
    %run_scoped3A_111 = arith.constant 79 : i32
    "tpu.region"() ({
      %run_scoped3A_420 = tpu.sem_alloc : memref<!tpu.dma_semaphore, #tpu.memory_space<semaphore_mem>>
      %dma_start3A_421 = arith.constant 128 : i32
      %dma_start3A_422 = arith.constant 0 : i32
      %dma_start3A_423 = tpu.memref_slice %arg8[%dma_start3A_421, %dma_start3A_422] : memref<160x128xf32, #tpu.memory_space<vmem>> -> memref<32x128xf32, #tpu.memory_space<vmem>>
      %dma_start3A_424 = arith.constant 0 : i32
      %dma_start3A_425 = tpu.memref_slice %arg7[%run_scoped3A_111, %dma_start3A_424] : memref<80x32xi32, #tpu.memory_space<vmem>> -> memref<1x32xi32, #tpu.memory_space<vmem>>
      %dma_start3A_426 = tpu.memref_squeeze %dma_start3A_425 : memref<1x32xi32, #tpu.memory_space<vmem>> -> memref<32xi32, #tpu.memory_space<vmem>>
      %dma_start3A_427 = arith.constant 0 : i32
      %dma_start3A_428 = arith.constant 0 : i32
      %dma_start3A_429 = tpu.memref_slice %arg9[%dma_start3A_427, %dma_start3A_428] : memref<10112x128xf32, #tpu.memory_space<vmem_shared>> -> memref<10112x128xf32, #tpu.memory_space<vmem_shared>>
      tpu.enqueue_indirect_dma source(%dma_start3A_423 : memref<32x128xf32, #tpu.memory_space<vmem>>) target(%dma_start3A_429 : memref<10112x128xf32, #tpu.memory_space<vmem_shared>>) offsets(%dma_start3A_426 : memref<32xi32, #tpu.memory_space<vmem>>) semaphore(%run_scoped3A_420 : memref<!tpu.dma_semaphore, #tpu.memory_space<semaphore_mem>>) {add = true}
      %dma_wait3A_430 = arith.constant 128 : i32
      %dma_wait3A_431 = arith.constant 0 : i32
      %dma_wait3A_432 = tpu.memref_slice %arg8[%dma_wait3A_430, %dma_wait3A_431] : memref<160x128xf32, #tpu.memory_space<vmem>> -> memref<32x128xf32, #tpu.memory_space<vmem>>
      %dma_wait3A_433 = arith.constant 0 : i32
      %dma_wait3A_434 = tpu.memref_slice %arg7[%run_scoped3A_111, %dma_wait3A_433] : memref<80x32xi32, #tpu.memory_space<vmem>> -> memref<1x32xi32, #tpu.memory_space<vmem>>
      %dma_wait3A_435 = tpu.memref_squeeze %dma_wait3A_434 : memref<1x32xi32, #tpu.memory_space<vmem>> -> memref<32xi32, #tpu.memory_space<vmem>>
      %dma_wait3A_436 = arith.constant 0 : i32
      %dma_wait3A_437 = arith.constant 0 : i32
      %dma_wait3A_438 = tpu.memref_slice %arg9[%dma_wait3A_436, %dma_wait3A_437] : memref<10112x128xf32, #tpu.memory_space<vmem_shared>> -> memref<10112x128xf32, #tpu.memory_space<vmem_shared>>
      tpu.wait_indirect_dma semaphore(%run_scoped3A_420 : memref<!tpu.dma_semaphore, #tpu.memory_space<semaphore_mem>>) src(%dma_wait3A_432 : memref<32x128xf32, #tpu.memory_space<vmem>>) dst(%dma_wait3A_438 : memref<10112x128xf32, #tpu.memory_space<vmem_shared>>)
      tpu.yield
    }) : () -> ()
    %mul3A_112 = arith.constant 320 : i32
    %mul3A_113 = arith.muli %add3A, %mul3A_112 : i32
    %add3A_114 = arith.constant 80 : i32
    %add3A_115 = arith.addi %mul3A_113, %add3A_114 : i32
    %mul3A_116 = arith.constant 32 : i32
    %mul3A_117 = arith.muli %add3A_115, %mul3A_116 : i32
    "tpu.region"() ({
      %run_scoped3A_420 = tpu.sem_alloc : memref<!tpu.dma_semaphore, #tpu.memory_space<semaphore_mem>>
      %dma_start3A_421 = arith.constant 0 : i32
      %dma_start3A_422 = tpu.memref_slice %arg6[%dma_start3A_421] : memref<5120xi32, #tpu.memory_space<vmem>> -> memref<2560xi32, #tpu.memory_space<vmem>>
      %dma_start3A_423 = tpu.memref_slice %arg3[%mul3A_117] : memref<327680xi32, #tpu.memory_space<hbm>> -> memref<2560xi32, #tpu.memory_space<hbm>>
      %dma_start3A_424 = arith.constant 0 : i32
      %dma_start3A_425 = tpu.memref_slice %arg6[%dma_start3A_424] : memref<5120xi32, #tpu.memory_space<vmem>> -> memref<2560xi32, #tpu.memory_space<vmem>>
      %dma_start3A_426 = tpu.memref_slice %arg3[%mul3A_117] : memref<327680xi32, #tpu.memory_space<hbm>> -> memref<2560xi32, #tpu.memory_space<hbm>>
      tpu.enqueue_dma source(%dma_start3A_426 : memref<2560xi32, #tpu.memory_space<hbm>>) target(%dma_start3A_425 : memref<2560xi32, #tpu.memory_space<vmem>>) target_semaphore(%run_scoped3A_420 : memref<!tpu.dma_semaphore, #tpu.memory_space<semaphore_mem>>)
      %dma_wait3A_427 = arith.constant 0 : i32
      %dma_wait3A_428 = tpu.memref_slice %arg6[%dma_wait3A_427] : memref<5120xi32, #tpu.memory_space<vmem>> -> memref<2560xi32, #tpu.memory_space<vmem>>
      %dma_wait3A_429 = tpu.memref_slice %arg3[%mul3A_117] : memref<327680xi32, #tpu.memory_space<hbm>> -> memref<2560xi32, #tpu.memory_space<hbm>>
      %dma_wait3A_430 = arith.constant 0 : i32
      %dma_wait3A_431 = tpu.memref_slice %arg6[%dma_wait3A_430] : memref<5120xi32, #tpu.memory_space<vmem>> -> memref<2560xi32, #tpu.memory_space<vmem>>
      %dma_wait3A_432 = tpu.memref_slice %arg3[%mul3A_117] : memref<327680xi32, #tpu.memory_space<hbm>> -> memref<2560xi32, #tpu.memory_space<hbm>>
      tpu.wait_dma2 semaphore(%run_scoped3A_420 : memref<!tpu.dma_semaphore, #tpu.memory_space<semaphore_mem>>) src(%dma_wait3A_432 : memref<2560xi32, #tpu.memory_space<hbm>>) dst(%dma_wait3A_431 : memref<2560xi32, #tpu.memory_space<vmem>>)
      tpu.yield
    }) : () -> ()
    "tpu.region"() ({
      %run_scoped3A_420 = tpu.sem_alloc : memref<!tpu.dma_semaphore, #tpu.memory_space<semaphore_mem>>
      %dma_start3A_421 = arith.constant 2560 : i32
      %dma_start3A_422 = tpu.memref_slice %arg6[%dma_start3A_421] : memref<5120xi32, #tpu.memory_space<vmem>> -> memref<2560xi32, #tpu.memory_space<vmem>>
      %dma_start3A_423 = tpu.memref_slice %arg4[%mul3A_117] : memref<327680xi32, #tpu.memory_space<hbm>> -> memref<2560xi32, #tpu.memory_space<hbm>>
      %dma_start3A_424 = arith.constant 2560 : i32
      %dma_start3A_425 = tpu.memref_slice %arg6[%dma_start3A_424] : memref<5120xi32, #tpu.memory_space<vmem>> -> memref<2560xi32, #tpu.memory_space<vmem>>
      %dma_start3A_426 = tpu.memref_slice %arg4[%mul3A_117] : memref<327680xi32, #tpu.memory_space<hbm>> -> memref<2560xi32, #tpu.memory_space<hbm>>
      tpu.enqueue_dma source(%dma_start3A_426 : memref<2560xi32, #tpu.memory_space<hbm>>) target(%dma_start3A_425 : memref<2560xi32, #tpu.memory_space<vmem>>) target_semaphore(%run_scoped3A_420 : memref<!tpu.dma_semaphore, #tpu.memory_space<semaphore_mem>>)
      %dma_wait3A_427 = arith.constant 2560 : i32
      %dma_wait3A_428 = tpu.memref_slice %arg6[%dma_wait3A_427] : memref<5120xi32, #tpu.memory_space<vmem>> -> memref<2560xi32, #tpu.memory_space<vmem>>
      %dma_wait3A_429 = tpu.memref_slice %arg4[%mul3A_117] : memref<327680xi32, #tpu.memory_space<hbm>> -> memref<2560xi32, #tpu.memory_space<hbm>>
      %dma_wait3A_430 = arith.constant 2560 : i32
      %dma_wait3A_431 = tpu.memref_slice %arg6[%dma_wait3A_430] : memref<5120xi32, #tpu.memory_space<vmem>> -> memref<2560xi32, #tpu.memory_space<vmem>>
      %dma_wait3A_432 = tpu.memref_slice %arg4[%mul3A_117] : memref<327680xi32, #tpu.memory_space<hbm>> -> memref<2560xi32, #tpu.memory_space<hbm>>
      tpu.wait_dma2 semaphore(%run_scoped3A_420 : memref<!tpu.dma_semaphore, #tpu.memory_space<semaphore_mem>>) src(%dma_wait3A_432 : memref<2560xi32, #tpu.memory_space<hbm>>) dst(%dma_wait3A_431 : memref<2560xi32, #tpu.memory_space<vmem>>)
      tpu.yield
    }) : () -> ()
    %scan3A_118 = arith.constant 0 : i32
    %scan3A_119 = arith.constant 80 : i32
    %scan3A_120 = arith.addi %scan3A_118, %scan3A_119 : i32
    %scan3A_121 = arith.constant 1 : i32
    scf.for %scan3A_420 = %scan3A_118 to %scan3A_120 step %scan3A_121  : i32 {
      %mul3A_421 = arith.constant 1 : i32
      %mul3A_422 = arith.muli %scan3A_420, %mul3A_421 : i32
      %add3A_423 = arith.constant 0 : i32
      %add3A_424 = arith.addi %add3A_423, %mul3A_422 : i32
      %mul3A_425 = arith.constant 32 : i32
      %mul3A_426 = arith.muli %add3A_424, %mul3A_425 : i32
      %add3A_427 = arith.constant 2560 : i32
      %add3A_428 = arith.addi %add3A_427, %mul3A_426 : i32
      %get3A = arith.index_cast %add3A_428 : i32 to index
      %get3A_429 = tpu.vector_load %arg6[%get3A] {strides = array<i32>} : memref<5120xi32, #tpu.memory_space<vmem>>, vector<16xi32>,
      %get3A_430 = vector.shape_cast %get3A_429 : vector<16xi32> to vector<16xi32>
      %swap3A = arith.index_cast %add3A_424 : i32 to index
      %swap3A_431 = arith.constant 0 : index
      %swap3A_432 = tpu.vector_load %arg7[%swap3A, %swap3A_431] {strides = array<i32>} : memref<80x32xi32, #tpu.memory_space<vmem>>, vector<1x16xi32>,
      %swap3A_433 = vector.shape_cast %swap3A_432 : vector<1x16xi32> to vector<16xi32>
      %swap3A_434 = vector.shape_cast %get3A_430 : vector<16xi32> to vector<1x16xi32>
      tpu.vector_store %arg7[%swap3A, %swap3A_431], %swap3A_434 {strides = array<i32>} : memref<80x32xi32, #tpu.memory_space<vmem>>, vector<1x16xi32>,
      %mul3A_435 = arith.constant 32 : i32
      %mul3A_436 = arith.muli %add3A_424, %mul3A_435 : i32
      %add3A_437 = arith.constant 2560 : i32
      %add3A_438 = arith.addi %add3A_437, %mul3A_436 : i32
      %add3A_439 = arith.constant 16 : i32
      %add3A_440 = arith.addi %add3A_438, %add3A_439 : i32
      %get3A_441 = arith.index_cast %add3A_440 : i32 to index
      %get3A_442 = tpu.vector_load %arg6[%get3A_441] {strides = array<i32>} : memref<5120xi32, #tpu.memory_space<vmem>>, vector<16xi32>,
      %get3A_443 = vector.shape_cast %get3A_442 : vector<16xi32> to vector<16xi32>
      %swap3A_444 = arith.index_cast %add3A_424 : i32 to index
      %swap3A_445 = arith.constant 16 : index
      %swap3A_446 = tpu.vector_load %arg7[%swap3A_444, %swap3A_445] {strides = array<i32>} : memref<80x32xi32, #tpu.memory_space<vmem>>, vector<1x16xi32>,
      %swap3A_447 = vector.shape_cast %swap3A_446 : vector<1x16xi32> to vector<16xi32>
      %swap3A_448 = vector.shape_cast %get3A_443 : vector<16xi32> to vector<1x16xi32>
      tpu.vector_store %arg7[%swap3A_444, %swap3A_445], %swap3A_448 {strides = array<i32>} : memref<80x32xi32, #tpu.memory_space<vmem>>, vector<1x16xi32>,
    }
    %scan3A_122 = arith.constant 80 : i32
    %dma_start3A_123 = arith.constant 0 : i32
    %dma_start3A_124 = arith.constant 0 : i32
    %dma_start3A_125 = tpu.memref_slice %arg8[%dma_start3A_123, %dma_start3A_124] : memref<160x128xf32, #tpu.memory_space<vmem>> -> memref<32x128xf32, #tpu.memory_space<vmem>>
    %dma_start3A_126 = arith.constant 0 : i32
    %dma_start3A_127 = tpu.memref_slice %arg6[%dma_start3A_126] : memref<5120xi32, #tpu.memory_space<vmem>> -> memref<32xi32, #tpu.memory_space<vmem>>
    %dma_start3A_128 = arith.constant 0 : i32
    %dma_start3A_129 = arith.constant 0 : i32
    %dma_start3A_130 = tpu.memref_slice %arg2[%dma_start3A_128, %dma_start3A_129] : memref<10000x128xf32, #tpu.memory_space<hbm>> -> memref<10000x128xf32, #tpu.memory_space<hbm>>
    tpu.enqueue_indirect_dma source(%dma_start3A_130 : memref<10000x128xf32, #tpu.memory_space<hbm>>) target(%dma_start3A_125 : memref<32x128xf32, #tpu.memory_space<vmem>>) offsets(%dma_start3A_127 : memref<32xi32, #tpu.memory_space<vmem>>) semaphore(%arg10 : memref<!tpu.dma_semaphore, #tpu.memory_space<semaphore_mem>>)
    %dma_start3A_131 = arith.constant 32 : i32
    %dma_start3A_132 = arith.constant 0 : i32
    %dma_start3A_133 = tpu.memref_slice %arg8[%dma_start3A_131, %dma_start3A_132] : memref<160x128xf32, #tpu.memory_space<vmem>> -> memref<32x128xf32, #tpu.memory_space<vmem>>
    %dma_start3A_134 = arith.constant 32 : i32
    %dma_start3A_135 = tpu.memref_slice %arg6[%dma_start3A_134] : memref<5120xi32, #tpu.memory_space<vmem>> -> memref<32xi32, #tpu.memory_space<vmem>>
    %dma_start3A_136 = arith.constant 0 : i32
    %dma_start3A_137 = arith.constant 0 : i32
    %dma_start3A_138 = tpu.memref_slice %arg2[%dma_start3A_136, %dma_start3A_137] : memref<10000x128xf32, #tpu.memory_space<hbm>> -> memref<10000x128xf32, #tpu.memory_space<hbm>>
    tpu.enqueue_indirect_dma source(%dma_start3A_138 : memref<10000x128xf32, #tpu.memory_space<hbm>>) target(%dma_start3A_133 : memref<32x128xf32, #tpu.memory_space<vmem>>) offsets(%dma_start3A_135 : memref<32xi32, #tpu.memory_space<vmem>>) semaphore(%arg10 : memref<!tpu.dma_semaphore, #tpu.memory_space<semaphore_mem>>)
    %dma_start3A_139 = arith.constant 64 : i32
    %dma_start3A_140 = arith.constant 0 : i32
    %dma_start3A_141 = tpu.memref_slice %arg8[%dma_start3A_139, %dma_start3A_140] : memref<160x128xf32, #tpu.memory_space<vmem>> -> memref<32x128xf32, #tpu.memory_space<vmem>>
    %dma_start3A_142 = arith.constant 64 : i32
    %dma_start3A_143 = tpu.memref_slice %arg6[%dma_start3A_142] : memref<5120xi32, #tpu.memory_space<vmem>> -> memref<32xi32, #tpu.memory_space<vmem>>
    %dma_start3A_144 = arith.constant 0 : i32
    %dma_start3A_145 = arith.constant 0 : i32
    %dma_start3A_146 = tpu.memref_slice %arg2[%dma_start3A_144, %dma_start3A_145] : memref<10000x128xf32, #tpu.memory_space<hbm>> -> memref<10000x128xf32, #tpu.memory_space<hbm>>
    tpu.enqueue_indirect_dma source(%dma_start3A_146 : memref<10000x128xf32, #tpu.memory_space<hbm>>) target(%dma_start3A_141 : memref<32x128xf32, #tpu.memory_space<vmem>>) offsets(%dma_start3A_143 : memref<32xi32, #tpu.memory_space<vmem>>) semaphore(%arg10 : memref<!tpu.dma_semaphore, #tpu.memory_space<semaphore_mem>>)
    %dma_start3A_147 = arith.constant 96 : i32
    %dma_start3A_148 = arith.constant 0 : i32
    %dma_start3A_149 = tpu.memref_slice %arg8[%dma_start3A_147, %dma_start3A_148] : memref<160x128xf32, #tpu.memory_space<vmem>> -> memref<32x128xf32, #tpu.memory_space<vmem>>
    %dma_start3A_150 = arith.constant 96 : i32
    %dma_start3A_151 = tpu.memref_slice %arg6[%dma_start3A_150] : memref<5120xi32, #tpu.memory_space<vmem>> -> memref<32xi32, #tpu.memory_space<vmem>>
    %dma_start3A_152 = arith.constant 0 : i32
    %dma_start3A_153 = arith.constant 0 : i32
    %dma_start3A_154 = tpu.memref_slice %arg2[%dma_start3A_152, %dma_start3A_153] : memref<10000x128xf32, #tpu.memory_space<hbm>> -> memref<10000x128xf32, #tpu.memory_space<hbm>>
    tpu.enqueue_indirect_dma source(%dma_start3A_154 : memref<10000x128xf32, #tpu.memory_space<hbm>>) target(%dma_start3A_149 : memref<32x128xf32, #tpu.memory_space<vmem>>) offsets(%dma_start3A_151 : memref<32xi32, #tpu.memory_space<vmem>>) semaphore(%arg10 : memref<!tpu.dma_semaphore, #tpu.memory_space<semaphore_mem>>)
    %scan3A_155 = arith.constant 0 : i32
    %scan3A_156 = arith.constant 15 : i32
    %scan3A_157 = arith.addi %scan3A_155, %scan3A_156 : i32
    %scan3A_158 = arith.constant 1 : i32
    scf.for %scan3A_420 = %scan3A_155 to %scan3A_157 step %scan3A_158  : i32 {
      %mul3A_421 = arith.constant 5 : i32
      %mul3A_422 = arith.muli %scan3A_420, %mul3A_421 : i32
      %add3A_423 = arith.constant 0 : i32
      %add3A_424 = arith.addi %add3A_423, %mul3A_422 : i32
      %add3A_425 = arith.constant 0 : i32
      %add3A_426 = arith.addi %add3A_424, %add3A_425 : i32
      %mul3A_427 = arith.constant 32 : i32
      %mul3A_428 = arith.muli %add3A_426, %mul3A_427 : i32
      %dma_wait3A_429 = arith.constant 0 : i32
      %dma_wait3A_430 = arith.constant 0 : i32
      %dma_wait3A_431 = tpu.memref_slice %arg8[%dma_wait3A_429, %dma_wait3A_430] : memref<160x128xf32, #tpu.memory_space<vmem>> -> memref<32x128xf32, #tpu.memory_space<vmem>>
      %dma_wait3A_432 = tpu.memref_slice %arg6[%mul3A_428] : memref<5120xi32, #tpu.memory_space<vmem>> -> memref<32xi32, #tpu.memory_space<vmem>>
      %dma_wait3A_433 = arith.constant 0 : i32
      %dma_wait3A_434 = arith.constant 0 : i32
      %dma_wait3A_435 = tpu.memref_slice %arg2[%dma_wait3A_433, %dma_wait3A_434] : memref<10000x128xf32, #tpu.memory_space<hbm>> -> memref<10000x128xf32, #tpu.memory_space<hbm>>
      tpu.wait_indirect_dma semaphore(%arg10 : memref<!tpu.dma_semaphore, #tpu.memory_space<semaphore_mem>>) src(%dma_wait3A_435 : memref<10000x128xf32, #tpu.memory_space<hbm>>) dst(%dma_wait3A_431 : memref<32x128xf32, #tpu.memory_space<vmem>>)
      %add3A_436 = arith.constant 5 : i32
      %add3A_437 = arith.addi %add3A_426, %add3A_436 : i32
      %sub3A = arith.constant 1 : i32
      %sub3A_438 = arith.subi %add3A_437, %sub3A : i32
      %mul3A_439 = arith.constant 32 : i32
      %mul3A_440 = arith.muli %sub3A_438, %mul3A_439 : i32
      %dma_start3A_441 = arith.constant 128 : i32
      %dma_start3A_442 = arith.constant 0 : i32
      %dma_start3A_443 = tpu.memref_slice %arg8[%dma_start3A_441, %dma_start3A_442] : memref<160x128xf32, #tpu.memory_space<vmem>> -> memref<32x128xf32, #tpu.memory_space<vmem>>
      %dma_start3A_444 = tpu.memref_slice %arg6[%mul3A_440] : memref<5120xi32, #tpu.memory_space<vmem>> -> memref<32xi32, #tpu.memory_space<vmem>>
      %dma_start3A_445 = arith.constant 0 : i32
      %dma_start3A_446 = arith.constant 0 : i32
      %dma_start3A_447 = tpu.memref_slice %arg2[%dma_start3A_445, %dma_start3A_446] : memref<10000x128xf32, #tpu.memory_space<hbm>> -> memref<10000x128xf32, #tpu.memory_space<hbm>>
      tpu.enqueue_indirect_dma source(%dma_start3A_447 : memref<10000x128xf32, #tpu.memory_space<hbm>>) target(%dma_start3A_443 : memref<32x128xf32, #tpu.memory_space<vmem>>) offsets(%dma_start3A_444 : memref<32xi32, #tpu.memory_space<vmem>>) semaphore(%arg10 : memref<!tpu.dma_semaphore, #tpu.memory_space<semaphore_mem>>)
      "tpu.region"() ({
        %run_scoped3A_544 = tpu.sem_alloc : memref<!tpu.dma_semaphore, #tpu.memory_space<semaphore_mem>>
        %dma_start3A_545 = arith.constant 0 : i32
        %dma_start3A_546 = arith.constant 0 : i32
        %dma_start3A_547 = tpu.memref_slice %arg8[%dma_start3A_545, %dma_start3A_546] : memref<160x128xf32, #tpu.memory_space<vmem>> -> memref<32x128xf32, #tpu.memory_space<vmem>>
        %dma_start3A_548 = arith.constant 0 : i32
        %dma_start3A_549 = tpu.memref_slice %arg7[%add3A_426, %dma_start3A_548] : memref<80x32xi32, #tpu.memory_space<vmem>> -> memref<1x32xi32, #tpu.memory_space<vmem>>
        %dma_start3A_550 = tpu.memref_squeeze %dma_start3A_549 : memref<1x32xi32, #tpu.memory_space<vmem>> -> memref<32xi32, #tpu.memory_space<vmem>>
        %dma_start3A_551 = arith.constant 0 : i32
        %dma_start3A_552 = arith.constant 0 : i32
        %dma_start3A_553 = tpu.memref_slice %arg9[%dma_start3A_551, %dma_start3A_552] : memref<10112x128xf32, #tpu.memory_space<vmem_shared>> -> memref<10112x128xf32, #tpu.memory_space<vmem_shared>>
        tpu.enqueue_indirect_dma source(%dma_start3A_547 : memref<32x128xf32, #tpu.memory_space<vmem>>) target(%dma_start3A_553 : memref<10112x128xf32, #tpu.memory_space<vmem_shared>>) offsets(%dma_start3A_550 : memref<32xi32, #tpu.memory_space<vmem>>) semaphore(%run_scoped3A_544 : memref<!tpu.dma_semaphore, #tpu.memory_space<semaphore_mem>>) {add = true}
        %dma_wait3A_554 = arith.constant 0 : i32
        %dma_wait3A_555 = arith.constant 0 : i32
        %dma_wait3A_556 = tpu.memref_slice %arg8[%dma_wait3A_554, %dma_wait3A_555] : memref<160x128xf32, #tpu.memory_space<vmem>> -> memref<32x128xf32, #tpu.memory_space<vmem>>
        %dma_wait3A_557 = arith.constant 0 : i32
        %dma_wait3A_558 = tpu.memref_slice %arg7[%add3A_426, %dma_wait3A_557] : memref<80x32xi32, #tpu.memory_space<vmem>> -> memref<1x32xi32, #tpu.memory_space<vmem>>
        %dma_wait3A_559 = tpu.memref_squeeze %dma_wait3A_558 : memref<1x32xi32, #tpu.memory_space<vmem>> -> memref<32xi32, #tpu.memory_space<vmem>>
        %dma_wait3A_560 = arith.constant 0 : i32
        %dma_wait3A_561 = arith.constant 0 : i32
        %dma_wait3A_562 = tpu.memref_slice %arg9[%dma_wait3A_560, %dma_wait3A_561] : memref<10112x128xf32, #tpu.memory_space<vmem_shared>> -> memref<10112x128xf32, #tpu.memory_space<vmem_shared>>
        tpu.wait_indirect_dma semaphore(%run_scoped3A_544 : memref<!tpu.dma_semaphore, #tpu.memory_space<semaphore_mem>>) src(%dma_wait3A_556 : memref<32x128xf32, #tpu.memory_space<vmem>>) dst(%dma_wait3A_562 : memref<10112x128xf32, #tpu.memory_space<vmem_shared>>)
        tpu.yield
      }) : () -> ()
      %add3A_448 = arith.constant 1 : i32
      %add3A_449 = arith.addi %add3A_424, %add3A_448 : i32
      %mul3A_450 = arith.constant 32 : i32
      %mul3A_451 = arith.muli %add3A_449, %mul3A_450 : i32
      %dma_wait3A_452 = arith.constant 32 : i32
      %dma_wait3A_453 = arith.constant 0 : i32
      %dma_wait3A_454 = tpu.memref_slice %arg8[%dma_wait3A_452, %dma_wait3A_453] : memref<160x128xf32, #tpu.memory_space<vmem>> -> memref<32x128xf32, #tpu.memory_space<vmem>>
      %dma_wait3A_455 = tpu.memref_slice %arg6[%mul3A_451] : memref<5120xi32, #tpu.memory_space<vmem>> -> memref<32xi32, #tpu.memory_space<vmem>>
      %dma_wait3A_456 = arith.constant 0 : i32
      %dma_wait3A_457 = arith.constant 0 : i32
      %dma_wait3A_458 = tpu.memref_slice %arg2[%dma_wait3A_456, %dma_wait3A_457] : memref<10000x128xf32, #tpu.memory_space<hbm>> -> memref<10000x128xf32, #tpu.memory_space<hbm>>
      tpu.wait_indirect_dma semaphore(%arg10 : memref<!tpu.dma_semaphore, #tpu.memory_space<semaphore_mem>>) src(%dma_wait3A_458 : memref<10000x128xf32, #tpu.memory_space<hbm>>) dst(%dma_wait3A_454 : memref<32x128xf32, #tpu.memory_space<vmem>>)
      %add3A_459 = arith.constant 5 : i32
      %add3A_460 = arith.addi %add3A_449, %add3A_459 : i32
      %sub3A_461 = arith.constant 1 : i32
      %sub3A_462 = arith.subi %add3A_460, %sub3A_461 : i32
      %mul3A_463 = arith.constant 32 : i32
      %mul3A_464 = arith.muli %sub3A_462, %mul3A_463 : i32
      %dma_start3A_465 = arith.constant 0 : i32
      %dma_start3A_466 = arith.constant 0 : i32
      %dma_start3A_467 = tpu.memref_slice %arg8[%dma_start3A_465, %dma_start3A_466] : memref<160x128xf32, #tpu.memory_space<vmem>> -> memref<32x128xf32, #tpu.memory_space<vmem>>
      %dma_start3A_468 = tpu.memref_slice %arg6[%mul3A_464] : memref<5120xi32, #tpu.memory_space<vmem>> -> memref<32xi32, #tpu.memory_space<vmem>>
      %dma_start3A_469 = arith.constant 0 : i32
      %dma_start3A_470 = arith.constant 0 : i32
      %dma_start3A_471 = tpu.memref_slice %arg2[%dma_start3A_469, %dma_start3A_470] : memref<10000x128xf32, #tpu.memory_space<hbm>> -> memref<10000x128xf32, #tpu.memory_space<hbm>>
      tpu.enqueue_indirect_dma source(%dma_start3A_471 : memref<10000x128xf32, #tpu.memory_space<hbm>>) target(%dma_start3A_467 : memref<32x128xf32, #tpu.memory_space<vmem>>) offsets(%dma_start3A_468 : memref<32xi32, #tpu.memory_space<vmem>>) semaphore(%arg10 : memref<!tpu.dma_semaphore, #tpu.memory_space<semaphore_mem>>)
      "tpu.region"() ({
        %run_scoped3A_544 = tpu.sem_alloc : memref<!tpu.dma_semaphore, #tpu.memory_space<semaphore_mem>>
        %dma_start3A_545 = arith.constant 32 : i32
        %dma_start3A_546 = arith.constant 0 : i32
        %dma_start3A_547 = tpu.memref_slice %arg8[%dma_start3A_545, %dma_start3A_546] : memref<160x128xf32, #tpu.memory_space<vmem>> -> memref<32x128xf32, #tpu.memory_space<vmem>>
        %dma_start3A_548 = arith.constant 0 : i32
        %dma_start3A_549 = tpu.memref_slice %arg7[%add3A_449, %dma_start3A_548] : memref<80x32xi32, #tpu.memory_space<vmem>> -> memref<1x32xi32, #tpu.memory_space<vmem>>
        %dma_start3A_550 = tpu.memref_squeeze %dma_start3A_549 : memref<1x32xi32, #tpu.memory_space<vmem>> -> memref<32xi32, #tpu.memory_space<vmem>>
        %dma_start3A_551 = arith.constant 0 : i32
        %dma_start3A_552 = arith.constant 0 : i32
        %dma_start3A_553 = tpu.memref_slice %arg9[%dma_start3A_551, %dma_start3A_552] : memref<10112x128xf32, #tpu.memory_space<vmem_shared>> -> memref<10112x128xf32, #tpu.memory_space<vmem_shared>>
        tpu.enqueue_indirect_dma source(%dma_start3A_547 : memref<32x128xf32, #tpu.memory_space<vmem>>) target(%dma_start3A_553 : memref<10112x128xf32, #tpu.memory_space<vmem_shared>>) offsets(%dma_start3A_550 : memref<32xi32, #tpu.memory_space<vmem>>) semaphore(%run_scoped3A_544 : memref<!tpu.dma_semaphore, #tpu.memory_space<semaphore_mem>>) {add = true}
        %dma_wait3A_554 = arith.constant 32 : i32
        %dma_wait3A_555 = arith.constant 0 : i32
        %dma_wait3A_556 = tpu.memref_slice %arg8[%dma_wait3A_554, %dma_wait3A_555] : memref<160x128xf32, #tpu.memory_space<vmem>> -> memref<32x128xf32, #tpu.memory_space<vmem>>
        %dma_wait3A_557 = arith.constant 0 : i32
        %dma_wait3A_558 = tpu.memref_slice %arg7[%add3A_449, %dma_wait3A_557] : memref<80x32xi32, #tpu.memory_space<vmem>> -> memref<1x32xi32, #tpu.memory_space<vmem>>
        %dma_wait3A_559 = tpu.memref_squeeze %dma_wait3A_558 : memref<1x32xi32, #tpu.memory_space<vmem>> -> memref<32xi32, #tpu.memory_space<vmem>>
        %dma_wait3A_560 = arith.constant 0 : i32
        %dma_wait3A_561 = arith.constant 0 : i32
        %dma_wait3A_562 = tpu.memref_slice %arg9[%dma_wait3A_560, %dma_wait3A_561] : memref<10112x128xf32, #tpu.memory_space<vmem_shared>> -> memref<10112x128xf32, #tpu.memory_space<vmem_shared>>
        tpu.wait_indirect_dma semaphore(%run_scoped3A_544 : memref<!tpu.dma_semaphore, #tpu.memory_space<semaphore_mem>>) src(%dma_wait3A_556 : memref<32x128xf32, #tpu.memory_space<vmem>>) dst(%dma_wait3A_562 : memref<10112x128xf32, #tpu.memory_space<vmem_shared>>)
        tpu.yield
      }) : () -> ()
      %add3A_472 = arith.constant 2 : i32
      %add3A_473 = arith.addi %add3A_424, %add3A_472 : i32
      %mul3A_474 = arith.constant 32 : i32
      %mul3A_475 = arith.muli %add3A_473, %mul3A_474 : i32
      %dma_wait3A_476 = arith.constant 64 : i32
      %dma_wait3A_477 = arith.constant 0 : i32
      %dma_wait3A_478 = tpu.memref_slice %arg8[%dma_wait3A_476, %dma_wait3A_477] : memref<160x128xf32, #tpu.memory_space<vmem>> -> memref<32x128xf32, #tpu.memory_space<vmem>>
      %dma_wait3A_479 = tpu.memref_slice %arg6[%mul3A_475] : memref<5120xi32, #tpu.memory_space<vmem>> -> memref<32xi32, #tpu.memory_space<vmem>>
      %dma_wait3A_480 = arith.constant 0 : i32
      %dma_wait3A_481 = arith.constant 0 : i32
      %dma_wait3A_482 = tpu.memref_slice %arg2[%dma_wait3A_480, %dma_wait3A_481] : memref<10000x128xf32, #tpu.memory_space<hbm>> -> memref<10000x128xf32, #tpu.memory_space<hbm>>
      tpu.wait_indirect_dma semaphore(%arg10 : memref<!tpu.dma_semaphore, #tpu.memory_space<semaphore_mem>>) src(%dma_wait3A_482 : memref<10000x128xf32, #tpu.memory_space<hbm>>) dst(%dma_wait3A_478 : memref<32x128xf32, #tpu.memory_space<vmem>>)
      %add3A_483 = arith.constant 5 : i32
      %add3A_484 = arith.addi %add3A_473, %add3A_483 : i32
      %sub3A_485 = arith.constant 1 : i32
      %sub3A_486 = arith.subi %add3A_484, %sub3A_485 : i32
      %mul3A_487 = arith.constant 32 : i32
      %mul3A_488 = arith.muli %sub3A_486, %mul3A_487 : i32
      %dma_start3A_489 = arith.constant 32 : i32
      %dma_start3A_490 = arith.constant 0 : i32
      %dma_start3A_491 = tpu.memref_slice %arg8[%dma_start3A_489, %dma_start3A_490] : memref<160x128xf32, #tpu.memory_space<vmem>> -> memref<32x128xf32, #tpu.memory_space<vmem>>
      %dma_start3A_492 = tpu.memref_slice %arg6[%mul3A_488] : memref<5120xi32, #tpu.memory_space<vmem>> -> memref<32xi32, #tpu.memory_space<vmem>>
      %dma_start3A_493 = arith.constant 0 : i32
      %dma_start3A_494 = arith.constant 0 : i32
      %dma_start3A_495 = tpu.memref_slice %arg2[%dma_start3A_493, %dma_start3A_494] : memref<10000x128xf32, #tpu.memory_space<hbm>> -> memref<10000x128xf32, #tpu.memory_space<hbm>>
      tpu.enqueue_indirect_dma source(%dma_start3A_495 : memref<10000x128xf32, #tpu.memory_space<hbm>>) target(%dma_start3A_491 : memref<32x128xf32, #tpu.memory_space<vmem>>) offsets(%dma_start3A_492 : memref<32xi32, #tpu.memory_space<vmem>>) semaphore(%arg10 : memref<!tpu.dma_semaphore, #tpu.memory_space<semaphore_mem>>)
      "tpu.region"() ({
        %run_scoped3A_544 = tpu.sem_alloc : memref<!tpu.dma_semaphore, #tpu.memory_space<semaphore_mem>>
        %dma_start3A_545 = arith.constant 64 : i32
        %dma_start3A_546 = arith.constant 0 : i32
        %dma_start3A_547 = tpu.memref_slice %arg8[%dma_start3A_545, %dma_start3A_546] : memref<160x128xf32, #tpu.memory_space<vmem>> -> memref<32x128xf32, #tpu.memory_space<vmem>>
        %dma_start3A_548 = arith.constant 0 : i32
        %dma_start3A_549 = tpu.memref_slice %arg7[%add3A_473, %dma_start3A_548] : memref<80x32xi32, #tpu.memory_space<vmem>> -> memref<1x32xi32, #tpu.memory_space<vmem>>
        %dma_start3A_550 = tpu.memref_squeeze %dma_start3A_549 : memref<1x32xi32, #tpu.memory_space<vmem>> -> memref<32xi32, #tpu.memory_space<vmem>>
        %dma_start3A_551 = arith.constant 0 : i32
        %dma_start3A_552 = arith.constant 0 : i32
        %dma_start3A_553 = tpu.memref_slice %arg9[%dma_start3A_551, %dma_start3A_552] : memref<10112x128xf32, #tpu.memory_space<vmem_shared>> -> memref<10112x128xf32, #tpu.memory_space<vmem_shared>>
        tpu.enqueue_indirect_dma source(%dma_start3A_547 : memref<32x128xf32, #tpu.memory_space<vmem>>) target(%dma_start3A_553 : memref<10112x128xf32, #tpu.memory_space<vmem_shared>>) offsets(%dma_start3A_550 : memref<32xi32, #tpu.memory_space<vmem>>) semaphore(%run_scoped3A_544 : memref<!tpu.dma_semaphore, #tpu.memory_space<semaphore_mem>>) {add = true}
        %dma_wait3A_554 = arith.constant 64 : i32
        %dma_wait3A_555 = arith.constant 0 : i32
        %dma_wait3A_556 = tpu.memref_slice %arg8[%dma_wait3A_554, %dma_wait3A_555] : memref<160x128xf32, #tpu.memory_space<vmem>> -> memref<32x128xf32, #tpu.memory_space<vmem>>
        %dma_wait3A_557 = arith.constant 0 : i32
        %dma_wait3A_558 = tpu.memref_slice %arg7[%add3A_473, %dma_wait3A_557] : memref<80x32xi32, #tpu.memory_space<vmem>> -> memref<1x32xi32, #tpu.memory_space<vmem>>
        %dma_wait3A_559 = tpu.memref_squeeze %dma_wait3A_558 : memref<1x32xi32, #tpu.memory_space<vmem>> -> memref<32xi32, #tpu.memory_space<vmem>>
        %dma_wait3A_560 = arith.constant 0 : i32
        %dma_wait3A_561 = arith.constant 0 : i32
        %dma_wait3A_562 = tpu.memref_slice %arg9[%dma_wait3A_560, %dma_wait3A_561] : memref<10112x128xf32, #tpu.memory_space<vmem_shared>> -> memref<10112x128xf32, #tpu.memory_space<vmem_shared>>
        tpu.wait_indirect_dma semaphore(%run_scoped3A_544 : memref<!tpu.dma_semaphore, #tpu.memory_space<semaphore_mem>>) src(%dma_wait3A_556 : memref<32x128xf32, #tpu.memory_space<vmem>>) dst(%dma_wait3A_562 : memref<10112x128xf32, #tpu.memory_space<vmem_shared>>)
        tpu.yield
      }) : () -> ()
      %add3A_496 = arith.constant 3 : i32
      %add3A_497 = arith.addi %add3A_424, %add3A_496 : i32
      %mul3A_498 = arith.constant 32 : i32
      %mul3A_499 = arith.muli %add3A_497, %mul3A_498 : i32
      %dma_wait3A_500 = arith.constant 96 : i32
      %dma_wait3A_501 = arith.constant 0 : i32
      %dma_wait3A_502 = tpu.memref_slice %arg8[%dma_wait3A_500, %dma_wait3A_501] : memref<160x128xf32, #tpu.memory_space<vmem>> -> memref<32x128xf32, #tpu.memory_space<vmem>>
      %dma_wait3A_503 = tpu.memref_slice %arg6[%mul3A_499] : memref<5120xi32, #tpu.memory_space<vmem>> -> memref<32xi32, #tpu.memory_space<vmem>>
      %dma_wait3A_504 = arith.constant 0 : i32
      %dma_wait3A_505 = arith.constant 0 : i32
      %dma_wait3A_506 = tpu.memref_slice %arg2[%dma_wait3A_504, %dma_wait3A_505] : memref<10000x128xf32, #tpu.memory_space<hbm>> -> memref<10000x128xf32, #tpu.memory_space<hbm>>
      tpu.wait_indirect_dma semaphore(%arg10 : memref<!tpu.dma_semaphore, #tpu.memory_space<semaphore_mem>>) src(%dma_wait3A_506 : memref<10000x128xf32, #tpu.memory_space<hbm>>) dst(%dma_wait3A_502 : memref<32x128xf32, #tpu.memory_space<vmem>>)
      %add3A_507 = arith.constant 5 : i32
      %add3A_508 = arith.addi %add3A_497, %add3A_507 : i32
      %sub3A_509 = arith.constant 1 : i32
      %sub3A_510 = arith.subi %add3A_508, %sub3A_509 : i32
      %mul3A_511 = arith.constant 32 : i32
      %mul3A_512 = arith.muli %sub3A_510, %mul3A_511 : i32
      %dma_start3A_513 = arith.constant 64 : i32
      %dma_start3A_514 = arith.constant 0 : i32
      %dma_start3A_515 = tpu.memref_slice %arg8[%dma_start3A_513, %dma_start3A_514] : memref<160x128xf32, #tpu.memory_space<vmem>> -> memref<32x128xf32, #tpu.memory_space<vmem>>
      %dma_start3A_516 = tpu.memref_slice %arg6[%mul3A_512] : memref<5120xi32, #tpu.memory_space<vmem>> -> memref<32xi32, #tpu.memory_space<vmem>>
      %dma_start3A_517 = arith.constant 0 : i32
      %dma_start3A_518 = arith.constant 0 : i32
      %dma_start3A_519 = tpu.memref_slice %arg2[%dma_start3A_517, %dma_start3A_518] : memref<10000x128xf32, #tpu.memory_space<hbm>> -> memref<10000x128xf32, #tpu.memory_space<hbm>>
      tpu.enqueue_indirect_dma source(%dma_start3A_519 : memref<10000x128xf32, #tpu.memory_space<hbm>>) target(%dma_start3A_515 : memref<32x128xf32, #tpu.memory_space<vmem>>) offsets(%dma_start3A_516 : memref<32xi32, #tpu.memory_space<vmem>>) semaphore(%arg10 : memref<!tpu.dma_semaphore, #tpu.memory_space<semaphore_mem>>)
      "tpu.region"() ({
        %run_scoped3A_544 = tpu.sem_alloc : memref<!tpu.dma_semaphore, #tpu.memory_space<semaphore_mem>>
        %dma_start3A_545 = arith.constant 96 : i32
        %dma_start3A_546 = arith.constant 0 : i32
        %dma_start3A_547 = tpu.memref_slice %arg8[%dma_start3A_545, %dma_start3A_546] : memref<160x128xf32, #tpu.memory_space<vmem>> -> memref<32x128xf32, #tpu.memory_space<vmem>>
        %dma_start3A_548 = arith.constant 0 : i32
        %dma_start3A_549 = tpu.memref_slice %arg7[%add3A_497, %dma_start3A_548] : memref<80x32xi32, #tpu.memory_space<vmem>> -> memref<1x32xi32, #tpu.memory_space<vmem>>
        %dma_start3A_550 = tpu.memref_squeeze %dma_start3A_549 : memref<1x32xi32, #tpu.memory_space<vmem>> -> memref<32xi32, #tpu.memory_space<vmem>>
        %dma_start3A_551 = arith.constant 0 : i32
        %dma_start3A_552 = arith.constant 0 : i32
        %dma_start3A_553 = tpu.memref_slice %arg9[%dma_start3A_551, %dma_start3A_552] : memref<10112x128xf32, #tpu.memory_space<vmem_shared>> -> memref<10112x128xf32, #tpu.memory_space<vmem_shared>>
        tpu.enqueue_indirect_dma source(%dma_start3A_547 : memref<32x128xf32, #tpu.memory_space<vmem>>) target(%dma_start3A_553 : memref<10112x128xf32, #tpu.memory_space<vmem_shared>>) offsets(%dma_start3A_550 : memref<32xi32, #tpu.memory_space<vmem>>) semaphore(%run_scoped3A_544 : memref<!tpu.dma_semaphore, #tpu.memory_space<semaphore_mem>>) {add = true}
        %dma_wait3A_554 = arith.constant 96 : i32
        %dma_wait3A_555 = arith.constant 0 : i32
        %dma_wait3A_556 = tpu.memref_slice %arg8[%dma_wait3A_554, %dma_wait3A_555] : memref<160x128xf32, #tpu.memory_space<vmem>> -> memref<32x128xf32, #tpu.memory_space<vmem>>
        %dma_wait3A_557 = arith.constant 0 : i32
        %dma_wait3A_558 = tpu.memref_slice %arg7[%add3A_497, %dma_wait3A_557] : memref<80x32xi32, #tpu.memory_space<vmem>> -> memref<1x32xi32, #tpu.memory_space<vmem>>
        %dma_wait3A_559 = tpu.memref_squeeze %dma_wait3A_558 : memref<1x32xi32, #tpu.memory_space<vmem>> -> memref<32xi32, #tpu.memory_space<vmem>>
        %dma_wait3A_560 = arith.constant 0 : i32
        %dma_wait3A_561 = arith.constant 0 : i32
        %dma_wait3A_562 = tpu.memref_slice %arg9[%dma_wait3A_560, %dma_wait3A_561] : memref<10112x128xf32, #tpu.memory_space<vmem_shared>> -> memref<10112x128xf32, #tpu.memory_space<vmem_shared>>
        tpu.wait_indirect_dma semaphore(%run_scoped3A_544 : memref<!tpu.dma_semaphore, #tpu.memory_space<semaphore_mem>>) src(%dma_wait3A_556 : memref<32x128xf32, #tpu.memory_space<vmem>>) dst(%dma_wait3A_562 : memref<10112x128xf32, #tpu.memory_space<vmem_shared>>)
        tpu.yield
      }) : () -> ()
      %add3A_520 = arith.constant 4 : i32
      %add3A_521 = arith.addi %add3A_424, %add3A_520 : i32
      %mul3A_522 = arith.constant 32 : i32
      %mul3A_523 = arith.muli %add3A_521, %mul3A_522 : i32
      %dma_wait3A_524 = arith.constant 128 : i32
      %dma_wait3A_525 = arith.constant 0 : i32
      %dma_wait3A_526 = tpu.memref_slice %arg8[%dma_wait3A_524, %dma_wait3A_525] : memref<160x128xf32, #tpu.memory_space<vmem>> -> memref<32x128xf32, #tpu.memory_space<vmem>>
      %dma_wait3A_527 = tpu.memref_slice %arg6[%mul3A_523] : memref<5120xi32, #tpu.memory_space<vmem>> -> memref<32xi32, #tpu.memory_space<vmem>>
      %dma_wait3A_528 = arith.constant 0 : i32
      %dma_wait3A_529 = arith.constant 0 : i32
      %dma_wait3A_530 = tpu.memref_slice %arg2[%dma_wait3A_528, %dma_wait3A_529] : memref<10000x128xf32, #tpu.memory_space<hbm>> -> memref<10000x128xf32, #tpu.memory_space<hbm>>
      tpu.wait_indirect_dma semaphore(%arg10 : memref<!tpu.dma_semaphore, #tpu.memory_space<semaphore_mem>>) src(%dma_wait3A_530 : memref<10000x128xf32, #tpu.memory_space<hbm>>) dst(%dma_wait3A_526 : memref<32x128xf32, #tpu.memory_space<vmem>>)
      %add3A_531 = arith.constant 5 : i32
      %add3A_532 = arith.addi %add3A_521, %add3A_531 : i32
      %sub3A_533 = arith.constant 1 : i32
      %sub3A_534 = arith.subi %add3A_532, %sub3A_533 : i32
      %mul3A_535 = arith.constant 32 : i32
      %mul3A_536 = arith.muli %sub3A_534, %mul3A_535 : i32
      %dma_start3A_537 = arith.constant 96 : i32
      %dma_start3A_538 = arith.constant 0 : i32
      %dma_start3A_539 = tpu.memref_slice %arg8[%dma_start3A_537, %dma_start3A_538] : memref<160x128xf32, #tpu.memory_space<vmem>> -> memref<32x128xf32, #tpu.memory_space<vmem>>
      %dma_start3A_540 = tpu.memref_slice %arg6[%mul3A_536] : memref<5120xi32, #tpu.memory_space<vmem>> -> memref<32xi32, #tpu.memory_space<vmem>>
      %dma_start3A_541 = arith.constant 0 : i32
      %dma_start3A_542 = arith.constant 0 : i32
      %dma_start3A_543 = tpu.memref_slice %arg2[%dma_start3A_541, %dma_start3A_542] : memref<10000x128xf32, #tpu.memory_space<hbm>> -> memref<10000x128xf32, #tpu.memory_space<hbm>>
      tpu.enqueue_indirect_dma source(%dma_start3A_543 : memref<10000x128xf32, #tpu.memory_space<hbm>>) target(%dma_start3A_539 : memref<32x128xf32, #tpu.memory_space<vmem>>) offsets(%dma_start3A_540 : memref<32xi32, #tpu.memory_space<vmem>>) semaphore(%arg10 : memref<!tpu.dma_semaphore, #tpu.memory_space<semaphore_mem>>)
      "tpu.region"() ({
        %run_scoped3A_544 = tpu.sem_alloc : memref<!tpu.dma_semaphore, #tpu.memory_space<semaphore_mem>>
        %dma_start3A_545 = arith.constant 128 : i32
        %dma_start3A_546 = arith.constant 0 : i32
        %dma_start3A_547 = tpu.memref_slice %arg8[%dma_start3A_545, %dma_start3A_546] : memref<160x128xf32, #tpu.memory_space<vmem>> -> memref<32x128xf32, #tpu.memory_space<vmem>>
        %dma_start3A_548 = arith.constant 0 : i32
        %dma_start3A_549 = tpu.memref_slice %arg7[%add3A_521, %dma_start3A_548] : memref<80x32xi32, #tpu.memory_space<vmem>> -> memref<1x32xi32, #tpu.memory_space<vmem>>
        %dma_start3A_550 = tpu.memref_squeeze %dma_start3A_549 : memref<1x32xi32, #tpu.memory_space<vmem>> -> memref<32xi32, #tpu.memory_space<vmem>>
        %dma_start3A_551 = arith.constant 0 : i32
        %dma_start3A_552 = arith.constant 0 : i32
        %dma_start3A_553 = tpu.memref_slice %arg9[%dma_start3A_551, %dma_start3A_552] : memref<10112x128xf32, #tpu.memory_space<vmem_shared>> -> memref<10112x128xf32, #tpu.memory_space<vmem_shared>>
        tpu.enqueue_indirect_dma source(%dma_start3A_547 : memref<32x128xf32, #tpu.memory_space<vmem>>) target(%dma_start3A_553 : memref<10112x128xf32, #tpu.memory_space<vmem_shared>>) offsets(%dma_start3A_550 : memref<32xi32, #tpu.memory_space<vmem>>) semaphore(%run_scoped3A_544 : memref<!tpu.dma_semaphore, #tpu.memory_space<semaphore_mem>>) {add = true}
        %dma_wait3A_554 = arith.constant 128 : i32
        %dma_wait3A_555 = arith.constant 0 : i32
        %dma_wait3A_556 = tpu.memref_slice %arg8[%dma_wait3A_554, %dma_wait3A_555] : memref<160x128xf32, #tpu.memory_space<vmem>> -> memref<32x128xf32, #tpu.memory_space<vmem>>
        %dma_wait3A_557 = arith.constant 0 : i32
        %dma_wait3A_558 = tpu.memref_slice %arg7[%add3A_521, %dma_wait3A_557] : memref<80x32xi32, #tpu.memory_space<vmem>> -> memref<1x32xi32, #tpu.memory_space<vmem>>
        %dma_wait3A_559 = tpu.memref_squeeze %dma_wait3A_558 : memref<1x32xi32, #tpu.memory_space<vmem>> -> memref<32xi32, #tpu.memory_space<vmem>>
        %dma_wait3A_560 = arith.constant 0 : i32
        %dma_wait3A_561 = arith.constant 0 : i32
        %dma_wait3A_562 = tpu.memref_slice %arg9[%dma_wait3A_560, %dma_wait3A_561] : memref<10112x128xf32, #tpu.memory_space<vmem_shared>> -> memref<10112x128xf32, #tpu.memory_space<vmem_shared>>
        tpu.wait_indirect_dma semaphore(%run_scoped3A_544 : memref<!tpu.dma_semaphore, #tpu.memory_space<semaphore_mem>>) src(%dma_wait3A_556 : memref<32x128xf32, #tpu.memory_space<vmem>>) dst(%dma_wait3A_562 : memref<10112x128xf32, #tpu.memory_space<vmem_shared>>)
        tpu.yield
      }) : () -> ()
    }
    %scan3A_159 = arith.constant 15 : i32
    %dma_wait3A_160 = arith.constant 0 : i32
    %dma_wait3A_161 = arith.constant 0 : i32
    %dma_wait3A_162 = tpu.memref_slice %arg8[%dma_wait3A_160, %dma_wait3A_161] : memref<160x128xf32, #tpu.memory_space<vmem>> -> memref<32x128xf32, #tpu.memory_space<vmem>>
    %dma_wait3A_163 = arith.constant 2400 : i32
    %dma_wait3A_164 = tpu.memref_slice %arg6[%dma_wait3A_163] : memref<5120xi32, #tpu.memory_space<vmem>> -> memref<32xi32, #tpu.memory_space<vmem>>
    %dma_wait3A_165 = arith.constant 0 : i32
    %dma_wait3A_166 = arith.constant 0 : i32
    %dma_wait3A_167 = tpu.memref_slice %arg2[%dma_wait3A_165, %dma_wait3A_166] : memref<10000x128xf32, #tpu.memory_space<hbm>> -> memref<10000x128xf32, #tpu.memory_space<hbm>>
    tpu.wait_indirect_dma semaphore(%arg10 : memref<!tpu.dma_semaphore, #tpu.memory_space<semaphore_mem>>) src(%dma_wait3A_167 : memref<10000x128xf32, #tpu.memory_space<hbm>>) dst(%dma_wait3A_162 : memref<32x128xf32, #tpu.memory_space<vmem>>)
    %dma_start3A_168 = arith.constant 128 : i32
    %dma_start3A_169 = arith.constant 0 : i32
    %dma_start3A_170 = tpu.memref_slice %arg8[%dma_start3A_168, %dma_start3A_169] : memref<160x128xf32, #tpu.memory_space<vmem>> -> memref<32x128xf32, #tpu.memory_space<vmem>>
    %dma_start3A_171 = arith.constant 2528 : i32
    %dma_start3A_172 = tpu.memref_slice %arg6[%dma_start3A_171] : memref<5120xi32, #tpu.memory_space<vmem>> -> memref<32xi32, #tpu.memory_space<vmem>>
    %dma_start3A_173 = arith.constant 0 : i32
    %dma_start3A_174 = arith.constant 0 : i32
    %dma_start3A_175 = tpu.memref_slice %arg2[%dma_start3A_173, %dma_start3A_174] : memref<10000x128xf32, #tpu.memory_space<hbm>> -> memref<10000x128xf32, #tpu.memory_space<hbm>>
    tpu.enqueue_indirect_dma source(%dma_start3A_175 : memref<10000x128xf32, #tpu.memory_space<hbm>>) target(%dma_start3A_170 : memref<32x128xf32, #tpu.memory_space<vmem>>) offsets(%dma_start3A_172 : memref<32xi32, #tpu.memory_space<vmem>>) semaphore(%arg10 : memref<!tpu.dma_semaphore, #tpu.memory_space<semaphore_mem>>)
    %run_scoped3A_176 = arith.constant 75 : i32
    "tpu.region"() ({
      %run_scoped3A_420 = tpu.sem_alloc : memref<!tpu.dma_semaphore, #tpu.memory_space<semaphore_mem>>
      %dma_start3A_421 = arith.constant 0 : i32
      %dma_start3A_422 = arith.constant 0 : i32
      %dma_start3A_423 = tpu.memref_slice %arg8[%dma_start3A_421, %dma_start3A_422] : memref<160x128xf32, #tpu.memory_space<vmem>> -> memref<32x128xf32, #tpu.memory_space<vmem>>
      %dma_start3A_424 = arith.constant 0 : i32
      %dma_start3A_425 = tpu.memref_slice %arg7[%run_scoped3A_176, %dma_start3A_424] : memref<80x32xi32, #tpu.memory_space<vmem>> -> memref<1x32xi32, #tpu.memory_space<vmem>>
      %dma_start3A_426 = tpu.memref_squeeze %dma_start3A_425 : memref<1x32xi32, #tpu.memory_space<vmem>> -> memref<32xi32, #tpu.memory_space<vmem>>
      %dma_start3A_427 = arith.constant 0 : i32
      %dma_start3A_428 = arith.constant 0 : i32
      %dma_start3A_429 = tpu.memref_slice %arg9[%dma_start3A_427, %dma_start3A_428] : memref<10112x128xf32, #tpu.memory_space<vmem_shared>> -> memref<10112x128xf32, #tpu.memory_space<vmem_shared>>
      tpu.enqueue_indirect_dma source(%dma_start3A_423 : memref<32x128xf32, #tpu.memory_space<vmem>>) target(%dma_start3A_429 : memref<10112x128xf32, #tpu.memory_space<vmem_shared>>) offsets(%dma_start3A_426 : memref<32xi32, #tpu.memory_space<vmem>>) semaphore(%run_scoped3A_420 : memref<!tpu.dma_semaphore, #tpu.memory_space<semaphore_mem>>) {add = true}
      %dma_wait3A_430 = arith.constant 0 : i32
      %dma_wait3A_431 = arith.constant 0 : i32
      %dma_wait3A_432 = tpu.memref_slice %arg8[%dma_wait3A_430, %dma_wait3A_431] : memref<160x128xf32, #tpu.memory_space<vmem>> -> memref<32x128xf32, #tpu.memory_space<vmem>>
      %dma_wait3A_433 = arith.constant 0 : i32
      %dma_wait3A_434 = tpu.memref_slice %arg7[%run_scoped3A_176, %dma_wait3A_433] : memref<80x32xi32, #tpu.memory_space<vmem>> -> memref<1x32xi32, #tpu.memory_space<vmem>>
      %dma_wait3A_435 = tpu.memref_squeeze %dma_wait3A_434 : memref<1x32xi32, #tpu.memory_space<vmem>> -> memref<32xi32, #tpu.memory_space<vmem>>
      %dma_wait3A_436 = arith.constant 0 : i32
      %dma_wait3A_437 = arith.constant 0 : i32
      %dma_wait3A_438 = tpu.memref_slice %arg9[%dma_wait3A_436, %dma_wait3A_437] : memref<10112x128xf32, #tpu.memory_space<vmem_shared>> -> memref<10112x128xf32, #tpu.memory_space<vmem_shared>>
      tpu.wait_indirect_dma semaphore(%run_scoped3A_420 : memref<!tpu.dma_semaphore, #tpu.memory_space<semaphore_mem>>) src(%dma_wait3A_432 : memref<32x128xf32, #tpu.memory_space<vmem>>) dst(%dma_wait3A_438 : memref<10112x128xf32, #tpu.memory_space<vmem_shared>>)
      tpu.yield
    }) : () -> ()
    %dma_wait3A_177 = arith.constant 32 : i32
    %dma_wait3A_178 = arith.constant 0 : i32
    %dma_wait3A_179 = tpu.memref_slice %arg8[%dma_wait3A_177, %dma_wait3A_178] : memref<160x128xf32, #tpu.memory_space<vmem>> -> memref<32x128xf32, #tpu.memory_space<vmem>>
    %dma_wait3A_180 = arith.constant 2432 : i32
    %dma_wait3A_181 = tpu.memref_slice %arg6[%dma_wait3A_180] : memref<5120xi32, #tpu.memory_space<vmem>> -> memref<32xi32, #tpu.memory_space<vmem>>
    %dma_wait3A_182 = arith.constant 0 : i32
    %dma_wait3A_183 = arith.constant 0 : i32
    %dma_wait3A_184 = tpu.memref_slice %arg2[%dma_wait3A_182, %dma_wait3A_183] : memref<10000x128xf32, #tpu.memory_space<hbm>> -> memref<10000x128xf32, #tpu.memory_space<hbm>>
    tpu.wait_indirect_dma semaphore(%arg10 : memref<!tpu.dma_semaphore, #tpu.memory_space<semaphore_mem>>) src(%dma_wait3A_184 : memref<10000x128xf32, #tpu.memory_space<hbm>>) dst(%dma_wait3A_179 : memref<32x128xf32, #tpu.memory_space<vmem>>)
    %run_scoped3A_185 = arith.constant 76 : i32
    "tpu.region"() ({
      %run_scoped3A_420 = tpu.sem_alloc : memref<!tpu.dma_semaphore, #tpu.memory_space<semaphore_mem>>
      %dma_start3A_421 = arith.constant 32 : i32
      %dma_start3A_422 = arith.constant 0 : i32
      %dma_start3A_423 = tpu.memref_slice %arg8[%dma_start3A_421, %dma_start3A_422] : memref<160x128xf32, #tpu.memory_space<vmem>> -> memref<32x128xf32, #tpu.memory_space<vmem>>
      %dma_start3A_424 = arith.constant 0 : i32
      %dma_start3A_425 = tpu.memref_slice %arg7[%run_scoped3A_185, %dma_start3A_424] : memref<80x32xi32, #tpu.memory_space<vmem>> -> memref<1x32xi32, #tpu.memory_space<vmem>>
      %dma_start3A_426 = tpu.memref_squeeze %dma_start3A_425 : memref<1x32xi32, #tpu.memory_space<vmem>> -> memref<32xi32, #tpu.memory_space<vmem>>
      %dma_start3A_427 = arith.constant 0 : i32
      %dma_start3A_428 = arith.constant 0 : i32
      %dma_start3A_429 = tpu.memref_slice %arg9[%dma_start3A_427, %dma_start3A_428] : memref<10112x128xf32, #tpu.memory_space<vmem_shared>> -> memref<10112x128xf32, #tpu.memory_space<vmem_shared>>
      tpu.enqueue_indirect_dma source(%dma_start3A_423 : memref<32x128xf32, #tpu.memory_space<vmem>>) target(%dma_start3A_429 : memref<10112x128xf32, #tpu.memory_space<vmem_shared>>) offsets(%dma_start3A_426 : memref<32xi32, #tpu.memory_space<vmem>>) semaphore(%run_scoped3A_420 : memref<!tpu.dma_semaphore, #tpu.memory_space<semaphore_mem>>) {add = true}
      %dma_wait3A_430 = arith.constant 32 : i32
      %dma_wait3A_431 = arith.constant 0 : i32
      %dma_wait3A_432 = tpu.memref_slice %arg8[%dma_wait3A_430, %dma_wait3A_431] : memref<160x128xf32, #tpu.memory_space<vmem>> -> memref<32x128xf32, #tpu.memory_space<vmem>>
      %dma_wait3A_433 = arith.constant 0 : i32
      %dma_wait3A_434 = tpu.memref_slice %arg7[%run_scoped3A_185, %dma_wait3A_433] : memref<80x32xi32, #tpu.memory_space<vmem>> -> memref<1x32xi32, #tpu.memory_space<vmem>>
      %dma_wait3A_435 = tpu.memref_squeeze %dma_wait3A_434 : memref<1x32xi32, #tpu.memory_space<vmem>> -> memref<32xi32, #tpu.memory_space<vmem>>
      %dma_wait3A_436 = arith.constant 0 : i32
      %dma_wait3A_437 = arith.constant 0 : i32
      %dma_wait3A_438 = tpu.memref_slice %arg9[%dma_wait3A_436, %dma_wait3A_437] : memref<10112x128xf32, #tpu.memory_space<vmem_shared>> -> memref<10112x128xf32, #tpu.memory_space<vmem_shared>>
      tpu.wait_indirect_dma semaphore(%run_scoped3A_420 : memref<!tpu.dma_semaphore, #tpu.memory_space<semaphore_mem>>) src(%dma_wait3A_432 : memref<32x128xf32, #tpu.memory_space<vmem>>) dst(%dma_wait3A_438 : memref<10112x128xf32, #tpu.memory_space<vmem_shared>>)
      tpu.yield
    }) : () -> ()
    %dma_wait3A_186 = arith.constant 64 : i32
    %dma_wait3A_187 = arith.constant 0 : i32
    %dma_wait3A_188 = tpu.memref_slice %arg8[%dma_wait3A_186, %dma_wait3A_187] : memref<160x128xf32, #tpu.memory_space<vmem>> -> memref<32x128xf32, #tpu.memory_space<vmem>>
    %dma_wait3A_189 = arith.constant 2464 : i32
    %dma_wait3A_190 = tpu.memref_slice %arg6[%dma_wait3A_189] : memref<5120xi32, #tpu.memory_space<vmem>> -> memref<32xi32, #tpu.memory_space<vmem>>
    %dma_wait3A_191 = arith.constant 0 : i32
    %dma_wait3A_192 = arith.constant 0 : i32
    %dma_wait3A_193 = tpu.memref_slice %arg2[%dma_wait3A_191, %dma_wait3A_192] : memref<10000x128xf32, #tpu.memory_space<hbm>> -> memref<10000x128xf32, #tpu.memory_space<hbm>>
    tpu.wait_indirect_dma semaphore(%arg10 : memref<!tpu.dma_semaphore, #tpu.memory_space<semaphore_mem>>) src(%dma_wait3A_193 : memref<10000x128xf32, #tpu.memory_space<hbm>>) dst(%dma_wait3A_188 : memref<32x128xf32, #tpu.memory_space<vmem>>)
    %run_scoped3A_194 = arith.constant 77 : i32
    "tpu.region"() ({
      %run_scoped3A_420 = tpu.sem_alloc : memref<!tpu.dma_semaphore, #tpu.memory_space<semaphore_mem>>
      %dma_start3A_421 = arith.constant 64 : i32
      %dma_start3A_422 = arith.constant 0 : i32
      %dma_start3A_423 = tpu.memref_slice %arg8[%dma_start3A_421, %dma_start3A_422] : memref<160x128xf32, #tpu.memory_space<vmem>> -> memref<32x128xf32, #tpu.memory_space<vmem>>
      %dma_start3A_424 = arith.constant 0 : i32
      %dma_start3A_425 = tpu.memref_slice %arg7[%run_scoped3A_194, %dma_start3A_424] : memref<80x32xi32, #tpu.memory_space<vmem>> -> memref<1x32xi32, #tpu.memory_space<vmem>>
      %dma_start3A_426 = tpu.memref_squeeze %dma_start3A_425 : memref<1x32xi32, #tpu.memory_space<vmem>> -> memref<32xi32, #tpu.memory_space<vmem>>
      %dma_start3A_427 = arith.constant 0 : i32
      %dma_start3A_428 = arith.constant 0 : i32
      %dma_start3A_429 = tpu.memref_slice %arg9[%dma_start3A_427, %dma_start3A_428] : memref<10112x128xf32, #tpu.memory_space<vmem_shared>> -> memref<10112x128xf32, #tpu.memory_space<vmem_shared>>
      tpu.enqueue_indirect_dma source(%dma_start3A_423 : memref<32x128xf32, #tpu.memory_space<vmem>>) target(%dma_start3A_429 : memref<10112x128xf32, #tpu.memory_space<vmem_shared>>) offsets(%dma_start3A_426 : memref<32xi32, #tpu.memory_space<vmem>>) semaphore(%run_scoped3A_420 : memref<!tpu.dma_semaphore, #tpu.memory_space<semaphore_mem>>) {add = true}
      %dma_wait3A_430 = arith.constant 64 : i32
      %dma_wait3A_431 = arith.constant 0 : i32
      %dma_wait3A_432 = tpu.memref_slice %arg8[%dma_wait3A_430, %dma_wait3A_431] : memref<160x128xf32, #tpu.memory_space<vmem>> -> memref<32x128xf32, #tpu.memory_space<vmem>>
      %dma_wait3A_433 = arith.constant 0 : i32
      %dma_wait3A_434 = tpu.memref_slice %arg7[%run_scoped3A_194, %dma_wait3A_433] : memref<80x32xi32, #tpu.memory_space<vmem>> -> memref<1x32xi32, #tpu.memory_space<vmem>>
      %dma_wait3A_435 = tpu.memref_squeeze %dma_wait3A_434 : memref<1x32xi32, #tpu.memory_space<vmem>> -> memref<32xi32, #tpu.memory_space<vmem>>
      %dma_wait3A_436 = arith.constant 0 : i32
      %dma_wait3A_437 = arith.constant 0 : i32
      %dma_wait3A_438 = tpu.memref_slice %arg9[%dma_wait3A_436, %dma_wait3A_437] : memref<10112x128xf32, #tpu.memory_space<vmem_shared>> -> memref<10112x128xf32, #tpu.memory_space<vmem_shared>>
      tpu.wait_indirect_dma semaphore(%run_scoped3A_420 : memref<!tpu.dma_semaphore, #tpu.memory_space<semaphore_mem>>) src(%dma_wait3A_432 : memref<32x128xf32, #tpu.memory_space<vmem>>) dst(%dma_wait3A_438 : memref<10112x128xf32, #tpu.memory_space<vmem_shared>>)
      tpu.yield
    }) : () -> ()
    %dma_wait3A_195 = arith.constant 96 : i32
    %dma_wait3A_196 = arith.constant 0 : i32
    %dma_wait3A_197 = tpu.memref_slice %arg8[%dma_wait3A_195, %dma_wait3A_196] : memref<160x128xf32, #tpu.memory_space<vmem>> -> memref<32x128xf32, #tpu.memory_space<vmem>>
    %dma_wait3A_198 = arith.constant 2496 : i32
    %dma_wait3A_199 = tpu.memref_slice %arg6[%dma_wait3A_198] : memref<5120xi32, #tpu.memory_space<vmem>> -> memref<32xi32, #tpu.memory_space<vmem>>
    %dma_wait3A_200 = arith.constant 0 : i32
    %dma_wait3A_201 = arith.constant 0 : i32
    %dma_wait3A_202 = tpu.memref_slice %arg2[%dma_wait3A_200, %dma_wait3A_201] : memref<10000x128xf32, #tpu.memory_space<hbm>> -> memref<10000x128xf32, #tpu.memory_space<hbm>>
    tpu.wait_indirect_dma semaphore(%arg10 : memref<!tpu.dma_semaphore, #tpu.memory_space<semaphore_mem>>) src(%dma_wait3A_202 : memref<10000x128xf32, #tpu.memory_space<hbm>>) dst(%dma_wait3A_197 : memref<32x128xf32, #tpu.memory_space<vmem>>)
    %run_scoped3A_203 = arith.constant 78 : i32
    "tpu.region"() ({
      %run_scoped3A_420 = tpu.sem_alloc : memref<!tpu.dma_semaphore, #tpu.memory_space<semaphore_mem>>
      %dma_start3A_421 = arith.constant 96 : i32
      %dma_start3A_422 = arith.constant 0 : i32
      %dma_start3A_423 = tpu.memref_slice %arg8[%dma_start3A_421, %dma_start3A_422] : memref<160x128xf32, #tpu.memory_space<vmem>> -> memref<32x128xf32, #tpu.memory_space<vmem>>
      %dma_start3A_424 = arith.constant 0 : i32
      %dma_start3A_425 = tpu.memref_slice %arg7[%run_scoped3A_203, %dma_start3A_424] : memref<80x32xi32, #tpu.memory_space<vmem>> -> memref<1x32xi32, #tpu.memory_space<vmem>>
      %dma_start3A_426 = tpu.memref_squeeze %dma_start3A_425 : memref<1x32xi32, #tpu.memory_space<vmem>> -> memref<32xi32, #tpu.memory_space<vmem>>
      %dma_start3A_427 = arith.constant 0 : i32
      %dma_start3A_428 = arith.constant 0 : i32
      %dma_start3A_429 = tpu.memref_slice %arg9[%dma_start3A_427, %dma_start3A_428] : memref<10112x128xf32, #tpu.memory_space<vmem_shared>> -> memref<10112x128xf32, #tpu.memory_space<vmem_shared>>
      tpu.enqueue_indirect_dma source(%dma_start3A_423 : memref<32x128xf32, #tpu.memory_space<vmem>>) target(%dma_start3A_429 : memref<10112x128xf32, #tpu.memory_space<vmem_shared>>) offsets(%dma_start3A_426 : memref<32xi32, #tpu.memory_space<vmem>>) semaphore(%run_scoped3A_420 : memref<!tpu.dma_semaphore, #tpu.memory_space<semaphore_mem>>) {add = true}
      %dma_wait3A_430 = arith.constant 96 : i32
      %dma_wait3A_431 = arith.constant 0 : i32
      %dma_wait3A_432 = tpu.memref_slice %arg8[%dma_wait3A_430, %dma_wait3A_431] : memref<160x128xf32, #tpu.memory_space<vmem>> -> memref<32x128xf32, #tpu.memory_space<vmem>>
      %dma_wait3A_433 = arith.constant 0 : i32
      %dma_wait3A_434 = tpu.memref_slice %arg7[%run_scoped3A_203, %dma_wait3A_433] : memref<80x32xi32, #tpu.memory_space<vmem>> -> memref<1x32xi32, #tpu.memory_space<vmem>>
      %dma_wait3A_435 = tpu.memref_squeeze %dma_wait3A_434 : memref<1x32xi32, #tpu.memory_space<vmem>> -> memref<32xi32, #tpu.memory_space<vmem>>
      %dma_wait3A_436 = arith.constant 0 : i32
      %dma_wait3A_437 = arith.constant 0 : i32
      %dma_wait3A_438 = tpu.memref_slice %arg9[%dma_wait3A_436, %dma_wait3A_437] : memref<10112x128xf32, #tpu.memory_space<vmem_shared>> -> memref<10112x128xf32, #tpu.memory_space<vmem_shared>>
      tpu.wait_indirect_dma semaphore(%run_scoped3A_420 : memref<!tpu.dma_semaphore, #tpu.memory_space<semaphore_mem>>) src(%dma_wait3A_432 : memref<32x128xf32, #tpu.memory_space<vmem>>) dst(%dma_wait3A_438 : memref<10112x128xf32, #tpu.memory_space<vmem_shared>>)
      tpu.yield
    }) : () -> ()
    %dma_wait3A_204 = arith.constant 128 : i32
    %dma_wait3A_205 = arith.constant 0 : i32
    %dma_wait3A_206 = tpu.memref_slice %arg8[%dma_wait3A_204, %dma_wait3A_205] : memref<160x128xf32, #tpu.memory_space<vmem>> -> memref<32x128xf32, #tpu.memory_space<vmem>>
    %dma_wait3A_207 = arith.constant 2528 : i32
    %dma_wait3A_208 = tpu.memref_slice %arg6[%dma_wait3A_207] : memref<5120xi32, #tpu.memory_space<vmem>> -> memref<32xi32, #tpu.memory_space<vmem>>
    %dma_wait3A_209 = arith.constant 0 : i32
    %dma_wait3A_210 = arith.constant 0 : i32
    %dma_wait3A_211 = tpu.memref_slice %arg2[%dma_wait3A_209, %dma_wait3A_210] : memref<10000x128xf32, #tpu.memory_space<hbm>> -> memref<10000x128xf32, #tpu.memory_space<hbm>>
    tpu.wait_indirect_dma semaphore(%arg10 : memref<!tpu.dma_semaphore, #tpu.memory_space<semaphore_mem>>) src(%dma_wait3A_211 : memref<10000x128xf32, #tpu.memory_space<hbm>>) dst(%dma_wait3A_206 : memref<32x128xf32, #tpu.memory_space<vmem>>)
    %run_scoped3A_212 = arith.constant 79 : i32
    "tpu.region"() ({
      %run_scoped3A_420 = tpu.sem_alloc : memref<!tpu.dma_semaphore, #tpu.memory_space<semaphore_mem>>
      %dma_start3A_421 = arith.constant 128 : i32
      %dma_start3A_422 = arith.constant 0 : i32
      %dma_start3A_423 = tpu.memref_slice %arg8[%dma_start3A_421, %dma_start3A_422] : memref<160x128xf32, #tpu.memory_space<vmem>> -> memref<32x128xf32, #tpu.memory_space<vmem>>
      %dma_start3A_424 = arith.constant 0 : i32
      %dma_start3A_425 = tpu.memref_slice %arg7[%run_scoped3A_212, %dma_start3A_424] : memref<80x32xi32, #tpu.memory_space<vmem>> -> memref<1x32xi32, #tpu.memory_space<vmem>>
      %dma_start3A_426 = tpu.memref_squeeze %dma_start3A_425 : memref<1x32xi32, #tpu.memory_space<vmem>> -> memref<32xi32, #tpu.memory_space<vmem>>
      %dma_start3A_427 = arith.constant 0 : i32
      %dma_start3A_428 = arith.constant 0 : i32
      %dma_start3A_429 = tpu.memref_slice %arg9[%dma_start3A_427, %dma_start3A_428] : memref<10112x128xf32, #tpu.memory_space<vmem_shared>> -> memref<10112x128xf32, #tpu.memory_space<vmem_shared>>
      tpu.enqueue_indirect_dma source(%dma_start3A_423 : memref<32x128xf32, #tpu.memory_space<vmem>>) target(%dma_start3A_429 : memref<10112x128xf32, #tpu.memory_space<vmem_shared>>) offsets(%dma_start3A_426 : memref<32xi32, #tpu.memory_space<vmem>>) semaphore(%run_scoped3A_420 : memref<!tpu.dma_semaphore, #tpu.memory_space<semaphore_mem>>) {add = true}
      %dma_wait3A_430 = arith.constant 128 : i32
      %dma_wait3A_431 = arith.constant 0 : i32
      %dma_wait3A_432 = tpu.memref_slice %arg8[%dma_wait3A_430, %dma_wait3A_431] : memref<160x128xf32, #tpu.memory_space<vmem>> -> memref<32x128xf32, #tpu.memory_space<vmem>>
      %dma_wait3A_433 = arith.constant 0 : i32
      %dma_wait3A_434 = tpu.memref_slice %arg7[%run_scoped3A_212, %dma_wait3A_433] : memref<80x32xi32, #tpu.memory_space<vmem>> -> memref<1x32xi32, #tpu.memory_space<vmem>>
      %dma_wait3A_435 = tpu.memref_squeeze %dma_wait3A_434 : memref<1x32xi32, #tpu.memory_space<vmem>> -> memref<32xi32, #tpu.memory_space<vmem>>
      %dma_wait3A_436 = arith.constant 0 : i32
      %dma_wait3A_437 = arith.constant 0 : i32
      %dma_wait3A_438 = tpu.memref_slice %arg9[%dma_wait3A_436, %dma_wait3A_437] : memref<10112x128xf32, #tpu.memory_space<vmem_shared>> -> memref<10112x128xf32, #tpu.memory_space<vmem_shared>>
      tpu.wait_indirect_dma semaphore(%run_scoped3A_420 : memref<!tpu.dma_semaphore, #tpu.memory_space<semaphore_mem>>) src(%dma_wait3A_432 : memref<32x128xf32, #tpu.memory_space<vmem>>) dst(%dma_wait3A_438 : memref<10112x128xf32, #tpu.memory_space<vmem_shared>>)
      tpu.yield
    }) : () -> ()
    %mul3A_213 = arith.constant 320 : i32
    %mul3A_214 = arith.muli %add3A, %mul3A_213 : i32
    %add3A_215 = arith.constant 160 : i32
    %add3A_216 = arith.addi %mul3A_214, %add3A_215 : i32
    %mul3A_217 = arith.constant 32 : i32
    %mul3A_218 = arith.muli %add3A_216, %mul3A_217 : i32
    "tpu.region"() ({
      %run_scoped3A_420 = tpu.sem_alloc : memref<!tpu.dma_semaphore, #tpu.memory_space<semaphore_mem>>
      %dma_start3A_421 = arith.constant 0 : i32
      %dma_start3A_422 = tpu.memref_slice %arg6[%dma_start3A_421] : memref<5120xi32, #tpu.memory_space<vmem>> -> memref<2560xi32, #tpu.memory_space<vmem>>
      %dma_start3A_423 = tpu.memref_slice %arg3[%mul3A_218] : memref<327680xi32, #tpu.memory_space<hbm>> -> memref<2560xi32, #tpu.memory_space<hbm>>
      %dma_start3A_424 = arith.constant 0 : i32
      %dma_start3A_425 = tpu.memref_slice %arg6[%dma_start3A_424] : memref<5120xi32, #tpu.memory_space<vmem>> -> memref<2560xi32, #tpu.memory_space<vmem>>
      %dma_start3A_426 = tpu.memref_slice %arg3[%mul3A_218] : memref<327680xi32, #tpu.memory_space<hbm>> -> memref<2560xi32, #tpu.memory_space<hbm>>
      tpu.enqueue_dma source(%dma_start3A_426 : memref<2560xi32, #tpu.memory_space<hbm>>) target(%dma_start3A_425 : memref<2560xi32, #tpu.memory_space<vmem>>) target_semaphore(%run_scoped3A_420 : memref<!tpu.dma_semaphore, #tpu.memory_space<semaphore_mem>>)
      %dma_wait3A_427 = arith.constant 0 : i32
      %dma_wait3A_428 = tpu.memref_slice %arg6[%dma_wait3A_427] : memref<5120xi32, #tpu.memory_space<vmem>> -> memref<2560xi32, #tpu.memory_space<vmem>>
      %dma_wait3A_429 = tpu.memref_slice %arg3[%mul3A_218] : memref<327680xi32, #tpu.memory_space<hbm>> -> memref<2560xi32, #tpu.memory_space<hbm>>
      %dma_wait3A_430 = arith.constant 0 : i32
      %dma_wait3A_431 = tpu.memref_slice %arg6[%dma_wait3A_430] : memref<5120xi32, #tpu.memory_space<vmem>> -> memref<2560xi32, #tpu.memory_space<vmem>>
      %dma_wait3A_432 = tpu.memref_slice %arg3[%mul3A_218] : memref<327680xi32, #tpu.memory_space<hbm>> -> memref<2560xi32, #tpu.memory_space<hbm>>
      tpu.wait_dma2 semaphore(%run_scoped3A_420 : memref<!tpu.dma_semaphore, #tpu.memory_space<semaphore_mem>>) src(%dma_wait3A_432 : memref<2560xi32, #tpu.memory_space<hbm>>) dst(%dma_wait3A_431 : memref<2560xi32, #tpu.memory_space<vmem>>)
      tpu.yield
    }) : () -> ()
    "tpu.region"() ({
      %run_scoped3A_420 = tpu.sem_alloc : memref<!tpu.dma_semaphore, #tpu.memory_space<semaphore_mem>>
      %dma_start3A_421 = arith.constant 2560 : i32
      %dma_start3A_422 = tpu.memref_slice %arg6[%dma_start3A_421] : memref<5120xi32, #tpu.memory_space<vmem>> -> memref<2560xi32, #tpu.memory_space<vmem>>
      %dma_start3A_423 = tpu.memref_slice %arg4[%mul3A_218] : memref<327680xi32, #tpu.memory_space<hbm>> -> memref<2560xi32, #tpu.memory_space<hbm>>
      %dma_start3A_424 = arith.constant 2560 : i32
      %dma_start3A_425 = tpu.memref_slice %arg6[%dma_start3A_424] : memref<5120xi32, #tpu.memory_space<vmem>> -> memref<2560xi32, #tpu.memory_space<vmem>>
      %dma_start3A_426 = tpu.memref_slice %arg4[%mul3A_218] : memref<327680xi32, #tpu.memory_space<hbm>> -> memref<2560xi32, #tpu.memory_space<hbm>>
      tpu.enqueue_dma source(%dma_start3A_426 : memref<2560xi32, #tpu.memory_space<hbm>>) target(%dma_start3A_425 : memref<2560xi32, #tpu.memory_space<vmem>>) target_semaphore(%run_scoped3A_420 : memref<!tpu.dma_semaphore, #tpu.memory_space<semaphore_mem>>)
      %dma_wait3A_427 = arith.constant 2560 : i32
      %dma_wait3A_428 = tpu.memref_slice %arg6[%dma_wait3A_427] : memref<5120xi32, #tpu.memory_space<vmem>> -> memref<2560xi32, #tpu.memory_space<vmem>>
      %dma_wait3A_429 = tpu.memref_slice %arg4[%mul3A_218] : memref<327680xi32, #tpu.memory_space<hbm>> -> memref<2560xi32, #tpu.memory_space<hbm>>
      %dma_wait3A_430 = arith.constant 2560 : i32
      %dma_wait3A_431 = tpu.memref_slice %arg6[%dma_wait3A_430] : memref<5120xi32, #tpu.memory_space<vmem>> -> memref<2560xi32, #tpu.memory_space<vmem>>
      %dma_wait3A_432 = tpu.memref_slice %arg4[%mul3A_218] : memref<327680xi32, #tpu.memory_space<hbm>> -> memref<2560xi32, #tpu.memory_space<hbm>>
      tpu.wait_dma2 semaphore(%run_scoped3A_420 : memref<!tpu.dma_semaphore, #tpu.memory_space<semaphore_mem>>) src(%dma_wait3A_432 : memref<2560xi32, #tpu.memory_space<hbm>>) dst(%dma_wait3A_431 : memref<2560xi32, #tpu.memory_space<vmem>>)
      tpu.yield
    }) : () -> ()
    %scan3A_219 = arith.constant 0 : i32
    %scan3A_220 = arith.constant 80 : i32
    %scan3A_221 = arith.addi %scan3A_219, %scan3A_220 : i32
    %scan3A_222 = arith.constant 1 : i32
    scf.for %scan3A_420 = %scan3A_219 to %scan3A_221 step %scan3A_222  : i32 {
      %mul3A_421 = arith.constant 1 : i32
      %mul3A_422 = arith.muli %scan3A_420, %mul3A_421 : i32
      %add3A_423 = arith.constant 0 : i32
      %add3A_424 = arith.addi %add3A_423, %mul3A_422 : i32
      %mul3A_425 = arith.constant 32 : i32
      %mul3A_426 = arith.muli %add3A_424, %mul3A_425 : i32
      %add3A_427 = arith.constant 2560 : i32
      %add3A_428 = arith.addi %add3A_427, %mul3A_426 : i32
      %get3A = arith.index_cast %add3A_428 : i32 to index
      %get3A_429 = tpu.vector_load %arg6[%get3A] {strides = array<i32>} : memref<5120xi32, #tpu.memory_space<vmem>>, vector<16xi32>,
      %get3A_430 = vector.shape_cast %get3A_429 : vector<16xi32> to vector<16xi32>
      %swap3A = arith.index_cast %add3A_424 : i32 to index
      %swap3A_431 = arith.constant 0 : index
      %swap3A_432 = tpu.vector_load %arg7[%swap3A, %swap3A_431] {strides = array<i32>} : memref<80x32xi32, #tpu.memory_space<vmem>>, vector<1x16xi32>,
      %swap3A_433 = vector.shape_cast %swap3A_432 : vector<1x16xi32> to vector<16xi32>
      %swap3A_434 = vector.shape_cast %get3A_430 : vector<16xi32> to vector<1x16xi32>
      tpu.vector_store %arg7[%swap3A, %swap3A_431], %swap3A_434 {strides = array<i32>} : memref<80x32xi32, #tpu.memory_space<vmem>>, vector<1x16xi32>,
      %mul3A_435 = arith.constant 32 : i32
      %mul3A_436 = arith.muli %add3A_424, %mul3A_435 : i32
      %add3A_437 = arith.constant 2560 : i32
      %add3A_438 = arith.addi %add3A_437, %mul3A_436 : i32
      %add3A_439 = arith.constant 16 : i32
      %add3A_440 = arith.addi %add3A_438, %add3A_439 : i32
      %get3A_441 = arith.index_cast %add3A_440 : i32 to index
      %get3A_442 = tpu.vector_load %arg6[%get3A_441] {strides = array<i32>} : memref<5120xi32, #tpu.memory_space<vmem>>, vector<16xi32>,
      %get3A_443 = vector.shape_cast %get3A_442 : vector<16xi32> to vector<16xi32>
      %swap3A_444 = arith.index_cast %add3A_424 : i32 to index
      %swap3A_445 = arith.constant 16 : index
      %swap3A_446 = tpu.vector_load %arg7[%swap3A_444, %swap3A_445] {strides = array<i32>} : memref<80x32xi32, #tpu.memory_space<vmem>>, vector<1x16xi32>,
      %swap3A_447 = vector.shape_cast %swap3A_446 : vector<1x16xi32> to vector<16xi32>
      %swap3A_448 = vector.shape_cast %get3A_443 : vector<16xi32> to vector<1x16xi32>
      tpu.vector_store %arg7[%swap3A_444, %swap3A_445], %swap3A_448 {strides = array<i32>} : memref<80x32xi32, #tpu.memory_space<vmem>>, vector<1x16xi32>,
    }
    %scan3A_223 = arith.constant 80 : i32
    %dma_start3A_224 = arith.constant 0 : i32
    %dma_start3A_225 = arith.constant 0 : i32
    %dma_start3A_226 = tpu.memref_slice %arg8[%dma_start3A_224, %dma_start3A_225] : memref<160x128xf32, #tpu.memory_space<vmem>> -> memref<32x128xf32, #tpu.memory_space<vmem>>
    %dma_start3A_227 = arith.constant 0 : i32
    %dma_start3A_228 = tpu.memref_slice %arg6[%dma_start3A_227] : memref<5120xi32, #tpu.memory_space<vmem>> -> memref<32xi32, #tpu.memory_space<vmem>>
    %dma_start3A_229 = arith.constant 0 : i32
    %dma_start3A_230 = arith.constant 0 : i32
    %dma_start3A_231 = tpu.memref_slice %arg2[%dma_start3A_229, %dma_start3A_230] : memref<10000x128xf32, #tpu.memory_space<hbm>> -> memref<10000x128xf32, #tpu.memory_space<hbm>>
    tpu.enqueue_indirect_dma source(%dma_start3A_231 : memref<10000x128xf32, #tpu.memory_space<hbm>>) target(%dma_start3A_226 : memref<32x128xf32, #tpu.memory_space<vmem>>) offsets(%dma_start3A_228 : memref<32xi32, #tpu.memory_space<vmem>>) semaphore(%arg10 : memref<!tpu.dma_semaphore, #tpu.memory_space<semaphore_mem>>)
    %dma_start3A_232 = arith.constant 32 : i32
    %dma_start3A_233 = arith.constant 0 : i32
    %dma_start3A_234 = tpu.memref_slice %arg8[%dma_start3A_232, %dma_start3A_233] : memref<160x128xf32, #tpu.memory_space<vmem>> -> memref<32x128xf32, #tpu.memory_space<vmem>>
    %dma_start3A_235 = arith.constant 32 : i32
    %dma_start3A_236 = tpu.memref_slice %arg6[%dma_start3A_235] : memref<5120xi32, #tpu.memory_space<vmem>> -> memref<32xi32, #tpu.memory_space<vmem>>
    %dma_start3A_237 = arith.constant 0 : i32
    %dma_start3A_238 = arith.constant 0 : i32
    %dma_start3A_239 = tpu.memref_slice %arg2[%dma_start3A_237, %dma_start3A_238] : memref<10000x128xf32, #tpu.memory_space<hbm>> -> memref<10000x128xf32, #tpu.memory_space<hbm>>
    tpu.enqueue_indirect_dma source(%dma_start3A_239 : memref<10000x128xf32, #tpu.memory_space<hbm>>) target(%dma_start3A_234 : memref<32x128xf32, #tpu.memory_space<vmem>>) offsets(%dma_start3A_236 : memref<32xi32, #tpu.memory_space<vmem>>) semaphore(%arg10 : memref<!tpu.dma_semaphore, #tpu.memory_space<semaphore_mem>>)
    %dma_start3A_240 = arith.constant 64 : i32
    %dma_start3A_241 = arith.constant 0 : i32
    %dma_start3A_242 = tpu.memref_slice %arg8[%dma_start3A_240, %dma_start3A_241] : memref<160x128xf32, #tpu.memory_space<vmem>> -> memref<32x128xf32, #tpu.memory_space<vmem>>
    %dma_start3A_243 = arith.constant 64 : i32
    %dma_start3A_244 = tpu.memref_slice %arg6[%dma_start3A_243] : memref<5120xi32, #tpu.memory_space<vmem>> -> memref<32xi32, #tpu.memory_space<vmem>>
    %dma_start3A_245 = arith.constant 0 : i32
    %dma_start3A_246 = arith.constant 0 : i32
    %dma_start3A_247 = tpu.memref_slice %arg2[%dma_start3A_245, %dma_start3A_246] : memref<10000x128xf32, #tpu.memory_space<hbm>> -> memref<10000x128xf32, #tpu.memory_space<hbm>>
    tpu.enqueue_indirect_dma source(%dma_start3A_247 : memref<10000x128xf32, #tpu.memory_space<hbm>>) target(%dma_start3A_242 : memref<32x128xf32, #tpu.memory_space<vmem>>) offsets(%dma_start3A_244 : memref<32xi32, #tpu.memory_space<vmem>>) semaphore(%arg10 : memref<!tpu.dma_semaphore, #tpu.memory_space<semaphore_mem>>)
    %dma_start3A_248 = arith.constant 96 : i32
    %dma_start3A_249 = arith.constant 0 : i32
    %dma_start3A_250 = tpu.memref_slice %arg8[%dma_start3A_248, %dma_start3A_249] : memref<160x128xf32, #tpu.memory_space<vmem>> -> memref<32x128xf32, #tpu.memory_space<vmem>>
    %dma_start3A_251 = arith.constant 96 : i32
    %dma_start3A_252 = tpu.memref_slice %arg6[%dma_start3A_251] : memref<5120xi32, #tpu.memory_space<vmem>> -> memref<32xi32, #tpu.memory_space<vmem>>
    %dma_start3A_253 = arith.constant 0 : i32
    %dma_start3A_254 = arith.constant 0 : i32
    %dma_start3A_255 = tpu.memref_slice %arg2[%dma_start3A_253, %dma_start3A_254] : memref<10000x128xf32, #tpu.memory_space<hbm>> -> memref<10000x128xf32, #tpu.memory_space<hbm>>
    tpu.enqueue_indirect_dma source(%dma_start3A_255 : memref<10000x128xf32, #tpu.memory_space<hbm>>) target(%dma_start3A_250 : memref<32x128xf32, #tpu.memory_space<vmem>>) offsets(%dma_start3A_252 : memref<32xi32, #tpu.memory_space<vmem>>) semaphore(%arg10 : memref<!tpu.dma_semaphore, #tpu.memory_space<semaphore_mem>>)
    %scan3A_256 = arith.constant 0 : i32
    %scan3A_257 = arith.constant 15 : i32
    %scan3A_258 = arith.addi %scan3A_256, %scan3A_257 : i32
    %scan3A_259 = arith.constant 1 : i32
    scf.for %scan3A_420 = %scan3A_256 to %scan3A_258 step %scan3A_259  : i32 {
      %mul3A_421 = arith.constant 5 : i32
      %mul3A_422 = arith.muli %scan3A_420, %mul3A_421 : i32
      %add3A_423 = arith.constant 0 : i32
      %add3A_424 = arith.addi %add3A_423, %mul3A_422 : i32
      %add3A_425 = arith.constant 0 : i32
      %add3A_426 = arith.addi %add3A_424, %add3A_425 : i32
      %mul3A_427 = arith.constant 32 : i32
      %mul3A_428 = arith.muli %add3A_426, %mul3A_427 : i32
      %dma_wait3A_429 = arith.constant 0 : i32
      %dma_wait3A_430 = arith.constant 0 : i32
      %dma_wait3A_431 = tpu.memref_slice %arg8[%dma_wait3A_429, %dma_wait3A_430] : memref<160x128xf32, #tpu.memory_space<vmem>> -> memref<32x128xf32, #tpu.memory_space<vmem>>
      %dma_wait3A_432 = tpu.memref_slice %arg6[%mul3A_428] : memref<5120xi32, #tpu.memory_space<vmem>> -> memref<32xi32, #tpu.memory_space<vmem>>
      %dma_wait3A_433 = arith.constant 0 : i32
      %dma_wait3A_434 = arith.constant 0 : i32
      %dma_wait3A_435 = tpu.memref_slice %arg2[%dma_wait3A_433, %dma_wait3A_434] : memref<10000x128xf32, #tpu.memory_space<hbm>> -> memref<10000x128xf32, #tpu.memory_space<hbm>>
      tpu.wait_indirect_dma semaphore(%arg10 : memref<!tpu.dma_semaphore, #tpu.memory_space<semaphore_mem>>) src(%dma_wait3A_435 : memref<10000x128xf32, #tpu.memory_space<hbm>>) dst(%dma_wait3A_431 : memref<32x128xf32, #tpu.memory_space<vmem>>)
      %add3A_436 = arith.constant 5 : i32
      %add3A_437 = arith.addi %add3A_426, %add3A_436 : i32
      %sub3A = arith.constant 1 : i32
      %sub3A_438 = arith.subi %add3A_437, %sub3A : i32
      %mul3A_439 = arith.constant 32 : i32
      %mul3A_440 = arith.muli %sub3A_438, %mul3A_439 : i32
      %dma_start3A_441 = arith.constant 128 : i32
      %dma_start3A_442 = arith.constant 0 : i32
      %dma_start3A_443 = tpu.memref_slice %arg8[%dma_start3A_441, %dma_start3A_442] : memref<160x128xf32, #tpu.memory_space<vmem>> -> memref<32x128xf32, #tpu.memory_space<vmem>>
      %dma_start3A_444 = tpu.memref_slice %arg6[%mul3A_440] : memref<5120xi32, #tpu.memory_space<vmem>> -> memref<32xi32, #tpu.memory_space<vmem>>
      %dma_start3A_445 = arith.constant 0 : i32
      %dma_start3A_446 = arith.constant 0 : i32
      %dma_start3A_447 = tpu.memref_slice %arg2[%dma_start3A_445, %dma_start3A_446] : memref<10000x128xf32, #tpu.memory_space<hbm>> -> memref<10000x128xf32, #tpu.memory_space<hbm>>
      tpu.enqueue_indirect_dma source(%dma_start3A_447 : memref<10000x128xf32, #tpu.memory_space<hbm>>) target(%dma_start3A_443 : memref<32x128xf32, #tpu.memory_space<vmem>>) offsets(%dma_start3A_444 : memref<32xi32, #tpu.memory_space<vmem>>) semaphore(%arg10 : memref<!tpu.dma_semaphore, #tpu.memory_space<semaphore_mem>>)
      "tpu.region"() ({
        %run_scoped3A_544 = tpu.sem_alloc : memref<!tpu.dma_semaphore, #tpu.memory_space<semaphore_mem>>
        %dma_start3A_545 = arith.constant 0 : i32
        %dma_start3A_546 = arith.constant 0 : i32
        %dma_start3A_547 = tpu.memref_slice %arg8[%dma_start3A_545, %dma_start3A_546] : memref<160x128xf32, #tpu.memory_space<vmem>> -> memref<32x128xf32, #tpu.memory_space<vmem>>
        %dma_start3A_548 = arith.constant 0 : i32
        %dma_start3A_549 = tpu.memref_slice %arg7[%add3A_426, %dma_start3A_548] : memref<80x32xi32, #tpu.memory_space<vmem>> -> memref<1x32xi32, #tpu.memory_space<vmem>>
        %dma_start3A_550 = tpu.memref_squeeze %dma_start3A_549 : memref<1x32xi32, #tpu.memory_space<vmem>> -> memref<32xi32, #tpu.memory_space<vmem>>
        %dma_start3A_551 = arith.constant 0 : i32
        %dma_start3A_552 = arith.constant 0 : i32
        %dma_start3A_553 = tpu.memref_slice %arg9[%dma_start3A_551, %dma_start3A_552] : memref<10112x128xf32, #tpu.memory_space<vmem_shared>> -> memref<10112x128xf32, #tpu.memory_space<vmem_shared>>
        tpu.enqueue_indirect_dma source(%dma_start3A_547 : memref<32x128xf32, #tpu.memory_space<vmem>>) target(%dma_start3A_553 : memref<10112x128xf32, #tpu.memory_space<vmem_shared>>) offsets(%dma_start3A_550 : memref<32xi32, #tpu.memory_space<vmem>>) semaphore(%run_scoped3A_544 : memref<!tpu.dma_semaphore, #tpu.memory_space<semaphore_mem>>) {add = true}
        %dma_wait3A_554 = arith.constant 0 : i32
        %dma_wait3A_555 = arith.constant 0 : i32
        %dma_wait3A_556 = tpu.memref_slice %arg8[%dma_wait3A_554, %dma_wait3A_555] : memref<160x128xf32, #tpu.memory_space<vmem>> -> memref<32x128xf32, #tpu.memory_space<vmem>>
        %dma_wait3A_557 = arith.constant 0 : i32
        %dma_wait3A_558 = tpu.memref_slice %arg7[%add3A_426, %dma_wait3A_557] : memref<80x32xi32, #tpu.memory_space<vmem>> -> memref<1x32xi32, #tpu.memory_space<vmem>>
        %dma_wait3A_559 = tpu.memref_squeeze %dma_wait3A_558 : memref<1x32xi32, #tpu.memory_space<vmem>> -> memref<32xi32, #tpu.memory_space<vmem>>
        %dma_wait3A_560 = arith.constant 0 : i32
        %dma_wait3A_561 = arith.constant 0 : i32
        %dma_wait3A_562 = tpu.memref_slice %arg9[%dma_wait3A_560, %dma_wait3A_561] : memref<10112x128xf32, #tpu.memory_space<vmem_shared>> -> memref<10112x128xf32, #tpu.memory_space<vmem_shared>>
        tpu.wait_indirect_dma semaphore(%run_scoped3A_544 : memref<!tpu.dma_semaphore, #tpu.memory_space<semaphore_mem>>) src(%dma_wait3A_556 : memref<32x128xf32, #tpu.memory_space<vmem>>) dst(%dma_wait3A_562 : memref<10112x128xf32, #tpu.memory_space<vmem_shared>>)
        tpu.yield
      }) : () -> ()
      %add3A_448 = arith.constant 1 : i32
      %add3A_449 = arith.addi %add3A_424, %add3A_448 : i32
      %mul3A_450 = arith.constant 32 : i32
      %mul3A_451 = arith.muli %add3A_449, %mul3A_450 : i32
      %dma_wait3A_452 = arith.constant 32 : i32
      %dma_wait3A_453 = arith.constant 0 : i32
      %dma_wait3A_454 = tpu.memref_slice %arg8[%dma_wait3A_452, %dma_wait3A_453] : memref<160x128xf32, #tpu.memory_space<vmem>> -> memref<32x128xf32, #tpu.memory_space<vmem>>
      %dma_wait3A_455 = tpu.memref_slice %arg6[%mul3A_451] : memref<5120xi32, #tpu.memory_space<vmem>> -> memref<32xi32, #tpu.memory_space<vmem>>
      %dma_wait3A_456 = arith.constant 0 : i32
      %dma_wait3A_457 = arith.constant 0 : i32
      %dma_wait3A_458 = tpu.memref_slice %arg2[%dma_wait3A_456, %dma_wait3A_457] : memref<10000x128xf32, #tpu.memory_space<hbm>> -> memref<10000x128xf32, #tpu.memory_space<hbm>>
      tpu.wait_indirect_dma semaphore(%arg10 : memref<!tpu.dma_semaphore, #tpu.memory_space<semaphore_mem>>) src(%dma_wait3A_458 : memref<10000x128xf32, #tpu.memory_space<hbm>>) dst(%dma_wait3A_454 : memref<32x128xf32, #tpu.memory_space<vmem>>)
      %add3A_459 = arith.constant 5 : i32
      %add3A_460 = arith.addi %add3A_449, %add3A_459 : i32
      %sub3A_461 = arith.constant 1 : i32
      %sub3A_462 = arith.subi %add3A_460, %sub3A_461 : i32
      %mul3A_463 = arith.constant 32 : i32
      %mul3A_464 = arith.muli %sub3A_462, %mul3A_463 : i32
      %dma_start3A_465 = arith.constant 0 : i32
      %dma_start3A_466 = arith.constant 0 : i32
      %dma_start3A_467 = tpu.memref_slice %arg8[%dma_start3A_465, %dma_start3A_466] : memref<160x128xf32, #tpu.memory_space<vmem>> -> memref<32x128xf32, #tpu.memory_space<vmem>>
      %dma_start3A_468 = tpu.memref_slice %arg6[%mul3A_464] : memref<5120xi32, #tpu.memory_space<vmem>> -> memref<32xi32, #tpu.memory_space<vmem>>
      %dma_start3A_469 = arith.constant 0 : i32
      %dma_start3A_470 = arith.constant 0 : i32
      %dma_start3A_471 = tpu.memref_slice %arg2[%dma_start3A_469, %dma_start3A_470] : memref<10000x128xf32, #tpu.memory_space<hbm>> -> memref<10000x128xf32, #tpu.memory_space<hbm>>
      tpu.enqueue_indirect_dma source(%dma_start3A_471 : memref<10000x128xf32, #tpu.memory_space<hbm>>) target(%dma_start3A_467 : memref<32x128xf32, #tpu.memory_space<vmem>>) offsets(%dma_start3A_468 : memref<32xi32, #tpu.memory_space<vmem>>) semaphore(%arg10 : memref<!tpu.dma_semaphore, #tpu.memory_space<semaphore_mem>>)
      "tpu.region"() ({
        %run_scoped3A_544 = tpu.sem_alloc : memref<!tpu.dma_semaphore, #tpu.memory_space<semaphore_mem>>
        %dma_start3A_545 = arith.constant 32 : i32
        %dma_start3A_546 = arith.constant 0 : i32
        %dma_start3A_547 = tpu.memref_slice %arg8[%dma_start3A_545, %dma_start3A_546] : memref<160x128xf32, #tpu.memory_space<vmem>> -> memref<32x128xf32, #tpu.memory_space<vmem>>
        %dma_start3A_548 = arith.constant 0 : i32
        %dma_start3A_549 = tpu.memref_slice %arg7[%add3A_449, %dma_start3A_548] : memref<80x32xi32, #tpu.memory_space<vmem>> -> memref<1x32xi32, #tpu.memory_space<vmem>>
        %dma_start3A_550 = tpu.memref_squeeze %dma_start3A_549 : memref<1x32xi32, #tpu.memory_space<vmem>> -> memref<32xi32, #tpu.memory_space<vmem>>
        %dma_start3A_551 = arith.constant 0 : i32
        %dma_start3A_552 = arith.constant 0 : i32
        %dma_start3A_553 = tpu.memref_slice %arg9[%dma_start3A_551, %dma_start3A_552] : memref<10112x128xf32, #tpu.memory_space<vmem_shared>> -> memref<10112x128xf32, #tpu.memory_space<vmem_shared>>
        tpu.enqueue_indirect_dma source(%dma_start3A_547 : memref<32x128xf32, #tpu.memory_space<vmem>>) target(%dma_start3A_553 : memref<10112x128xf32, #tpu.memory_space<vmem_shared>>) offsets(%dma_start3A_550 : memref<32xi32, #tpu.memory_space<vmem>>) semaphore(%run_scoped3A_544 : memref<!tpu.dma_semaphore, #tpu.memory_space<semaphore_mem>>) {add = true}
        %dma_wait3A_554 = arith.constant 32 : i32
        %dma_wait3A_555 = arith.constant 0 : i32
        %dma_wait3A_556 = tpu.memref_slice %arg8[%dma_wait3A_554, %dma_wait3A_555] : memref<160x128xf32, #tpu.memory_space<vmem>> -> memref<32x128xf32, #tpu.memory_space<vmem>>
        %dma_wait3A_557 = arith.constant 0 : i32
        %dma_wait3A_558 = tpu.memref_slice %arg7[%add3A_449, %dma_wait3A_557] : memref<80x32xi32, #tpu.memory_space<vmem>> -> memref<1x32xi32, #tpu.memory_space<vmem>>
        %dma_wait3A_559 = tpu.memref_squeeze %dma_wait3A_558 : memref<1x32xi32, #tpu.memory_space<vmem>> -> memref<32xi32, #tpu.memory_space<vmem>>
        %dma_wait3A_560 = arith.constant 0 : i32
        %dma_wait3A_561 = arith.constant 0 : i32
        %dma_wait3A_562 = tpu.memref_slice %arg9[%dma_wait3A_560, %dma_wait3A_561] : memref<10112x128xf32, #tpu.memory_space<vmem_shared>> -> memref<10112x128xf32, #tpu.memory_space<vmem_shared>>
        tpu.wait_indirect_dma semaphore(%run_scoped3A_544 : memref<!tpu.dma_semaphore, #tpu.memory_space<semaphore_mem>>) src(%dma_wait3A_556 : memref<32x128xf32, #tpu.memory_space<vmem>>) dst(%dma_wait3A_562 : memref<10112x128xf32, #tpu.memory_space<vmem_shared>>)
        tpu.yield
      }) : () -> ()
      %add3A_472 = arith.constant 2 : i32
      %add3A_473 = arith.addi %add3A_424, %add3A_472 : i32
      %mul3A_474 = arith.constant 32 : i32
      %mul3A_475 = arith.muli %add3A_473, %mul3A_474 : i32
      %dma_wait3A_476 = arith.constant 64 : i32
      %dma_wait3A_477 = arith.constant 0 : i32
      %dma_wait3A_478 = tpu.memref_slice %arg8[%dma_wait3A_476, %dma_wait3A_477] : memref<160x128xf32, #tpu.memory_space<vmem>> -> memref<32x128xf32, #tpu.memory_space<vmem>>
      %dma_wait3A_479 = tpu.memref_slice %arg6[%mul3A_475] : memref<5120xi32, #tpu.memory_space<vmem>> -> memref<32xi32, #tpu.memory_space<vmem>>
      %dma_wait3A_480 = arith.constant 0 : i32
      %dma_wait3A_481 = arith.constant 0 : i32
      %dma_wait3A_482 = tpu.memref_slice %arg2[%dma_wait3A_480, %dma_wait3A_481] : memref<10000x128xf32, #tpu.memory_space<hbm>> -> memref<10000x128xf32, #tpu.memory_space<hbm>>
      tpu.wait_indirect_dma semaphore(%arg10 : memref<!tpu.dma_semaphore, #tpu.memory_space<semaphore_mem>>) src(%dma_wait3A_482 : memref<10000x128xf32, #tpu.memory_space<hbm>>) dst(%dma_wait3A_478 : memref<32x128xf32, #tpu.memory_space<vmem>>)
      %add3A_483 = arith.constant 5 : i32
      %add3A_484 = arith.addi %add3A_473, %add3A_483 : i32
      %sub3A_485 = arith.constant 1 : i32
      %sub3A_486 = arith.subi %add3A_484, %sub3A_485 : i32
      %mul3A_487 = arith.constant 32 : i32
      %mul3A_488 = arith.muli %sub3A_486, %mul3A_487 : i32
      %dma_start3A_489 = arith.constant 32 : i32
      %dma_start3A_490 = arith.constant 0 : i32
      %dma_start3A_491 = tpu.memref_slice %arg8[%dma_start3A_489, %dma_start3A_490] : memref<160x128xf32, #tpu.memory_space<vmem>> -> memref<32x128xf32, #tpu.memory_space<vmem>>
      %dma_start3A_492 = tpu.memref_slice %arg6[%mul3A_488] : memref<5120xi32, #tpu.memory_space<vmem>> -> memref<32xi32, #tpu.memory_space<vmem>>
      %dma_start3A_493 = arith.constant 0 : i32
      %dma_start3A_494 = arith.constant 0 : i32
      %dma_start3A_495 = tpu.memref_slice %arg2[%dma_start3A_493, %dma_start3A_494] : memref<10000x128xf32, #tpu.memory_space<hbm>> -> memref<10000x128xf32, #tpu.memory_space<hbm>>
      tpu.enqueue_indirect_dma source(%dma_start3A_495 : memref<10000x128xf32, #tpu.memory_space<hbm>>) target(%dma_start3A_491 : memref<32x128xf32, #tpu.memory_space<vmem>>) offsets(%dma_start3A_492 : memref<32xi32, #tpu.memory_space<vmem>>) semaphore(%arg10 : memref<!tpu.dma_semaphore, #tpu.memory_space<semaphore_mem>>)
      "tpu.region"() ({
        %run_scoped3A_544 = tpu.sem_alloc : memref<!tpu.dma_semaphore, #tpu.memory_space<semaphore_mem>>
        %dma_start3A_545 = arith.constant 64 : i32
        %dma_start3A_546 = arith.constant 0 : i32
        %dma_start3A_547 = tpu.memref_slice %arg8[%dma_start3A_545, %dma_start3A_546] : memref<160x128xf32, #tpu.memory_space<vmem>> -> memref<32x128xf32, #tpu.memory_space<vmem>>
        %dma_start3A_548 = arith.constant 0 : i32
        %dma_start3A_549 = tpu.memref_slice %arg7[%add3A_473, %dma_start3A_548] : memref<80x32xi32, #tpu.memory_space<vmem>> -> memref<1x32xi32, #tpu.memory_space<vmem>>
        %dma_start3A_550 = tpu.memref_squeeze %dma_start3A_549 : memref<1x32xi32, #tpu.memory_space<vmem>> -> memref<32xi32, #tpu.memory_space<vmem>>
        %dma_start3A_551 = arith.constant 0 : i32
        %dma_start3A_552 = arith.constant 0 : i32
        %dma_start3A_553 = tpu.memref_slice %arg9[%dma_start3A_551, %dma_start3A_552] : memref<10112x128xf32, #tpu.memory_space<vmem_shared>> -> memref<10112x128xf32, #tpu.memory_space<vmem_shared>>
        tpu.enqueue_indirect_dma source(%dma_start3A_547 : memref<32x128xf32, #tpu.memory_space<vmem>>) target(%dma_start3A_553 : memref<10112x128xf32, #tpu.memory_space<vmem_shared>>) offsets(%dma_start3A_550 : memref<32xi32, #tpu.memory_space<vmem>>) semaphore(%run_scoped3A_544 : memref<!tpu.dma_semaphore, #tpu.memory_space<semaphore_mem>>) {add = true}
        %dma_wait3A_554 = arith.constant 64 : i32
        %dma_wait3A_555 = arith.constant 0 : i32
        %dma_wait3A_556 = tpu.memref_slice %arg8[%dma_wait3A_554, %dma_wait3A_555] : memref<160x128xf32, #tpu.memory_space<vmem>> -> memref<32x128xf32, #tpu.memory_space<vmem>>
        %dma_wait3A_557 = arith.constant 0 : i32
        %dma_wait3A_558 = tpu.memref_slice %arg7[%add3A_473, %dma_wait3A_557] : memref<80x32xi32, #tpu.memory_space<vmem>> -> memref<1x32xi32, #tpu.memory_space<vmem>>
        %dma_wait3A_559 = tpu.memref_squeeze %dma_wait3A_558 : memref<1x32xi32, #tpu.memory_space<vmem>> -> memref<32xi32, #tpu.memory_space<vmem>>
        %dma_wait3A_560 = arith.constant 0 : i32
        %dma_wait3A_561 = arith.constant 0 : i32
        %dma_wait3A_562 = tpu.memref_slice %arg9[%dma_wait3A_560, %dma_wait3A_561] : memref<10112x128xf32, #tpu.memory_space<vmem_shared>> -> memref<10112x128xf32, #tpu.memory_space<vmem_shared>>
        tpu.wait_indirect_dma semaphore(%run_scoped3A_544 : memref<!tpu.dma_semaphore, #tpu.memory_space<semaphore_mem>>) src(%dma_wait3A_556 : memref<32x128xf32, #tpu.memory_space<vmem>>) dst(%dma_wait3A_562 : memref<10112x128xf32, #tpu.memory_space<vmem_shared>>)
        tpu.yield
      }) : () -> ()
      %add3A_496 = arith.constant 3 : i32
      %add3A_497 = arith.addi %add3A_424, %add3A_496 : i32
      %mul3A_498 = arith.constant 32 : i32
      %mul3A_499 = arith.muli %add3A_497, %mul3A_498 : i32
      %dma_wait3A_500 = arith.constant 96 : i32
      %dma_wait3A_501 = arith.constant 0 : i32
      %dma_wait3A_502 = tpu.memref_slice %arg8[%dma_wait3A_500, %dma_wait3A_501] : memref<160x128xf32, #tpu.memory_space<vmem>> -> memref<32x128xf32, #tpu.memory_space<vmem>>
      %dma_wait3A_503 = tpu.memref_slice %arg6[%mul3A_499] : memref<5120xi32, #tpu.memory_space<vmem>> -> memref<32xi32, #tpu.memory_space<vmem>>
      %dma_wait3A_504 = arith.constant 0 : i32
      %dma_wait3A_505 = arith.constant 0 : i32
      %dma_wait3A_506 = tpu.memref_slice %arg2[%dma_wait3A_504, %dma_wait3A_505] : memref<10000x128xf32, #tpu.memory_space<hbm>> -> memref<10000x128xf32, #tpu.memory_space<hbm>>
      tpu.wait_indirect_dma semaphore(%arg10 : memref<!tpu.dma_semaphore, #tpu.memory_space<semaphore_mem>>) src(%dma_wait3A_506 : memref<10000x128xf32, #tpu.memory_space<hbm>>) dst(%dma_wait3A_502 : memref<32x128xf32, #tpu.memory_space<vmem>>)
      %add3A_507 = arith.constant 5 : i32
      %add3A_508 = arith.addi %add3A_497, %add3A_507 : i32
      %sub3A_509 = arith.constant 1 : i32
      %sub3A_510 = arith.subi %add3A_508, %sub3A_509 : i32
      %mul3A_511 = arith.constant 32 : i32
      %mul3A_512 = arith.muli %sub3A_510, %mul3A_511 : i32
      %dma_start3A_513 = arith.constant 64 : i32
      %dma_start3A_514 = arith.constant 0 : i32
      %dma_start3A_515 = tpu.memref_slice %arg8[%dma_start3A_513, %dma_start3A_514] : memref<160x128xf32, #tpu.memory_space<vmem>> -> memref<32x128xf32, #tpu.memory_space<vmem>>
      %dma_start3A_516 = tpu.memref_slice %arg6[%mul3A_512] : memref<5120xi32, #tpu.memory_space<vmem>> -> memref<32xi32, #tpu.memory_space<vmem>>
      %dma_start3A_517 = arith.constant 0 : i32
      %dma_start3A_518 = arith.constant 0 : i32
      %dma_start3A_519 = tpu.memref_slice %arg2[%dma_start3A_517, %dma_start3A_518] : memref<10000x128xf32, #tpu.memory_space<hbm>> -> memref<10000x128xf32, #tpu.memory_space<hbm>>
      tpu.enqueue_indirect_dma source(%dma_start3A_519 : memref<10000x128xf32, #tpu.memory_space<hbm>>) target(%dma_start3A_515 : memref<32x128xf32, #tpu.memory_space<vmem>>) offsets(%dma_start3A_516 : memref<32xi32, #tpu.memory_space<vmem>>) semaphore(%arg10 : memref<!tpu.dma_semaphore, #tpu.memory_space<semaphore_mem>>)
      "tpu.region"() ({
        %run_scoped3A_544 = tpu.sem_alloc : memref<!tpu.dma_semaphore, #tpu.memory_space<semaphore_mem>>
        %dma_start3A_545 = arith.constant 96 : i32
        %dma_start3A_546 = arith.constant 0 : i32
        %dma_start3A_547 = tpu.memref_slice %arg8[%dma_start3A_545, %dma_start3A_546] : memref<160x128xf32, #tpu.memory_space<vmem>> -> memref<32x128xf32, #tpu.memory_space<vmem>>
        %dma_start3A_548 = arith.constant 0 : i32
        %dma_start3A_549 = tpu.memref_slice %arg7[%add3A_497, %dma_start3A_548] : memref<80x32xi32, #tpu.memory_space<vmem>> -> memref<1x32xi32, #tpu.memory_space<vmem>>
        %dma_start3A_550 = tpu.memref_squeeze %dma_start3A_549 : memref<1x32xi32, #tpu.memory_space<vmem>> -> memref<32xi32, #tpu.memory_space<vmem>>
        %dma_start3A_551 = arith.constant 0 : i32
        %dma_start3A_552 = arith.constant 0 : i32
        %dma_start3A_553 = tpu.memref_slice %arg9[%dma_start3A_551, %dma_start3A_552] : memref<10112x128xf32, #tpu.memory_space<vmem_shared>> -> memref<10112x128xf32, #tpu.memory_space<vmem_shared>>
        tpu.enqueue_indirect_dma source(%dma_start3A_547 : memref<32x128xf32, #tpu.memory_space<vmem>>) target(%dma_start3A_553 : memref<10112x128xf32, #tpu.memory_space<vmem_shared>>) offsets(%dma_start3A_550 : memref<32xi32, #tpu.memory_space<vmem>>) semaphore(%run_scoped3A_544 : memref<!tpu.dma_semaphore, #tpu.memory_space<semaphore_mem>>) {add = true}
        %dma_wait3A_554 = arith.constant 96 : i32
        %dma_wait3A_555 = arith.constant 0 : i32
        %dma_wait3A_556 = tpu.memref_slice %arg8[%dma_wait3A_554, %dma_wait3A_555] : memref<160x128xf32, #tpu.memory_space<vmem>> -> memref<32x128xf32, #tpu.memory_space<vmem>>
        %dma_wait3A_557 = arith.constant 0 : i32
        %dma_wait3A_558 = tpu.memref_slice %arg7[%add3A_497, %dma_wait3A_557] : memref<80x32xi32, #tpu.memory_space<vmem>> -> memref<1x32xi32, #tpu.memory_space<vmem>>
        %dma_wait3A_559 = tpu.memref_squeeze %dma_wait3A_558 : memref<1x32xi32, #tpu.memory_space<vmem>> -> memref<32xi32, #tpu.memory_space<vmem>>
        %dma_wait3A_560 = arith.constant 0 : i32
        %dma_wait3A_561 = arith.constant 0 : i32
        %dma_wait3A_562 = tpu.memref_slice %arg9[%dma_wait3A_560, %dma_wait3A_561] : memref<10112x128xf32, #tpu.memory_space<vmem_shared>> -> memref<10112x128xf32, #tpu.memory_space<vmem_shared>>
        tpu.wait_indirect_dma semaphore(%run_scoped3A_544 : memref<!tpu.dma_semaphore, #tpu.memory_space<semaphore_mem>>) src(%dma_wait3A_556 : memref<32x128xf32, #tpu.memory_space<vmem>>) dst(%dma_wait3A_562 : memref<10112x128xf32, #tpu.memory_space<vmem_shared>>)
        tpu.yield
      }) : () -> ()
      %add3A_520 = arith.constant 4 : i32
      %add3A_521 = arith.addi %add3A_424, %add3A_520 : i32
      %mul3A_522 = arith.constant 32 : i32
      %mul3A_523 = arith.muli %add3A_521, %mul3A_522 : i32
      %dma_wait3A_524 = arith.constant 128 : i32
      %dma_wait3A_525 = arith.constant 0 : i32
      %dma_wait3A_526 = tpu.memref_slice %arg8[%dma_wait3A_524, %dma_wait3A_525] : memref<160x128xf32, #tpu.memory_space<vmem>> -> memref<32x128xf32, #tpu.memory_space<vmem>>
      %dma_wait3A_527 = tpu.memref_slice %arg6[%mul3A_523] : memref<5120xi32, #tpu.memory_space<vmem>> -> memref<32xi32, #tpu.memory_space<vmem>>
      %dma_wait3A_528 = arith.constant 0 : i32
      %dma_wait3A_529 = arith.constant 0 : i32
      %dma_wait3A_530 = tpu.memref_slice %arg2[%dma_wait3A_528, %dma_wait3A_529] : memref<10000x128xf32, #tpu.memory_space<hbm>> -> memref<10000x128xf32, #tpu.memory_space<hbm>>
      tpu.wait_indirect_dma semaphore(%arg10 : memref<!tpu.dma_semaphore, #tpu.memory_space<semaphore_mem>>) src(%dma_wait3A_530 : memref<10000x128xf32, #tpu.memory_space<hbm>>) dst(%dma_wait3A_526 : memref<32x128xf32, #tpu.memory_space<vmem>>)
      %add3A_531 = arith.constant 5 : i32
      %add3A_532 = arith.addi %add3A_521, %add3A_531 : i32
      %sub3A_533 = arith.constant 1 : i32
      %sub3A_534 = arith.subi %add3A_532, %sub3A_533 : i32
      %mul3A_535 = arith.constant 32 : i32
      %mul3A_536 = arith.muli %sub3A_534, %mul3A_535 : i32
      %dma_start3A_537 = arith.constant 96 : i32
      %dma_start3A_538 = arith.constant 0 : i32
      %dma_start3A_539 = tpu.memref_slice %arg8[%dma_start3A_537, %dma_start3A_538] : memref<160x128xf32, #tpu.memory_space<vmem>> -> memref<32x128xf32, #tpu.memory_space<vmem>>
      %dma_start3A_540 = tpu.memref_slice %arg6[%mul3A_536] : memref<5120xi32, #tpu.memory_space<vmem>> -> memref<32xi32, #tpu.memory_space<vmem>>
      %dma_start3A_541 = arith.constant 0 : i32
      %dma_start3A_542 = arith.constant 0 : i32
      %dma_start3A_543 = tpu.memref_slice %arg2[%dma_start3A_541, %dma_start3A_542] : memref<10000x128xf32, #tpu.memory_space<hbm>> -> memref<10000x128xf32, #tpu.memory_space<hbm>>
      tpu.enqueue_indirect_dma source(%dma_start3A_543 : memref<10000x128xf32, #tpu.memory_space<hbm>>) target(%dma_start3A_539 : memref<32x128xf32, #tpu.memory_space<vmem>>) offsets(%dma_start3A_540 : memref<32xi32, #tpu.memory_space<vmem>>) semaphore(%arg10 : memref<!tpu.dma_semaphore, #tpu.memory_space<semaphore_mem>>)
      "tpu.region"() ({
        %run_scoped3A_544 = tpu.sem_alloc : memref<!tpu.dma_semaphore, #tpu.memory_space<semaphore_mem>>
        %dma_start3A_545 = arith.constant 128 : i32
        %dma_start3A_546 = arith.constant 0 : i32
        %dma_start3A_547 = tpu.memref_slice %arg8[%dma_start3A_545, %dma_start3A_546] : memref<160x128xf32, #tpu.memory_space<vmem>> -> memref<32x128xf32, #tpu.memory_space<vmem>>
        %dma_start3A_548 = arith.constant 0 : i32
        %dma_start3A_549 = tpu.memref_slice %arg7[%add3A_521, %dma_start3A_548] : memref<80x32xi32, #tpu.memory_space<vmem>> -> memref<1x32xi32, #tpu.memory_space<vmem>>
        %dma_start3A_550 = tpu.memref_squeeze %dma_start3A_549 : memref<1x32xi32, #tpu.memory_space<vmem>> -> memref<32xi32, #tpu.memory_space<vmem>>
        %dma_start3A_551 = arith.constant 0 : i32
        %dma_start3A_552 = arith.constant 0 : i32
        %dma_start3A_553 = tpu.memref_slice %arg9[%dma_start3A_551, %dma_start3A_552] : memref<10112x128xf32, #tpu.memory_space<vmem_shared>> -> memref<10112x128xf32, #tpu.memory_space<vmem_shared>>
        tpu.enqueue_indirect_dma source(%dma_start3A_547 : memref<32x128xf32, #tpu.memory_space<vmem>>) target(%dma_start3A_553 : memref<10112x128xf32, #tpu.memory_space<vmem_shared>>) offsets(%dma_start3A_550 : memref<32xi32, #tpu.memory_space<vmem>>) semaphore(%run_scoped3A_544 : memref<!tpu.dma_semaphore, #tpu.memory_space<semaphore_mem>>) {add = true}
        %dma_wait3A_554 = arith.constant 128 : i32
        %dma_wait3A_555 = arith.constant 0 : i32
        %dma_wait3A_556 = tpu.memref_slice %arg8[%dma_wait3A_554, %dma_wait3A_555] : memref<160x128xf32, #tpu.memory_space<vmem>> -> memref<32x128xf32, #tpu.memory_space<vmem>>
        %dma_wait3A_557 = arith.constant 0 : i32
        %dma_wait3A_558 = tpu.memref_slice %arg7[%add3A_521, %dma_wait3A_557] : memref<80x32xi32, #tpu.memory_space<vmem>> -> memref<1x32xi32, #tpu.memory_space<vmem>>
        %dma_wait3A_559 = tpu.memref_squeeze %dma_wait3A_558 : memref<1x32xi32, #tpu.memory_space<vmem>> -> memref<32xi32, #tpu.memory_space<vmem>>
        %dma_wait3A_560 = arith.constant 0 : i32
        %dma_wait3A_561 = arith.constant 0 : i32
        %dma_wait3A_562 = tpu.memref_slice %arg9[%dma_wait3A_560, %dma_wait3A_561] : memref<10112x128xf32, #tpu.memory_space<vmem_shared>> -> memref<10112x128xf32, #tpu.memory_space<vmem_shared>>
        tpu.wait_indirect_dma semaphore(%run_scoped3A_544 : memref<!tpu.dma_semaphore, #tpu.memory_space<semaphore_mem>>) src(%dma_wait3A_556 : memref<32x128xf32, #tpu.memory_space<vmem>>) dst(%dma_wait3A_562 : memref<10112x128xf32, #tpu.memory_space<vmem_shared>>)
        tpu.yield
      }) : () -> ()
    }
    %scan3A_260 = arith.constant 15 : i32
    %dma_wait3A_261 = arith.constant 0 : i32
    %dma_wait3A_262 = arith.constant 0 : i32
    %dma_wait3A_263 = tpu.memref_slice %arg8[%dma_wait3A_261, %dma_wait3A_262] : memref<160x128xf32, #tpu.memory_space<vmem>> -> memref<32x128xf32, #tpu.memory_space<vmem>>
    %dma_wait3A_264 = arith.constant 2400 : i32
    %dma_wait3A_265 = tpu.memref_slice %arg6[%dma_wait3A_264] : memref<5120xi32, #tpu.memory_space<vmem>> -> memref<32xi32, #tpu.memory_space<vmem>>
    %dma_wait3A_266 = arith.constant 0 : i32
    %dma_wait3A_267 = arith.constant 0 : i32
    %dma_wait3A_268 = tpu.memref_slice %arg2[%dma_wait3A_266, %dma_wait3A_267] : memref<10000x128xf32, #tpu.memory_space<hbm>> -> memref<10000x128xf32, #tpu.memory_space<hbm>>
    tpu.wait_indirect_dma semaphore(%arg10 : memref<!tpu.dma_semaphore, #tpu.memory_space<semaphore_mem>>) src(%dma_wait3A_268 : memref<10000x128xf32, #tpu.memory_space<hbm>>) dst(%dma_wait3A_263 : memref<32x128xf32, #tpu.memory_space<vmem>>)
    %dma_start3A_269 = arith.constant 128 : i32
    %dma_start3A_270 = arith.constant 0 : i32
    %dma_start3A_271 = tpu.memref_slice %arg8[%dma_start3A_269, %dma_start3A_270] : memref<160x128xf32, #tpu.memory_space<vmem>> -> memref<32x128xf32, #tpu.memory_space<vmem>>
    %dma_start3A_272 = arith.constant 2528 : i32
    %dma_start3A_273 = tpu.memref_slice %arg6[%dma_start3A_272] : memref<5120xi32, #tpu.memory_space<vmem>> -> memref<32xi32, #tpu.memory_space<vmem>>
    %dma_start3A_274 = arith.constant 0 : i32
    %dma_start3A_275 = arith.constant 0 : i32
    %dma_start3A_276 = tpu.memref_slice %arg2[%dma_start3A_274, %dma_start3A_275] : memref<10000x128xf32, #tpu.memory_space<hbm>> -> memref<10000x128xf32, #tpu.memory_space<hbm>>
    tpu.enqueue_indirect_dma source(%dma_start3A_276 : memref<10000x128xf32, #tpu.memory_space<hbm>>) target(%dma_start3A_271 : memref<32x128xf32, #tpu.memory_space<vmem>>) offsets(%dma_start3A_273 : memref<32xi32, #tpu.memory_space<vmem>>) semaphore(%arg10 : memref<!tpu.dma_semaphore, #tpu.memory_space<semaphore_mem>>)
    %run_scoped3A_277 = arith.constant 75 : i32
    "tpu.region"() ({
      %run_scoped3A_420 = tpu.sem_alloc : memref<!tpu.dma_semaphore, #tpu.memory_space<semaphore_mem>>
      %dma_start3A_421 = arith.constant 0 : i32
      %dma_start3A_422 = arith.constant 0 : i32
      %dma_start3A_423 = tpu.memref_slice %arg8[%dma_start3A_421, %dma_start3A_422] : memref<160x128xf32, #tpu.memory_space<vmem>> -> memref<32x128xf32, #tpu.memory_space<vmem>>
      %dma_start3A_424 = arith.constant 0 : i32
      %dma_start3A_425 = tpu.memref_slice %arg7[%run_scoped3A_277, %dma_start3A_424] : memref<80x32xi32, #tpu.memory_space<vmem>> -> memref<1x32xi32, #tpu.memory_space<vmem>>
      %dma_start3A_426 = tpu.memref_squeeze %dma_start3A_425 : memref<1x32xi32, #tpu.memory_space<vmem>> -> memref<32xi32, #tpu.memory_space<vmem>>
      %dma_start3A_427 = arith.constant 0 : i32
      %dma_start3A_428 = arith.constant 0 : i32
      %dma_start3A_429 = tpu.memref_slice %arg9[%dma_start3A_427, %dma_start3A_428] : memref<10112x128xf32, #tpu.memory_space<vmem_shared>> -> memref<10112x128xf32, #tpu.memory_space<vmem_shared>>
      tpu.enqueue_indirect_dma source(%dma_start3A_423 : memref<32x128xf32, #tpu.memory_space<vmem>>) target(%dma_start3A_429 : memref<10112x128xf32, #tpu.memory_space<vmem_shared>>) offsets(%dma_start3A_426 : memref<32xi32, #tpu.memory_space<vmem>>) semaphore(%run_scoped3A_420 : memref<!tpu.dma_semaphore, #tpu.memory_space<semaphore_mem>>) {add = true}
      %dma_wait3A_430 = arith.constant 0 : i32
      %dma_wait3A_431 = arith.constant 0 : i32
      %dma_wait3A_432 = tpu.memref_slice %arg8[%dma_wait3A_430, %dma_wait3A_431] : memref<160x128xf32, #tpu.memory_space<vmem>> -> memref<32x128xf32, #tpu.memory_space<vmem>>
      %dma_wait3A_433 = arith.constant 0 : i32
      %dma_wait3A_434 = tpu.memref_slice %arg7[%run_scoped3A_277, %dma_wait3A_433] : memref<80x32xi32, #tpu.memory_space<vmem>> -> memref<1x32xi32, #tpu.memory_space<vmem>>
      %dma_wait3A_435 = tpu.memref_squeeze %dma_wait3A_434 : memref<1x32xi32, #tpu.memory_space<vmem>> -> memref<32xi32, #tpu.memory_space<vmem>>
      %dma_wait3A_436 = arith.constant 0 : i32
      %dma_wait3A_437 = arith.constant 0 : i32
      %dma_wait3A_438 = tpu.memref_slice %arg9[%dma_wait3A_436, %dma_wait3A_437] : memref<10112x128xf32, #tpu.memory_space<vmem_shared>> -> memref<10112x128xf32, #tpu.memory_space<vmem_shared>>
      tpu.wait_indirect_dma semaphore(%run_scoped3A_420 : memref<!tpu.dma_semaphore, #tpu.memory_space<semaphore_mem>>) src(%dma_wait3A_432 : memref<32x128xf32, #tpu.memory_space<vmem>>) dst(%dma_wait3A_438 : memref<10112x128xf32, #tpu.memory_space<vmem_shared>>)
      tpu.yield
    }) : () -> ()
    %dma_wait3A_278 = arith.constant 32 : i32
    %dma_wait3A_279 = arith.constant 0 : i32
    %dma_wait3A_280 = tpu.memref_slice %arg8[%dma_wait3A_278, %dma_wait3A_279] : memref<160x128xf32, #tpu.memory_space<vmem>> -> memref<32x128xf32, #tpu.memory_space<vmem>>
    %dma_wait3A_281 = arith.constant 2432 : i32
    %dma_wait3A_282 = tpu.memref_slice %arg6[%dma_wait3A_281] : memref<5120xi32, #tpu.memory_space<vmem>> -> memref<32xi32, #tpu.memory_space<vmem>>
    %dma_wait3A_283 = arith.constant 0 : i32
    %dma_wait3A_284 = arith.constant 0 : i32
    %dma_wait3A_285 = tpu.memref_slice %arg2[%dma_wait3A_283, %dma_wait3A_284] : memref<10000x128xf32, #tpu.memory_space<hbm>> -> memref<10000x128xf32, #tpu.memory_space<hbm>>
    tpu.wait_indirect_dma semaphore(%arg10 : memref<!tpu.dma_semaphore, #tpu.memory_space<semaphore_mem>>) src(%dma_wait3A_285 : memref<10000x128xf32, #tpu.memory_space<hbm>>) dst(%dma_wait3A_280 : memref<32x128xf32, #tpu.memory_space<vmem>>)
    %run_scoped3A_286 = arith.constant 76 : i32
    "tpu.region"() ({
      %run_scoped3A_420 = tpu.sem_alloc : memref<!tpu.dma_semaphore, #tpu.memory_space<semaphore_mem>>
      %dma_start3A_421 = arith.constant 32 : i32
      %dma_start3A_422 = arith.constant 0 : i32
      %dma_start3A_423 = tpu.memref_slice %arg8[%dma_start3A_421, %dma_start3A_422] : memref<160x128xf32, #tpu.memory_space<vmem>> -> memref<32x128xf32, #tpu.memory_space<vmem>>
      %dma_start3A_424 = arith.constant 0 : i32
      %dma_start3A_425 = tpu.memref_slice %arg7[%run_scoped3A_286, %dma_start3A_424] : memref<80x32xi32, #tpu.memory_space<vmem>> -> memref<1x32xi32, #tpu.memory_space<vmem>>
      %dma_start3A_426 = tpu.memref_squeeze %dma_start3A_425 : memref<1x32xi32, #tpu.memory_space<vmem>> -> memref<32xi32, #tpu.memory_space<vmem>>
      %dma_start3A_427 = arith.constant 0 : i32
      %dma_start3A_428 = arith.constant 0 : i32
      %dma_start3A_429 = tpu.memref_slice %arg9[%dma_start3A_427, %dma_start3A_428] : memref<10112x128xf32, #tpu.memory_space<vmem_shared>> -> memref<10112x128xf32, #tpu.memory_space<vmem_shared>>
      tpu.enqueue_indirect_dma source(%dma_start3A_423 : memref<32x128xf32, #tpu.memory_space<vmem>>) target(%dma_start3A_429 : memref<10112x128xf32, #tpu.memory_space<vmem_shared>>) offsets(%dma_start3A_426 : memref<32xi32, #tpu.memory_space<vmem>>) semaphore(%run_scoped3A_420 : memref<!tpu.dma_semaphore, #tpu.memory_space<semaphore_mem>>) {add = true}
      %dma_wait3A_430 = arith.constant 32 : i32
      %dma_wait3A_431 = arith.constant 0 : i32
      %dma_wait3A_432 = tpu.memref_slice %arg8[%dma_wait3A_430, %dma_wait3A_431] : memref<160x128xf32, #tpu.memory_space<vmem>> -> memref<32x128xf32, #tpu.memory_space<vmem>>
      %dma_wait3A_433 = arith.constant 0 : i32
      %dma_wait3A_434 = tpu.memref_slice %arg7[%run_scoped3A_286, %dma_wait3A_433] : memref<80x32xi32, #tpu.memory_space<vmem>> -> memref<1x32xi32, #tpu.memory_space<vmem>>
      %dma_wait3A_435 = tpu.memref_squeeze %dma_wait3A_434 : memref<1x32xi32, #tpu.memory_space<vmem>> -> memref<32xi32, #tpu.memory_space<vmem>>
      %dma_wait3A_436 = arith.constant 0 : i32
      %dma_wait3A_437 = arith.constant 0 : i32
      %dma_wait3A_438 = tpu.memref_slice %arg9[%dma_wait3A_436, %dma_wait3A_437] : memref<10112x128xf32, #tpu.memory_space<vmem_shared>> -> memref<10112x128xf32, #tpu.memory_space<vmem_shared>>
      tpu.wait_indirect_dma semaphore(%run_scoped3A_420 : memref<!tpu.dma_semaphore, #tpu.memory_space<semaphore_mem>>) src(%dma_wait3A_432 : memref<32x128xf32, #tpu.memory_space<vmem>>) dst(%dma_wait3A_438 : memref<10112x128xf32, #tpu.memory_space<vmem_shared>>)
      tpu.yield
    }) : () -> ()
    %dma_wait3A_287 = arith.constant 64 : i32
    %dma_wait3A_288 = arith.constant 0 : i32
    %dma_wait3A_289 = tpu.memref_slice %arg8[%dma_wait3A_287, %dma_wait3A_288] : memref<160x128xf32, #tpu.memory_space<vmem>> -> memref<32x128xf32, #tpu.memory_space<vmem>>
    %dma_wait3A_290 = arith.constant 2464 : i32
    %dma_wait3A_291 = tpu.memref_slice %arg6[%dma_wait3A_290] : memref<5120xi32, #tpu.memory_space<vmem>> -> memref<32xi32, #tpu.memory_space<vmem>>
    %dma_wait3A_292 = arith.constant 0 : i32
    %dma_wait3A_293 = arith.constant 0 : i32
    %dma_wait3A_294 = tpu.memref_slice %arg2[%dma_wait3A_292, %dma_wait3A_293] : memref<10000x128xf32, #tpu.memory_space<hbm>> -> memref<10000x128xf32, #tpu.memory_space<hbm>>
    tpu.wait_indirect_dma semaphore(%arg10 : memref<!tpu.dma_semaphore, #tpu.memory_space<semaphore_mem>>) src(%dma_wait3A_294 : memref<10000x128xf32, #tpu.memory_space<hbm>>) dst(%dma_wait3A_289 : memref<32x128xf32, #tpu.memory_space<vmem>>)
    %run_scoped3A_295 = arith.constant 77 : i32
    "tpu.region"() ({
      %run_scoped3A_420 = tpu.sem_alloc : memref<!tpu.dma_semaphore, #tpu.memory_space<semaphore_mem>>
      %dma_start3A_421 = arith.constant 64 : i32
      %dma_start3A_422 = arith.constant 0 : i32
      %dma_start3A_423 = tpu.memref_slice %arg8[%dma_start3A_421, %dma_start3A_422] : memref<160x128xf32, #tpu.memory_space<vmem>> -> memref<32x128xf32, #tpu.memory_space<vmem>>
      %dma_start3A_424 = arith.constant 0 : i32
      %dma_start3A_425 = tpu.memref_slice %arg7[%run_scoped3A_295, %dma_start3A_424] : memref<80x32xi32, #tpu.memory_space<vmem>> -> memref<1x32xi32, #tpu.memory_space<vmem>>
      %dma_start3A_426 = tpu.memref_squeeze %dma_start3A_425 : memref<1x32xi32, #tpu.memory_space<vmem>> -> memref<32xi32, #tpu.memory_space<vmem>>
      %dma_start3A_427 = arith.constant 0 : i32
      %dma_start3A_428 = arith.constant 0 : i32
      %dma_start3A_429 = tpu.memref_slice %arg9[%dma_start3A_427, %dma_start3A_428] : memref<10112x128xf32, #tpu.memory_space<vmem_shared>> -> memref<10112x128xf32, #tpu.memory_space<vmem_shared>>
      tpu.enqueue_indirect_dma source(%dma_start3A_423 : memref<32x128xf32, #tpu.memory_space<vmem>>) target(%dma_start3A_429 : memref<10112x128xf32, #tpu.memory_space<vmem_shared>>) offsets(%dma_start3A_426 : memref<32xi32, #tpu.memory_space<vmem>>) semaphore(%run_scoped3A_420 : memref<!tpu.dma_semaphore, #tpu.memory_space<semaphore_mem>>) {add = true}
      %dma_wait3A_430 = arith.constant 64 : i32
      %dma_wait3A_431 = arith.constant 0 : i32
      %dma_wait3A_432 = tpu.memref_slice %arg8[%dma_wait3A_430, %dma_wait3A_431] : memref<160x128xf32, #tpu.memory_space<vmem>> -> memref<32x128xf32, #tpu.memory_space<vmem>>
      %dma_wait3A_433 = arith.constant 0 : i32
      %dma_wait3A_434 = tpu.memref_slice %arg7[%run_scoped3A_295, %dma_wait3A_433] : memref<80x32xi32, #tpu.memory_space<vmem>> -> memref<1x32xi32, #tpu.memory_space<vmem>>
      %dma_wait3A_435 = tpu.memref_squeeze %dma_wait3A_434 : memref<1x32xi32, #tpu.memory_space<vmem>> -> memref<32xi32, #tpu.memory_space<vmem>>
      %dma_wait3A_436 = arith.constant 0 : i32
      %dma_wait3A_437 = arith.constant 0 : i32
      %dma_wait3A_438 = tpu.memref_slice %arg9[%dma_wait3A_436, %dma_wait3A_437] : memref<10112x128xf32, #tpu.memory_space<vmem_shared>> -> memref<10112x128xf32, #tpu.memory_space<vmem_shared>>
      tpu.wait_indirect_dma semaphore(%run_scoped3A_420 : memref<!tpu.dma_semaphore, #tpu.memory_space<semaphore_mem>>) src(%dma_wait3A_432 : memref<32x128xf32, #tpu.memory_space<vmem>>) dst(%dma_wait3A_438 : memref<10112x128xf32, #tpu.memory_space<vmem_shared>>)
      tpu.yield
    }) : () -> ()
    %dma_wait3A_296 = arith.constant 96 : i32
    %dma_wait3A_297 = arith.constant 0 : i32
    %dma_wait3A_298 = tpu.memref_slice %arg8[%dma_wait3A_296, %dma_wait3A_297] : memref<160x128xf32, #tpu.memory_space<vmem>> -> memref<32x128xf32, #tpu.memory_space<vmem>>
    %dma_wait3A_299 = arith.constant 2496 : i32
    %dma_wait3A_300 = tpu.memref_slice %arg6[%dma_wait3A_299] : memref<5120xi32, #tpu.memory_space<vmem>> -> memref<32xi32, #tpu.memory_space<vmem>>
    %dma_wait3A_301 = arith.constant 0 : i32
    %dma_wait3A_302 = arith.constant 0 : i32
    %dma_wait3A_303 = tpu.memref_slice %arg2[%dma_wait3A_301, %dma_wait3A_302] : memref<10000x128xf32, #tpu.memory_space<hbm>> -> memref<10000x128xf32, #tpu.memory_space<hbm>>
    tpu.wait_indirect_dma semaphore(%arg10 : memref<!tpu.dma_semaphore, #tpu.memory_space<semaphore_mem>>) src(%dma_wait3A_303 : memref<10000x128xf32, #tpu.memory_space<hbm>>) dst(%dma_wait3A_298 : memref<32x128xf32, #tpu.memory_space<vmem>>)
    %run_scoped3A_304 = arith.constant 78 : i32
    "tpu.region"() ({
      %run_scoped3A_420 = tpu.sem_alloc : memref<!tpu.dma_semaphore, #tpu.memory_space<semaphore_mem>>
      %dma_start3A_421 = arith.constant 96 : i32
      %dma_start3A_422 = arith.constant 0 : i32
      %dma_start3A_423 = tpu.memref_slice %arg8[%dma_start3A_421, %dma_start3A_422] : memref<160x128xf32, #tpu.memory_space<vmem>> -> memref<32x128xf32, #tpu.memory_space<vmem>>
      %dma_start3A_424 = arith.constant 0 : i32
      %dma_start3A_425 = tpu.memref_slice %arg7[%run_scoped3A_304, %dma_start3A_424] : memref<80x32xi32, #tpu.memory_space<vmem>> -> memref<1x32xi32, #tpu.memory_space<vmem>>
      %dma_start3A_426 = tpu.memref_squeeze %dma_start3A_425 : memref<1x32xi32, #tpu.memory_space<vmem>> -> memref<32xi32, #tpu.memory_space<vmem>>
      %dma_start3A_427 = arith.constant 0 : i32
      %dma_start3A_428 = arith.constant 0 : i32
      %dma_start3A_429 = tpu.memref_slice %arg9[%dma_start3A_427, %dma_start3A_428] : memref<10112x128xf32, #tpu.memory_space<vmem_shared>> -> memref<10112x128xf32, #tpu.memory_space<vmem_shared>>
      tpu.enqueue_indirect_dma source(%dma_start3A_423 : memref<32x128xf32, #tpu.memory_space<vmem>>) target(%dma_start3A_429 : memref<10112x128xf32, #tpu.memory_space<vmem_shared>>) offsets(%dma_start3A_426 : memref<32xi32, #tpu.memory_space<vmem>>) semaphore(%run_scoped3A_420 : memref<!tpu.dma_semaphore, #tpu.memory_space<semaphore_mem>>) {add = true}
      %dma_wait3A_430 = arith.constant 96 : i32
      %dma_wait3A_431 = arith.constant 0 : i32
      %dma_wait3A_432 = tpu.memref_slice %arg8[%dma_wait3A_430, %dma_wait3A_431] : memref<160x128xf32, #tpu.memory_space<vmem>> -> memref<32x128xf32, #tpu.memory_space<vmem>>
      %dma_wait3A_433 = arith.constant 0 : i32
      %dma_wait3A_434 = tpu.memref_slice %arg7[%run_scoped3A_304, %dma_wait3A_433] : memref<80x32xi32, #tpu.memory_space<vmem>> -> memref<1x32xi32, #tpu.memory_space<vmem>>
      %dma_wait3A_435 = tpu.memref_squeeze %dma_wait3A_434 : memref<1x32xi32, #tpu.memory_space<vmem>> -> memref<32xi32, #tpu.memory_space<vmem>>
      %dma_wait3A_436 = arith.constant 0 : i32
      %dma_wait3A_437 = arith.constant 0 : i32
      %dma_wait3A_438 = tpu.memref_slice %arg9[%dma_wait3A_436, %dma_wait3A_437] : memref<10112x128xf32, #tpu.memory_space<vmem_shared>> -> memref<10112x128xf32, #tpu.memory_space<vmem_shared>>
      tpu.wait_indirect_dma semaphore(%run_scoped3A_420 : memref<!tpu.dma_semaphore, #tpu.memory_space<semaphore_mem>>) src(%dma_wait3A_432 : memref<32x128xf32, #tpu.memory_space<vmem>>) dst(%dma_wait3A_438 : memref<10112x128xf32, #tpu.memory_space<vmem_shared>>)
      tpu.yield
    }) : () -> ()
    %dma_wait3A_305 = arith.constant 128 : i32
    %dma_wait3A_306 = arith.constant 0 : i32
    %dma_wait3A_307 = tpu.memref_slice %arg8[%dma_wait3A_305, %dma_wait3A_306] : memref<160x128xf32, #tpu.memory_space<vmem>> -> memref<32x128xf32, #tpu.memory_space<vmem>>
    %dma_wait3A_308 = arith.constant 2528 : i32
    %dma_wait3A_309 = tpu.memref_slice %arg6[%dma_wait3A_308] : memref<5120xi32, #tpu.memory_space<vmem>> -> memref<32xi32, #tpu.memory_space<vmem>>
    %dma_wait3A_310 = arith.constant 0 : i32
    %dma_wait3A_311 = arith.constant 0 : i32
    %dma_wait3A_312 = tpu.memref_slice %arg2[%dma_wait3A_310, %dma_wait3A_311] : memref<10000x128xf32, #tpu.memory_space<hbm>> -> memref<10000x128xf32, #tpu.memory_space<hbm>>
    tpu.wait_indirect_dma semaphore(%arg10 : memref<!tpu.dma_semaphore, #tpu.memory_space<semaphore_mem>>) src(%dma_wait3A_312 : memref<10000x128xf32, #tpu.memory_space<hbm>>) dst(%dma_wait3A_307 : memref<32x128xf32, #tpu.memory_space<vmem>>)
    %run_scoped3A_313 = arith.constant 79 : i32
    "tpu.region"() ({
      %run_scoped3A_420 = tpu.sem_alloc : memref<!tpu.dma_semaphore, #tpu.memory_space<semaphore_mem>>
      %dma_start3A_421 = arith.constant 128 : i32
      %dma_start3A_422 = arith.constant 0 : i32
      %dma_start3A_423 = tpu.memref_slice %arg8[%dma_start3A_421, %dma_start3A_422] : memref<160x128xf32, #tpu.memory_space<vmem>> -> memref<32x128xf32, #tpu.memory_space<vmem>>
      %dma_start3A_424 = arith.constant 0 : i32
      %dma_start3A_425 = tpu.memref_slice %arg7[%run_scoped3A_313, %dma_start3A_424] : memref<80x32xi32, #tpu.memory_space<vmem>> -> memref<1x32xi32, #tpu.memory_space<vmem>>
      %dma_start3A_426 = tpu.memref_squeeze %dma_start3A_425 : memref<1x32xi32, #tpu.memory_space<vmem>> -> memref<32xi32, #tpu.memory_space<vmem>>
      %dma_start3A_427 = arith.constant 0 : i32
      %dma_start3A_428 = arith.constant 0 : i32
      %dma_start3A_429 = tpu.memref_slice %arg9[%dma_start3A_427, %dma_start3A_428] : memref<10112x128xf32, #tpu.memory_space<vmem_shared>> -> memref<10112x128xf32, #tpu.memory_space<vmem_shared>>
      tpu.enqueue_indirect_dma source(%dma_start3A_423 : memref<32x128xf32, #tpu.memory_space<vmem>>) target(%dma_start3A_429 : memref<10112x128xf32, #tpu.memory_space<vmem_shared>>) offsets(%dma_start3A_426 : memref<32xi32, #tpu.memory_space<vmem>>) semaphore(%run_scoped3A_420 : memref<!tpu.dma_semaphore, #tpu.memory_space<semaphore_mem>>) {add = true}
      %dma_wait3A_430 = arith.constant 128 : i32
      %dma_wait3A_431 = arith.constant 0 : i32
      %dma_wait3A_432 = tpu.memref_slice %arg8[%dma_wait3A_430, %dma_wait3A_431] : memref<160x128xf32, #tpu.memory_space<vmem>> -> memref<32x128xf32, #tpu.memory_space<vmem>>
      %dma_wait3A_433 = arith.constant 0 : i32
      %dma_wait3A_434 = tpu.memref_slice %arg7[%run_scoped3A_313, %dma_wait3A_433] : memref<80x32xi32, #tpu.memory_space<vmem>> -> memref<1x32xi32, #tpu.memory_space<vmem>>
      %dma_wait3A_435 = tpu.memref_squeeze %dma_wait3A_434 : memref<1x32xi32, #tpu.memory_space<vmem>> -> memref<32xi32, #tpu.memory_space<vmem>>
      %dma_wait3A_436 = arith.constant 0 : i32
      %dma_wait3A_437 = arith.constant 0 : i32
      %dma_wait3A_438 = tpu.memref_slice %arg9[%dma_wait3A_436, %dma_wait3A_437] : memref<10112x128xf32, #tpu.memory_space<vmem_shared>> -> memref<10112x128xf32, #tpu.memory_space<vmem_shared>>
      tpu.wait_indirect_dma semaphore(%run_scoped3A_420 : memref<!tpu.dma_semaphore, #tpu.memory_space<semaphore_mem>>) src(%dma_wait3A_432 : memref<32x128xf32, #tpu.memory_space<vmem>>) dst(%dma_wait3A_438 : memref<10112x128xf32, #tpu.memory_space<vmem_shared>>)
      tpu.yield
    }) : () -> ()
    %mul3A_314 = arith.constant 320 : i32
    %mul3A_315 = arith.muli %add3A, %mul3A_314 : i32
    %add3A_316 = arith.constant 240 : i32
    %add3A_317 = arith.addi %mul3A_315, %add3A_316 : i32
    %mul3A_318 = arith.constant 32 : i32
    %mul3A_319 = arith.muli %add3A_317, %mul3A_318 : i32
    "tpu.region"() ({
      %run_scoped3A_420 = tpu.sem_alloc : memref<!tpu.dma_semaphore, #tpu.memory_space<semaphore_mem>>
      %dma_start3A_421 = arith.constant 0 : i32
      %dma_start3A_422 = tpu.memref_slice %arg6[%dma_start3A_421] : memref<5120xi32, #tpu.memory_space<vmem>> -> memref<2560xi32, #tpu.memory_space<vmem>>
      %dma_start3A_423 = tpu.memref_slice %arg3[%mul3A_319] : memref<327680xi32, #tpu.memory_space<hbm>> -> memref<2560xi32, #tpu.memory_space<hbm>>
      %dma_start3A_424 = arith.constant 0 : i32
      %dma_start3A_425 = tpu.memref_slice %arg6[%dma_start3A_424] : memref<5120xi32, #tpu.memory_space<vmem>> -> memref<2560xi32, #tpu.memory_space<vmem>>
      %dma_start3A_426 = tpu.memref_slice %arg3[%mul3A_319] : memref<327680xi32, #tpu.memory_space<hbm>> -> memref<2560xi32, #tpu.memory_space<hbm>>
      tpu.enqueue_dma source(%dma_start3A_426 : memref<2560xi32, #tpu.memory_space<hbm>>) target(%dma_start3A_425 : memref<2560xi32, #tpu.memory_space<vmem>>) target_semaphore(%run_scoped3A_420 : memref<!tpu.dma_semaphore, #tpu.memory_space<semaphore_mem>>)
      %dma_wait3A_427 = arith.constant 0 : i32
      %dma_wait3A_428 = tpu.memref_slice %arg6[%dma_wait3A_427] : memref<5120xi32, #tpu.memory_space<vmem>> -> memref<2560xi32, #tpu.memory_space<vmem>>
      %dma_wait3A_429 = tpu.memref_slice %arg3[%mul3A_319] : memref<327680xi32, #tpu.memory_space<hbm>> -> memref<2560xi32, #tpu.memory_space<hbm>>
      %dma_wait3A_430 = arith.constant 0 : i32
      %dma_wait3A_431 = tpu.memref_slice %arg6[%dma_wait3A_430] : memref<5120xi32, #tpu.memory_space<vmem>> -> memref<2560xi32, #tpu.memory_space<vmem>>
      %dma_wait3A_432 = tpu.memref_slice %arg3[%mul3A_319] : memref<327680xi32, #tpu.memory_space<hbm>> -> memref<2560xi32, #tpu.memory_space<hbm>>
      tpu.wait_dma2 semaphore(%run_scoped3A_420 : memref<!tpu.dma_semaphore, #tpu.memory_space<semaphore_mem>>) src(%dma_wait3A_432 : memref<2560xi32, #tpu.memory_space<hbm>>) dst(%dma_wait3A_431 : memref<2560xi32, #tpu.memory_space<vmem>>)
      tpu.yield
    }) : () -> ()
    "tpu.region"() ({
      %run_scoped3A_420 = tpu.sem_alloc : memref<!tpu.dma_semaphore, #tpu.memory_space<semaphore_mem>>
      %dma_start3A_421 = arith.constant 2560 : i32
      %dma_start3A_422 = tpu.memref_slice %arg6[%dma_start3A_421] : memref<5120xi32, #tpu.memory_space<vmem>> -> memref<2560xi32, #tpu.memory_space<vmem>>
      %dma_start3A_423 = tpu.memref_slice %arg4[%mul3A_319] : memref<327680xi32, #tpu.memory_space<hbm>> -> memref<2560xi32, #tpu.memory_space<hbm>>
      %dma_start3A_424 = arith.constant 2560 : i32
      %dma_start3A_425 = tpu.memref_slice %arg6[%dma_start3A_424] : memref<5120xi32, #tpu.memory_space<vmem>> -> memref<2560xi32, #tpu.memory_space<vmem>>
      %dma_start3A_426 = tpu.memref_slice %arg4[%mul3A_319] : memref<327680xi32, #tpu.memory_space<hbm>> -> memref<2560xi32, #tpu.memory_space<hbm>>
      tpu.enqueue_dma source(%dma_start3A_426 : memref<2560xi32, #tpu.memory_space<hbm>>) target(%dma_start3A_425 : memref<2560xi32, #tpu.memory_space<vmem>>) target_semaphore(%run_scoped3A_420 : memref<!tpu.dma_semaphore, #tpu.memory_space<semaphore_mem>>)
      %dma_wait3A_427 = arith.constant 2560 : i32
      %dma_wait3A_428 = tpu.memref_slice %arg6[%dma_wait3A_427] : memref<5120xi32, #tpu.memory_space<vmem>> -> memref<2560xi32, #tpu.memory_space<vmem>>
      %dma_wait3A_429 = tpu.memref_slice %arg4[%mul3A_319] : memref<327680xi32, #tpu.memory_space<hbm>> -> memref<2560xi32, #tpu.memory_space<hbm>>
      %dma_wait3A_430 = arith.constant 2560 : i32
      %dma_wait3A_431 = tpu.memref_slice %arg6[%dma_wait3A_430] : memref<5120xi32, #tpu.memory_space<vmem>> -> memref<2560xi32, #tpu.memory_space<vmem>>
      %dma_wait3A_432 = tpu.memref_slice %arg4[%mul3A_319] : memref<327680xi32, #tpu.memory_space<hbm>> -> memref<2560xi32, #tpu.memory_space<hbm>>
      tpu.wait_dma2 semaphore(%run_scoped3A_420 : memref<!tpu.dma_semaphore, #tpu.memory_space<semaphore_mem>>) src(%dma_wait3A_432 : memref<2560xi32, #tpu.memory_space<hbm>>) dst(%dma_wait3A_431 : memref<2560xi32, #tpu.memory_space<vmem>>)
      tpu.yield
    }) : () -> ()
    %scan3A_320 = arith.constant 0 : i32
    %scan3A_321 = arith.constant 80 : i32
    %scan3A_322 = arith.addi %scan3A_320, %scan3A_321 : i32
    %scan3A_323 = arith.constant 1 : i32
    scf.for %scan3A_420 = %scan3A_320 to %scan3A_322 step %scan3A_323  : i32 {
      %mul3A_421 = arith.constant 1 : i32
      %mul3A_422 = arith.muli %scan3A_420, %mul3A_421 : i32
      %add3A_423 = arith.constant 0 : i32
      %add3A_424 = arith.addi %add3A_423, %mul3A_422 : i32
      %mul3A_425 = arith.constant 32 : i32
      %mul3A_426 = arith.muli %add3A_424, %mul3A_425 : i32
      %add3A_427 = arith.constant 2560 : i32
      %add3A_428 = arith.addi %add3A_427, %mul3A_426 : i32
      %get3A = arith.index_cast %add3A_428 : i32 to index
      %get3A_429 = tpu.vector_load %arg6[%get3A] {strides = array<i32>} : memref<5120xi32, #tpu.memory_space<vmem>>, vector<16xi32>,
      %get3A_430 = vector.shape_cast %get3A_429 : vector<16xi32> to vector<16xi32>
      %swap3A = arith.index_cast %add3A_424 : i32 to index
      %swap3A_431 = arith.constant 0 : index
      %swap3A_432 = tpu.vector_load %arg7[%swap3A, %swap3A_431] {strides = array<i32>} : memref<80x32xi32, #tpu.memory_space<vmem>>, vector<1x16xi32>,
      %swap3A_433 = vector.shape_cast %swap3A_432 : vector<1x16xi32> to vector<16xi32>
      %swap3A_434 = vector.shape_cast %get3A_430 : vector<16xi32> to vector<1x16xi32>
      tpu.vector_store %arg7[%swap3A, %swap3A_431], %swap3A_434 {strides = array<i32>} : memref<80x32xi32, #tpu.memory_space<vmem>>, vector<1x16xi32>,
      %mul3A_435 = arith.constant 32 : i32
      %mul3A_436 = arith.muli %add3A_424, %mul3A_435 : i32
      %add3A_437 = arith.constant 2560 : i32
      %add3A_438 = arith.addi %add3A_437, %mul3A_436 : i32
      %add3A_439 = arith.constant 16 : i32
      %add3A_440 = arith.addi %add3A_438, %add3A_439 : i32
      %get3A_441 = arith.index_cast %add3A_440 : i32 to index
      %get3A_442 = tpu.vector_load %arg6[%get3A_441] {strides = array<i32>} : memref<5120xi32, #tpu.memory_space<vmem>>, vector<16xi32>,
      %get3A_443 = vector.shape_cast %get3A_442 : vector<16xi32> to vector<16xi32>
      %swap3A_444 = arith.index_cast %add3A_424 : i32 to index
      %swap3A_445 = arith.constant 16 : index
      %swap3A_446 = tpu.vector_load %arg7[%swap3A_444, %swap3A_445] {strides = array<i32>} : memref<80x32xi32, #tpu.memory_space<vmem>>, vector<1x16xi32>,
      %swap3A_447 = vector.shape_cast %swap3A_446 : vector<1x16xi32> to vector<16xi32>
      %swap3A_448 = vector.shape_cast %get3A_443 : vector<16xi32> to vector<1x16xi32>
      tpu.vector_store %arg7[%swap3A_444, %swap3A_445], %swap3A_448 {strides = array<i32>} : memref<80x32xi32, #tpu.memory_space<vmem>>, vector<1x16xi32>,
    }
    %scan3A_324 = arith.constant 80 : i32
    %dma_start3A_325 = arith.constant 0 : i32
    %dma_start3A_326 = arith.constant 0 : i32
    %dma_start3A_327 = tpu.memref_slice %arg8[%dma_start3A_325, %dma_start3A_326] : memref<160x128xf32, #tpu.memory_space<vmem>> -> memref<32x128xf32, #tpu.memory_space<vmem>>
    %dma_start3A_328 = arith.constant 0 : i32
    %dma_start3A_329 = tpu.memref_slice %arg6[%dma_start3A_328] : memref<5120xi32, #tpu.memory_space<vmem>> -> memref<32xi32, #tpu.memory_space<vmem>>
    %dma_start3A_330 = arith.constant 0 : i32
    %dma_start3A_331 = arith.constant 0 : i32
    %dma_start3A_332 = tpu.memref_slice %arg2[%dma_start3A_330, %dma_start3A_331] : memref<10000x128xf32, #tpu.memory_space<hbm>> -> memref<10000x128xf32, #tpu.memory_space<hbm>>
    tpu.enqueue_indirect_dma source(%dma_start3A_332 : memref<10000x128xf32, #tpu.memory_space<hbm>>) target(%dma_start3A_327 : memref<32x128xf32, #tpu.memory_space<vmem>>) offsets(%dma_start3A_329 : memref<32xi32, #tpu.memory_space<vmem>>) semaphore(%arg10 : memref<!tpu.dma_semaphore, #tpu.memory_space<semaphore_mem>>)
    %dma_start3A_333 = arith.constant 32 : i32
    %dma_start3A_334 = arith.constant 0 : i32
    %dma_start3A_335 = tpu.memref_slice %arg8[%dma_start3A_333, %dma_start3A_334] : memref<160x128xf32, #tpu.memory_space<vmem>> -> memref<32x128xf32, #tpu.memory_space<vmem>>
    %dma_start3A_336 = arith.constant 32 : i32
    %dma_start3A_337 = tpu.memref_slice %arg6[%dma_start3A_336] : memref<5120xi32, #tpu.memory_space<vmem>> -> memref<32xi32, #tpu.memory_space<vmem>>
    %dma_start3A_338 = arith.constant 0 : i32
    %dma_start3A_339 = arith.constant 0 : i32
    %dma_start3A_340 = tpu.memref_slice %arg2[%dma_start3A_338, %dma_start3A_339] : memref<10000x128xf32, #tpu.memory_space<hbm>> -> memref<10000x128xf32, #tpu.memory_space<hbm>>
    tpu.enqueue_indirect_dma source(%dma_start3A_340 : memref<10000x128xf32, #tpu.memory_space<hbm>>) target(%dma_start3A_335 : memref<32x128xf32, #tpu.memory_space<vmem>>) offsets(%dma_start3A_337 : memref<32xi32, #tpu.memory_space<vmem>>) semaphore(%arg10 : memref<!tpu.dma_semaphore, #tpu.memory_space<semaphore_mem>>)
    %dma_start3A_341 = arith.constant 64 : i32
    %dma_start3A_342 = arith.constant 0 : i32
    %dma_start3A_343 = tpu.memref_slice %arg8[%dma_start3A_341, %dma_start3A_342] : memref<160x128xf32, #tpu.memory_space<vmem>> -> memref<32x128xf32, #tpu.memory_space<vmem>>
    %dma_start3A_344 = arith.constant 64 : i32
    %dma_start3A_345 = tpu.memref_slice %arg6[%dma_start3A_344] : memref<5120xi32, #tpu.memory_space<vmem>> -> memref<32xi32, #tpu.memory_space<vmem>>
    %dma_start3A_346 = arith.constant 0 : i32
    %dma_start3A_347 = arith.constant 0 : i32
    %dma_start3A_348 = tpu.memref_slice %arg2[%dma_start3A_346, %dma_start3A_347] : memref<10000x128xf32, #tpu.memory_space<hbm>> -> memref<10000x128xf32, #tpu.memory_space<hbm>>
    tpu.enqueue_indirect_dma source(%dma_start3A_348 : memref<10000x128xf32, #tpu.memory_space<hbm>>) target(%dma_start3A_343 : memref<32x128xf32, #tpu.memory_space<vmem>>) offsets(%dma_start3A_345 : memref<32xi32, #tpu.memory_space<vmem>>) semaphore(%arg10 : memref<!tpu.dma_semaphore, #tpu.memory_space<semaphore_mem>>)
    %dma_start3A_349 = arith.constant 96 : i32
    %dma_start3A_350 = arith.constant 0 : i32
    %dma_start3A_351 = tpu.memref_slice %arg8[%dma_start3A_349, %dma_start3A_350] : memref<160x128xf32, #tpu.memory_space<vmem>> -> memref<32x128xf32, #tpu.memory_space<vmem>>
    %dma_start3A_352 = arith.constant 96 : i32
    %dma_start3A_353 = tpu.memref_slice %arg6[%dma_start3A_352] : memref<5120xi32, #tpu.memory_space<vmem>> -> memref<32xi32, #tpu.memory_space<vmem>>
    %dma_start3A_354 = arith.constant 0 : i32
    %dma_start3A_355 = arith.constant 0 : i32
    %dma_start3A_356 = tpu.memref_slice %arg2[%dma_start3A_354, %dma_start3A_355] : memref<10000x128xf32, #tpu.memory_space<hbm>> -> memref<10000x128xf32, #tpu.memory_space<hbm>>
    tpu.enqueue_indirect_dma source(%dma_start3A_356 : memref<10000x128xf32, #tpu.memory_space<hbm>>) target(%dma_start3A_351 : memref<32x128xf32, #tpu.memory_space<vmem>>) offsets(%dma_start3A_353 : memref<32xi32, #tpu.memory_space<vmem>>) semaphore(%arg10 : memref<!tpu.dma_semaphore, #tpu.memory_space<semaphore_mem>>)
    %scan3A_357 = arith.constant 0 : i32
    %scan3A_358 = arith.constant 15 : i32
    %scan3A_359 = arith.addi %scan3A_357, %scan3A_358 : i32
    %scan3A_360 = arith.constant 1 : i32
    scf.for %scan3A_420 = %scan3A_357 to %scan3A_359 step %scan3A_360  : i32 {
      %mul3A_421 = arith.constant 5 : i32
      %mul3A_422 = arith.muli %scan3A_420, %mul3A_421 : i32
      %add3A_423 = arith.constant 0 : i32
      %add3A_424 = arith.addi %add3A_423, %mul3A_422 : i32
      %add3A_425 = arith.constant 0 : i32
      %add3A_426 = arith.addi %add3A_424, %add3A_425 : i32
      %mul3A_427 = arith.constant 32 : i32
      %mul3A_428 = arith.muli %add3A_426, %mul3A_427 : i32
      %dma_wait3A_429 = arith.constant 0 : i32
      %dma_wait3A_430 = arith.constant 0 : i32
      %dma_wait3A_431 = tpu.memref_slice %arg8[%dma_wait3A_429, %dma_wait3A_430] : memref<160x128xf32, #tpu.memory_space<vmem>> -> memref<32x128xf32, #tpu.memory_space<vmem>>
      %dma_wait3A_432 = tpu.memref_slice %arg6[%mul3A_428] : memref<5120xi32, #tpu.memory_space<vmem>> -> memref<32xi32, #tpu.memory_space<vmem>>
      %dma_wait3A_433 = arith.constant 0 : i32
      %dma_wait3A_434 = arith.constant 0 : i32
      %dma_wait3A_435 = tpu.memref_slice %arg2[%dma_wait3A_433, %dma_wait3A_434] : memref<10000x128xf32, #tpu.memory_space<hbm>> -> memref<10000x128xf32, #tpu.memory_space<hbm>>
      tpu.wait_indirect_dma semaphore(%arg10 : memref<!tpu.dma_semaphore, #tpu.memory_space<semaphore_mem>>) src(%dma_wait3A_435 : memref<10000x128xf32, #tpu.memory_space<hbm>>) dst(%dma_wait3A_431 : memref<32x128xf32, #tpu.memory_space<vmem>>)
      %add3A_436 = arith.constant 5 : i32
      %add3A_437 = arith.addi %add3A_426, %add3A_436 : i32
      %sub3A = arith.constant 1 : i32
      %sub3A_438 = arith.subi %add3A_437, %sub3A : i32
      %mul3A_439 = arith.constant 32 : i32
      %mul3A_440 = arith.muli %sub3A_438, %mul3A_439 : i32
      %dma_start3A_441 = arith.constant 128 : i32
      %dma_start3A_442 = arith.constant 0 : i32
      %dma_start3A_443 = tpu.memref_slice %arg8[%dma_start3A_441, %dma_start3A_442] : memref<160x128xf32, #tpu.memory_space<vmem>> -> memref<32x128xf32, #tpu.memory_space<vmem>>
      %dma_start3A_444 = tpu.memref_slice %arg6[%mul3A_440] : memref<5120xi32, #tpu.memory_space<vmem>> -> memref<32xi32, #tpu.memory_space<vmem>>
      %dma_start3A_445 = arith.constant 0 : i32
      %dma_start3A_446 = arith.constant 0 : i32
      %dma_start3A_447 = tpu.memref_slice %arg2[%dma_start3A_445, %dma_start3A_446] : memref<10000x128xf32, #tpu.memory_space<hbm>> -> memref<10000x128xf32, #tpu.memory_space<hbm>>
      tpu.enqueue_indirect_dma source(%dma_start3A_447 : memref<10000x128xf32, #tpu.memory_space<hbm>>) target(%dma_start3A_443 : memref<32x128xf32, #tpu.memory_space<vmem>>) offsets(%dma_start3A_444 : memref<32xi32, #tpu.memory_space<vmem>>) semaphore(%arg10 : memref<!tpu.dma_semaphore, #tpu.memory_space<semaphore_mem>>)
      "tpu.region"() ({
        %run_scoped3A_544 = tpu.sem_alloc : memref<!tpu.dma_semaphore, #tpu.memory_space<semaphore_mem>>
        %dma_start3A_545 = arith.constant 0 : i32
        %dma_start3A_546 = arith.constant 0 : i32
        %dma_start3A_547 = tpu.memref_slice %arg8[%dma_start3A_545, %dma_start3A_546] : memref<160x128xf32, #tpu.memory_space<vmem>> -> memref<32x128xf32, #tpu.memory_space<vmem>>
        %dma_start3A_548 = arith.constant 0 : i32
        %dma_start3A_549 = tpu.memref_slice %arg7[%add3A_426, %dma_start3A_548] : memref<80x32xi32, #tpu.memory_space<vmem>> -> memref<1x32xi32, #tpu.memory_space<vmem>>
        %dma_start3A_550 = tpu.memref_squeeze %dma_start3A_549 : memref<1x32xi32, #tpu.memory_space<vmem>> -> memref<32xi32, #tpu.memory_space<vmem>>
        %dma_start3A_551 = arith.constant 0 : i32
        %dma_start3A_552 = arith.constant 0 : i32
        %dma_start3A_553 = tpu.memref_slice %arg9[%dma_start3A_551, %dma_start3A_552] : memref<10112x128xf32, #tpu.memory_space<vmem_shared>> -> memref<10112x128xf32, #tpu.memory_space<vmem_shared>>
        tpu.enqueue_indirect_dma source(%dma_start3A_547 : memref<32x128xf32, #tpu.memory_space<vmem>>) target(%dma_start3A_553 : memref<10112x128xf32, #tpu.memory_space<vmem_shared>>) offsets(%dma_start3A_550 : memref<32xi32, #tpu.memory_space<vmem>>) semaphore(%run_scoped3A_544 : memref<!tpu.dma_semaphore, #tpu.memory_space<semaphore_mem>>) {add = true}
        %dma_wait3A_554 = arith.constant 0 : i32
        %dma_wait3A_555 = arith.constant 0 : i32
        %dma_wait3A_556 = tpu.memref_slice %arg8[%dma_wait3A_554, %dma_wait3A_555] : memref<160x128xf32, #tpu.memory_space<vmem>> -> memref<32x128xf32, #tpu.memory_space<vmem>>
        %dma_wait3A_557 = arith.constant 0 : i32
        %dma_wait3A_558 = tpu.memref_slice %arg7[%add3A_426, %dma_wait3A_557] : memref<80x32xi32, #tpu.memory_space<vmem>> -> memref<1x32xi32, #tpu.memory_space<vmem>>
        %dma_wait3A_559 = tpu.memref_squeeze %dma_wait3A_558 : memref<1x32xi32, #tpu.memory_space<vmem>> -> memref<32xi32, #tpu.memory_space<vmem>>
        %dma_wait3A_560 = arith.constant 0 : i32
        %dma_wait3A_561 = arith.constant 0 : i32
        %dma_wait3A_562 = tpu.memref_slice %arg9[%dma_wait3A_560, %dma_wait3A_561] : memref<10112x128xf32, #tpu.memory_space<vmem_shared>> -> memref<10112x128xf32, #tpu.memory_space<vmem_shared>>
        tpu.wait_indirect_dma semaphore(%run_scoped3A_544 : memref<!tpu.dma_semaphore, #tpu.memory_space<semaphore_mem>>) src(%dma_wait3A_556 : memref<32x128xf32, #tpu.memory_space<vmem>>) dst(%dma_wait3A_562 : memref<10112x128xf32, #tpu.memory_space<vmem_shared>>)
        tpu.yield
      }) : () -> ()
      %add3A_448 = arith.constant 1 : i32
      %add3A_449 = arith.addi %add3A_424, %add3A_448 : i32
      %mul3A_450 = arith.constant 32 : i32
      %mul3A_451 = arith.muli %add3A_449, %mul3A_450 : i32
      %dma_wait3A_452 = arith.constant 32 : i32
      %dma_wait3A_453 = arith.constant 0 : i32
      %dma_wait3A_454 = tpu.memref_slice %arg8[%dma_wait3A_452, %dma_wait3A_453] : memref<160x128xf32, #tpu.memory_space<vmem>> -> memref<32x128xf32, #tpu.memory_space<vmem>>
      %dma_wait3A_455 = tpu.memref_slice %arg6[%mul3A_451] : memref<5120xi32, #tpu.memory_space<vmem>> -> memref<32xi32, #tpu.memory_space<vmem>>
      %dma_wait3A_456 = arith.constant 0 : i32
      %dma_wait3A_457 = arith.constant 0 : i32
      %dma_wait3A_458 = tpu.memref_slice %arg2[%dma_wait3A_456, %dma_wait3A_457] : memref<10000x128xf32, #tpu.memory_space<hbm>> -> memref<10000x128xf32, #tpu.memory_space<hbm>>
      tpu.wait_indirect_dma semaphore(%arg10 : memref<!tpu.dma_semaphore, #tpu.memory_space<semaphore_mem>>) src(%dma_wait3A_458 : memref<10000x128xf32, #tpu.memory_space<hbm>>) dst(%dma_wait3A_454 : memref<32x128xf32, #tpu.memory_space<vmem>>)
      %add3A_459 = arith.constant 5 : i32
      %add3A_460 = arith.addi %add3A_449, %add3A_459 : i32
      %sub3A_461 = arith.constant 1 : i32
      %sub3A_462 = arith.subi %add3A_460, %sub3A_461 : i32
      %mul3A_463 = arith.constant 32 : i32
      %mul3A_464 = arith.muli %sub3A_462, %mul3A_463 : i32
      %dma_start3A_465 = arith.constant 0 : i32
      %dma_start3A_466 = arith.constant 0 : i32
      %dma_start3A_467 = tpu.memref_slice %arg8[%dma_start3A_465, %dma_start3A_466] : memref<160x128xf32, #tpu.memory_space<vmem>> -> memref<32x128xf32, #tpu.memory_space<vmem>>
      %dma_start3A_468 = tpu.memref_slice %arg6[%mul3A_464] : memref<5120xi32, #tpu.memory_space<vmem>> -> memref<32xi32, #tpu.memory_space<vmem>>
      %dma_start3A_469 = arith.constant 0 : i32
      %dma_start3A_470 = arith.constant 0 : i32
      %dma_start3A_471 = tpu.memref_slice %arg2[%dma_start3A_469, %dma_start3A_470] : memref<10000x128xf32, #tpu.memory_space<hbm>> -> memref<10000x128xf32, #tpu.memory_space<hbm>>
      tpu.enqueue_indirect_dma source(%dma_start3A_471 : memref<10000x128xf32, #tpu.memory_space<hbm>>) target(%dma_start3A_467 : memref<32x128xf32, #tpu.memory_space<vmem>>) offsets(%dma_start3A_468 : memref<32xi32, #tpu.memory_space<vmem>>) semaphore(%arg10 : memref<!tpu.dma_semaphore, #tpu.memory_space<semaphore_mem>>)
      "tpu.region"() ({
        %run_scoped3A_544 = tpu.sem_alloc : memref<!tpu.dma_semaphore, #tpu.memory_space<semaphore_mem>>
        %dma_start3A_545 = arith.constant 32 : i32
        %dma_start3A_546 = arith.constant 0 : i32
        %dma_start3A_547 = tpu.memref_slice %arg8[%dma_start3A_545, %dma_start3A_546] : memref<160x128xf32, #tpu.memory_space<vmem>> -> memref<32x128xf32, #tpu.memory_space<vmem>>
        %dma_start3A_548 = arith.constant 0 : i32
        %dma_start3A_549 = tpu.memref_slice %arg7[%add3A_449, %dma_start3A_548] : memref<80x32xi32, #tpu.memory_space<vmem>> -> memref<1x32xi32, #tpu.memory_space<vmem>>
        %dma_start3A_550 = tpu.memref_squeeze %dma_start3A_549 : memref<1x32xi32, #tpu.memory_space<vmem>> -> memref<32xi32, #tpu.memory_space<vmem>>
        %dma_start3A_551 = arith.constant 0 : i32
        %dma_start3A_552 = arith.constant 0 : i32
        %dma_start3A_553 = tpu.memref_slice %arg9[%dma_start3A_551, %dma_start3A_552] : memref<10112x128xf32, #tpu.memory_space<vmem_shared>> -> memref<10112x128xf32, #tpu.memory_space<vmem_shared>>
        tpu.enqueue_indirect_dma source(%dma_start3A_547 : memref<32x128xf32, #tpu.memory_space<vmem>>) target(%dma_start3A_553 : memref<10112x128xf32, #tpu.memory_space<vmem_shared>>) offsets(%dma_start3A_550 : memref<32xi32, #tpu.memory_space<vmem>>) semaphore(%run_scoped3A_544 : memref<!tpu.dma_semaphore, #tpu.memory_space<semaphore_mem>>) {add = true}
        %dma_wait3A_554 = arith.constant 32 : i32
        %dma_wait3A_555 = arith.constant 0 : i32
        %dma_wait3A_556 = tpu.memref_slice %arg8[%dma_wait3A_554, %dma_wait3A_555] : memref<160x128xf32, #tpu.memory_space<vmem>> -> memref<32x128xf32, #tpu.memory_space<vmem>>
        %dma_wait3A_557 = arith.constant 0 : i32
        %dma_wait3A_558 = tpu.memref_slice %arg7[%add3A_449, %dma_wait3A_557] : memref<80x32xi32, #tpu.memory_space<vmem>> -> memref<1x32xi32, #tpu.memory_space<vmem>>
        %dma_wait3A_559 = tpu.memref_squeeze %dma_wait3A_558 : memref<1x32xi32, #tpu.memory_space<vmem>> -> memref<32xi32, #tpu.memory_space<vmem>>
        %dma_wait3A_560 = arith.constant 0 : i32
        %dma_wait3A_561 = arith.constant 0 : i32
        %dma_wait3A_562 = tpu.memref_slice %arg9[%dma_wait3A_560, %dma_wait3A_561] : memref<10112x128xf32, #tpu.memory_space<vmem_shared>> -> memref<10112x128xf32, #tpu.memory_space<vmem_shared>>
        tpu.wait_indirect_dma semaphore(%run_scoped3A_544 : memref<!tpu.dma_semaphore, #tpu.memory_space<semaphore_mem>>) src(%dma_wait3A_556 : memref<32x128xf32, #tpu.memory_space<vmem>>) dst(%dma_wait3A_562 : memref<10112x128xf32, #tpu.memory_space<vmem_shared>>)
        tpu.yield
      }) : () -> ()
      %add3A_472 = arith.constant 2 : i32
      %add3A_473 = arith.addi %add3A_424, %add3A_472 : i32
      %mul3A_474 = arith.constant 32 : i32
      %mul3A_475 = arith.muli %add3A_473, %mul3A_474 : i32
      %dma_wait3A_476 = arith.constant 64 : i32
      %dma_wait3A_477 = arith.constant 0 : i32
      %dma_wait3A_478 = tpu.memref_slice %arg8[%dma_wait3A_476, %dma_wait3A_477] : memref<160x128xf32, #tpu.memory_space<vmem>> -> memref<32x128xf32, #tpu.memory_space<vmem>>
      %dma_wait3A_479 = tpu.memref_slice %arg6[%mul3A_475] : memref<5120xi32, #tpu.memory_space<vmem>> -> memref<32xi32, #tpu.memory_space<vmem>>
      %dma_wait3A_480 = arith.constant 0 : i32
      %dma_wait3A_481 = arith.constant 0 : i32
      %dma_wait3A_482 = tpu.memref_slice %arg2[%dma_wait3A_480, %dma_wait3A_481] : memref<10000x128xf32, #tpu.memory_space<hbm>> -> memref<10000x128xf32, #tpu.memory_space<hbm>>
      tpu.wait_indirect_dma semaphore(%arg10 : memref<!tpu.dma_semaphore, #tpu.memory_space<semaphore_mem>>) src(%dma_wait3A_482 : memref<10000x128xf32, #tpu.memory_space<hbm>>) dst(%dma_wait3A_478 : memref<32x128xf32, #tpu.memory_space<vmem>>)
      %add3A_483 = arith.constant 5 : i32
      %add3A_484 = arith.addi %add3A_473, %add3A_483 : i32
      %sub3A_485 = arith.constant 1 : i32
      %sub3A_486 = arith.subi %add3A_484, %sub3A_485 : i32
      %mul3A_487 = arith.constant 32 : i32
      %mul3A_488 = arith.muli %sub3A_486, %mul3A_487 : i32
      %dma_start3A_489 = arith.constant 32 : i32
      %dma_start3A_490 = arith.constant 0 : i32
      %dma_start3A_491 = tpu.memref_slice %arg8[%dma_start3A_489, %dma_start3A_490] : memref<160x128xf32, #tpu.memory_space<vmem>> -> memref<32x128xf32, #tpu.memory_space<vmem>>
      %dma_start3A_492 = tpu.memref_slice %arg6[%mul3A_488] : memref<5120xi32, #tpu.memory_space<vmem>> -> memref<32xi32, #tpu.memory_space<vmem>>
      %dma_start3A_493 = arith.constant 0 : i32
      %dma_start3A_494 = arith.constant 0 : i32
      %dma_start3A_495 = tpu.memref_slice %arg2[%dma_start3A_493, %dma_start3A_494] : memref<10000x128xf32, #tpu.memory_space<hbm>> -> memref<10000x128xf32, #tpu.memory_space<hbm>>
      tpu.enqueue_indirect_dma source(%dma_start3A_495 : memref<10000x128xf32, #tpu.memory_space<hbm>>) target(%dma_start3A_491 : memref<32x128xf32, #tpu.memory_space<vmem>>) offsets(%dma_start3A_492 : memref<32xi32, #tpu.memory_space<vmem>>) semaphore(%arg10 : memref<!tpu.dma_semaphore, #tpu.memory_space<semaphore_mem>>)
      "tpu.region"() ({
        %run_scoped3A_544 = tpu.sem_alloc : memref<!tpu.dma_semaphore, #tpu.memory_space<semaphore_mem>>
        %dma_start3A_545 = arith.constant 64 : i32
        %dma_start3A_546 = arith.constant 0 : i32
        %dma_start3A_547 = tpu.memref_slice %arg8[%dma_start3A_545, %dma_start3A_546] : memref<160x128xf32, #tpu.memory_space<vmem>> -> memref<32x128xf32, #tpu.memory_space<vmem>>
        %dma_start3A_548 = arith.constant 0 : i32
        %dma_start3A_549 = tpu.memref_slice %arg7[%add3A_473, %dma_start3A_548] : memref<80x32xi32, #tpu.memory_space<vmem>> -> memref<1x32xi32, #tpu.memory_space<vmem>>
        %dma_start3A_550 = tpu.memref_squeeze %dma_start3A_549 : memref<1x32xi32, #tpu.memory_space<vmem>> -> memref<32xi32, #tpu.memory_space<vmem>>
        %dma_start3A_551 = arith.constant 0 : i32
        %dma_start3A_552 = arith.constant 0 : i32
        %dma_start3A_553 = tpu.memref_slice %arg9[%dma_start3A_551, %dma_start3A_552] : memref<10112x128xf32, #tpu.memory_space<vmem_shared>> -> memref<10112x128xf32, #tpu.memory_space<vmem_shared>>
        tpu.enqueue_indirect_dma source(%dma_start3A_547 : memref<32x128xf32, #tpu.memory_space<vmem>>) target(%dma_start3A_553 : memref<10112x128xf32, #tpu.memory_space<vmem_shared>>) offsets(%dma_start3A_550 : memref<32xi32, #tpu.memory_space<vmem>>) semaphore(%run_scoped3A_544 : memref<!tpu.dma_semaphore, #tpu.memory_space<semaphore_mem>>) {add = true}
        %dma_wait3A_554 = arith.constant 64 : i32
        %dma_wait3A_555 = arith.constant 0 : i32
        %dma_wait3A_556 = tpu.memref_slice %arg8[%dma_wait3A_554, %dma_wait3A_555] : memref<160x128xf32, #tpu.memory_space<vmem>> -> memref<32x128xf32, #tpu.memory_space<vmem>>
        %dma_wait3A_557 = arith.constant 0 : i32
        %dma_wait3A_558 = tpu.memref_slice %arg7[%add3A_473, %dma_wait3A_557] : memref<80x32xi32, #tpu.memory_space<vmem>> -> memref<1x32xi32, #tpu.memory_space<vmem>>
        %dma_wait3A_559 = tpu.memref_squeeze %dma_wait3A_558 : memref<1x32xi32, #tpu.memory_space<vmem>> -> memref<32xi32, #tpu.memory_space<vmem>>
        %dma_wait3A_560 = arith.constant 0 : i32
        %dma_wait3A_561 = arith.constant 0 : i32
        %dma_wait3A_562 = tpu.memref_slice %arg9[%dma_wait3A_560, %dma_wait3A_561] : memref<10112x128xf32, #tpu.memory_space<vmem_shared>> -> memref<10112x128xf32, #tpu.memory_space<vmem_shared>>
        tpu.wait_indirect_dma semaphore(%run_scoped3A_544 : memref<!tpu.dma_semaphore, #tpu.memory_space<semaphore_mem>>) src(%dma_wait3A_556 : memref<32x128xf32, #tpu.memory_space<vmem>>) dst(%dma_wait3A_562 : memref<10112x128xf32, #tpu.memory_space<vmem_shared>>)
        tpu.yield
      }) : () -> ()
      %add3A_496 = arith.constant 3 : i32
      %add3A_497 = arith.addi %add3A_424, %add3A_496 : i32
      %mul3A_498 = arith.constant 32 : i32
      %mul3A_499 = arith.muli %add3A_497, %mul3A_498 : i32
      %dma_wait3A_500 = arith.constant 96 : i32
      %dma_wait3A_501 = arith.constant 0 : i32
      %dma_wait3A_502 = tpu.memref_slice %arg8[%dma_wait3A_500, %dma_wait3A_501] : memref<160x128xf32, #tpu.memory_space<vmem>> -> memref<32x128xf32, #tpu.memory_space<vmem>>
      %dma_wait3A_503 = tpu.memref_slice %arg6[%mul3A_499] : memref<5120xi32, #tpu.memory_space<vmem>> -> memref<32xi32, #tpu.memory_space<vmem>>
      %dma_wait3A_504 = arith.constant 0 : i32
      %dma_wait3A_505 = arith.constant 0 : i32
      %dma_wait3A_506 = tpu.memref_slice %arg2[%dma_wait3A_504, %dma_wait3A_505] : memref<10000x128xf32, #tpu.memory_space<hbm>> -> memref<10000x128xf32, #tpu.memory_space<hbm>>
      tpu.wait_indirect_dma semaphore(%arg10 : memref<!tpu.dma_semaphore, #tpu.memory_space<semaphore_mem>>) src(%dma_wait3A_506 : memref<10000x128xf32, #tpu.memory_space<hbm>>) dst(%dma_wait3A_502 : memref<32x128xf32, #tpu.memory_space<vmem>>)
      %add3A_507 = arith.constant 5 : i32
      %add3A_508 = arith.addi %add3A_497, %add3A_507 : i32
      %sub3A_509 = arith.constant 1 : i32
      %sub3A_510 = arith.subi %add3A_508, %sub3A_509 : i32
      %mul3A_511 = arith.constant 32 : i32
      %mul3A_512 = arith.muli %sub3A_510, %mul3A_511 : i32
      %dma_start3A_513 = arith.constant 64 : i32
      %dma_start3A_514 = arith.constant 0 : i32
      %dma_start3A_515 = tpu.memref_slice %arg8[%dma_start3A_513, %dma_start3A_514] : memref<160x128xf32, #tpu.memory_space<vmem>> -> memref<32x128xf32, #tpu.memory_space<vmem>>
      %dma_start3A_516 = tpu.memref_slice %arg6[%mul3A_512] : memref<5120xi32, #tpu.memory_space<vmem>> -> memref<32xi32, #tpu.memory_space<vmem>>
      %dma_start3A_517 = arith.constant 0 : i32
      %dma_start3A_518 = arith.constant 0 : i32
      %dma_start3A_519 = tpu.memref_slice %arg2[%dma_start3A_517, %dma_start3A_518] : memref<10000x128xf32, #tpu.memory_space<hbm>> -> memref<10000x128xf32, #tpu.memory_space<hbm>>
      tpu.enqueue_indirect_dma source(%dma_start3A_519 : memref<10000x128xf32, #tpu.memory_space<hbm>>) target(%dma_start3A_515 : memref<32x128xf32, #tpu.memory_space<vmem>>) offsets(%dma_start3A_516 : memref<32xi32, #tpu.memory_space<vmem>>) semaphore(%arg10 : memref<!tpu.dma_semaphore, #tpu.memory_space<semaphore_mem>>)
      "tpu.region"() ({
        %run_scoped3A_544 = tpu.sem_alloc : memref<!tpu.dma_semaphore, #tpu.memory_space<semaphore_mem>>
        %dma_start3A_545 = arith.constant 96 : i32
        %dma_start3A_546 = arith.constant 0 : i32
        %dma_start3A_547 = tpu.memref_slice %arg8[%dma_start3A_545, %dma_start3A_546] : memref<160x128xf32, #tpu.memory_space<vmem>> -> memref<32x128xf32, #tpu.memory_space<vmem>>
        %dma_start3A_548 = arith.constant 0 : i32
        %dma_start3A_549 = tpu.memref_slice %arg7[%add3A_497, %dma_start3A_548] : memref<80x32xi32, #tpu.memory_space<vmem>> -> memref<1x32xi32, #tpu.memory_space<vmem>>
        %dma_start3A_550 = tpu.memref_squeeze %dma_start3A_549 : memref<1x32xi32, #tpu.memory_space<vmem>> -> memref<32xi32, #tpu.memory_space<vmem>>
        %dma_start3A_551 = arith.constant 0 : i32
        %dma_start3A_552 = arith.constant 0 : i32
        %dma_start3A_553 = tpu.memref_slice %arg9[%dma_start3A_551, %dma_start3A_552] : memref<10112x128xf32, #tpu.memory_space<vmem_shared>> -> memref<10112x128xf32, #tpu.memory_space<vmem_shared>>
        tpu.enqueue_indirect_dma source(%dma_start3A_547 : memref<32x128xf32, #tpu.memory_space<vmem>>) target(%dma_start3A_553 : memref<10112x128xf32, #tpu.memory_space<vmem_shared>>) offsets(%dma_start3A_550 : memref<32xi32, #tpu.memory_space<vmem>>) semaphore(%run_scoped3A_544 : memref<!tpu.dma_semaphore, #tpu.memory_space<semaphore_mem>>) {add = true}
        %dma_wait3A_554 = arith.constant 96 : i32
        %dma_wait3A_555 = arith.constant 0 : i32
        %dma_wait3A_556 = tpu.memref_slice %arg8[%dma_wait3A_554, %dma_wait3A_555] : memref<160x128xf32, #tpu.memory_space<vmem>> -> memref<32x128xf32, #tpu.memory_space<vmem>>
        %dma_wait3A_557 = arith.constant 0 : i32
        %dma_wait3A_558 = tpu.memref_slice %arg7[%add3A_497, %dma_wait3A_557] : memref<80x32xi32, #tpu.memory_space<vmem>> -> memref<1x32xi32, #tpu.memory_space<vmem>>
        %dma_wait3A_559 = tpu.memref_squeeze %dma_wait3A_558 : memref<1x32xi32, #tpu.memory_space<vmem>> -> memref<32xi32, #tpu.memory_space<vmem>>
        %dma_wait3A_560 = arith.constant 0 : i32
        %dma_wait3A_561 = arith.constant 0 : i32
        %dma_wait3A_562 = tpu.memref_slice %arg9[%dma_wait3A_560, %dma_wait3A_561] : memref<10112x128xf32, #tpu.memory_space<vmem_shared>> -> memref<10112x128xf32, #tpu.memory_space<vmem_shared>>
        tpu.wait_indirect_dma semaphore(%run_scoped3A_544 : memref<!tpu.dma_semaphore, #tpu.memory_space<semaphore_mem>>) src(%dma_wait3A_556 : memref<32x128xf32, #tpu.memory_space<vmem>>) dst(%dma_wait3A_562 : memref<10112x128xf32, #tpu.memory_space<vmem_shared>>)
        tpu.yield
      }) : () -> ()
      %add3A_520 = arith.constant 4 : i32
      %add3A_521 = arith.addi %add3A_424, %add3A_520 : i32
      %mul3A_522 = arith.constant 32 : i32
      %mul3A_523 = arith.muli %add3A_521, %mul3A_522 : i32
      %dma_wait3A_524 = arith.constant 128 : i32
      %dma_wait3A_525 = arith.constant 0 : i32
      %dma_wait3A_526 = tpu.memref_slice %arg8[%dma_wait3A_524, %dma_wait3A_525] : memref<160x128xf32, #tpu.memory_space<vmem>> -> memref<32x128xf32, #tpu.memory_space<vmem>>
      %dma_wait3A_527 = tpu.memref_slice %arg6[%mul3A_523] : memref<5120xi32, #tpu.memory_space<vmem>> -> memref<32xi32, #tpu.memory_space<vmem>>
      %dma_wait3A_528 = arith.constant 0 : i32
      %dma_wait3A_529 = arith.constant 0 : i32
      %dma_wait3A_530 = tpu.memref_slice %arg2[%dma_wait3A_528, %dma_wait3A_529] : memref<10000x128xf32, #tpu.memory_space<hbm>> -> memref<10000x128xf32, #tpu.memory_space<hbm>>
      tpu.wait_indirect_dma semaphore(%arg10 : memref<!tpu.dma_semaphore, #tpu.memory_space<semaphore_mem>>) src(%dma_wait3A_530 : memref<10000x128xf32, #tpu.memory_space<hbm>>) dst(%dma_wait3A_526 : memref<32x128xf32, #tpu.memory_space<vmem>>)
      %add3A_531 = arith.constant 5 : i32
      %add3A_532 = arith.addi %add3A_521, %add3A_531 : i32
      %sub3A_533 = arith.constant 1 : i32
      %sub3A_534 = arith.subi %add3A_532, %sub3A_533 : i32
      %mul3A_535 = arith.constant 32 : i32
      %mul3A_536 = arith.muli %sub3A_534, %mul3A_535 : i32
      %dma_start3A_537 = arith.constant 96 : i32
      %dma_start3A_538 = arith.constant 0 : i32
      %dma_start3A_539 = tpu.memref_slice %arg8[%dma_start3A_537, %dma_start3A_538] : memref<160x128xf32, #tpu.memory_space<vmem>> -> memref<32x128xf32, #tpu.memory_space<vmem>>
      %dma_start3A_540 = tpu.memref_slice %arg6[%mul3A_536] : memref<5120xi32, #tpu.memory_space<vmem>> -> memref<32xi32, #tpu.memory_space<vmem>>
      %dma_start3A_541 = arith.constant 0 : i32
      %dma_start3A_542 = arith.constant 0 : i32
      %dma_start3A_543 = tpu.memref_slice %arg2[%dma_start3A_541, %dma_start3A_542] : memref<10000x128xf32, #tpu.memory_space<hbm>> -> memref<10000x128xf32, #tpu.memory_space<hbm>>
      tpu.enqueue_indirect_dma source(%dma_start3A_543 : memref<10000x128xf32, #tpu.memory_space<hbm>>) target(%dma_start3A_539 : memref<32x128xf32, #tpu.memory_space<vmem>>) offsets(%dma_start3A_540 : memref<32xi32, #tpu.memory_space<vmem>>) semaphore(%arg10 : memref<!tpu.dma_semaphore, #tpu.memory_space<semaphore_mem>>)
      "tpu.region"() ({
        %run_scoped3A_544 = tpu.sem_alloc : memref<!tpu.dma_semaphore, #tpu.memory_space<semaphore_mem>>
        %dma_start3A_545 = arith.constant 128 : i32
        %dma_start3A_546 = arith.constant 0 : i32
        %dma_start3A_547 = tpu.memref_slice %arg8[%dma_start3A_545, %dma_start3A_546] : memref<160x128xf32, #tpu.memory_space<vmem>> -> memref<32x128xf32, #tpu.memory_space<vmem>>
        %dma_start3A_548 = arith.constant 0 : i32
        %dma_start3A_549 = tpu.memref_slice %arg7[%add3A_521, %dma_start3A_548] : memref<80x32xi32, #tpu.memory_space<vmem>> -> memref<1x32xi32, #tpu.memory_space<vmem>>
        %dma_start3A_550 = tpu.memref_squeeze %dma_start3A_549 : memref<1x32xi32, #tpu.memory_space<vmem>> -> memref<32xi32, #tpu.memory_space<vmem>>
        %dma_start3A_551 = arith.constant 0 : i32
        %dma_start3A_552 = arith.constant 0 : i32
        %dma_start3A_553 = tpu.memref_slice %arg9[%dma_start3A_551, %dma_start3A_552] : memref<10112x128xf32, #tpu.memory_space<vmem_shared>> -> memref<10112x128xf32, #tpu.memory_space<vmem_shared>>
        tpu.enqueue_indirect_dma source(%dma_start3A_547 : memref<32x128xf32, #tpu.memory_space<vmem>>) target(%dma_start3A_553 : memref<10112x128xf32, #tpu.memory_space<vmem_shared>>) offsets(%dma_start3A_550 : memref<32xi32, #tpu.memory_space<vmem>>) semaphore(%run_scoped3A_544 : memref<!tpu.dma_semaphore, #tpu.memory_space<semaphore_mem>>) {add = true}
        %dma_wait3A_554 = arith.constant 128 : i32
        %dma_wait3A_555 = arith.constant 0 : i32
        %dma_wait3A_556 = tpu.memref_slice %arg8[%dma_wait3A_554, %dma_wait3A_555] : memref<160x128xf32, #tpu.memory_space<vmem>> -> memref<32x128xf32, #tpu.memory_space<vmem>>
        %dma_wait3A_557 = arith.constant 0 : i32
        %dma_wait3A_558 = tpu.memref_slice %arg7[%add3A_521, %dma_wait3A_557] : memref<80x32xi32, #tpu.memory_space<vmem>> -> memref<1x32xi32, #tpu.memory_space<vmem>>
        %dma_wait3A_559 = tpu.memref_squeeze %dma_wait3A_558 : memref<1x32xi32, #tpu.memory_space<vmem>> -> memref<32xi32, #tpu.memory_space<vmem>>
        %dma_wait3A_560 = arith.constant 0 : i32
        %dma_wait3A_561 = arith.constant 0 : i32
        %dma_wait3A_562 = tpu.memref_slice %arg9[%dma_wait3A_560, %dma_wait3A_561] : memref<10112x128xf32, #tpu.memory_space<vmem_shared>> -> memref<10112x128xf32, #tpu.memory_space<vmem_shared>>
        tpu.wait_indirect_dma semaphore(%run_scoped3A_544 : memref<!tpu.dma_semaphore, #tpu.memory_space<semaphore_mem>>) src(%dma_wait3A_556 : memref<32x128xf32, #tpu.memory_space<vmem>>) dst(%dma_wait3A_562 : memref<10112x128xf32, #tpu.memory_space<vmem_shared>>)
        tpu.yield
      }) : () -> ()
    }
    %scan3A_361 = arith.constant 15 : i32
    %dma_wait3A_362 = arith.constant 0 : i32
    %dma_wait3A_363 = arith.constant 0 : i32
    %dma_wait3A_364 = tpu.memref_slice %arg8[%dma_wait3A_362, %dma_wait3A_363] : memref<160x128xf32, #tpu.memory_space<vmem>> -> memref<32x128xf32, #tpu.memory_space<vmem>>
    %dma_wait3A_365 = arith.constant 2400 : i32
    %dma_wait3A_366 = tpu.memref_slice %arg6[%dma_wait3A_365] : memref<5120xi32, #tpu.memory_space<vmem>> -> memref<32xi32, #tpu.memory_space<vmem>>
    %dma_wait3A_367 = arith.constant 0 : i32
    %dma_wait3A_368 = arith.constant 0 : i32
    %dma_wait3A_369 = tpu.memref_slice %arg2[%dma_wait3A_367, %dma_wait3A_368] : memref<10000x128xf32, #tpu.memory_space<hbm>> -> memref<10000x128xf32, #tpu.memory_space<hbm>>
    tpu.wait_indirect_dma semaphore(%arg10 : memref<!tpu.dma_semaphore, #tpu.memory_space<semaphore_mem>>) src(%dma_wait3A_369 : memref<10000x128xf32, #tpu.memory_space<hbm>>) dst(%dma_wait3A_364 : memref<32x128xf32, #tpu.memory_space<vmem>>)
    %dma_start3A_370 = arith.constant 128 : i32
    %dma_start3A_371 = arith.constant 0 : i32
    %dma_start3A_372 = tpu.memref_slice %arg8[%dma_start3A_370, %dma_start3A_371] : memref<160x128xf32, #tpu.memory_space<vmem>> -> memref<32x128xf32, #tpu.memory_space<vmem>>
    %dma_start3A_373 = arith.constant 2528 : i32
    %dma_start3A_374 = tpu.memref_slice %arg6[%dma_start3A_373] : memref<5120xi32, #tpu.memory_space<vmem>> -> memref<32xi32, #tpu.memory_space<vmem>>
    %dma_start3A_375 = arith.constant 0 : i32
    %dma_start3A_376 = arith.constant 0 : i32
    %dma_start3A_377 = tpu.memref_slice %arg2[%dma_start3A_375, %dma_start3A_376] : memref<10000x128xf32, #tpu.memory_space<hbm>> -> memref<10000x128xf32, #tpu.memory_space<hbm>>
    tpu.enqueue_indirect_dma source(%dma_start3A_377 : memref<10000x128xf32, #tpu.memory_space<hbm>>) target(%dma_start3A_372 : memref<32x128xf32, #tpu.memory_space<vmem>>) offsets(%dma_start3A_374 : memref<32xi32, #tpu.memory_space<vmem>>) semaphore(%arg10 : memref<!tpu.dma_semaphore, #tpu.memory_space<semaphore_mem>>)
    %run_scoped3A_378 = arith.constant 75 : i32
    "tpu.region"() ({
      %run_scoped3A_420 = tpu.sem_alloc : memref<!tpu.dma_semaphore, #tpu.memory_space<semaphore_mem>>
      %dma_start3A_421 = arith.constant 0 : i32
      %dma_start3A_422 = arith.constant 0 : i32
      %dma_start3A_423 = tpu.memref_slice %arg8[%dma_start3A_421, %dma_start3A_422] : memref<160x128xf32, #tpu.memory_space<vmem>> -> memref<32x128xf32, #tpu.memory_space<vmem>>
      %dma_start3A_424 = arith.constant 0 : i32
      %dma_start3A_425 = tpu.memref_slice %arg7[%run_scoped3A_378, %dma_start3A_424] : memref<80x32xi32, #tpu.memory_space<vmem>> -> memref<1x32xi32, #tpu.memory_space<vmem>>
      %dma_start3A_426 = tpu.memref_squeeze %dma_start3A_425 : memref<1x32xi32, #tpu.memory_space<vmem>> -> memref<32xi32, #tpu.memory_space<vmem>>
      %dma_start3A_427 = arith.constant 0 : i32
      %dma_start3A_428 = arith.constant 0 : i32
      %dma_start3A_429 = tpu.memref_slice %arg9[%dma_start3A_427, %dma_start3A_428] : memref<10112x128xf32, #tpu.memory_space<vmem_shared>> -> memref<10112x128xf32, #tpu.memory_space<vmem_shared>>
      tpu.enqueue_indirect_dma source(%dma_start3A_423 : memref<32x128xf32, #tpu.memory_space<vmem>>) target(%dma_start3A_429 : memref<10112x128xf32, #tpu.memory_space<vmem_shared>>) offsets(%dma_start3A_426 : memref<32xi32, #tpu.memory_space<vmem>>) semaphore(%run_scoped3A_420 : memref<!tpu.dma_semaphore, #tpu.memory_space<semaphore_mem>>) {add = true}
      %dma_wait3A_430 = arith.constant 0 : i32
      %dma_wait3A_431 = arith.constant 0 : i32
      %dma_wait3A_432 = tpu.memref_slice %arg8[%dma_wait3A_430, %dma_wait3A_431] : memref<160x128xf32, #tpu.memory_space<vmem>> -> memref<32x128xf32, #tpu.memory_space<vmem>>
      %dma_wait3A_433 = arith.constant 0 : i32
      %dma_wait3A_434 = tpu.memref_slice %arg7[%run_scoped3A_378, %dma_wait3A_433] : memref<80x32xi32, #tpu.memory_space<vmem>> -> memref<1x32xi32, #tpu.memory_space<vmem>>
      %dma_wait3A_435 = tpu.memref_squeeze %dma_wait3A_434 : memref<1x32xi32, #tpu.memory_space<vmem>> -> memref<32xi32, #tpu.memory_space<vmem>>
      %dma_wait3A_436 = arith.constant 0 : i32
      %dma_wait3A_437 = arith.constant 0 : i32
      %dma_wait3A_438 = tpu.memref_slice %arg9[%dma_wait3A_436, %dma_wait3A_437] : memref<10112x128xf32, #tpu.memory_space<vmem_shared>> -> memref<10112x128xf32, #tpu.memory_space<vmem_shared>>
      tpu.wait_indirect_dma semaphore(%run_scoped3A_420 : memref<!tpu.dma_semaphore, #tpu.memory_space<semaphore_mem>>) src(%dma_wait3A_432 : memref<32x128xf32, #tpu.memory_space<vmem>>) dst(%dma_wait3A_438 : memref<10112x128xf32, #tpu.memory_space<vmem_shared>>)
      tpu.yield
    }) : () -> ()
    %dma_wait3A_379 = arith.constant 32 : i32
    %dma_wait3A_380 = arith.constant 0 : i32
    %dma_wait3A_381 = tpu.memref_slice %arg8[%dma_wait3A_379, %dma_wait3A_380] : memref<160x128xf32, #tpu.memory_space<vmem>> -> memref<32x128xf32, #tpu.memory_space<vmem>>
    %dma_wait3A_382 = arith.constant 2432 : i32
    %dma_wait3A_383 = tpu.memref_slice %arg6[%dma_wait3A_382] : memref<5120xi32, #tpu.memory_space<vmem>> -> memref<32xi32, #tpu.memory_space<vmem>>
    %dma_wait3A_384 = arith.constant 0 : i32
    %dma_wait3A_385 = arith.constant 0 : i32
    %dma_wait3A_386 = tpu.memref_slice %arg2[%dma_wait3A_384, %dma_wait3A_385] : memref<10000x128xf32, #tpu.memory_space<hbm>> -> memref<10000x128xf32, #tpu.memory_space<hbm>>
    tpu.wait_indirect_dma semaphore(%arg10 : memref<!tpu.dma_semaphore, #tpu.memory_space<semaphore_mem>>) src(%dma_wait3A_386 : memref<10000x128xf32, #tpu.memory_space<hbm>>) dst(%dma_wait3A_381 : memref<32x128xf32, #tpu.memory_space<vmem>>)
    %run_scoped3A_387 = arith.constant 76 : i32
    "tpu.region"() ({
      %run_scoped3A_420 = tpu.sem_alloc : memref<!tpu.dma_semaphore, #tpu.memory_space<semaphore_mem>>
      %dma_start3A_421 = arith.constant 32 : i32
      %dma_start3A_422 = arith.constant 0 : i32
      %dma_start3A_423 = tpu.memref_slice %arg8[%dma_start3A_421, %dma_start3A_422] : memref<160x128xf32, #tpu.memory_space<vmem>> -> memref<32x128xf32, #tpu.memory_space<vmem>>
      %dma_start3A_424 = arith.constant 0 : i32
      %dma_start3A_425 = tpu.memref_slice %arg7[%run_scoped3A_387, %dma_start3A_424] : memref<80x32xi32, #tpu.memory_space<vmem>> -> memref<1x32xi32, #tpu.memory_space<vmem>>
      %dma_start3A_426 = tpu.memref_squeeze %dma_start3A_425 : memref<1x32xi32, #tpu.memory_space<vmem>> -> memref<32xi32, #tpu.memory_space<vmem>>
      %dma_start3A_427 = arith.constant 0 : i32
      %dma_start3A_428 = arith.constant 0 : i32
      %dma_start3A_429 = tpu.memref_slice %arg9[%dma_start3A_427, %dma_start3A_428] : memref<10112x128xf32, #tpu.memory_space<vmem_shared>> -> memref<10112x128xf32, #tpu.memory_space<vmem_shared>>
      tpu.enqueue_indirect_dma source(%dma_start3A_423 : memref<32x128xf32, #tpu.memory_space<vmem>>) target(%dma_start3A_429 : memref<10112x128xf32, #tpu.memory_space<vmem_shared>>) offsets(%dma_start3A_426 : memref<32xi32, #tpu.memory_space<vmem>>) semaphore(%run_scoped3A_420 : memref<!tpu.dma_semaphore, #tpu.memory_space<semaphore_mem>>) {add = true}
      %dma_wait3A_430 = arith.constant 32 : i32
      %dma_wait3A_431 = arith.constant 0 : i32
      %dma_wait3A_432 = tpu.memref_slice %arg8[%dma_wait3A_430, %dma_wait3A_431] : memref<160x128xf32, #tpu.memory_space<vmem>> -> memref<32x128xf32, #tpu.memory_space<vmem>>
      %dma_wait3A_433 = arith.constant 0 : i32
      %dma_wait3A_434 = tpu.memref_slice %arg7[%run_scoped3A_387, %dma_wait3A_433] : memref<80x32xi32, #tpu.memory_space<vmem>> -> memref<1x32xi32, #tpu.memory_space<vmem>>
      %dma_wait3A_435 = tpu.memref_squeeze %dma_wait3A_434 : memref<1x32xi32, #tpu.memory_space<vmem>> -> memref<32xi32, #tpu.memory_space<vmem>>
      %dma_wait3A_436 = arith.constant 0 : i32
      %dma_wait3A_437 = arith.constant 0 : i32
      %dma_wait3A_438 = tpu.memref_slice %arg9[%dma_wait3A_436, %dma_wait3A_437] : memref<10112x128xf32, #tpu.memory_space<vmem_shared>> -> memref<10112x128xf32, #tpu.memory_space<vmem_shared>>
      tpu.wait_indirect_dma semaphore(%run_scoped3A_420 : memref<!tpu.dma_semaphore, #tpu.memory_space<semaphore_mem>>) src(%dma_wait3A_432 : memref<32x128xf32, #tpu.memory_space<vmem>>) dst(%dma_wait3A_438 : memref<10112x128xf32, #tpu.memory_space<vmem_shared>>)
      tpu.yield
    }) : () -> ()
    %dma_wait3A_388 = arith.constant 64 : i32
    %dma_wait3A_389 = arith.constant 0 : i32
    %dma_wait3A_390 = tpu.memref_slice %arg8[%dma_wait3A_388, %dma_wait3A_389] : memref<160x128xf32, #tpu.memory_space<vmem>> -> memref<32x128xf32, #tpu.memory_space<vmem>>
    %dma_wait3A_391 = arith.constant 2464 : i32
    %dma_wait3A_392 = tpu.memref_slice %arg6[%dma_wait3A_391] : memref<5120xi32, #tpu.memory_space<vmem>> -> memref<32xi32, #tpu.memory_space<vmem>>
    %dma_wait3A_393 = arith.constant 0 : i32
    %dma_wait3A_394 = arith.constant 0 : i32
    %dma_wait3A_395 = tpu.memref_slice %arg2[%dma_wait3A_393, %dma_wait3A_394] : memref<10000x128xf32, #tpu.memory_space<hbm>> -> memref<10000x128xf32, #tpu.memory_space<hbm>>
    tpu.wait_indirect_dma semaphore(%arg10 : memref<!tpu.dma_semaphore, #tpu.memory_space<semaphore_mem>>) src(%dma_wait3A_395 : memref<10000x128xf32, #tpu.memory_space<hbm>>) dst(%dma_wait3A_390 : memref<32x128xf32, #tpu.memory_space<vmem>>)
    %run_scoped3A_396 = arith.constant 77 : i32
    "tpu.region"() ({
      %run_scoped3A_420 = tpu.sem_alloc : memref<!tpu.dma_semaphore, #tpu.memory_space<semaphore_mem>>
      %dma_start3A_421 = arith.constant 64 : i32
      %dma_start3A_422 = arith.constant 0 : i32
      %dma_start3A_423 = tpu.memref_slice %arg8[%dma_start3A_421, %dma_start3A_422] : memref<160x128xf32, #tpu.memory_space<vmem>> -> memref<32x128xf32, #tpu.memory_space<vmem>>
      %dma_start3A_424 = arith.constant 0 : i32
      %dma_start3A_425 = tpu.memref_slice %arg7[%run_scoped3A_396, %dma_start3A_424] : memref<80x32xi32, #tpu.memory_space<vmem>> -> memref<1x32xi32, #tpu.memory_space<vmem>>
      %dma_start3A_426 = tpu.memref_squeeze %dma_start3A_425 : memref<1x32xi32, #tpu.memory_space<vmem>> -> memref<32xi32, #tpu.memory_space<vmem>>
      %dma_start3A_427 = arith.constant 0 : i32
      %dma_start3A_428 = arith.constant 0 : i32
      %dma_start3A_429 = tpu.memref_slice %arg9[%dma_start3A_427, %dma_start3A_428] : memref<10112x128xf32, #tpu.memory_space<vmem_shared>> -> memref<10112x128xf32, #tpu.memory_space<vmem_shared>>
      tpu.enqueue_indirect_dma source(%dma_start3A_423 : memref<32x128xf32, #tpu.memory_space<vmem>>) target(%dma_start3A_429 : memref<10112x128xf32, #tpu.memory_space<vmem_shared>>) offsets(%dma_start3A_426 : memref<32xi32, #tpu.memory_space<vmem>>) semaphore(%run_scoped3A_420 : memref<!tpu.dma_semaphore, #tpu.memory_space<semaphore_mem>>) {add = true}
      %dma_wait3A_430 = arith.constant 64 : i32
      %dma_wait3A_431 = arith.constant 0 : i32
      %dma_wait3A_432 = tpu.memref_slice %arg8[%dma_wait3A_430, %dma_wait3A_431] : memref<160x128xf32, #tpu.memory_space<vmem>> -> memref<32x128xf32, #tpu.memory_space<vmem>>
      %dma_wait3A_433 = arith.constant 0 : i32
      %dma_wait3A_434 = tpu.memref_slice %arg7[%run_scoped3A_396, %dma_wait3A_433] : memref<80x32xi32, #tpu.memory_space<vmem>> -> memref<1x32xi32, #tpu.memory_space<vmem>>
      %dma_wait3A_435 = tpu.memref_squeeze %dma_wait3A_434 : memref<1x32xi32, #tpu.memory_space<vmem>> -> memref<32xi32, #tpu.memory_space<vmem>>
      %dma_wait3A_436 = arith.constant 0 : i32
      %dma_wait3A_437 = arith.constant 0 : i32
      %dma_wait3A_438 = tpu.memref_slice %arg9[%dma_wait3A_436, %dma_wait3A_437] : memref<10112x128xf32, #tpu.memory_space<vmem_shared>> -> memref<10112x128xf32, #tpu.memory_space<vmem_shared>>
      tpu.wait_indirect_dma semaphore(%run_scoped3A_420 : memref<!tpu.dma_semaphore, #tpu.memory_space<semaphore_mem>>) src(%dma_wait3A_432 : memref<32x128xf32, #tpu.memory_space<vmem>>) dst(%dma_wait3A_438 : memref<10112x128xf32, #tpu.memory_space<vmem_shared>>)
      tpu.yield
    }) : () -> ()
    %dma_wait3A_397 = arith.constant 96 : i32
    %dma_wait3A_398 = arith.constant 0 : i32
    %dma_wait3A_399 = tpu.memref_slice %arg8[%dma_wait3A_397, %dma_wait3A_398] : memref<160x128xf32, #tpu.memory_space<vmem>> -> memref<32x128xf32, #tpu.memory_space<vmem>>
    %dma_wait3A_400 = arith.constant 2496 : i32
    %dma_wait3A_401 = tpu.memref_slice %arg6[%dma_wait3A_400] : memref<5120xi32, #tpu.memory_space<vmem>> -> memref<32xi32, #tpu.memory_space<vmem>>
    %dma_wait3A_402 = arith.constant 0 : i32
    %dma_wait3A_403 = arith.constant 0 : i32
    %dma_wait3A_404 = tpu.memref_slice %arg2[%dma_wait3A_402, %dma_wait3A_403] : memref<10000x128xf32, #tpu.memory_space<hbm>> -> memref<10000x128xf32, #tpu.memory_space<hbm>>
    tpu.wait_indirect_dma semaphore(%arg10 : memref<!tpu.dma_semaphore, #tpu.memory_space<semaphore_mem>>) src(%dma_wait3A_404 : memref<10000x128xf32, #tpu.memory_space<hbm>>) dst(%dma_wait3A_399 : memref<32x128xf32, #tpu.memory_space<vmem>>)
    %run_scoped3A_405 = arith.constant 78 : i32
    "tpu.region"() ({
      %run_scoped3A_420 = tpu.sem_alloc : memref<!tpu.dma_semaphore, #tpu.memory_space<semaphore_mem>>
      %dma_start3A_421 = arith.constant 96 : i32
      %dma_start3A_422 = arith.constant 0 : i32
      %dma_start3A_423 = tpu.memref_slice %arg8[%dma_start3A_421, %dma_start3A_422] : memref<160x128xf32, #tpu.memory_space<vmem>> -> memref<32x128xf32, #tpu.memory_space<vmem>>
      %dma_start3A_424 = arith.constant 0 : i32
      %dma_start3A_425 = tpu.memref_slice %arg7[%run_scoped3A_405, %dma_start3A_424] : memref<80x32xi32, #tpu.memory_space<vmem>> -> memref<1x32xi32, #tpu.memory_space<vmem>>
      %dma_start3A_426 = tpu.memref_squeeze %dma_start3A_425 : memref<1x32xi32, #tpu.memory_space<vmem>> -> memref<32xi32, #tpu.memory_space<vmem>>
      %dma_start3A_427 = arith.constant 0 : i32
      %dma_start3A_428 = arith.constant 0 : i32
      %dma_start3A_429 = tpu.memref_slice %arg9[%dma_start3A_427, %dma_start3A_428] : memref<10112x128xf32, #tpu.memory_space<vmem_shared>> -> memref<10112x128xf32, #tpu.memory_space<vmem_shared>>
      tpu.enqueue_indirect_dma source(%dma_start3A_423 : memref<32x128xf32, #tpu.memory_space<vmem>>) target(%dma_start3A_429 : memref<10112x128xf32, #tpu.memory_space<vmem_shared>>) offsets(%dma_start3A_426 : memref<32xi32, #tpu.memory_space<vmem>>) semaphore(%run_scoped3A_420 : memref<!tpu.dma_semaphore, #tpu.memory_space<semaphore_mem>>) {add = true}
      %dma_wait3A_430 = arith.constant 96 : i32
      %dma_wait3A_431 = arith.constant 0 : i32
      %dma_wait3A_432 = tpu.memref_slice %arg8[%dma_wait3A_430, %dma_wait3A_431] : memref<160x128xf32, #tpu.memory_space<vmem>> -> memref<32x128xf32, #tpu.memory_space<vmem>>
      %dma_wait3A_433 = arith.constant 0 : i32
      %dma_wait3A_434 = tpu.memref_slice %arg7[%run_scoped3A_405, %dma_wait3A_433] : memref<80x32xi32, #tpu.memory_space<vmem>> -> memref<1x32xi32, #tpu.memory_space<vmem>>
      %dma_wait3A_435 = tpu.memref_squeeze %dma_wait3A_434 : memref<1x32xi32, #tpu.memory_space<vmem>> -> memref<32xi32, #tpu.memory_space<vmem>>
      %dma_wait3A_436 = arith.constant 0 : i32
      %dma_wait3A_437 = arith.constant 0 : i32
      %dma_wait3A_438 = tpu.memref_slice %arg9[%dma_wait3A_436, %dma_wait3A_437] : memref<10112x128xf32, #tpu.memory_space<vmem_shared>> -> memref<10112x128xf32, #tpu.memory_space<vmem_shared>>
      tpu.wait_indirect_dma semaphore(%run_scoped3A_420 : memref<!tpu.dma_semaphore, #tpu.memory_space<semaphore_mem>>) src(%dma_wait3A_432 : memref<32x128xf32, #tpu.memory_space<vmem>>) dst(%dma_wait3A_438 : memref<10112x128xf32, #tpu.memory_space<vmem_shared>>)
      tpu.yield
    }) : () -> ()
    %dma_wait3A_406 = arith.constant 128 : i32
    %dma_wait3A_407 = arith.constant 0 : i32
    %dma_wait3A_408 = tpu.memref_slice %arg8[%dma_wait3A_406, %dma_wait3A_407] : memref<160x128xf32, #tpu.memory_space<vmem>> -> memref<32x128xf32, #tpu.memory_space<vmem>>
    %dma_wait3A_409 = arith.constant 2528 : i32
    %dma_wait3A_410 = tpu.memref_slice %arg6[%dma_wait3A_409] : memref<5120xi32, #tpu.memory_space<vmem>> -> memref<32xi32, #tpu.memory_space<vmem>>
    %dma_wait3A_411 = arith.constant 0 : i32
    %dma_wait3A_412 = arith.constant 0 : i32
    %dma_wait3A_413 = tpu.memref_slice %arg2[%dma_wait3A_411, %dma_wait3A_412] : memref<10000x128xf32, #tpu.memory_space<hbm>> -> memref<10000x128xf32, #tpu.memory_space<hbm>>
    tpu.wait_indirect_dma semaphore(%arg10 : memref<!tpu.dma_semaphore, #tpu.memory_space<semaphore_mem>>) src(%dma_wait3A_413 : memref<10000x128xf32, #tpu.memory_space<hbm>>) dst(%dma_wait3A_408 : memref<32x128xf32, #tpu.memory_space<vmem>>)
    %run_scoped3A_414 = arith.constant 79 : i32
    "tpu.region"() ({
      %run_scoped3A_420 = tpu.sem_alloc : memref<!tpu.dma_semaphore, #tpu.memory_space<semaphore_mem>>
      %dma_start3A_421 = arith.constant 128 : i32
      %dma_start3A_422 = arith.constant 0 : i32
      %dma_start3A_423 = tpu.memref_slice %arg8[%dma_start3A_421, %dma_start3A_422] : memref<160x128xf32, #tpu.memory_space<vmem>> -> memref<32x128xf32, #tpu.memory_space<vmem>>
      %dma_start3A_424 = arith.constant 0 : i32
      %dma_start3A_425 = tpu.memref_slice %arg7[%run_scoped3A_414, %dma_start3A_424] : memref<80x32xi32, #tpu.memory_space<vmem>> -> memref<1x32xi32, #tpu.memory_space<vmem>>
      %dma_start3A_426 = tpu.memref_squeeze %dma_start3A_425 : memref<1x32xi32, #tpu.memory_space<vmem>> -> memref<32xi32, #tpu.memory_space<vmem>>
      %dma_start3A_427 = arith.constant 0 : i32
      %dma_start3A_428 = arith.constant 0 : i32
      %dma_start3A_429 = tpu.memref_slice %arg9[%dma_start3A_427, %dma_start3A_428] : memref<10112x128xf32, #tpu.memory_space<vmem_shared>> -> memref<10112x128xf32, #tpu.memory_space<vmem_shared>>
      tpu.enqueue_indirect_dma source(%dma_start3A_423 : memref<32x128xf32, #tpu.memory_space<vmem>>) target(%dma_start3A_429 : memref<10112x128xf32, #tpu.memory_space<vmem_shared>>) offsets(%dma_start3A_426 : memref<32xi32, #tpu.memory_space<vmem>>) semaphore(%run_scoped3A_420 : memref<!tpu.dma_semaphore, #tpu.memory_space<semaphore_mem>>) {add = true}
      %dma_wait3A_430 = arith.constant 128 : i32
      %dma_wait3A_431 = arith.constant 0 : i32
      %dma_wait3A_432 = tpu.memref_slice %arg8[%dma_wait3A_430, %dma_wait3A_431] : memref<160x128xf32, #tpu.memory_space<vmem>> -> memref<32x128xf32, #tpu.memory_space<vmem>>
      %dma_wait3A_433 = arith.constant 0 : i32
      %dma_wait3A_434 = tpu.memref_slice %arg7[%run_scoped3A_414, %dma_wait3A_433] : memref<80x32xi32, #tpu.memory_space<vmem>> -> memref<1x32xi32, #tpu.memory_space<vmem>>
      %dma_wait3A_435 = tpu.memref_squeeze %dma_wait3A_434 : memref<1x32xi32, #tpu.memory_space<vmem>> -> memref<32xi32, #tpu.memory_space<vmem>>
      %dma_wait3A_436 = arith.constant 0 : i32
      %dma_wait3A_437 = arith.constant 0 : i32
      %dma_wait3A_438 = tpu.memref_slice %arg9[%dma_wait3A_436, %dma_wait3A_437] : memref<10112x128xf32, #tpu.memory_space<vmem_shared>> -> memref<10112x128xf32, #tpu.memory_space<vmem_shared>>
      tpu.wait_indirect_dma semaphore(%run_scoped3A_420 : memref<!tpu.dma_semaphore, #tpu.memory_space<semaphore_mem>>) src(%dma_wait3A_432 : memref<32x128xf32, #tpu.memory_space<vmem>>) dst(%dma_wait3A_438 : memref<10112x128xf32, #tpu.memory_space<vmem_shared>>)
      tpu.yield
    }) : () -> ()
    %barrier3A_415 = arith.constant 0 : index
    tpu.barrier barrier_id(%barrier3A_415)
    %mul3A_416 = arith.constant 632 : i32
    %mul3A_417 = arith.muli %arg1, %mul3A_416 : i32
    %mul3A_418 = arith.constant 632 : i32
    %mul3A_419 = arith.muli %arg1, %mul3A_418 : i32
    "tpu.region"() ({
      %run_scoped3A_420 = tpu.sem_alloc : memref<!tpu.dma_semaphore, #tpu.memory_space<semaphore_mem>>
      %dma_start3A_421 = arith.constant 0 : i32
      %dma_start3A_422 = tpu.memref_slice %arg5[%arg0, %mul3A_419, %dma_start3A_421] : memref<2x10112x128xf32, #tpu.memory_space<hbm>> -> memref<1x632x128xf32, #tpu.memory_space<hbm>>
      %dma_start3A_423 = tpu.memref_squeeze %dma_start3A_422 : memref<1x632x128xf32, #tpu.memory_space<hbm>> -> memref<632x128xf32, #tpu.memory_space<hbm>>
      %dma_start3A_424 = arith.constant 0 : i32
      %dma_start3A_425 = tpu.memref_slice %arg9[%mul3A_417, %dma_start3A_424] : memref<10112x128xf32, #tpu.memory_space<vmem_shared>> -> memref<632x128xf32, #tpu.memory_space<vmem_shared>>
      tpu.enqueue_dma source(%dma_start3A_425 : memref<632x128xf32, #tpu.memory_space<vmem_shared>>) target(%dma_start3A_423 : memref<632x128xf32, #tpu.memory_space<hbm>>) target_semaphore(%run_scoped3A_420 : memref<!tpu.dma_semaphore, #tpu.memory_space<semaphore_mem>>)
      %dma_wait3A_426 = arith.constant 0 : i32
      %dma_wait3A_427 = tpu.memref_slice %arg5[%arg0, %mul3A_419, %dma_wait3A_426] : memref<2x10112x128xf32, #tpu.memory_space<hbm>> -> memref<1x632x128xf32, #tpu.memory_space<hbm>>
      %dma_wait3A_428 = tpu.memref_squeeze %dma_wait3A_427 : memref<1x632x128xf32, #tpu.memory_space<hbm>> -> memref<632x128xf32, #tpu.memory_space<hbm>>
      %dma_wait3A_429 = arith.constant 0 : i32
      %dma_wait3A_430 = tpu.memref_slice %arg9[%mul3A_417, %dma_wait3A_429] : memref<10112x128xf32, #tpu.memory_space<vmem_shared>> -> memref<632x128xf32, #tpu.memory_space<vmem_shared>>
      tpu.wait_dma2 semaphore(%run_scoped3A_420 : memref<!tpu.dma_semaphore, #tpu.memory_space<semaphore_mem>>) src(%dma_wait3A_430 : memref<632x128xf32, #tpu.memory_space<vmem_shared>>) dst(%dma_wait3A_428 : memref<632x128xf32, #tpu.memory_space<hbm>>)
      tpu.yield
    }) : () -> ()
    return
  }
}

#map = affine_map<(d0, d1) -> (0)>
#map1 = affine_map<(d0, d1) -> (0, 0)>
module attributes {stable_mosaic.version = 14 : i64} {
  func.func @_sc_degree(%arg0: i32, %arg1: i32, %arg2: memref<327680xi32, #tpu.memory_space<hbm>>, %arg3: memref<32x10112xf32, #tpu.memory_space<hbm>>, %arg4: memref<10112xf32, #tpu.memory_space<vmem>>, %arg5: memref<10240xi32, #tpu.memory_space<vmem>>) attributes {dimension_semantics = [#tpu.dimension_semantics<core_parallel>, #tpu.dimension_semantics<subcore_parallel>], iteration_bounds = array<i64: 2, 16>, scalar_prefetch = 0 : i64, scratch_operands = 2 : i64, tpu.core_type = #tpu.core_type<sc_vector_subcore>, window_params = [{transform_indices = #map}, {transform_indices = #map1}]} {
    %mul3A = arith.constant 16 : i32
    %mul3A_0 = arith.muli %arg0, %mul3A : i32
    %add3A = arith.addi %mul3A_0, %arg1 : i32
    %scan3A = arith.constant 0 : i32
    %scan3A_1 = arith.constant 632 : i32
    %scan3A_2 = arith.addi %scan3A, %scan3A_1 : i32
    %scan3A_3 = arith.constant 1 : i32
    scf.for %scan3A_13 = %scan3A to %scan3A_2 step %scan3A_3  : i32 {
      %mul3A_14 = arith.constant 16 : i32
      %mul3A_15 = arith.muli %scan3A_13, %mul3A_14 : i32
      %add3A_16 = arith.constant 0 : i32
      %add3A_17 = arith.addi %add3A_16, %mul3A_15 : i32
      %broadcast_in_dim3A_18 = arith.constant 0.000000e+00 : f32
      %broadcast_in_dim3A_19 = vector.broadcast %broadcast_in_dim3A_18 : f32 to vector<16xf32>
      %swap3A = arith.index_cast %add3A_17 : i32 to index
      %swap3A_20 = tpu.vector_load %arg4[%swap3A] {strides = array<i32>} : memref<10112xf32, #tpu.memory_space<vmem>>, vector<16xf32>,
      tpu.vector_store %arg4[%swap3A], %broadcast_in_dim3A_19 {strides = array<i32>} : memref<10112xf32, #tpu.memory_space<vmem>>, vector<16xf32>,
    }
    %scan3A_4 = arith.constant 632 : i32
    %mul3A_5 = arith.constant 10240 : i32
    %mul3A_6 = arith.muli %add3A, %mul3A_5 : i32
    "tpu.region"() ({
      %run_scoped3A = tpu.sem_alloc : memref<!tpu.dma_semaphore, #tpu.memory_space<semaphore_mem>>
      %dma_start3A = tpu.memref_slice %arg2[%mul3A_6] : memref<327680xi32, #tpu.memory_space<hbm>> -> memref<10240xi32, #tpu.memory_space<hbm>>
      %dma_start3A_13 = tpu.memref_slice %arg2[%mul3A_6] : memref<327680xi32, #tpu.memory_space<hbm>> -> memref<10240xi32, #tpu.memory_space<hbm>>
      tpu.enqueue_dma source(%dma_start3A_13 : memref<10240xi32, #tpu.memory_space<hbm>>) target(%arg5 : memref<10240xi32, #tpu.memory_space<vmem>>) target_semaphore(%run_scoped3A : memref<!tpu.dma_semaphore, #tpu.memory_space<semaphore_mem>>)
      %dma_wait3A = tpu.memref_slice %arg2[%mul3A_6] : memref<327680xi32, #tpu.memory_space<hbm>> -> memref<10240xi32, #tpu.memory_space<hbm>>
      %dma_wait3A_14 = tpu.memref_slice %arg2[%mul3A_6] : memref<327680xi32, #tpu.memory_space<hbm>> -> memref<10240xi32, #tpu.memory_space<hbm>>
      tpu.wait_dma2 semaphore(%run_scoped3A : memref<!tpu.dma_semaphore, #tpu.memory_space<semaphore_mem>>) src(%dma_wait3A_14 : memref<10240xi32, #tpu.memory_space<hbm>>) dst(%arg5 : memref<10240xi32, #tpu.memory_space<vmem>>)
      tpu.yield
    }) : () -> ()
    %broadcast_in_dim3A = arith.constant 1.000000e+00 : f32
    %broadcast_in_dim3A_7 = vector.broadcast %broadcast_in_dim3A : f32 to vector<16xf32>
    %scan3A_8 = arith.constant 0 : i32
    %scan3A_9 = arith.constant 640 : i32
    %scan3A_10 = arith.addi %scan3A_8, %scan3A_9 : i32
    %scan3A_11 = arith.constant 1 : i32
    scf.for %scan3A_13 = %scan3A_8 to %scan3A_10 step %scan3A_11  : i32 {
      %mul3A_14 = arith.constant 16 : i32
      %mul3A_15 = arith.muli %scan3A_13, %mul3A_14 : i32
      %add3A_16 = arith.constant 0 : i32
      %add3A_17 = arith.addi %add3A_16, %mul3A_15 : i32
      %get3A = arith.index_cast %add3A_17 : i32 to index
      %get3A_18 = tpu.vector_load %arg5[%get3A] {strides = array<i32>} : memref<10240xi32, #tpu.memory_space<vmem>>, vector<16xi32>,
      tpu.vector_store_idx %arg4[%get3A_18], %broadcast_in_dim3A_7 {add = true} : memref<10112xf32, #tpu.memory_space<vmem>>[vector<16xi32>], vector<16xf32>,
    }
    %scan3A_12 = arith.constant 640 : i32
    "tpu.region"() ({
      %run_scoped3A = tpu.sem_alloc : memref<!tpu.dma_semaphore, #tpu.memory_space<semaphore_mem>>
      %dma_start3A = arith.constant 0 : i32
      %dma_start3A_13 = tpu.memref_slice %arg3[%add3A, %dma_start3A] : memref<32x10112xf32, #tpu.memory_space<hbm>> -> memref<1x10112xf32, #tpu.memory_space<hbm>>
      %dma_start3A_14 = tpu.memref_squeeze %dma_start3A_13 : memref<1x10112xf32, #tpu.memory_space<hbm>> -> memref<10112xf32, #tpu.memory_space<hbm>>
      %dma_start3A_15 = arith.constant 0 : i32
      %dma_start3A_16 = tpu.memref_slice %arg3[%add3A, %dma_start3A_15] : memref<32x10112xf32, #tpu.memory_space<hbm>> -> memref<1x10112xf32, #tpu.memory_space<hbm>>
      %dma_start3A_17 = tpu.memref_squeeze %dma_start3A_16 : memref<1x10112xf32, #tpu.memory_space<hbm>> -> memref<10112xf32, #tpu.memory_space<hbm>>
      tpu.enqueue_dma source(%arg4 : memref<10112xf32, #tpu.memory_space<vmem>>) target(%dma_start3A_17 : memref<10112xf32, #tpu.memory_space<hbm>>) target_semaphore(%run_scoped3A : memref<!tpu.dma_semaphore, #tpu.memory_space<semaphore_mem>>)
      %dma_wait3A = arith.constant 0 : i32
      %dma_wait3A_18 = tpu.memref_slice %arg3[%add3A, %dma_wait3A] : memref<32x10112xf32, #tpu.memory_space<hbm>> -> memref<1x10112xf32, #tpu.memory_space<hbm>>
      %dma_wait3A_19 = tpu.memref_squeeze %dma_wait3A_18 : memref<1x10112xf32, #tpu.memory_space<hbm>> -> memref<10112xf32, #tpu.memory_space<hbm>>
      %dma_wait3A_20 = arith.constant 0 : i32
      %dma_wait3A_21 = tpu.memref_slice %arg3[%add3A, %dma_wait3A_20] : memref<32x10112xf32, #tpu.memory_space<hbm>> -> memref<1x10112xf32, #tpu.memory_space<hbm>>
      %dma_wait3A_22 = tpu.memref_squeeze %dma_wait3A_21 : memref<1x10112xf32, #tpu.memory_space<hbm>> -> memref<10112xf32, #tpu.memory_space<hbm>>
      tpu.wait_dma2 semaphore(%run_scoped3A : memref<!tpu.dma_semaphore, #tpu.memory_space<semaphore_mem>>) src(%arg4 : memref<10112xf32, #tpu.memory_space<vmem>>) dst(%dma_wait3A_22 : memref<10112xf32, #tpu.memory_space<hbm>>)
      tpu.yield
    }) : () -> ()
    return
  }
}

module attributes {stable_mosaic.version = 14 : i64} {
  func.func @_mm_body(%arg0: i32, %arg1: memref<2000x128xf32, #tpu.memory_space<vmem>>, %arg2: memref<128x128xf32, #tpu.memory_space<vmem>>, %arg3: memref<2000x128xf32, #tpu.memory_space<vmem>>) attributes {dimension_semantics = [#tpu.dimension_semantics<arbitrary>], iteration_bounds = array<i64: 5>, scalar_prefetch = 0 : i64, scratch_operands = 0 : i64, tpu.core_type = #tpu.core_type<tc>, window_params = [{transform_indices = @transform_0, window_bounds = array<i64: 2000, 128>}, {pipeline_mode = #tpu.pipeline_mode<synchronous>, transform_indices = @transform_1, window_bounds = array<i64: 128, 128>}, {transform_indices = @transform_2, window_bounds = array<i64: 2000, 128>}]} {
    %get3A = arith.constant 0 : index
    %get3A_0 = arith.constant 0 : index
    %get3A_1 = vector.load %arg1[%get3A, %get3A_0] : memref<2000x128xf32, #tpu.memory_space<vmem>>, vector<2000x128xf32>
    %get3A_2 = arith.constant 0 : index
    %get3A_3 = arith.constant 0 : index
    %get3A_4 = vector.load %arg2[%get3A_2, %get3A_3] : memref<128x128xf32, #tpu.memory_space<vmem>>, vector<128x128xf32>
    %dot_general3A = arith.constant dense<0.000000e+00> : vector<2000x128xf32>
    %dot_general3A_5 = tpu.matmul %get3A_1, %get3A_4, %dot_general3A {dimension_numbers = #tpu.dot_dimension_numbers<[1], [1], [0], [0], [0, 0, 1, 0], [], []>, precision = #tpu.contract_precision<fp32>, transpose_lhs_hint = false} : vector<2000x128xf32>, vector<128x128xf32>, vector<2000x128xf32> -> vector<2000x128xf32>
    %swap3A = arith.constant 0 : index
    %swap3A_6 = arith.constant 0 : index
    %swap3A_7 = vector.load %arg3[%swap3A, %swap3A_6] : memref<2000x128xf32, #tpu.memory_space<vmem>>, vector<2000x128xf32>
    tpu.vector_store %arg3[%swap3A, %swap3A_6], %dot_general3A_5 {strides = array<i32>} : memref<2000x128xf32, #tpu.memory_space<vmem>>, vector<2000x128xf32>,
    return
  }
  func.func @transform_0(%arg0: i32) -> (i32, i32) {
    %c0_i32 = arith.constant 0 : i32
    %c0_i32_0 = arith.constant 0 : i32
    return %arg0, %c0_i32 : i32, i32
  }
  func.func @transform_1(%arg0: i32) -> (i32, i32) {
    %c0_i32 = arith.constant 0 : i32
    %c0_i32_0 = arith.constant 0 : i32
    %c0_i32_1 = arith.constant 0 : i32
    return %c0_i32, %c0_i32_0 : i32, i32
  }
  func.func @transform_2(%arg0: i32) -> (i32, i32) {
    %c0_i32 = arith.constant 0 : i32
    %c0_i32_0 = arith.constant 0 : i32
    return %arg0, %c0_i32 : i32, i32
  }
}

module attributes {stable_mosaic.version = 14 : i64} {
  func.func @_scale_body(%arg0: memref<32x10112xf32, #tpu.memory_space<vmem>>, %arg1: memref<10000x128xf32, #tpu.memory_space<vmem>>, %arg2: memref<10000x128xf32, #tpu.memory_space<vmem>>, %arg3: memref<10000x1xf32, #tpu.memory_space<vmem>>) attributes {dimension_semantics = [], scalar_prefetch = 0 : i64, scratch_operands = 0 : i64, tpu.core_type = #tpu.core_type<tc>} {
    %broadcast_in_dim3A = arith.constant 1.000000e+00 : f32
    %broadcast_in_dim3A_0 = vector.broadcast %broadcast_in_dim3A : f32 to vector<32x1xf32>
    %get3A = arith.constant 0 : index
    %get3A_1 = arith.constant 0 : index
    %get3A_2 = vector.load %arg0[%get3A, %get3A_1] : memref<32x10112xf32, #tpu.memory_space<vmem>>, vector<32x10112xf32>
    %dot_general3A = arith.constant dense<0.000000e+00> : vector<10112x1xf32>
    %dot_general3A_3 = tpu.matmul %get3A_2, %broadcast_in_dim3A_0, %dot_general3A {dimension_numbers = #tpu.dot_dimension_numbers<[0], [0], [1], [1], [0, 1, 1, 1], [], []>, precision = #tpu.contract_precision<fp32>, transpose_lhs_hint = false} : vector<32x10112xf32>, vector<32x1xf32>, vector<10112x1xf32> -> vector<10112x1xf32>
    %add3A = arith.constant 1.000000e+00 : f32
    %add3A_4 = vector.broadcast %add3A : f32 to vector<10112x1xf32>
    %add3A_5 = arith.addf %dot_general3A_3, %add3A_4 : vector<10112x1xf32>
    %slice3A = vector.extract_strided_slice %add3A_5 {offsets = [0, 0], sizes = [10000, 1], strides = [1, 1]} : vector<10112x1xf32> to vector<10000x1xf32>
    %rsqrt3A = math.rsqrt %slice3A : vector<10000x1xf32>
    %swap3A = arith.constant 0 : index
    %swap3A_6 = arith.constant 0 : index
    %swap3A_7 = vector.load %arg3[%swap3A, %swap3A_6] : memref<10000x1xf32, #tpu.memory_space<vmem>>, vector<10000x1xf32>
    tpu.vector_store %arg3[%swap3A, %swap3A_6], %rsqrt3A {strides = array<i32>} : memref<10000x1xf32, #tpu.memory_space<vmem>>, vector<10000x1xf32>,
    %get3A_8 = arith.constant 0 : index
    %get3A_9 = arith.constant 0 : index
    %get3A_10 = vector.load %arg1[%get3A_8, %get3A_9] : memref<10000x128xf32, #tpu.memory_space<vmem>>, vector<10000x128xf32>
    %mul3A = vector.broadcast %rsqrt3A : vector<10000x1xf32> to vector<10000x128xf32>
    %mul3A_11 = arith.mulf %get3A_10, %mul3A : vector<10000x128xf32>
    %swap3A_12 = arith.constant 0 : index
    %swap3A_13 = arith.constant 0 : index
    %swap3A_14 = vector.load %arg2[%swap3A_12, %swap3A_13] : memref<10000x128xf32, #tpu.memory_space<vmem>>, vector<10000x128xf32>
    tpu.vector_store %arg2[%swap3A_12, %swap3A_13], %mul3A_11 {strides = array<i32>} : memref<10000x128xf32, #tpu.memory_space<vmem>>, vector<10000x128xf32>,
    return
  }
}

module attributes {stable_mosaic.version = 14 : i64} {
  func.func @_epi_body(%arg0: i32, %arg1: memref<1x2000x128xf32, #tpu.memory_space<vmem>>, %arg2: memref<1x2000x128xf32, #tpu.memory_space<vmem>>, %arg3: memref<2000x128xf32, #tpu.memory_space<vmem>>, %arg4: memref<2000x1xf32, #tpu.memory_space<vmem>>, %arg5: memref<1x128xf32, #tpu.memory_space<vmem>>, %arg6: memref<2000x128xf32, #tpu.memory_space<vmem>>) attributes {dimension_semantics = [#tpu.dimension_semantics<arbitrary>], iteration_bounds = array<i64: 5>, scalar_prefetch = 0 : i64, scratch_operands = 0 : i64, tpu.core_type = #tpu.core_type<tc>, window_params = [{transform_indices = @transform_0, window_bounds = array<i64: 1, 2000, 128>}, {transform_indices = @transform_1, window_bounds = array<i64: 1, 2000, 128>}, {transform_indices = @transform_2, window_bounds = array<i64: 2000, 128>}, {transform_indices = @transform_3, window_bounds = array<i64: 2000, 1>}, {pipeline_mode = #tpu.pipeline_mode<synchronous>, transform_indices = @transform_4, window_bounds = array<i64: 1, 128>}, {transform_indices = @transform_5, window_bounds = array<i64: 2000, 128>}]} {
    %get3A = arith.constant 0 : index
    %get3A_0 = arith.constant 0 : index
    %get3A_1 = arith.constant 0 : index
    %get3A_2 = vector.load %arg1[%get3A, %get3A_0, %get3A_1] : memref<1x2000x128xf32, #tpu.memory_space<vmem>>, vector<1x2000x128xf32>
    %get3A_3 = vector.shape_cast %get3A_2 : vector<1x2000x128xf32> to vector<2000x128xf32>
    %get3A_4 = arith.constant 0 : index
    %get3A_5 = arith.constant 0 : index
    %get3A_6 = arith.constant 0 : index
    %get3A_7 = vector.load %arg2[%get3A_4, %get3A_5, %get3A_6] : memref<1x2000x128xf32, #tpu.memory_space<vmem>>, vector<1x2000x128xf32>
    %get3A_8 = vector.shape_cast %get3A_7 : vector<1x2000x128xf32> to vector<2000x128xf32>
    %get3A_9 = arith.constant 0 : index
    %get3A_10 = arith.constant 0 : index
    %get3A_11 = vector.load %arg4[%get3A_9, %get3A_10] : memref<2000x1xf32, #tpu.memory_space<vmem>>, vector<2000x1xf32>
    %add3A = arith.addf %get3A_3, %get3A_8 : vector<2000x128xf32>
    %get3A_12 = arith.constant 0 : index
    %get3A_13 = arith.constant 0 : index
    %get3A_14 = vector.load %arg3[%get3A_12, %get3A_13] : memref<2000x128xf32, #tpu.memory_space<vmem>>, vector<2000x128xf32>
    %add3A_15 = arith.addf %add3A, %get3A_14 : vector<2000x128xf32>
    %mul3A = vector.broadcast %get3A_11 : vector<2000x1xf32> to vector<2000x128xf32>
    %mul3A_16 = arith.mulf %mul3A, %add3A_15 : vector<2000x128xf32>
    %get3A_17 = arith.constant 0 : index
    %get3A_18 = arith.constant 0 : index
    %get3A_19 = vector.load %arg5[%get3A_17, %get3A_18] : memref<1x128xf32, #tpu.memory_space<vmem>>, vector<1x128xf32>
    %add3A_20 = vector.broadcast %get3A_19 : vector<1x128xf32> to vector<2000x128xf32>
    %add3A_21 = arith.addf %mul3A_16, %add3A_20 : vector<2000x128xf32>
    %swap3A = arith.constant 0 : index
    %swap3A_22 = arith.constant 0 : index
    %swap3A_23 = vector.load %arg6[%swap3A, %swap3A_22] : memref<2000x128xf32, #tpu.memory_space<vmem>>, vector<2000x128xf32>
    tpu.vector_store %arg6[%swap3A, %swap3A_22], %add3A_21 {strides = array<i32>} : memref<2000x128xf32, #tpu.memory_space<vmem>>, vector<2000x128xf32>,
    return
  }
  func.func @transform_0(%arg0: i32) -> (i32, i32, i32) {
    %c0_i32 = arith.constant 0 : i32
    %c0_i32_0 = arith.constant 0 : i32
    %c0_i32_1 = arith.constant 0 : i32
    return %c0_i32, %arg0, %c0_i32_0 : i32, i32, i32
  }
  func.func @transform_1(%arg0: i32) -> (i32, i32, i32) {
    %c1_i32 = arith.constant 1 : i32
    %c0_i32 = arith.constant 0 : i32
    %c0_i32_0 = arith.constant 0 : i32
    return %c1_i32, %arg0, %c0_i32 : i32, i32, i32
  }
  func.func @transform_2(%arg0: i32) -> (i32, i32) {
    %c0_i32 = arith.constant 0 : i32
    %c0_i32_0 = arith.constant 0 : i32
    return %arg0, %c0_i32 : i32, i32
  }
  func.func @transform_3(%arg0: i32) -> (i32, i32) {
    %c0_i32 = arith.constant 0 : i32
    %c0_i32_0 = arith.constant 0 : i32
    return %arg0, %c0_i32 : i32, i32
  }
  func.func @transform_4(%arg0: i32) -> (i32, i32) {
    %c0_i32 = arith.constant 0 : i32
    %c0_i32_0 = arith.constant 0 : i32
    %c0_i32_1 = arith.constant 0 : i32
    return %c0_i32, %c0_i32_0 : i32, i32
  }
  func.func @transform_5(%arg0: i32) -> (i32, i32) {
    %c0_i32 = arith.constant 0 : i32
    %c0_i32_0 = arith.constant 0 : i32
    return %arg0, %c0_i32 : i32, i32
  }
}

</mosaic_0001>

<sc_bundles>
// kernel: kernel.10.cloned.1.call-start
scs
__scs_entry_jumppad:
0x0: {  	(pc) =	sbr.rel $0x88, $3  }
0x1: {  	(tag) =	ssettag $0x0;
	lr =	simm.s32 $0x1  }
0x2: {  	[smem:$0x3F9D] =	sst lr;
	_ =	strace $0xD0000000  }
0x3: {  	_ = 	snop  }
0x4: {  	_ = 	snop  }
0x5: {  	_ = 	snop  }
0x6: {  	_ = 	snop  }
0x7: {  	_ = 	snop  }
__scs_overlays_trampoline_lowered:
0x8: {  	[smem:$0x3FAC] =	sst s0  }
0x9: {  	[smem:$0x3FAD] =	sst s1  }
0xa: {  	[smem:$0x3FAE] =	sst s2  }
0xb: {  	[smem:$0x3FAF] =	sst s3  }
0xc: {  	[smem:$0x3FB0] =	sst s4  }
0xd: {  	[smem:$0x3FB1] =	sst s5  }
0xe: {  	[smem:$0x3FB2] =	sst s6  }
0xf: {  	[smem:$0x3FB3] =	sst s7  }
0x10: {  	[smem:$0x3FB4] =	sst s8  }
0x11: {  	[smem:$0x3FB5] =	sst s9;
	s0 =	simm.s32 @!p0 $0x0  }
0x12: {  	s1 =	sld [smem:$0x3F9B];
	s0 =	simm.s32 @p0 $0x1  }
0x13: {  	[smem:$0x3FB6] =	sst s0;
	s0 =	simm.s32 @!p1 $0x0  }
0x14: {  	s2 =	sld [smem:$0x3F9A];
	s0 =	simm.s32 @p1 $0x1  }
0x15: {  	[smem:$0x3FB7] =	sst s0;
	s0 =	simm.s32 @!p2 $0x0  }
0x16: {  	s3 =	sld [smem:$0x3FDB];
	s0 =	simm.s32 @p2 $0x1  }
0x17: {  	s4 =	simm.s32 $0x1BF5;
	[smem:$0x3FB9] =	sst s0  }
0x18: {  	s0 =	sld [smem:$0x3F9C];
	_ =	swait.ge [sflag:s4], $0x0  }
0x19: {  	s7 =	sld [smem:$0x3F9D]  }
0x1a: {  	s8 =	sadd.s32 $0xFFFFE003, lr  }
0x1b: {  	s9 =	sadd.s32 $0xFFFFFEF7, lr;
	s5 =	simm.s32 $0xFFFFFFFF;
	p2 =	slt.u32 s8, $0xFFFFF086  }
0x1c: {  	p1 =	slt.u32 s9, $0xF7A;
	s5 =	simm.s32 @!p2 $0x0  }
0x1d: {  	s5 =	simm.s32 @p1 $0x1;
	p0 =	seq.s32 s7, s2  }
0x1e: {  	s7 =	smul.u32 @!p0 $0xF7A, s2;
	p2 =	seq.s32 @!p0 s5, $0x0  }
0x1f: {  	s9 =	smul.u32 $0xF7A, s1;
	s8 =	simm.s32 @!p0 $0x1BF5;
	p2 =	por !p2, p0  }
0x20: {  	[sflag:s8] =	ssyncset.s32 @!p0 $0xFFFFF086;
	s6 =	sadd.s32 @!p0 s3, s7;
	s7 =	simm.s32 @!p0 $0x108  }
0x21: {  	s3 =	sadd.s32 s3, s9;
	s6 =	sadd.s32 @!p0 $0x88, s6;
	s7 =	simm.s32 @p2 $0x1082  }
0x22: {  	[simem:s7], [sflag:s8] =	dma.local @!p0 [hbm:s6], $0xF7A  }
0x23: {  	s9 =	sor.u32 $0xD0000000, s2;
	s6 =	simm.s32 $0x108;
	_ =	swait.ge @!p0 [sflag:s8], $0x0  }
0x24: {  	s3 =	sadd.s32 $0x88, s3;
	s6 =	simm.s32 @!p1 $0x1082;
	[sflag:s4] =	ssyncset.s32 $0xFFFFF086  }
0x25: {  	[simem:s6], [sflag:s4] =	dma.local [hbm:s3], $0xF7A  }
0x26: {  	[smem:$0x3F9D] =	sst s1;
	(tag) =	ssettag s2;
	_ =	strace s9  }
0x27: {  	s1 =	sld [smem:$0x3FAD]  }
0x28: {  	s2 =	sld [smem:$0x3FAE]  }
0x29: {  	s4 =	sld [smem:$0x3FB0]  }
0x2a: {  	p0 =	seq.s32 s5, $0x0;
	s5 =	sld [smem:$0x3FB1]  }
0x2b: {  	s6 =	sld [smem:$0x3FB2]  }
0x2c: {  	s7 =	sld [smem:$0x3FB3]  }
0x2d: {  	s3 =	simm.s32 $0x108;
	s8 =	sld [smem:$0x3FB4]  }
0x2e: {  	s3 =	simm.s32 @!p0 $0x1082;
	s9 =	sld [smem:$0x3FB5]  }
0x2f: {  	lr =	sadd.s32 s0, s3;
	s0 =	sld [smem:$0x3FAC]  }
0x30: {  	s3 =	sld [smem:$0x3FAF]  }
0x31: {  	[smem:$0x3FB8] =	sst s10  }
0x32: {  	s10 =	sld [smem:$0x3FB6];
	_ =	sdelay $0x3  }
0x33: {  	p0 =	seq.s32 s10, $0x1;
	s10 =	sld [smem:$0x3FB8];
	_ =	sdelay $0x3  }
0x34: {  	[smem:$0x3FB8] =	sst s10  }
0x35: {  	s10 =	sld [smem:$0x3FB7];
	_ =	sdelay $0x3  }
0x36: {  	p1 =	seq.s32 s10, $0x1;
	s10 =	sld [smem:$0x3FB8];
	_ =	sdelay $0x3  }
0x37: {  	[smem:$0x3FB8] =	sst s10  }
0x38: {  	s10 =	sld [smem:$0x3FB9]  }
0x39: {  	_ = 	snop;
	(pc) =	sbr.ind lr, $3  }
0x3a: {  	_ = 	snop  }
0x3b: {  	_ = 	snop  }
0x3c: {  	p2 =	seq.s32 s10, $0x1;
	s10 =	sld [smem:$0x3FB8]  }
0x3d: {  	_ =	shalt  }
0x3e: {  	_ =	shalt  }
0x3f: {  	_ =	shalt  }
0x40: {  	_ =	shalt  }
0x41: {  	_ =	shalt  }
0x42: {  	_ =	shalt  }
0x43: {  	_ =	shalt  }
0x44: {  	_ =	shalt  }
0x45: {  	_ =	shalt  }
0x46: {  	_ =	shalt  }
0x47: {  	_ =	shalt  }
0x48: {  	_ =	shalt  }
0x49: {  	_ =	shalt  }
0x4a: {  	_ =	shalt  }
0x4b: {  	_ =	shalt  }
0x4c: {  	_ =	shalt  }
0x4d: {  	_ =	shalt  }
0x4e: {  	_ =	shalt  }
0x4f: {  	_ =	shalt  }
0x50: {  	_ =	shalt  }
0x51: {  	_ =	shalt  }
0x52: {  	_ =	shalt  }
0x53: {  	_ =	shalt  }
0x54: {  	_ =	shalt  }
0x55: {  	_ =	shalt  }
0x56: {  	_ =	shalt  }
0x57: {  	_ =	shalt  }
0x58: {  	_ =	shalt  }
0x59: {  	_ =	shalt  }
0x5a: {  	_ =	shalt  }
0x5b: {  	_ =	shalt  }
0x5c: {  	_ =	shalt  }
0x5d: {  	_ =	shalt  }
0x5e: {  	_ =	shalt  }
0x5f: {  	_ =	shalt  }
0x60: {  	_ =	shalt  }
0x61: {  	_ =	shalt  }
0x62: {  	_ =	shalt  }
0x63: {  	_ =	shalt  }
0x64: {  	_ =	shalt  }
0x65: {  	_ =	shalt  }
0x66: {  	_ =	shalt  }
0x67: {  	_ =	shalt  }
0x68: {  	_ =	shalt  }
0x69: {  	_ =	shalt  }
0x6a: {  	_ =	shalt  }
0x6b: {  	_ =	shalt  }
0x6c: {  	_ =	shalt  }
0x6d: {  	_ =	shalt  }
0x6e: {  	_ =	shalt  }
0x6f: {  	_ =	shalt  }
0x70: {  	_ =	shalt  }
0x71: {  	_ =	shalt  }
0x72: {  	_ =	shalt  }
0x73: {  	_ =	shalt  }
0x74: {  	_ =	shalt  }
0x75: {  	_ =	shalt  }
0x76: {  	_ =	shalt  }
0x77: {  	_ =	shalt  }
0x78: {  	_ =	shalt  }
0x79: {  	_ =	shalt  }
0x7a: {  	_ =	shalt  }
0x7b: {  	_ =	shalt  }
0x7c: {  	_ =	shalt  }
0x7d: {  	_ =	shalt  }
0x7e: {  	_ =	shalt  }
0x7f: {  	_ =	shalt  }
0x80: {  	_ =	shalt  }
0x81: {  	_ =	shalt  }
0x82: {  	_ =	shalt  }
0x83: {  	_ =	shalt  }
0x84: {  	_ =	shalt  }
0x85: {  	_ =	shalt  }
0x86: {  	_ =	shalt  }
0x87: {  	_ =	shalt  }
.Lfunc_end0:
.L_simem_size_0:
called_computation.1_lowered:
.L_overlay_start_0:
0x88: {  	s2 =	sld [smem:$0x3FD9]  }
0x89: {  	s3 =	sld [smem:$0x3FFE];
	_ =	sdelay $0x1  }
0x8a: {  	s1 =	srdreg.scid  }
0x8b: {  	s0 =	sand.u32 $0x1, s1  }
0x8c: {  	s17 =	sshll.u32 s0, $0xA;
	s2 =	sadd.s32 s3, s2  }
0x8d: {  	s2 =	sadd.s32 s2, s17  }
0x8e: {  	[smem:$0x3FC4] =	sst s2  }
0x8f: {  	_ = 	snop  }
0x90: {  	s2 =	sld [smem:$0x3FD0];
	(tm) =	ssettm $0x1  }
0x91: {  	s18 =	sld [smem:$0x3FFB];
	_ =	sdelay $0x3  }
0x92: {  	_ =	strace s18  }
0x93: {  	s3 =	sld [smem:$0x3FFC];
	_ =	sdelay $0x3  }
0x94: {  	_ =	strace s3  }
0x95: {  	s3 =	sld [smem:$0x3FFD];
	_ =	sdelay $0x3  }
0x96: {  	_ =	strace s3  }
0x97: {  	_ =	strace $0x8FFFFFFF  }
0x98: {  	s19 =	sld [smem:$0x3FDB];
	_ =	sdelay $0x1  }
0x99: {  	s4 =	simm.s32 $_scs_section_size  }
0x9a: {  	s5 =	simm.s32 $_size__tile_overlayer_lowered;
	s6 =	simm.s32 $_tile_overlayer_lowered  }
0x9b: {  	s22 =	simm.s32 $0x1BFF;
	s21 =	sshll.u32 s6, $0x1;
	s3 =	sadd.s32 s4, s19  }
0x9c: {  	s7 =	simm.s32 $0x0;
	s20 =	sshll.u32 s5, $0x1;
	s5 =	sadd.s32 s21, s3  }
0x9d: {  	[timem:s7], [sflag:s22] =	dma.local [hbm:s5], s20  }
0x9e: {  	_ =	swait.ge [sflag:s22], s20  }
0x9f: {  	s4 =	ssub.s32 $0x0, s20;
	[sflag:s22] =	ssyncset.done $0x0  }
0xa0: {  	[sflag:s22] =	ssyncadd.s32 s4;
	_ =	sdelay $0x1  }
0xa1: {  	s23 =	simm.s32 $0x1B8B  }
0xa2: {  	_ =	swait.ge [sflag:s23], $0x1  }
0xa3: {  	[sflag:s23] =	ssyncset.done $0x0  }
0xa4: {  	s25 =	simm.s32 $0x1B8E;
	s24 =	sld [smem:$0x3FFE];
	[sflag:s23] =	ssyncadd.s32 $0xFFFFFFFF  }
0xa5: {  	s26 =	simm.s32 $execute0_lowered;
	[smem:$0x3FD2] =	sst s25  }
0xa6: {  	s5 =	sshll.u32 s26, $0x1;
	_ =	strace $0x80000049;
	[dreg:$0x1] =	wrdreg $0xFFFFFFFF  }
0xa7: {  	s28 =	simm.s32 $_size_execute0_lowered;
	s3 =	sadd.s32 s3, s5;
	[dreg:$0x0] =	wrdreg $0x0  }
0xa8: {  	s5 =	sshll.u32 s28, $0x1;
	[dreg:$0x2] =	wrdreg s3  }
0xa9: {  	[dreg:$0x3] =	wrdreg s5  }
0xaa: {  	[dreg:$0x4] =	wrdreg $0xC0  }
0xab: {  	_ =	task [dreg:s7], $0x5FFFF  }
0xac: {  	[dreg:$0x1] =	wrdreg $0xFFFFFFFF  }
0xad: {  	[dreg:$0x0] =	wrdreg $0x60  }
0xae: {  	[dreg:$0x2] =	wrdreg s2  }
0xaf: {  	[dreg:$0x3] =	wrdreg s24  }
0xb0: {  	[dreg:$0x4] =	wrdreg $0x8C000  }
0xb1: {  	[dreg:$0x5] =	wrdreg $0x9  }
0xb2: {  	_ =	task.clear_ibuf [dreg:s7], $0x6FFFF;
	_ =	strace $0x90000049  }
0xb3: {  	s29 =	simm.s32 $0x9;
	_ =	strace $0x8000004B  }
0xb4: {  	_ =	swait.ge [sflag:s29], $0x1  }
0xb5: {  	[sflag:s29] =	ssyncadd.s32 $0xFFFFFFFF  }
0xb6: {  	_ =	strace $0x9000004B  }
0xb7: {  	_ =	sfence  }
0xb8: {  	s30 =	sld [smem:$0x0];
	_ =	sdelay $0x2  }
0xb9: {  	s31 =	sshll.u32 s1, $0xD;
	s1 =	sshrl.u32 s1, $0x2  }
0xba: {  	s3 =	sand.u32 $0x4000, s31;
	s1 =	sadd.s32 s1, s30  }
0xbb: {  	s0 =	sor.u32 s3, s0;
	s1 =	sshll.u32 s1, $0x11  }
0xbc: {  	s0 =	sor.u32 s1, s0  }
0xbd: {  	s0 =	sadd.s32 $0x8F2B, s0  }
0xbe: {  	[sflag:s0] =	ssyncadd.remote.s32 $0x1  }
0xbf: {  	_ =	sfence.sel $0xFFFF  }
0xc0: {  	[dreg:$0x0] =	wrdreg $0xFFFFFFFF;
	(pc) =	sbr.abs _section_cstart, $3  }
0xc1: {  	[dreg:$0x1] =	wrdreg $0xFFFFFFFF  }
0xc2: {  	_ =	task.clear_ibuf [dreg:s7], $0x2FFFF;
	_ =	strace $0x9FFFFFFF  }
0xc3: {  	(tm) =	ssettm $0x7FFFFFFF  }
tec
execute0_lowered:
.L_overlay_start_1:
0x0: {  	(tag) =	ssettag $0x1  }
0x1: {  	s1 =	rddreg [dreg:$0x0]  }
0x2: {  	s0 =	rddreg [dreg:$0x1]  }
0x3: {  	s2 =	rddreg [dreg:$0x2];
	s3 =	srdreg.scid  }
0x4: {  	s4 =	simm.s32 $0x0;
	s9 =	stileid.u32;
	s28 =	simm.s32 $0x6C00  }
0x5: {  	s29 =	simm.s32 $0x1;
	s30 =	simm.s32 $0x7C00;
	s31 =	simm.s32 $0x9E0  }
0x6: {  	s3 =	sand.u32 $0x1, s3;
	[smem:$0x7FF] =	sst s4;
	s6 =	smul.u32 $0x13C00, s9  }
0x7: {  	s5 =	smul.u32 $0x13C000, s3;
	s18 =	sshll.u32 s3, $0x4;
	s3 =	ssub.s32 $0x2, s3  }
0x8: {  	s7 =	sadd.s32 $0xBE00, s0;
	s8 =	sadd.s32 $0x1E00, s0;
	s19 =	sshrl.u32 s3, $0x1  }
0x9: {  	s5 =	sadd.s32 s6, s5;
	s6 =	sor.u32 s9, s18;
	s9 =	smul.u32 $0x4F000, s9  }
0xa: {  	_ =	strace $0x8000004A;
	s3 =	ssub.s32 s3, s19;
	s10 =	smul.u32 $0x2800, s6  }
0xb: {  	s19 =	simm.s32 $0x3C00;
	s5 =	sshrl.u32 s5, $0x3;
	s6 =	smul.u32 $0x500, s6  }
0xc: {  	s16 =	smax.u32 s3, $0x1;
	s3 =	simm.s32 $0x3A00;
	s9 =	sshrl.u32 s9, $0x2  }
0xd: {  	s0 =	sadd.s32 s5, s0;
	s5 =	sadd.s32 s9, s2;
	s20 =	sshrl.u32 s10, $0x3  }
0xe: {  	s22 =	sadd.s32 s7, s6;
	s6 =	sadd.s32 s8, s6;
	s15 =	sadd.s32 $0x15E00, s0  }
0xf: {  	s0 =	simm.s32 $0x3980;
	s21 =	sadd.s32 $0xF000, s5;
	[dreg:$0x5] =	wrdreg s22  }
0x10: {  	s23 =	sadd.s32 $0x140, s20;
	[dreg:$0x6] =	wrdreg s6;
	s25 =	sadd.s32 $0x280, s20  }
0x11: {  	s9 =	sadd.s32 $0x3C0, s20;
	s17 =	sadd.s32 $0x5000, s5;
	s18 =	sadd.s32 $0xA000, s5  }
0x12: {  	s20 =	simm.s32 $0x2;
	s22 =	simm.s32 $0x20;
	[dreg:$0x4] =	wrdreg s21  }
0x13: {  	s24 =	sadd.s32 s7, s23;
	s10 =	sadd.s32 s8, s23;
	s26 =	sadd.s32 s7, s25  }
0x14: {  	s6 =	sadd.s32 s8, s25;
	s13 =	sadd.s32 s7, s9;
	[dreg:$0x7] =	wrdreg s24  }
0x15: {  	s14 =	sadd.s32 s8, s9;
	s21 =	simm.s32 $0xA00;
	[dreg:$0x8] =	wrdreg s10  }
0x16: {  	s23 =	simm.s32 $0x4C00;
	s25 =	simm.s32 $0x5C00;
	[dreg:$0x9] =	wrdreg s26  }
0x17: {  	s7 =	simm.s32 $0x3B00;
	s8 =	simm.s32 $0x3B80;
	[dreg:$0xa] =	wrdreg s6  }
0x18: {  	v0 =	vimm.f32 $0.0e+00;
	s24 =	simm.s32 $0x40;
	s26 =	simm.s32 $0x60;
	s6 =	simm.s32 $0x3A80  }
.LBB2_1:
0x19: {  	s9 =	simm.s32 $0x70;
	s10 =	simm.s32 $0x3C0  }
.LBB2_2:
0x1a: {  	p0 =	sne.s32 s10, $0x13FC0;
	[tilespmem:s9+$0x3C00] =	vst v0  }
0x1b: {  	[tilespmem:s9+$0x3B90] =	vst v0  }
0x1c: {  	[tilespmem:s9+$0x3BA0] =	vst v0  }
.Ltmp0:
0x1d: {  	[tilespmem:s9+$0x3BB0] =	vst v0;
	(pc) =	sbr.rel @p0 .LBB2_2-.Ltmp0, $4  }
0x1e: {  	[tilespmem:s9+$0x3BC0] =	vst v0  }
0x1f: {  	[tilespmem:s9+$0x3BD0] =	vst v0  }
0x20: {  	[tilespmem:s9+$0x3BE0] =	vst v0  }
0x21: {  	[tilespmem:s9+$0x3BF0] =	vst v0;
	s9 =	sshra.s32 s10, $0x2;
	s10 =	sadd.s32 $0x200, s10  }
0x22: {  	[tilespmem:s9+$0x3C00] =	vst v0  }
0x23: {  	[tilespmem:s9+$0x3B90] =	vst v0  }
0x24: {  	[tilespmem:s9+$0x3BA0] =	vst v0  }
0x25: {  	[tilespmem:s9+$0x3BB0] =	vst v0  }
0x26: {  	[tilespmem:s9+$0x3BC0] =	vst v0  }
0x27: {  	[tilespmem:s9+$0x3BD0] =	vst v0  }
0x28: {  	[tilespmem:s9+$0x3BE0] =	vst v0  }
0x29: {  	[tilespmem:s9+$0x3BF0] =	vst v0  }
0x2a: {  	[spmem:s5] =	stream.linear.scatter [tilespmem:s19], [sflag:$0x2], $0x5000, $0x38;
	[tilespmem:$0x1C800] =	vst v63  }
0x2b: {  	_ =	swait.ge [sflag:s20], $0x5000  }
0x2c: {  	[sflag:s20] =	ssyncset.done $0x0  }
0x2d: {  	[sflag:s20] =	ssyncadd.s32 $0xFFFFB000  }
0x2e: {  	[spmem:s17] =	stream.linear.scatter [tilespmem:s19], [sflag:$0x2], $0x5000, $0x38;
	[tilespmem:$0x1C800] =	vst v63  }
0x2f: {  	_ =	swait.ge [sflag:s20], $0x5000  }
0x30: {  	[sflag:s20] =	ssyncset.done $0x0  }
0x31: {  	[sflag:s20] =	ssyncadd.s32 $0xFFFFB000  }
0x32: {  	[spmem:s18] =	stream.linear.scatter [tilespmem:s19], [sflag:$0x2], $0x5000, $0x38;
	[tilespmem:$0x1C800] =	vst v63  }
0x33: {  	_ =	swait.ge [sflag:s20], $0x5000  }
0x34: {  	[sflag:s20] =	ssyncset.done $0x0  }
0x35: {  	s10 =	rddreg [dreg:$0x4];
	[sflag:s20] =	ssyncadd.s32 $0xFFFFB000  }
0x36: {  	[spmem:s10] =	stream.linear.scatter [tilespmem:s19], [sflag:$0x2], $0x4C00, $0x38;
	[tilespmem:$0x1C800] =	vst v63  }
0x37: {  	_ =	swait.ge [sflag:s20], $0x4C00  }
0x38: {  	[sflag:s20] =	ssyncset.done $0x0  }
0x39: {  	[sflag:s20] =	ssyncadd.s32 $0xFFFFB400  }
0x3a: {  	[bflag:$0x0] =	sbarrier.arrive $0xFFFF  }
0x3b: {  	s11 =	simm.s32 $0x0;
	s10 =	rddreg [dreg:$0x5]  }
0x3c: {  	[tilespmem:s11], [sflag:$0x2] =	stream.linear.gather [hbm4b:s10+s11], $0xA00, $0x38;
	[tilespmem:$0x1C800] =	vst v63  }
0x3d: {  	_ =	swait.ge [sflag:s20], $0xA00  }
0x3e: {  	[sflag:s20] =	ssyncset.done $0x0  }
0x3f: {  	s12 =	rddreg [dreg:$0x6];
	[sflag:s20] =	ssyncadd.s32 $0xFFFFF600  }
0x40: {  	[tilespmem:s21], [sflag:$0x2] =	stream.linear.gather [hbm4b:s12+s11], $0xA00, $0x38;
	[tilespmem:$0x1C800] =	vst v63  }
0x41: {  	_ =	swait.ge [sflag:s20], $0xA00  }
0x42: {  	[sflag:s20] =	ssyncset.done $0x0  }
0x43: {  	s9 =	sand.u32 $0xFE0, s11;
	[sflag:s20] =	ssyncadd.s32 $0xFFFFF600  }
0x44: {  	v1 =	vld [tilespmem:s9+$0xA00];
	_ =	sdelay $0x3  }
0x45: {  	s10 =	simm.s32 $0x1410  }
0x46: {  	s9 =	simm.s32 $0xA10;
	[tilespmem:s10+$0xFFFFFFF0] =	vst v1  }
0x47: {  	v1 =	vld [tilespmem:s9+$0x0];
	_ =	sdelay $0x3  }
0x48: {  	s11 =	simm.s32 $0x20  }
0x49: {  	s12 =	sand.u32 $0xFE0, s11;
	s11 =	simm.s32 $0x40;
	[tilespmem:s10+$0x0] =	vst v1  }
.LBB2_4:
0x4a: {  	p0 =	sne.s32 s11, $0x9E0;
	v1 =	vld [tilespmem:s12+$0xA00];
	_ =	sdelay $0x3  }
0x4b: {  	s10 =	sadd.s32 $0x80, s10  }
0x4c: {  	s9 =	sadd.s32 $0x20, s9;
	[tilespmem:s10+$0xFFFFFFF0] =	vst v1  }
0x4d: {  	v1 =	vld [tilespmem:s9+$0x0]  }
.Ltmp1:
0x4e: {  	(pc) =	sbr.rel @p0 .LBB2_4-.Ltmp1, $2  }
0x4f: {  	_ =	sdelay $0x2  }
0x50: {  	s12 =	sand.u32 $0xFE0, s11;
	s11 =	sadd.s32 $0x20, s11;
	[tilespmem:s10+$0x0] =	vst v1  }
0x51: {  	v1 =	vld [tilespmem:s12+$0xA00];
	_ =	sdelay $0x3  }
0x52: {  	s10 =	sadd.s32 $0x80, s10  }
0x53: {  	s9 =	sadd.s32 $0x20, s9;
	[tilespmem:s10+$0xFFFFFFF0] =	vst v1  }
0x54: {  	v1 =	vld [tilespmem:s9+$0x0];
	_ =	sdelay $0x4  }
0x55: {  	s12 =	simm.s32 $0x0;
	[tilespmem:s10+$0x0] =	vst v1  }
0x56: {  	[tilespmem:s19], [sflag:$0x1] =	stream.indirect.gather [hbm4b:s1+s22], $0x80, s12, s22, $0xb8;
	[tilespmem:$0x1C800] =	vst v63  }
0x57: {  	_ = 	snop  }
0x58: {  	[tilespmem:s23], [sflag:$0x1] =	stream.indirect.gather [hbm4b:s1+s22], $0x80, s22, s22, $0xb8;
	[tilespmem:$0x1C800] =	vst v63  }
0x59: {  	_ = 	snop  }
0x5a: {  	[tilespmem:s25], [sflag:$0x1] =	stream.indirect.gather [hbm4b:s1+s22], $0x80, s24, s22, $0xb8;
	[tilespmem:$0x1C800] =	vst v63  }
0x5b: {  	_ = 	snop  }
0x5c: {  	[tilespmem:s28], [sflag:$0x1] =	stream.indirect.gather [hbm4b:s1+s22], $0x80, s26, s22, $0xb8;
	[tilespmem:$0x1C800] =	vst v63  }
0x5d: {  	_ =	swait.ge [sflag:s29], $0x1000  }
0x5e: {  	[sflag:s29] =	ssyncset.done $0x0  }
0x5f: {  	s10 =	simm.s32 $0x80;
	[sflag:s29] =	ssyncadd.s32 $0xFFFFF000  }
0x60: {  	[tilespmem:s30], [sflag:$0x1] =	stream.indirect.gather [hbm4b:s1+s22], $0x80, s10, s22, $0xb8;
	[tilespmem:$0x1C800] =	vst v63  }
0x61: {  	s9 =	simm.s32 $0x1400  }
0x62: {  	[spmem:s2] =	stream.indirect.scatter.add.f32 [tilespmem:s19], [sflag:$0x2], $0x80, s9, s22, $0xb8;
	[tilespmem:$0x1C800] =	vst v63  }
0x63: {  	_ =	swait.ge [sflag:s20], $0x1000  }
0x64: {  	[sflag:s20] =	ssyncset.done $0x0  }
0x65: {  	[sflag:s20] =	ssyncadd.s32 $0xFFFFF000  }
0x66: {  	_ =	swait.ge [sflag:s29], $0x1000  }
0x67: {  	[sflag:s29] =	ssyncset.done $0x0  }
0x68: {  	s11 =	simm.s32 $0xA0;
	[sflag:s29] =	ssyncadd.s32 $0xFFFFF000  }
0x69: {  	[tilespmem:s19], [sflag:$0x1] =	stream.indirect.gather [hbm4b:s1+s22], $0x80, s11, s22, $0xb8;
	[tilespmem:$0x1C800] =	vst v63  }
0x6a: {  	s12 =	simm.s32 $0x1480  }
0x6b: {  	[spmem:s2] =	stream.indirect.scatter.add.f32 [tilespmem:s23], [sflag:$0x2], $0x80, s12, s22, $0xb8;
	[tilespmem:$0x1C800] =	vst v63  }
0x6c: {  	_ =	swait.ge [sflag:s20], $0x1000  }
0x6d: {  	[sflag:s20] =	ssyncset.done $0x0  }
0x6e: {  	[sflag:s20] =	ssyncadd.s32 $0xFFFFF000  }
0x6f: {  	_ =	swait.ge [sflag:s29], $0x1000  }
0x70: {  	[sflag:s29] =	ssyncset.done $0x0  }
0x71: {  	s11 =	simm.s32 $0xC0;
	[sflag:s29] =	ssyncadd.s32 $0xFFFFF000  }
0x72: {  	[tilespmem:s23], [sflag:$0x1] =	stream.indirect.gather [hbm4b:s1+s22], $0x80, s11, s22, $0xb8;
	[tilespmem:$0x1C800] =	vst v63  }
0x73: {  	s12 =	simm.s32 $0x1500  }
0x74: {  	[spmem:s2] =	stream.indirect.scatter.add.f32 [tilespmem:s25], [sflag:$0x2], $0x80, s12, s22, $0xb8;
	[tilespmem:$0x1C800] =	vst v63  }
0x75: {  	_ =	swait.ge [sflag:s20], $0x1000  }
0x76: {  	[sflag:s20] =	ssyncset.done $0x0  }
0x77: {  	[sflag:s20] =	ssyncadd.s32 $0xFFFFF000  }
0x78: {  	_ =	swait.ge [sflag:s29], $0x1000  }
0x79: {  	[sflag:s29] =	ssyncset.done $0x0  }
0x7a: {  	s11 =	simm.s32 $0xE0;
	[sflag:s29] =	ssyncadd.s32 $0xFFFFF000  }
0x7b: {  	[tilespmem:s25], [sflag:$0x1] =	stream.indirect.gather [hbm4b:s1+s22], $0x80, s11, s22, $0xb8;
	[tilespmem:$0x1C800] =	vst v63  }
0x7c: {  	s12 =	simm.s32 $0x1580  }
0x7d: {  	[spmem:s2] =	stream.indirect.scatter.add.f32 [tilespmem:s28], [sflag:$0x2], $0x80, s12, s22, $0xb8;
	[tilespmem:$0x1C800] =	vst v63  }
0x7e: {  	_ =	swait.ge [sflag:s20], $0x1000  }
0x7f: {  	[sflag:s20] =	ssyncset.done $0x0  }
0x80: {  	[sflag:s20] =	ssyncadd.s32 $0xFFFFF000  }
0x81: {  	_ =	swait.ge [sflag:s29], $0x1000  }
0x82: {  	[sflag:s29] =	ssyncset.done $0x0  }
0x83: {  	s11 =	simm.s32 $0x100;
	[sflag:s29] =	ssyncadd.s32 $0xFFFFF000  }
0x84: {  	[tilespmem:s28], [sflag:$0x1] =	stream.indirect.gather [hbm4b:s1+s22], $0x80, s11, s22, $0xb8;
	[tilespmem:$0x1C800] =	vst v63  }
0x85: {  	s12 =	simm.s32 $0x1600  }
0x86: {  	[spmem:s2] =	stream.indirect.scatter.add.f32 [tilespmem:s30], [sflag:$0x2], $0x80, s12, s22, $0xb8;
	[tilespmem:$0x1C800] =	vst v63  }
0x87: {  	_ =	swait.ge [sflag:s20], $0x1000  }
0x88: {  	s10 =	simm.s32 $0x280;
	[sflag:s20] =	ssyncset.done $0x0  }
.LBB2_6:
0x89: {  	p0 =	sne.s32 s10, $0x2300;
	[sflag:s20] =	ssyncadd.s32 $0xFFFFF000;
	s9 =	sadd.s32 $0x280, s9  }
0x8a: {  	s11 =	smov.u32 s10;
	s10 =	sadd.s32 $0x280, s10  }
0x8b: {  	_ =	swait.ge [sflag:s29], $0x1000  }
0x8c: {  	s11 =	sshra.s32 s11, $0x2;
	[sflag:s29] =	ssyncset.done $0x0  }
0x8d: {  	s12 =	sadd.s32 $0x80, s11;
	[sflag:s29] =	ssyncadd.s32 $0xFFFFF000  }
0x8e: {  	[tilespmem:s30], [sflag:$0x1] =	stream.indirect.gather [hbm4b:s1+s22], $0x80, s12, s22, $0xb8;
	[tilespmem:$0x1C800] =	vst v63  }
0x8f: {  	_ = 	snop  }
0x90: {  	[spmem:s2] =	stream.indirect.scatter.add.f32 [tilespmem:s19], [sflag:$0x2], $0x80, s9, s22, $0xb8;
	[tilespmem:$0x1C800] =	vst v63  }
0x91: {  	_ =	swait.ge [sflag:s20], $0x1000  }
0x92: {  	[sflag:s20] =	ssyncset.done $0x0  }
0x93: {  	[sflag:s20] =	ssyncadd.s32 $0xFFFFF000  }
0x94: {  	_ =	swait.ge [sflag:s29], $0x1000  }
0x95: {  	[sflag:s29] =	ssyncset.done $0x0  }
0x96: {  	s12 =	sadd.s32 $0xA0, s11;
	[sflag:s29] =	ssyncadd.s32 $0xFFFFF000  }
0x97: {  	[tilespmem:s19], [sflag:$0x1] =	stream.indirect.gather [hbm4b:s1+s22], $0x80, s12, s22, $0xb8;
	[tilespmem:$0x1C800] =	vst v63  }
0x98: {  	s12 =	sadd.s32 $0x80, s9  }
0x99: {  	[spmem:s2] =	stream.indirect.scatter.add.f32 [tilespmem:s23], [sflag:$0x2], $0x80, s12, s22, $0xb8;
	[tilespmem:$0x1C800] =	vst v63  }
0x9a: {  	_ =	swait.ge [sflag:s20], $0x1000  }
0x9b: {  	[sflag:s20] =	ssyncset.done $0x0  }
0x9c: {  	[sflag:s20] =	ssyncadd.s32 $0xFFFFF000  }
0x9d: {  	_ =	swait.ge [sflag:s29], $0x1000  }
0x9e: {  	[sflag:s29] =	ssyncset.done $0x0  }
0x9f: {  	s12 =	sadd.s32 $0xC0, s11;
	[sflag:s29] =	ssyncadd.s32 $0xFFFFF000  }
0xa0: {  	[tilespmem:s23], [sflag:$0x1] =	stream.indirect.gather [hbm4b:s1+s22], $0x80, s12, s22, $0xb8;
	[tilespmem:$0x1C800] =	vst v63  }
0xa1: {  	s12 =	sadd.s32 $0x100, s9  }
0xa2: {  	[spmem:s2] =	stream.indirect.scatter.add.f32 [tilespmem:s25], [sflag:$0x2], $0x80, s12, s22, $0xb8;
	[tilespmem:$0x1C800] =	vst v63  }
0xa3: {  	_ =	swait.ge [sflag:s20], $0x1000  }
0xa4: {  	[sflag:s20] =	ssyncset.done $0x0  }
0xa5: {  	[sflag:s20] =	ssyncadd.s32 $0xFFFFF000  }
0xa6: {  	_ =	swait.ge [sflag:s29], $0x1000  }
0xa7: {  	[sflag:s29] =	ssyncset.done $0x0  }
0xa8: {  	s12 =	sadd.s32 $0xE0, s11;
	[sflag:s29] =	ssyncadd.s32 $0xFFFFF000  }
0xa9: {  	[tilespmem:s25], [sflag:$0x1] =	stream.indirect.gather [hbm4b:s1+s22], $0x80, s12, s22, $0xb8;
	[tilespmem:$0x1C800] =	vst v63  }
0xaa: {  	s12 =	sadd.s32 $0x180, s9  }
0xab: {  	[spmem:s2] =	stream.indirect.scatter.add.f32 [tilespmem:s28], [sflag:$0x2], $0x80, s12, s22, $0xb8;
	[tilespmem:$0x1C800] =	vst v63  }
0xac: {  	_ =	swait.ge [sflag:s20], $0x1000  }
0xad: {  	[sflag:s20] =	ssyncset.done $0x0  }
0xae: {  	[sflag:s20] =	ssyncadd.s32 $0xFFFFF000  }
0xaf: {  	_ =	swait.ge [sflag:s29], $0x1000  }
0xb0: {  	[sflag:s29] =	ssyncset.done $0x0  }
0xb1: {  	s11 =	sadd.s32 $0x100, s11;
	[sflag:s29] =	ssyncadd.s32 $0xFFFFF000  }
0xb2: {  	[tilespmem:s28], [sflag:$0x1] =	stream.indirect.gather [hbm4b:s1+s22], $0x80, s11, s22, $0xb8;
	[tilespmem:$0x1C800] =	vst v63  }
.Ltmp2:
0xb3: {  	_ = 	snop;
	(pc) =	sbr.rel @p0 .LBB2_6-.Ltmp2, $4  }
0xb4: {  	s11 =	sadd.s32 $0x200, s9  }
0xb5: {  	[spmem:s2] =	stream.indirect.scatter.add.f32 [tilespmem:s30], [sflag:$0x2], $0x80, s11, s22, $0xb8;
	[tilespmem:$0x1C800] =	vst v63  }
0xb6: {  	_ =	swait.ge [sflag:s20], $0x1000  }
0xb7: {  	[sflag:s20] =	ssyncset.done $0x0  }
0xb8: {  	[sflag:s20] =	ssyncadd.s32 $0xFFFFF000  }
0xb9: {  	_ =	swait.ge [sflag:s29], $0x1000  }
0xba: {  	[sflag:s29] =	ssyncset.done $0x0  }
0xbb: {  	[sflag:s29] =	ssyncadd.s32 $0xFFFFF000  }
0xbc: {  	[tilespmem:s30], [sflag:$0x1] =	stream.indirect.gather [hbm4b:s1+s22], $0x80, s31, s22, $0xb8;
	[tilespmem:$0x1C800] =	vst v63  }
0xbd: {  	_ = 	snop  }
0xbe: {  	[spmem:s2] =	stream.indirect.scatter.add.f32 [tilespmem:s19], [sflag:$0x2], $0x80, s0, s22, $0xb8;
	[tilespmem:$0x1C800] =	vst v63  }
0xbf: {  	_ =	swait.ge [sflag:s20], $0x1000  }
0xc0: {  	[sflag:s20] =	ssyncset.done $0x0  }
0xc1: {  	[sflag:s20] =	ssyncadd.s32 $0xFFFFF000  }
0xc2: {  	_ =	swait.ge [sflag:s29], $0x1000  }
0xc3: {  	[sflag:s29] =	ssyncset.done $0x0  }
0xc4: {  	[sflag:s29] =	ssyncadd.s32 $0xFFFFF000  }
0xc5: {  	[spmem:s2] =	stream.indirect.scatter.add.f32 [tilespmem:s23], [sflag:$0x2], $0x80, s3, s22, $0xb8;
	[tilespmem:$0x1C800] =	vst v63  }
0xc6: {  	_ =	swait.ge [sflag:s20], $0x1000  }
0xc7: {  	[sflag:s20] =	ssyncset.done $0x0  }
0xc8: {  	[sflag:s20] =	ssyncadd.s32 $0xFFFFF000  }
0xc9: {  	_ =	swait.ge [sflag:s29], $0x1000  }
0xca: {  	[sflag:s29] =	ssyncset.done $0x0  }
0xcb: {  	[sflag:s29] =	ssyncadd.s32 $0xFFFFF000  }
0xcc: {  	[spmem:s2] =	stream.indirect.scatter.add.f32 [tilespmem:s25], [sflag:$0x2], $0x80, s6, s22, $0xb8;
	[tilespmem:$0x1C800] =	vst v63  }
0xcd: {  	_ =	swait.ge [sflag:s20], $0x1000  }
0xce: {  	[sflag:s20] =	ssyncset.done $0x0  }
0xcf: {  	[sflag:s20] =	ssyncadd.s32 $0xFFFFF000  }
0xd0: {  	_ =	swait.ge [sflag:s29], $0x1000  }
0xd1: {  	[sflag:s29] =	ssyncset.done $0x0  }
0xd2: {  	[sflag:s29] =	ssyncadd.s32 $0xFFFFF000  }
0xd3: {  	[spmem:s2] =	stream.indirect.scatter.add.f32 [tilespmem:s28], [sflag:$0x2], $0x80, s7, s22, $0xb8;
	[tilespmem:$0x1C800] =	vst v63  }
0xd4: {  	_ =	swait.ge [sflag:s20], $0x1000  }
0xd5: {  	[sflag:s20] =	ssyncset.done $0x0  }
0xd6: {  	[sflag:s20] =	ssyncadd.s32 $0xFFFFF000  }
0xd7: {  	_ =	swait.ge [sflag:s29], $0x1000  }
0xd8: {  	[sflag:s29] =	ssyncset.done $0x0  }
0xd9: {  	[sflag:s29] =	ssyncadd.s32 $0xFFFFF000  }
0xda: {  	[spmem:s2] =	stream.indirect.scatter.add.f32 [tilespmem:s30], [sflag:$0x2], $0x80, s8, s22, $0xb8;
	[tilespmem:$0x1C800] =	vst v63  }
0xdb: {  	_ =	swait.ge [sflag:s20], $0x1000  }
0xdc: {  	[sflag:s20] =	ssyncset.done $0x0  }
0xdd: {  	s9 =	simm.s32 $0x0;
	s10 =	rddreg [dreg:$0x7];
	[sflag:s20] =	ssyncadd.s32 $0xFFFFF000  }
0xde: {  	[tilespmem:s9], [sflag:$0x2] =	stream.linear.gather [hbm4b:s10+s9], $0xA00, $0x38;
	[tilespmem:$0x1C800] =	vst v63  }
0xdf: {  	_ =	swait.ge [sflag:s20], $0xA00  }
0xe0: {  	[sflag:s20] =	ssyncset.done $0x0  }
0xe1: {  	s12 =	rddreg [dreg:$0x8];
	[sflag:s20] =	ssyncadd.s32 $0xFFFFF600  }
0xe2: {  	[tilespmem:s21], [sflag:$0x2] =	stream.linear.gather [hbm4b:s12+s9], $0xA00, $0x38;
	[tilespmem:$0x1C800] =	vst v63  }
0xe3: {  	_ =	swait.ge [sflag:s20], $0xA00  }
0xe4: {  	[sflag:s20] =	ssyncset.done $0x0  }
0xe5: {  	s9 =	sand.u32 $0xFE0, s9;
	[sflag:s20] =	ssyncadd.s32 $0xFFFFF600  }
0xe6: {  	v1 =	vld [tilespmem:s9+$0xA00];
	_ =	sdelay $0x3  }
0xe7: {  	s10 =	simm.s32 $0x1410  }
0xe8: {  	s9 =	simm.s32 $0xA10;
	[tilespmem:s10+$0xFFFFFFF0] =	vst v1  }
0xe9: {  	v1 =	vld [tilespmem:s9+$0x0];
	_ =	sdelay $0x3  }
0xea: {  	s11 =	simm.s32 $0x20  }
0xeb: {  	s12 =	sand.u32 $0xFE0, s11;
	s11 =	simm.s32 $0x40;
	[tilespmem:s10+$0x0] =	vst v1  }
.LBB2_8:
0xec: {  	p0 =	sne.s32 s11, $0x9E0;
	v1 =	vld [tilespmem:s12+$0xA00];
	_ =	sdelay $0x3  }
0xed: {  	s10 =	sadd.s32 $0x80, s10  }
0xee: {  	s9 =	sadd.s32 $0x20, s9;
	[tilespmem:s10+$0xFFFFFFF0] =	vst v1  }
0xef: {  	v1 =	vld [tilespmem:s9+$0x0]  }
.Ltmp3:
0xf0: {  	(pc) =	sbr.rel @p0 .LBB2_8-.Ltmp3, $2  }
0xf1: {  	_ =	sdelay $0x2  }
0xf2: {  	s12 =	sand.u32 $0xFE0, s11;
	s11 =	sadd.s32 $0x20, s11;
	[tilespmem:s10+$0x0] =	vst v1  }
0xf3: {  	v1 =	vld [tilespmem:s12+$0xA00];
	_ =	sdelay $0x3  }
0xf4: {  	s10 =	sadd.s32 $0x80, s10  }
0xf5: {  	s9 =	sadd.s32 $0x20, s9;
	[tilespmem:s10+$0xFFFFFFF0] =	vst v1  }
0xf6: {  	v1 =	vld [tilespmem:s9+$0x0];
	_ =	sdelay $0x4  }
0xf7: {  	s12 =	simm.s32 $0x0;
	[tilespmem:s10+$0x0] =	vst v1  }
0xf8: {  	[tilespmem:s19], [sflag:$0x1] =	stream.indirect.gather [hbm4b:s1+s22], $0x80, s12, s22, $0xb8;
	[tilespmem:$0x1C800] =	vst v63  }
0xf9: {  	_ = 	snop  }
0xfa: {  	[tilespmem:s23], [sflag:$0x1] =	stream.indirect.gather [hbm4b:s1+s22], $0x80, s22, s22, $0xb8;
	[tilespmem:$0x1C800] =	vst v63  }
0xfb: {  	_ = 	snop  }
0xfc: {  	[tilespmem:s25], [sflag:$0x1] =	stream.indirect.gather [hbm4b:s1+s22], $0x80, s24, s22, $0xb8;
	[tilespmem:$0x1C800] =	vst v63  }
0xfd: {  	_ = 	snop  }
0xfe: {  	[tilespmem:s28], [sflag:$0x1] =	stream.indirect.gather [hbm4b:s1+s22], $0x80, s26, s22, $0xb8;
	[tilespmem:$0x1C800] =	vst v63  }
0xff: {  	_ =	swait.ge [sflag:s29], $0x1000  }
0x100: {  	[sflag:s29] =	ssyncset.done $0x0  }
0x101: {  	s10 =	simm.s32 $0x80;
	[sflag:s29] =	ssyncadd.s32 $0xFFFFF000  }
0x102: {  	[tilespmem:s30], [sflag:$0x1] =	stream.indirect.gather [hbm4b:s1+s22], $0x80, s10, s22, $0xb8;
	[tilespmem:$0x1C800] =	vst v63  }
0x103: {  	s9 =	simm.s32 $0x1400  }
0x104: {  	[spmem:s2] =	stream.indirect.scatter.add.f32 [tilespmem:s19], [sflag:$0x2], $0x80, s9, s22, $0xb8;
	[tilespmem:$0x1C800] =	vst v63  }
0x105: {  	_ =	swait.ge [sflag:s20], $0x1000  }
0x106: {  	[sflag:s20] =	ssyncset.done $0x0  }
0x107: {  	[sflag:s20] =	ssyncadd.s32 $0xFFFFF000  }
0x108: {  	_ =	swait.ge [sflag:s29], $0x1000  }
0x109: {  	[sflag:s29] =	ssyncset.done $0x0  }
0x10a: {  	s11 =	simm.s32 $0xA0;
	[sflag:s29] =	ssyncadd.s32 $0xFFFFF000  }
0x10b: {  	[tilespmem:s19], [sflag:$0x1] =	stream.indirect.gather [hbm4b:s1+s22], $0x80, s11, s22, $0xb8;
	[tilespmem:$0x1C800] =	vst v63  }
0x10c: {  	s12 =	simm.s32 $0x1480  }
0x10d: {  	[spmem:s2] =	stream.indirect.scatter.add.f32 [tilespmem:s23], [sflag:$0x2], $0x80, s12, s22, $0xb8;
	[tilespmem:$0x1C800] =	vst v63  }
0x10e: {  	_ =	swait.ge [sflag:s20], $0x1000  }
0x10f: {  	[sflag:s20] =	ssyncset.done $0x0  }
0x110: {  	[sflag:s20] =	ssyncadd.s32 $0xFFFFF000  }
0x111: {  	_ =	swait.ge [sflag:s29], $0x1000  }
0x112: {  	[sflag:s29] =	ssyncset.done $0x0  }
0x113: {  	s11 =	simm.s32 $0xC0;
	[sflag:s29] =	ssyncadd.s32 $0xFFFFF000  }
0x114: {  	[tilespmem:s23], [sflag:$0x1] =	stream.indirect.gather [hbm4b:s1+s22], $0x80, s11, s22, $0xb8;
	[tilespmem:$0x1C800] =	vst v63  }
0x115: {  	s12 =	simm.s32 $0x1500  }
0x116: {  	[spmem:s2] =	stream.indirect.scatter.add.f32 [tilespmem:s25], [sflag:$0x2], $0x80, s12, s22, $0xb8;
	[tilespmem:$0x1C800] =	vst v63  }
0x117: {  	_ =	swait.ge [sflag:s20], $0x1000  }
0x118: {  	[sflag:s20] =	ssyncset.done $0x0  }
0x119: {  	[sflag:s20] =	ssyncadd.s32 $0xFFFFF000  }
0x11a: {  	_ =	swait.ge [sflag:s29], $0x1000  }
0x11b: {  	[sflag:s29] =	ssyncset.done $0x0  }
0x11c: {  	s11 =	simm.s32 $0xE0;
	[sflag:s29] =	ssyncadd.s32 $0xFFFFF000  }
0x11d: {  	[tilespmem:s25], [sflag:$0x1] =	stream.indirect.gather [hbm4b:s1+s22], $0x80, s11, s22, $0xb8;
	[tilespmem:$0x1C800] =	vst v63  }
0x11e: {  	s12 =	simm.s32 $0x1580  }
0x11f: {  	[spmem:s2] =	stream.indirect.scatter.add.f32 [tilespmem:s28], [sflag:$0x2], $0x80, s12, s22, $0xb8;
	[tilespmem:$0x1C800] =	vst v63  }
0x120: {  	_ =	swait.ge [sflag:s20], $0x1000  }
0x121: {  	[sflag:s20] =	ssyncset.done $0x0  }
0x122: {  	[sflag:s20] =	ssyncadd.s32 $0xFFFFF000  }
0x123: {  	_ =	swait.ge [sflag:s29], $0x1000  }
0x124: {  	[sflag:s29] =	ssyncset.done $0x0  }
0x125: {  	s11 =	simm.s32 $0x100;
	[sflag:s29] =	ssyncadd.s32 $0xFFFFF000  }
0x126: {  	[tilespmem:s28], [sflag:$0x1] =	stream.indirect.gather [hbm4b:s1+s22], $0x80, s11, s22, $0xb8;
	[tilespmem:$0x1C800] =	vst v63  }
0x127: {  	s12 =	simm.s32 $0x1600  }
0x128: {  	[spmem:s2] =	stream.indirect.scatter.add.f32 [tilespmem:s30], [sflag:$0x2], $0x80, s12, s22, $0xb8;
	[tilespmem:$0x1C800] =	vst v63  }
0x129: {  	_ =	swait.ge [sflag:s20], $0x1000  }
0x12a: {  	s10 =	simm.s32 $0x280;
	[sflag:s20] =	ssyncset.done $0x0  }
.LBB2_10:
0x12b: {  	p0 =	sne.s32 s10, $0x2300;
	[sflag:s20] =	ssyncadd.s32 $0xFFFFF000;
	s9 =	sadd.s32 $0x280, s9  }
0x12c: {  	s11 =	smov.u32 s10;
	s10 =	sadd.s32 $0x280, s10  }
0x12d: {  	_ =	swait.ge [sflag:s29], $0x1000  }
0x12e: {  	s11 =	sshra.s32 s11, $0x2;
	[sflag:s29] =	ssyncset.done $0x0  }
0x12f: {  	s12 =	sadd.s32 $0x80, s11;
	[sflag:s29] =	ssyncadd.s32 $0xFFFFF000  }
0x130: {  	[tilespmem:s30], [sflag:$0x1] =	stream.indirect.gather [hbm4b:s1+s22], $0x80, s12, s22, $0xb8;
	[tilespmem:$0x1C800] =	vst v63  }
0x131: {  	_ = 	snop  }
0x132: {  	[spmem:s2] =	stream.indirect.scatter.add.f32 [tilespmem:s19], [sflag:$0x2], $0x80, s9, s22, $0xb8;
	[tilespmem:$0x1C800] =	vst v63  }
0x133: {  	_ =	swait.ge [sflag:s20], $0x1000  }
0x134: {  	[sflag:s20] =	ssyncset.done $0x0  }
0x135: {  	[sflag:s20] =	ssyncadd.s32 $0xFFFFF000  }
0x136: {  	_ =	swait.ge [sflag:s29], $0x1000  }
0x137: {  	[sflag:s29] =	ssyncset.done $0x0  }
0x138: {  	s12 =	sadd.s32 $0xA0, s11;
	[sflag:s29] =	ssyncadd.s32 $0xFFFFF000  }
0x139: {  	[tilespmem:s19], [sflag:$0x1] =	stream.indirect.gather [hbm4b:s1+s22], $0x80, s12, s22, $0xb8;
	[tilespmem:$0x1C800] =	vst v63  }
0x13a: {  	s12 =	sadd.s32 $0x80, s9  }
0x13b: {  	[spmem:s2] =	stream.indirect.scatter.add.f32 [tilespmem:s23], [sflag:$0x2], $0x80, s12, s22, $0xb8;
	[tilespmem:$0x1C800] =	vst v63  }
0x13c: {  	_ =	swait.ge [sflag:s20], $0x1000  }
0x13d: {  	[sflag:s20] =	ssyncset.done $0x0  }
0x13e: {  	[sflag:s20] =	ssyncadd.s32 $0xFFFFF000  }
0x13f: {  	_ =	swait.ge [sflag:s29], $0x1000  }
0x140: {  	[sflag:s29] =	ssyncset.done $0x0  }
0x141: {  	s12 =	sadd.s32 $0xC0, s11;
	[sflag:s29] =	ssyncadd.s32 $0xFFFFF000  }
0x142: {  	[tilespmem:s23], [sflag:$0x1] =	stream.indirect.gather [hbm4b:s1+s22], $0x80, s12, s22, $0xb8;
	[tilespmem:$0x1C800] =	vst v63  }
0x143: {  	s12 =	sadd.s32 $0x100, s9  }
0x144: {  	[spmem:s2] =	stream.indirect.scatter.add.f32 [tilespmem:s25], [sflag:$0x2], $0x80, s12, s22, $0xb8;
	[tilespmem:$0x1C800] =	vst v63  }
0x145: {  	_ =	swait.ge [sflag:s20], $0x1000  }
0x146: {  	[sflag:s20] =	ssyncset.done $0x0  }
0x147: {  	[sflag:s20] =	ssyncadd.s32 $0xFFFFF000  }
0x148: {  	_ =	swait.ge [sflag:s29], $0x1000  }
0x149: {  	[sflag:s29] =	ssyncset.done $0x0  }
0x14a: {  	s12 =	sadd.s32 $0xE0, s11;
	[sflag:s29] =	ssyncadd.s32 $0xFFFFF000  }
0x14b: {  	[tilespmem:s25], [sflag:$0x1] =	stream.indirect.gather [hbm4b:s1+s22], $0x80, s12, s22, $0xb8;
	[tilespmem:$0x1C800] =	vst v63  }
0x14c: {  	s12 =	sadd.s32 $0x180, s9  }
0x14d: {  	[spmem:s2] =	stream.indirect.scatter.add.f32 [tilespmem:s28], [sflag:$0x2], $0x80, s12, s22, $0xb8;
	[tilespmem:$0x1C800] =	vst v63  }
0x14e: {  	_ =	swait.ge [sflag:s20], $0x1000  }
0x14f: {  	[sflag:s20] =	ssyncset.done $0x0  }
0x150: {  	[sflag:s20] =	ssyncadd.s32 $0xFFFFF000  }
0x151: {  	_ =	swait.ge [sflag:s29], $0x1000  }
0x152: {  	[sflag:s29] =	ssyncset.done $0x0  }
0x153: {  	s11 =	sadd.s32 $0x100, s11;
	[sflag:s29] =	ssyncadd.s32 $0xFFFFF000  }
0x154: {  	[tilespmem:s28], [sflag:$0x1] =	stream.indirect.gather [hbm4b:s1+s22], $0x80, s11, s22, $0xb8;
	[tilespmem:$0x1C800] =	vst v63  }
.Ltmp4:
0x155: {  	_ = 	snop;
	(pc) =	sbr.rel @p0 .LBB2_10-.Ltmp4, $4  }
0x156: {  	s11 =	sadd.s32 $0x200, s9  }
0x157: {  	[spmem:s2] =	stream.indirect.scatter.add.f32 [tilespmem:s30], [sflag:$0x2], $0x80, s11, s22, $0xb8;
	[tilespmem:$0x1C800] =	vst v63  }
0x158: {  	_ =	swait.ge [sflag:s20], $0x1000  }
0x159: {  	[sflag:s20] =	ssyncset.done $0x0  }
0x15a: {  	[sflag:s20] =	ssyncadd.s32 $0xFFFFF000  }
0x15b: {  	_ =	swait.ge [sflag:s29], $0x1000  }
0x15c: {  	[sflag:s29] =	ssyncset.done $0x0  }
0x15d: {  	[sflag:s29] =	ssyncadd.s32 $0xFFFFF000  }
0x15e: {  	[tilespmem:s30], [sflag:$0x1] =	stream.indirect.gather [hbm4b:s1+s22], $0x80, s31, s22, $0xb8;
	[tilespmem:$0x1C800] =	vst v63  }
0x15f: {  	_ = 	snop  }
0x160: {  	[spmem:s2] =	stream.indirect.scatter.add.f32 [tilespmem:s19], [sflag:$0x2], $0x80, s0, s22, $0xb8;
	[tilespmem:$0x1C800] =	vst v63  }
0x161: {  	_ =	swait.ge [sflag:s20], $0x1000  }
0x162: {  	[sflag:s20] =	ssyncset.done $0x0  }
0x163: {  	[sflag:s20] =	ssyncadd.s32 $0xFFFFF000  }
0x164: {  	_ =	swait.ge [sflag:s29], $0x1000  }
0x165: {  	[sflag:s29] =	ssyncset.done $0x0  }
0x166: {  	[sflag:s29] =	ssyncadd.s32 $0xFFFFF000  }
0x167: {  	[spmem:s2] =	stream.indirect.scatter.add.f32 [tilespmem:s23], [sflag:$0x2], $0x80, s3, s22, $0xb8;
	[tilespmem:$0x1C800] =	vst v63  }
0x168: {  	_ =	swait.ge [sflag:s20], $0x1000  }
0x169: {  	[sflag:s20] =	ssyncset.done $0x0  }
0x16a: {  	[sflag:s20] =	ssyncadd.s32 $0xFFFFF000  }
0x16b: {  	_ =	swait.ge [sflag:s29], $0x1000  }
0x16c: {  	[sflag:s29] =	ssyncset.done $0x0  }
0x16d: {  	[sflag:s29] =	ssyncadd.s32 $0xFFFFF000  }
0x16e: {  	[spmem:s2] =	stream.indirect.scatter.add.f32 [tilespmem:s25], [sflag:$0x2], $0x80, s6, s22, $0xb8;
	[tilespmem:$0x1C800] =	vst v63  }
0x16f: {  	_ =	swait.ge [sflag:s20], $0x1000  }
0x170: {  	[sflag:s20] =	ssyncset.done $0x0  }
0x171: {  	[sflag:s20] =	ssyncadd.s32 $0xFFFFF000  }
0x172: {  	_ =	swait.ge [sflag:s29], $0x1000  }
0x173: {  	[sflag:s29] =	ssyncset.done $0x0  }
0x174: {  	[sflag:s29] =	ssyncadd.s32 $0xFFFFF000  }
0x175: {  	[spmem:s2] =	stream.indirect.scatter.add.f32 [tilespmem:s28], [sflag:$0x2], $0x80, s7, s22, $0xb8;
	[tilespmem:$0x1C800] =	vst v63  }
0x176: {  	_ =	swait.ge [sflag:s20], $0x1000  }
0x177: {  	[sflag:s20] =	ssyncset.done $0x0  }
0x178: {  	[sflag:s20] =	ssyncadd.s32 $0xFFFFF000  }
0x179: {  	_ =	swait.ge [sflag:s29], $0x1000  }
0x17a: {  	[sflag:s29] =	ssyncset.done $0x0  }
0x17b: {  	[sflag:s29] =	ssyncadd.s32 $0xFFFFF000  }
0x17c: {  	[spmem:s2] =	stream.indirect.scatter.add.f32 [tilespmem:s30], [sflag:$0x2], $0x80, s8, s22, $0xb8;
	[tilespmem:$0x1C800] =	vst v63  }
0x17d: {  	_ =	swait.ge [sflag:s20], $0x1000  }
0x17e: {  	[sflag:s20] =	ssyncset.done $0x0  }
0x17f: {  	s9 =	simm.s32 $0x0;
	s10 =	rddreg [dreg:$0x9];
	[sflag:s20] =	ssyncadd.s32 $0xFFFFF000  }
0x180: {  	[tilespmem:s9], [sflag:$0x2] =	stream.linear.gather [hbm4b:s10+s9], $0xA00, $0x38;
	[tilespmem:$0x1C800] =	vst v63  }
0x181: {  	_ =	swait.ge [sflag:s20], $0xA00  }
0x182: {  	[sflag:s20] =	ssyncset.done $0x0  }
0x183: {  	s12 =	rddreg [dreg:$0xa];
	[sflag:s20] =	ssyncadd.s32 $0xFFFFF600  }
0x184: {  	[tilespmem:s21], [sflag:$0x2] =	stream.linear.gather [hbm4b:s12+s9], $0xA00, $0x38;
	[tilespmem:$0x1C800] =	vst v63  }
0x185: {  	_ =	swait.ge [sflag:s20], $0xA00  }
0x186: {  	[sflag:s20] =	ssyncset.done $0x0  }
0x187: {  	s9 =	sand.u32 $0xFE0, s9;
	[sflag:s20] =	ssyncadd.s32 $0xFFFFF600  }
0x188: {  	v1 =	vld [tilespmem:s9+$0xA00];
	_ =	sdelay $0x3  }
0x189: {  	s10 =	simm.s32 $0x1410  }
0x18a: {  	s9 =	simm.s32 $0xA10;
	[tilespmem:s10+$0xFFFFFFF0] =	vst v1  }
0x18b: {  	v1 =	vld [tilespmem:s9+$0x0];
	_ =	sdelay $0x3  }
0x18c: {  	s11 =	simm.s32 $0x20  }
0x18d: {  	s12 =	sand.u32 $0xFE0, s11;
	s11 =	simm.s32 $0x40;
	[tilespmem:s10+$0x0] =	vst v1  }
.LBB2_12:
0x18e: {  	p0 =	sne.s32 s11, $0x9E0;
	v1 =	vld [tilespmem:s12+$0xA00];
	_ =	sdelay $0x3  }
0x18f: {  	s10 =	sadd.s32 $0x80, s10  }
0x190: {  	s9 =	sadd.s32 $0x20, s9;
	[tilespmem:s10+$0xFFFFFFF0] =	vst v1  }
0x191: {  	v1 =	vld [tilespmem:s9+$0x0]  }
.Ltmp5:
0x192: {  	(pc) =	sbr.rel @p0 .LBB2_12-.Ltmp5, $2  }
0x193: {  	_ =	sdelay $0x2  }
0x194: {  	s12 =	sand.u32 $0xFE0, s11;
	s11 =	sadd.s32 $0x20, s11;
	[tilespmem:s10+$0x0] =	vst v1  }
0x195: {  	v1 =	vld [tilespmem:s12+$0xA00];
	_ =	sdelay $0x3  }
0x196: {  	s10 =	sadd.s32 $0x80, s10  }
0x197: {  	s9 =	sadd.s32 $0x20, s9;
	[tilespmem:s10+$0xFFFFFFF0] =	vst v1  }
0x198: {  	v1 =	vld [tilespmem:s9+$0x0];
	_ =	sdelay $0x4  }
0x199: {  	s12 =	simm.s32 $0x0;
	[tilespmem:s10+$0x0] =	vst v1  }
0x19a: {  	[tilespmem:s19], [sflag:$0x1] =	stream.indirect.gather [hbm4b:s1+s22], $0x80, s12, s22, $0xb8;
	[tilespmem:$0x1C800] =	vst v63  }
0x19b: {  	_ = 	snop  }
0x19c: {  	[tilespmem:s23], [sflag:$0x1] =	stream.indirect.gather [hbm4b:s1+s22], $0x80, s22, s22, $0xb8;
	[tilespmem:$0x1C800] =	vst v63  }
0x19d: {  	_ = 	snop  }
0x19e: {  	[tilespmem:s25], [sflag:$0x1] =	stream.indirect.gather [hbm4b:s1+s22], $0x80, s24, s22, $0xb8;
	[tilespmem:$0x1C800] =	vst v63  }
0x19f: {  	_ = 	snop  }
0x1a0: {  	[tilespmem:s28], [sflag:$0x1] =	stream.indirect.gather [hbm4b:s1+s22], $0x80, s26, s22, $0xb8;
	[tilespmem:$0x1C800] =	vst v63  }
0x1a1: {  	_ =	swait.ge [sflag:s29], $0x1000  }
0x1a2: {  	[sflag:s29] =	ssyncset.done $0x0  }
0x1a3: {  	s10 =	simm.s32 $0x80;
	[sflag:s29] =	ssyncadd.s32 $0xFFFFF000  }
0x1a4: {  	[tilespmem:s30], [sflag:$0x1] =	stream.indirect.gather [hbm4b:s1+s22], $0x80, s10, s22, $0xb8;
	[tilespmem:$0x1C800] =	vst v63  }
0x1a5: {  	s9 =	simm.s32 $0x1400  }
0x1a6: {  	[spmem:s2] =	stream.indirect.scatter.add.f32 [tilespmem:s19], [sflag:$0x2], $0x80, s9, s22, $0xb8;
	[tilespmem:$0x1C800] =	vst v63  }
0x1a7: {  	_ =	swait.ge [sflag:s20], $0x1000  }
0x1a8: {  	[sflag:s20] =	ssyncset.done $0x0  }
0x1a9: {  	[sflag:s20] =	ssyncadd.s32 $0xFFFFF000  }
0x1aa: {  	_ =	swait.ge [sflag:s29], $0x1000  }
0x1ab: {  	[sflag:s29] =	ssyncset.done $0x0  }
0x1ac: {  	s11 =	simm.s32 $0xA0;
	[sflag:s29] =	ssyncadd.s32 $0xFFFFF000  }
0x1ad: {  	[tilespmem:s19], [sflag:$0x1] =	stream.indirect.gather [hbm4b:s1+s22], $0x80, s11, s22, $0xb8;
	[tilespmem:$0x1C800] =	vst v63  }
0x1ae: {  	s12 =	simm.s32 $0x1480  }
0x1af: {  	[spmem:s2] =	stream.indirect.scatter.add.f32 [tilespmem:s23], [sflag:$0x2], $0x80, s12, s22, $0xb8;
	[tilespmem:$0x1C800] =	vst v63  }
0x1b0: {  	_ =	swait.ge [sflag:s20], $0x1000  }
0x1b1: {  	[sflag:s20] =	ssyncset.done $0x0  }
0x1b2: {  	[sflag:s20] =	ssyncadd.s32 $0xFFFFF000  }
0x1b3: {  	_ =	swait.ge [sflag:s29], $0x1000  }
0x1b4: {  	[sflag:s29] =	ssyncset.done $0x0  }
0x1b5: {  	s11 =	simm.s32 $0xC0;
	[sflag:s29] =	ssyncadd.s32 $0xFFFFF000  }
0x1b6: {  	[tilespmem:s23], [sflag:$0x1] =	stream.indirect.gather [hbm4b:s1+s22], $0x80, s11, s22, $0xb8;
	[tilespmem:$0x1C800] =	vst v63  }
0x1b7: {  	s12 =	simm.s32 $0x1500  }
0x1b8: {  	[spmem:s2] =	stream.indirect.scatter.add.f32 [tilespmem:s25], [sflag:$0x2], $0x80, s12, s22, $0xb8;
	[tilespmem:$0x1C800] =	vst v63  }
0x1b9: {  	_ =	swait.ge [sflag:s20], $0x1000  }
0x1ba: {  	[sflag:s20] =	ssyncset.done $0x0  }
0x1bb: {  	[sflag:s20] =	ssyncadd.s32 $0xFFFFF000  }
0x1bc: {  	_ =	swait.ge [sflag:s29], $0x1000  }
0x1bd: {  	[sflag:s29] =	ssyncset.done $0x0  }
0x1be: {  	s11 =	simm.s32 $0xE0;
	[sflag:s29] =	ssyncadd.s32 $0xFFFFF000  }
0x1bf: {  	[tilespmem:s25], [sflag:$0x1] =	stream.indirect.gather [hbm4b:s1+s22], $0x80, s11, s22, $0xb8;
	[tilespmem:$0x1C800] =	vst v63  }
0x1c0: {  	s12 =	simm.s32 $0x1580  }
0x1c1: {  	[spmem:s2] =	stream.indirect.scatter.add.f32 [tilespmem:s28], [sflag:$0x2], $0x80, s12, s22, $0xb8;
	[tilespmem:$0x1C800] =	vst v63  }
0x1c2: {  	_ =	swait.ge [sflag:s20], $0x1000  }
0x1c3: {  	[sflag:s20] =	ssyncset.done $0x0  }
0x1c4: {  	[sflag:s20] =	ssyncadd.s32 $0xFFFFF000  }
0x1c5: {  	_ =	swait.ge [sflag:s29], $0x1000  }
0x1c6: {  	[sflag:s29] =	ssyncset.done $0x0  }
0x1c7: {  	s11 =	simm.s32 $0x100;
	[sflag:s29] =	ssyncadd.s32 $0xFFFFF000  }
0x1c8: {  	[tilespmem:s28], [sflag:$0x1] =	stream.indirect.gather [hbm4b:s1+s22], $0x80, s11, s22, $0xb8;
	[tilespmem:$0x1C800] =	vst v63  }
0x1c9: {  	s12 =	simm.s32 $0x1600  }
0x1ca: {  	[spmem:s2] =	stream.indirect.scatter.add.f32 [tilespmem:s30], [sflag:$0x2], $0x80, s12, s22, $0xb8;
	[tilespmem:$0x1C800] =	vst v63  }
0x1cb: {  	_ =	swait.ge [sflag:s20], $0x1000  }
0x1cc: {  	s10 =	simm.s32 $0x280;
	[sflag:s20] =	ssyncset.done $0x0  }
.LBB2_14:
0x1cd: {  	p0 =	sne.s32 s10, $0x2300;
	[sflag:s20] =	ssyncadd.s32 $0xFFFFF000;
	s9 =	sadd.s32 $0x280, s9  }
0x1ce: {  	s11 =	smov.u32 s10;
	s10 =	sadd.s32 $0x280, s10  }
0x1cf: {  	_ =	swait.ge [sflag:s29], $0x1000  }
0x1d0: {  	s11 =	sshra.s32 s11, $0x2;
	[sflag:s29] =	ssyncset.done $0x0  }
0x1d1: {  	s12 =	sadd.s32 $0x80, s11;
	[sflag:s29] =	ssyncadd.s32 $0xFFFFF000  }
0x1d2: {  	[tilespmem:s30], [sflag:$0x1] =	stream.indirect.gather [hbm4b:s1+s22], $0x80, s12, s22, $0xb8;
	[tilespmem:$0x1C800] =	vst v63  }
0x1d3: {  	_ = 	snop  }
0x1d4: {  	[spmem:s2] =	stream.indirect.scatter.add.f32 [tilespmem:s19], [sflag:$0x2], $0x80, s9, s22, $0xb8;
	[tilespmem:$0x1C800] =	vst v63  }
0x1d5: {  	_ =	swait.ge [sflag:s20], $0x1000  }
0x1d6: {  	[sflag:s20] =	ssyncset.done $0x0  }
0x1d7: {  	[sflag:s20] =	ssyncadd.s32 $0xFFFFF000  }
0x1d8: {  	_ =	swait.ge [sflag:s29], $0x1000  }
0x1d9: {  	[sflag:s29] =	ssyncset.done $0x0  }
0x1da: {  	s12 =	sadd.s32 $0xA0, s11;
	[sflag:s29] =	ssyncadd.s32 $0xFFFFF000  }
0x1db: {  	[tilespmem:s19], [sflag:$0x1] =	stream.indirect.gather [hbm4b:s1+s22], $0x80, s12, s22, $0xb8;
	[tilespmem:$0x1C800] =	vst v63  }
0x1dc: {  	s12 =	sadd.s32 $0x80, s9  }
0x1dd: {  	[spmem:s2] =	stream.indirect.scatter.add.f32 [tilespmem:s23], [sflag:$0x2], $0x80, s12, s22, $0xb8;
	[tilespmem:$0x1C800] =	vst v63  }
0x1de: {  	_ =	swait.ge [sflag:s20], $0x1000  }
0x1df: {  	[sflag:s20] =	ssyncset.done $0x0  }
0x1e0: {  	[sflag:s20] =	ssyncadd.s32 $0xFFFFF000  }
0x1e1: {  	_ =	swait.ge [sflag:s29], $0x1000  }
0x1e2: {  	[sflag:s29] =	ssyncset.done $0x0  }
0x1e3: {  	s12 =	sadd.s32 $0xC0, s11;
	[sflag:s29] =	ssyncadd.s32 $0xFFFFF000  }
0x1e4: {  	[tilespmem:s23], [sflag:$0x1] =	stream.indirect.gather [hbm4b:s1+s22], $0x80, s12, s22, $0xb8;
	[tilespmem:$0x1C800] =	vst v63  }
0x1e5: {  	s12 =	sadd.s32 $0x100, s9  }
0x1e6: {  	[spmem:s2] =	stream.indirect.scatter.add.f32 [tilespmem:s25], [sflag:$0x2], $0x80, s12, s22, $0xb8;
	[tilespmem:$0x1C800] =	vst v63  }
0x1e7: {  	_ =	swait.ge [sflag:s20], $0x1000  }
0x1e8: {  	[sflag:s20] =	ssyncset.done $0x0  }
0x1e9: {  	[sflag:s20] =	ssyncadd.s32 $0xFFFFF000  }
0x1ea: {  	_ =	swait.ge [sflag:s29], $0x1000  }
0x1eb: {  	[sflag:s29] =	ssyncset.done $0x0  }
0x1ec: {  	s12 =	sadd.s32 $0xE0, s11;
	[sflag:s29] =	ssyncadd.s32 $0xFFFFF000  }
0x1ed: {  	[tilespmem:s25], [sflag:$0x1] =	stream.indirect.gather [hbm4b:s1+s22], $0x80, s12, s22, $0xb8;
	[tilespmem:$0x1C800] =	vst v63  }
0x1ee: {  	s12 =	sadd.s32 $0x180, s9  }
0x1ef: {  	[spmem:s2] =	stream.indirect.scatter.add.f32 [tilespmem:s28], [sflag:$0x2], $0x80, s12, s22, $0xb8;
	[tilespmem:$0x1C800] =	vst v63  }
0x1f0: {  	_ =	swait.ge [sflag:s20], $0x1000  }
0x1f1: {  	[sflag:s20] =	ssyncset.done $0x0  }
0x1f2: {  	[sflag:s20] =	ssyncadd.s32 $0xFFFFF000  }
0x1f3: {  	_ =	swait.ge [sflag:s29], $0x1000  }
0x1f4: {  	[sflag:s29] =	ssyncset.done $0x0  }
0x1f5: {  	s11 =	sadd.s32 $0x100, s11;
	[sflag:s29] =	ssyncadd.s32 $0xFFFFF000  }
0x1f6: {  	[tilespmem:s28], [sflag:$0x1] =	stream.indirect.gather [hbm4b:s1+s22], $0x80, s11, s22, $0xb8;
	[tilespmem:$0x1C800] =	vst v63  }
.Ltmp6:
0x1f7: {  	_ = 	snop;
	(pc) =	sbr.rel @p0 .LBB2_14-.Ltmp6, $4  }
0x1f8: {  	s11 =	sadd.s32 $0x200, s9  }
0x1f9: {  	[spmem:s2] =	stream.indirect.scatter.add.f32 [tilespmem:s30], [sflag:$0x2], $0x80, s11, s22, $0xb8;
	[tilespmem:$0x1C800] =	vst v63  }
0x1fa: {  	_ =	swait.ge [sflag:s20], $0x1000  }
0x1fb: {  	[sflag:s20] =	ssyncset.done $0x0  }
0x1fc: {  	[sflag:s20] =	ssyncadd.s32 $0xFFFFF000  }
0x1fd: {  	_ =	swait.ge [sflag:s29], $0x1000  }
0x1fe: {  	[sflag:s29] =	ssyncset.done $0x0  }
0x1ff: {  	[sflag:s29] =	ssyncadd.s32 $0xFFFFF000  }
0x200: {  	[tilespmem:s30], [sflag:$0x1] =	stream.indirect.gather [hbm4b:s1+s22], $0x80, s31, s22, $0xb8;
	[tilespmem:$0x1C800] =	vst v63  }
0x201: {  	_ = 	snop  }
0x202: {  	[spmem:s2] =	stream.indirect.scatter.add.f32 [tilespmem:s19], [sflag:$0x2], $0x80, s0, s22, $0xb8;
	[tilespmem:$0x1C800] =	vst v63  }
0x203: {  	_ =	swait.ge [sflag:s20], $0x1000  }
0x204: {  	[sflag:s20] =	ssyncset.done $0x0  }
0x205: {  	[sflag:s20] =	ssyncadd.s32 $0xFFFFF000  }
0x206: {  	_ =	swait.ge [sflag:s29], $0x1000  }
0x207: {  	[sflag:s29] =	ssyncset.done $0x0  }
0x208: {  	[sflag:s29] =	ssyncadd.s32 $0xFFFFF000  }
0x209: {  	[spmem:s2] =	stream.indirect.scatter.add.f32 [tilespmem:s23], [sflag:$0x2], $0x80, s3, s22, $0xb8;
	[tilespmem:$0x1C800] =	vst v63  }
0x20a: {  	_ =	swait.ge [sflag:s20], $0x1000  }
0x20b: {  	[sflag:s20] =	ssyncset.done $0x0  }
0x20c: {  	[sflag:s20] =	ssyncadd.s32 $0xFFFFF000  }
0x20d: {  	_ =	swait.ge [sflag:s29], $0x1000  }
0x20e: {  	[sflag:s29] =	ssyncset.done $0x0  }
0x20f: {  	[sflag:s29] =	ssyncadd.s32 $0xFFFFF000  }
0x210: {  	[spmem:s2] =	stream.indirect.scatter.add.f32 [tilespmem:s25], [sflag:$0x2], $0x80, s6, s22, $0xb8;
	[tilespmem:$0x1C800] =	vst v63  }
0x211: {  	_ =	swait.ge [sflag:s20], $0x1000  }
0x212: {  	[sflag:s20] =	ssyncset.done $0x0  }
0x213: {  	[sflag:s20] =	ssyncadd.s32 $0xFFFFF000  }
0x214: {  	_ =	swait.ge [sflag:s29], $0x1000  }
0x215: {  	[sflag:s29] =	ssyncset.done $0x0  }
0x216: {  	[sflag:s29] =	ssyncadd.s32 $0xFFFFF000  }
0x217: {  	[spmem:s2] =	stream.indirect.scatter.add.f32 [tilespmem:s28], [sflag:$0x2], $0x80, s7, s22, $0xb8;
	[tilespmem:$0x1C800] =	vst v63  }
0x218: {  	_ =	swait.ge [sflag:s20], $0x1000  }
0x219: {  	[sflag:s20] =	ssyncset.done $0x0  }
0x21a: {  	[sflag:s20] =	ssyncadd.s32 $0xFFFFF000  }
0x21b: {  	_ =	swait.ge [sflag:s29], $0x1000  }
0x21c: {  	[sflag:s29] =	ssyncset.done $0x0  }
0x21d: {  	[sflag:s29] =	ssyncadd.s32 $0xFFFFF000  }
0x21e: {  	[spmem:s2] =	stream.indirect.scatter.add.f32 [tilespmem:s30], [sflag:$0x2], $0x80, s8, s22, $0xb8;
	[tilespmem:$0x1C800] =	vst v63  }
0x21f: {  	_ =	swait.ge [sflag:s20], $0x1000  }
0x220: {  	[sflag:s20] =	ssyncset.done $0x0  }
0x221: {  	s9 =	simm.s32 $0x0;
	[sflag:s20] =	ssyncadd.s32 $0xFFFFF000  }
0x222: {  	[tilespmem:s9], [sflag:$0x2] =	stream.linear.gather [hbm4b:s13+s9], $0xA00, $0x38;
	[tilespmem:$0x1C800] =	vst v63  }
0x223: {  	_ =	swait.ge [sflag:s20], $0xA00  }
0x224: {  	[sflag:s20] =	ssyncset.done $0x0  }
0x225: {  	[sflag:s20] =	ssyncadd.s32 $0xFFFFF600  }
0x226: {  	[tilespmem:s21], [sflag:$0x2] =	stream.linear.gather [hbm4b:s14+s9], $0xA00, $0x38;
	[tilespmem:$0x1C800] =	vst v63  }
0x227: {  	_ =	swait.ge [sflag:s20], $0xA00  }
0x228: {  	[sflag:s20] =	ssyncset.done $0x0  }
0x229: {  	s9 =	sand.u32 $0xFE0, s9;
	[sflag:s20] =	ssyncadd.s32 $0xFFFFF600  }
0x22a: {  	v1 =	vld [tilespmem:s9+$0xA00];
	_ =	sdelay $0x3  }
0x22b: {  	s10 =	simm.s32 $0x1410  }
0x22c: {  	s9 =	simm.s32 $0xA10;
	[tilespmem:s10+$0xFFFFFFF0] =	vst v1  }
0x22d: {  	v1 =	vld [tilespmem:s9+$0x0];
	_ =	sdelay $0x3  }
0x22e: {  	s11 =	simm.s32 $0x20  }
0x22f: {  	s12 =	sand.u32 $0xFE0, s11;
	s11 =	simm.s32 $0x40;
	[tilespmem:s10+$0x0] =	vst v1  }
.LBB2_16:
0x230: {  	p0 =	sne.s32 s11, $0x9E0;
	v1 =	vld [tilespmem:s12+$0xA00];
	_ =	sdelay $0x3  }
0x231: {  	s10 =	sadd.s32 $0x80, s10  }
0x232: {  	s9 =	sadd.s32 $0x20, s9;
	[tilespmem:s10+$0xFFFFFFF0] =	vst v1  }
0x233: {  	v1 =	vld [tilespmem:s9+$0x0]  }
.Ltmp7:
0x234: {  	(pc) =	sbr.rel @p0 .LBB2_16-.Ltmp7, $2  }
0x235: {  	_ =	sdelay $0x2  }
0x236: {  	s12 =	sand.u32 $0xFE0, s11;
	s11 =	sadd.s32 $0x20, s11;
	[tilespmem:s10+$0x0] =	vst v1  }
0x237: {  	v1 =	vld [tilespmem:s12+$0xA00];
	_ =	sdelay $0x3  }
0x238: {  	s10 =	sadd.s32 $0x80, s10  }
0x239: {  	s9 =	sadd.s32 $0x20, s9;
	[tilespmem:s10+$0xFFFFFFF0] =	vst v1  }
0x23a: {  	v1 =	vld [tilespmem:s9+$0x0];
	_ =	sdelay $0x4  }
0x23b: {  	s12 =	simm.s32 $0x0;
	[tilespmem:s10+$0x0] =	vst v1  }
0x23c: {  	[tilespmem:s19], [sflag:$0x1] =	stream.indirect.gather [hbm4b:s1+s22], $0x80, s12, s22, $0xb8;
	[tilespmem:$0x1C800] =	vst v63  }
0x23d: {  	_ = 	snop  }
0x23e: {  	[tilespmem:s23], [sflag:$0x1] =	stream.indirect.gather [hbm4b:s1+s22], $0x80, s22, s22, $0xb8;
	[tilespmem:$0x1C800] =	vst v63  }
0x23f: {  	_ = 	snop  }
0x240: {  	[tilespmem:s25], [sflag:$0x1] =	stream.indirect.gather [hbm4b:s1+s22], $0x80, s24, s22, $0xb8;
	[tilespmem:$0x1C800] =	vst v63  }
0x241: {  	_ = 	snop  }
0x242: {  	[tilespmem:s28], [sflag:$0x1] =	stream.indirect.gather [hbm4b:s1+s22], $0x80, s26, s22, $0xb8;
	[tilespmem:$0x1C800] =	vst v63  }
0x243: {  	_ =	swait.ge [sflag:s29], $0x1000  }
0x244: {  	[sflag:s29] =	ssyncset.done $0x0  }
0x245: {  	s10 =	simm.s32 $0x80;
	[sflag:s29] =	ssyncadd.s32 $0xFFFFF000  }
0x246: {  	[tilespmem:s30], [sflag:$0x1] =	stream.indirect.gather [hbm4b:s1+s22], $0x80, s10, s22, $0xb8;
	[tilespmem:$0x1C800] =	vst v63  }
0x247: {  	s9 =	simm.s32 $0x1400  }
0x248: {  	[spmem:s2] =	stream.indirect.scatter.add.f32 [tilespmem:s19], [sflag:$0x2], $0x80, s9, s22, $0xb8;
	[tilespmem:$0x1C800] =	vst v63  }
0x249: {  	_ =	swait.ge [sflag:s20], $0x1000  }
0x24a: {  	[sflag:s20] =	ssyncset.done $0x0  }
0x24b: {  	[sflag:s20] =	ssyncadd.s32 $0xFFFFF000  }
0x24c: {  	_ =	swait.ge [sflag:s29], $0x1000  }
0x24d: {  	[sflag:s29] =	ssyncset.done $0x0  }
0x24e: {  	s11 =	simm.s32 $0xA0;
	[sflag:s29] =	ssyncadd.s32 $0xFFFFF000  }
0x24f: {  	[tilespmem:s19], [sflag:$0x1] =	stream.indirect.gather [hbm4b:s1+s22], $0x80, s11, s22, $0xb8;
	[tilespmem:$0x1C800] =	vst v63  }
0x250: {  	s12 =	simm.s32 $0x1480  }
0x251: {  	[spmem:s2] =	stream.indirect.scatter.add.f32 [tilespmem:s23], [sflag:$0x2], $0x80, s12, s22, $0xb8;
	[tilespmem:$0x1C800] =	vst v63  }
0x252: {  	_ =	swait.ge [sflag:s20], $0x1000  }
0x253: {  	[sflag:s20] =	ssyncset.done $0x0  }
0x254: {  	[sflag:s20] =	ssyncadd.s32 $0xFFFFF000  }
0x255: {  	_ =	swait.ge [sflag:s29], $0x1000  }
0x256: {  	[sflag:s29] =	ssyncset.done $0x0  }
0x257: {  	s11 =	simm.s32 $0xC0;
	[sflag:s29] =	ssyncadd.s32 $0xFFFFF000  }
0x258: {  	[tilespmem:s23], [sflag:$0x1] =	stream.indirect.gather [hbm4b:s1+s22], $0x80, s11, s22, $0xb8;
	[tilespmem:$0x1C800] =	vst v63  }
0x259: {  	s12 =	simm.s32 $0x1500  }
0x25a: {  	[spmem:s2] =	stream.indirect.scatter.add.f32 [tilespmem:s25], [sflag:$0x2], $0x80, s12, s22, $0xb8;
	[tilespmem:$0x1C800] =	vst v63  }
0x25b: {  	_ =	swait.ge [sflag:s20], $0x1000  }
0x25c: {  	[sflag:s20] =	ssyncset.done $0x0  }
0x25d: {  	[sflag:s20] =	ssyncadd.s32 $0xFFFFF000  }
0x25e: {  	_ =	swait.ge [sflag:s29], $0x1000  }
0x25f: {  	[sflag:s29] =	ssyncset.done $0x0  }
0x260: {  	s11 =	simm.s32 $0xE0;
	[sflag:s29] =	ssyncadd.s32 $0xFFFFF000  }
0x261: {  	[tilespmem:s25], [sflag:$0x1] =	stream.indirect.gather [hbm4b:s1+s22], $0x80, s11, s22, $0xb8;
	[tilespmem:$0x1C800] =	vst v63  }
0x262: {  	s12 =	simm.s32 $0x1580  }
0x263: {  	[spmem:s2] =	stream.indirect.scatter.add.f32 [tilespmem:s28], [sflag:$0x2], $0x80, s12, s22, $0xb8;
	[tilespmem:$0x1C800] =	vst v63  }
0x264: {  	_ =	swait.ge [sflag:s20], $0x1000  }
0x265: {  	[sflag:s20] =	ssyncset.done $0x0  }
0x266: {  	[sflag:s20] =	ssyncadd.s32 $0xFFFFF000  }
0x267: {  	_ =	swait.ge [sflag:s29], $0x1000  }
0x268: {  	[sflag:s29] =	ssyncset.done $0x0  }
0x269: {  	s11 =	simm.s32 $0x100;
	[sflag:s29] =	ssyncadd.s32 $0xFFFFF000  }
0x26a: {  	[tilespmem:s28], [sflag:$0x1] =	stream.indirect.gather [hbm4b:s1+s22], $0x80, s11, s22, $0xb8;
	[tilespmem:$0x1C800] =	vst v63  }
0x26b: {  	s12 =	simm.s32 $0x1600  }
0x26c: {  	[spmem:s2] =	stream.indirect.scatter.add.f32 [tilespmem:s30], [sflag:$0x2], $0x80, s12, s22, $0xb8;
	[tilespmem:$0x1C800] =	vst v63  }
0x26d: {  	_ =	swait.ge [sflag:s20], $0x1000  }
0x26e: {  	s10 =	simm.s32 $0x280;
	[sflag:s20] =	ssyncset.done $0x0  }
.LBB2_18:
0x26f: {  	p0 =	sne.s32 s10, $0x2300;
	[sflag:s20] =	ssyncadd.s32 $0xFFFFF000;
	s9 =	sadd.s32 $0x280, s9  }
0x270: {  	s11 =	smov.u32 s10;
	s10 =	sadd.s32 $0x280, s10  }
0x271: {  	_ =	swait.ge [sflag:s29], $0x1000  }
0x272: {  	s11 =	sshra.s32 s11, $0x2;
	[sflag:s29] =	ssyncset.done $0x0  }
0x273: {  	s12 =	sadd.s32 $0x80, s11;
	[sflag:s29] =	ssyncadd.s32 $0xFFFFF000  }
0x274: {  	[tilespmem:s30], [sflag:$0x1] =	stream.indirect.gather [hbm4b:s1+s22], $0x80, s12, s22, $0xb8;
	[tilespmem:$0x1C800] =	vst v63  }
0x275: {  	_ = 	snop  }
0x276: {  	[spmem:s2] =	stream.indirect.scatter.add.f32 [tilespmem:s19], [sflag:$0x2], $0x80, s9, s22, $0xb8;
	[tilespmem:$0x1C800] =	vst v63  }
0x277: {  	_ =	swait.ge [sflag:s20], $0x1000  }
0x278: {  	[sflag:s20] =	ssyncset.done $0x0  }
0x279: {  	[sflag:s20] =	ssyncadd.s32 $0xFFFFF000  }
0x27a: {  	_ =	swait.ge [sflag:s29], $0x1000  }
0x27b: {  	[sflag:s29] =	ssyncset.done $0x0  }
0x27c: {  	s12 =	sadd.s32 $0xA0, s11;
	[sflag:s29] =	ssyncadd.s32 $0xFFFFF000  }
0x27d: {  	[tilespmem:s19], [sflag:$0x1] =	stream.indirect.gather [hbm4b:s1+s22], $0x80, s12, s22, $0xb8;
	[tilespmem:$0x1C800] =	vst v63  }
0x27e: {  	s12 =	sadd.s32 $0x80, s9  }
0x27f: {  	[spmem:s2] =	stream.indirect.scatter.add.f32 [tilespmem:s23], [sflag:$0x2], $0x80, s12, s22, $0xb8;
	[tilespmem:$0x1C800] =	vst v63  }
0x280: {  	_ =	swait.ge [sflag:s20], $0x1000  }
0x281: {  	[sflag:s20] =	ssyncset.done $0x0  }
0x282: {  	[sflag:s20] =	ssyncadd.s32 $0xFFFFF000  }
0x283: {  	_ =	swait.ge [sflag:s29], $0x1000  }
0x284: {  	[sflag:s29] =	ssyncset.done $0x0  }
0x285: {  	s12 =	sadd.s32 $0xC0, s11;
	[sflag:s29] =	ssyncadd.s32 $0xFFFFF000  }
0x286: {  	[tilespmem:s23], [sflag:$0x1] =	stream.indirect.gather [hbm4b:s1+s22], $0x80, s12, s22, $0xb8;
	[tilespmem:$0x1C800] =	vst v63  }
0x287: {  	s12 =	sadd.s32 $0x100, s9  }
0x288: {  	[spmem:s2] =	stream.indirect.scatter.add.f32 [tilespmem:s25], [sflag:$0x2], $0x80, s12, s22, $0xb8;
	[tilespmem:$0x1C800] =	vst v63  }
0x289: {  	_ =	swait.ge [sflag:s20], $0x1000  }
0x28a: {  	[sflag:s20] =	ssyncset.done $0x0  }
0x28b: {  	[sflag:s20] =	ssyncadd.s32 $0xFFFFF000  }
0x28c: {  	_ =	swait.ge [sflag:s29], $0x1000  }
0x28d: {  	[sflag:s29] =	ssyncset.done $0x0  }
0x28e: {  	s12 =	sadd.s32 $0xE0, s11;
	[sflag:s29] =	ssyncadd.s32 $0xFFFFF000  }
0x28f: {  	[tilespmem:s25], [sflag:$0x1] =	stream.indirect.gather [hbm4b:s1+s22], $0x80, s12, s22, $0xb8;
	[tilespmem:$0x1C800] =	vst v63  }
0x290: {  	s12 =	sadd.s32 $0x180, s9  }
0x291: {  	[spmem:s2] =	stream.indirect.scatter.add.f32 [tilespmem:s28], [sflag:$0x2], $0x80, s12, s22, $0xb8;
	[tilespmem:$0x1C800] =	vst v63  }
0x292: {  	_ =	swait.ge [sflag:s20], $0x1000  }
0x293: {  	[sflag:s20] =	ssyncset.done $0x0  }
0x294: {  	[sflag:s20] =	ssyncadd.s32 $0xFFFFF000  }
0x295: {  	_ =	swait.ge [sflag:s29], $0x1000  }
0x296: {  	[sflag:s29] =	ssyncset.done $0x0  }
0x297: {  	s11 =	sadd.s32 $0x100, s11;
	[sflag:s29] =	ssyncadd.s32 $0xFFFFF000  }
0x298: {  	[tilespmem:s28], [sflag:$0x1] =	stream.indirect.gather [hbm4b:s1+s22], $0x80, s11, s22, $0xb8;
	[tilespmem:$0x1C800] =	vst v63  }
.Ltmp8:
0x299: {  	_ = 	snop;
	(pc) =	sbr.rel @p0 .LBB2_18-.Ltmp8, $4  }
0x29a: {  	s11 =	sadd.s32 $0x200, s9  }
0x29b: {  	[spmem:s2] =	stream.indirect.scatter.add.f32 [tilespmem:s30], [sflag:$0x2], $0x80, s11, s22, $0xb8;
	[tilespmem:$0x1C800] =	vst v63  }
0x29c: {  	_ =	swait.ge [sflag:s20], $0x1000  }
0x29d: {  	[sflag:s20] =	ssyncset.done $0x0  }
0x29e: {  	[sflag:s20] =	ssyncadd.s32 $0xFFFFF000  }
0x29f: {  	_ =	swait.ge [sflag:s29], $0x1000  }
0x2a0: {  	[sflag:s29] =	ssyncset.done $0x0  }
0x2a1: {  	[sflag:s29] =	ssyncadd.s32 $0xFFFFF000  }
0x2a2: {  	[tilespmem:s30], [sflag:$0x1] =	stream.indirect.gather [hbm4b:s1+s22], $0x80, s31, s22, $0xb8;
	[tilespmem:$0x1C800] =	vst v63  }
0x2a3: {  	_ = 	snop  }
0x2a4: {  	[spmem:s2] =	stream.indirect.scatter.add.f32 [tilespmem:s19], [sflag:$0x2], $0x80, s0, s22, $0xb8;
	[tilespmem:$0x1C800] =	vst v63  }
0x2a5: {  	_ =	swait.ge [sflag:s20], $0x1000  }
0x2a6: {  	[sflag:s20] =	ssyncset.done $0x0  }
0x2a7: {  	[sflag:s20] =	ssyncadd.s32 $0xFFFFF000  }
0x2a8: {  	_ =	swait.ge [sflag:s29], $0x1000  }
0x2a9: {  	[sflag:s29] =	ssyncset.done $0x0  }
0x2aa: {  	[sflag:s29] =	ssyncadd.s32 $0xFFFFF000  }
0x2ab: {  	[spmem:s2] =	stream.indirect.scatter.add.f32 [tilespmem:s23], [sflag:$0x2], $0x80, s3, s22, $0xb8;
	[tilespmem:$0x1C800] =	vst v63  }
0x2ac: {  	_ =	swait.ge [sflag:s20], $0x1000  }
0x2ad: {  	[sflag:s20] =	ssyncset.done $0x0  }
0x2ae: {  	[sflag:s20] =	ssyncadd.s32 $0xFFFFF000  }
0x2af: {  	_ =	swait.ge [sflag:s29], $0x1000  }
0x2b0: {  	[sflag:s29] =	ssyncset.done $0x0  }
0x2b1: {  	[sflag:s29] =	ssyncadd.s32 $0xFFFFF000  }
0x2b2: {  	[spmem:s2] =	stream.indirect.scatter.add.f32 [tilespmem:s25], [sflag:$0x2], $0x80, s6, s22, $0xb8;
	[tilespmem:$0x1C800] =	vst v63  }
0x2b3: {  	_ =	swait.ge [sflag:s20], $0x1000  }
0x2b4: {  	[sflag:s20] =	ssyncset.done $0x0  }
0x2b5: {  	[sflag:s20] =	ssyncadd.s32 $0xFFFFF000  }
0x2b6: {  	_ =	swait.ge [sflag:s29], $0x1000  }
0x2b7: {  	[sflag:s29] =	ssyncset.done $0x0  }
0x2b8: {  	[sflag:s29] =	ssyncadd.s32 $0xFFFFF000  }
0x2b9: {  	[spmem:s2] =	stream.indirect.scatter.add.f32 [tilespmem:s28], [sflag:$0x2], $0x80, s7, s22, $0xb8;
	[tilespmem:$0x1C800] =	vst v63  }
0x2ba: {  	_ =	swait.ge [sflag:s20], $0x1000  }
0x2bb: {  	[sflag:s20] =	ssyncset.done $0x0  }
0x2bc: {  	[sflag:s20] =	ssyncadd.s32 $0xFFFFF000  }
0x2bd: {  	_ =	swait.ge [sflag:s29], $0x1000  }
0x2be: {  	[sflag:s29] =	ssyncset.done $0x0  }
0x2bf: {  	[sflag:s29] =	ssyncadd.s32 $0xFFFFF000  }
0x2c0: {  	[spmem:s2] =	stream.indirect.scatter.add.f32 [tilespmem:s30], [sflag:$0x2], $0x80, s8, s22, $0xb8;
	[tilespmem:$0x1C800] =	vst v63  }
0x2c1: {  	s9 =	stileid.u32;
	_ =	swait.ge [sflag:s20], $0x1000  }
0x2c2: {  	s10 =	sshrl.u32 s5, $0x3;
	s4 =	sadd.s32 $0x1, s4;
	[sflag:s20] =	ssyncset.done $0x0  }
0x2c3: {  	s9 =	sshll.u32 s9, $0x6;
	p0 =	sne.s32 s4, s16;
	[sflag:s20] =	ssyncadd.s32 $0xFFFFF000  }
.Ltmp9:
0x2c4: {  	s9 =	sor.u32 $0x1C02, s9;
	[bflag:$0x0] =	sbarrier.arrive $0xFFFF;
	(pc) =	sbr.rel @p0 .LBB2_1-.Ltmp9, $4  }
0x2c5: {  	[hbm:s15], [sflag:s9] =	dma.local [spmem:s10], $0x2780  }
0x2c6: {  	_ =	swait.ge [sflag:s20], $0x2780  }
0x2c7: {  	[sflag:s20] =	ssyncset.done $0x0  }
0x2c8: {  	[sflag:s20] =	ssyncadd.s32 $0xFFFFD880  }
0x2c9: {  	_ =	sfence.sel $0x180000  }
0x2ca: {  	[bflag:$0x0] =	sbarrier.arrive $0xFFFF  }
0x2cb: {  	_ =	strace $0x9000004A  }
0x2cc: {  	s0 =	stileid.u32;
	[bflag:$0x2] =	sbarrier.arrive $0xFFFF  }
0x2cd: {  	p0 =	sne.s32 s0, $0x0;
	s0 =	rddreg [dreg:$0x3]  }
0x2ce: {  	s0 =	sadd.s32 @!p0 $0x100000, s0  }
0x2cf: {  	[sflag:s0] =	ssyncadd.tile.s32 @!p0 $0x1;
	_ =	shalt  }
.Lfunc_end2:
_tile_overlayer_lowered:
.L_overlay_start_2:
0x2d0: {  	(tag) =	ssettag $0x2  }
0x2d1: {  	s0 =	rddreg [dreg:$0x0];
	s2 =	stileid.u32  }
0x2d2: {  	s1 =	rddreg [dreg:$0x1];
	p0 =	sne.s32 s2, $0x0  }
0x2d3: {  	s3 =	rddreg [dreg:$0x2];
	[bflag:$0x3] =	sbarrier.arrive $0xFFFF;
	s2 =	simm.s32 @!p0 $0x1C02  }
0x2d4: {  	[timem:s3], [sflag:s2] =	dma.local @!p0 [hbm:s0], s1  }
0x2d5: {  	s0 =	simm.s32 @!p0 $0x2  }
0x2d6: {  	_ =	swait.ge @!p0 [sflag:s0], s1  }
0x2d7: {  	s1 =	ssub.s32 @!p0 $0x0, s1;
	[sflag:s0] =	ssyncset.done @!p0 $0x0  }
0x2d8: {  	[sflag:s0] =	ssyncadd.s32 @!p0 s1  }
0x2d9: {  	[bflag:$0x3] =	sbarrier.arrive $0xFFFF  }
0x2da: {  	_ =	shalt  }

// kernel: kernel.7.cloned.1.call-start
scs
__scs_entry_jumppad:
0x0: {  	(pc) =	sbr.rel $0x88, $3  }
0x1: {  	(tag) =	ssettag $0x0;
	lr =	simm.s32 $0x1  }
0x2: {  	[smem:$0x3F9D] =	sst lr;
	_ =	strace $0xD0000000  }
0x3: {  	_ = 	snop  }
0x4: {  	_ = 	snop  }
0x5: {  	_ = 	snop  }
0x6: {  	_ = 	snop  }
0x7: {  	_ = 	snop  }
__scs_overlays_trampoline_lowered:
0x8: {  	[smem:$0x3FAC] =	sst s0  }
0x9: {  	[smem:$0x3FAD] =	sst s1  }
0xa: {  	[smem:$0x3FAE] =	sst s2  }
0xb: {  	[smem:$0x3FAF] =	sst s3  }
0xc: {  	[smem:$0x3FB0] =	sst s4  }
0xd: {  	[smem:$0x3FB1] =	sst s5  }
0xe: {  	[smem:$0x3FB2] =	sst s6  }
0xf: {  	[smem:$0x3FB3] =	sst s7  }
0x10: {  	[smem:$0x3FB4] =	sst s8  }
0x11: {  	[smem:$0x3FB5] =	sst s9;
	s0 =	simm.s32 @!p0 $0x0  }
0x12: {  	s1 =	sld [smem:$0x3F9B];
	s0 =	simm.s32 @p0 $0x1  }
0x13: {  	[smem:$0x3FB6] =	sst s0;
	s0 =	simm.s32 @!p1 $0x0  }
0x14: {  	s2 =	sld [smem:$0x3F9A];
	s0 =	simm.s32 @p1 $0x1  }
0x15: {  	[smem:$0x3FB7] =	sst s0;
	s0 =	simm.s32 @!p2 $0x0  }
0x16: {  	s3 =	sld [smem:$0x3FDB];
	s0 =	simm.s32 @p2 $0x1  }
0x17: {  	s4 =	simm.s32 $0x1BF5;
	[smem:$0x3FB9] =	sst s0  }
0x18: {  	s0 =	sld [smem:$0x3F9C];
	_ =	swait.ge [sflag:s4], $0x0  }
0x19: {  	s7 =	sld [smem:$0x3F9D]  }
0x1a: {  	s8 =	sadd.s32 $0xFFFFE003, lr  }
0x1b: {  	s9 =	sadd.s32 $0xFFFFFEF7, lr;
	s5 =	simm.s32 $0xFFFFFFFF;
	p2 =	slt.u32 s8, $0xFFFFF086  }
0x1c: {  	p1 =	slt.u32 s9, $0xF7A;
	s5 =	simm.s32 @!p2 $0x0  }
0x1d: {  	s5 =	simm.s32 @p1 $0x1;
	p0 =	seq.s32 s7, s2  }
0x1e: {  	s7 =	smul.u32 @!p0 $0xF7A, s2;
	p2 =	seq.s32 @!p0 s5, $0x0  }
0x1f: {  	s9 =	smul.u32 $0xF7A, s1;
	s8 =	simm.s32 @!p0 $0x1BF5;
	p2 =	por !p2, p0  }
0x20: {  	[sflag:s8] =	ssyncset.s32 @!p0 $0xFFFFF086;
	s6 =	sadd.s32 @!p0 s3, s7;
	s7 =	simm.s32 @!p0 $0x108  }
0x21: {  	s3 =	sadd.s32 s3, s9;
	s6 =	sadd.s32 @!p0 $0x88, s6;
	s7 =	simm.s32 @p2 $0x1082  }
0x22: {  	[simem:s7], [sflag:s8] =	dma.local @!p0 [hbm:s6], $0xF7A  }
0x23: {  	s9 =	sor.u32 $0xD0000000, s2;
	s6 =	simm.s32 $0x108;
	_ =	swait.ge @!p0 [sflag:s8], $0x0  }
0x24: {  	s3 =	sadd.s32 $0x88, s3;
	s6 =	simm.s32 @!p1 $0x1082;
	[sflag:s4] =	ssyncset.s32 $0xFFFFF086  }
0x25: {  	[simem:s6], [sflag:s4] =	dma.local [hbm:s3], $0xF7A  }
0x26: {  	[smem:$0x3F9D] =	sst s1;
	(tag) =	ssettag s2;
	_ =	strace s9  }
0x27: {  	s1 =	sld [smem:$0x3FAD]  }
0x28: {  	s2 =	sld [smem:$0x3FAE]  }
0x29: {  	s4 =	sld [smem:$0x3FB0]  }
0x2a: {  	p0 =	seq.s32 s5, $0x0;
	s5 =	sld [smem:$0x3FB1]  }
0x2b: {  	s6 =	sld [smem:$0x3FB2]  }
0x2c: {  	s7 =	sld [smem:$0x3FB3]  }
0x2d: {  	s3 =	simm.s32 $0x108;
	s8 =	sld [smem:$0x3FB4]  }
0x2e: {  	s3 =	simm.s32 @!p0 $0x1082;
	s9 =	sld [smem:$0x3FB5]  }
0x2f: {  	lr =	sadd.s32 s0, s3;
	s0 =	sld [smem:$0x3FAC]  }
0x30: {  	s3 =	sld [smem:$0x3FAF]  }
0x31: {  	[smem:$0x3FB8] =	sst s10  }
0x32: {  	s10 =	sld [smem:$0x3FB6];
	_ =	sdelay $0x3  }
0x33: {  	p0 =	seq.s32 s10, $0x1;
	s10 =	sld [smem:$0x3FB8];
	_ =	sdelay $0x3  }
0x34: {  	[smem:$0x3FB8] =	sst s10  }
0x35: {  	s10 =	sld [smem:$0x3FB7];
	_ =	sdelay $0x3  }
0x36: {  	p1 =	seq.s32 s10, $0x1;
	s10 =	sld [smem:$0x3FB8];
	_ =	sdelay $0x3  }
0x37: {  	[smem:$0x3FB8] =	sst s10  }
0x38: {  	s10 =	sld [smem:$0x3FB9]  }
0x39: {  	_ = 	snop;
	(pc) =	sbr.ind lr, $3  }
0x3a: {  	_ = 	snop  }
0x3b: {  	_ = 	snop  }
0x3c: {  	p2 =	seq.s32 s10, $0x1;
	s10 =	sld [smem:$0x3FB8]  }
0x3d: {  	_ =	shalt  }
0x3e: {  	_ =	shalt  }
0x3f: {  	_ =	shalt  }
0x40: {  	_ =	shalt  }
0x41: {  	_ =	shalt  }
0x42: {  	_ =	shalt  }
0x43: {  	_ =	shalt  }
0x44: {  	_ =	shalt  }
0x45: {  	_ =	shalt  }
0x46: {  	_ =	shalt  }
0x47: {  	_ =	shalt  }
0x48: {  	_ =	shalt  }
0x49: {  	_ =	shalt  }
0x4a: {  	_ =	shalt  }
0x4b: {  	_ =	shalt  }
0x4c: {  	_ =	shalt  }
0x4d: {  	_ =	shalt  }
0x4e: {  	_ =	shalt  }
0x4f: {  	_ =	shalt  }
0x50: {  	_ =	shalt  }
0x51: {  	_ =	shalt  }
0x52: {  	_ =	shalt  }
0x53: {  	_ =	shalt  }
0x54: {  	_ =	shalt  }
0x55: {  	_ =	shalt  }
0x56: {  	_ =	shalt  }
0x57: {  	_ =	shalt  }
0x58: {  	_ =	shalt  }
0x59: {  	_ =	shalt  }
0x5a: {  	_ =	shalt  }
0x5b: {  	_ =	shalt  }
0x5c: {  	_ =	shalt  }
0x5d: {  	_ =	shalt  }
0x5e: {  	_ =	shalt  }
0x5f: {  	_ =	shalt  }
0x60: {  	_ =	shalt  }
0x61: {  	_ =	shalt  }
0x62: {  	_ =	shalt  }
0x63: {  	_ =	shalt  }
0x64: {  	_ =	shalt  }
0x65: {  	_ =	shalt  }
0x66: {  	_ =	shalt  }
0x67: {  	_ =	shalt  }
0x68: {  	_ =	shalt  }
0x69: {  	_ =	shalt  }
0x6a: {  	_ =	shalt  }
0x6b: {  	_ =	shalt  }
0x6c: {  	_ =	shalt  }
0x6d: {  	_ =	shalt  }
0x6e: {  	_ =	shalt  }
0x6f: {  	_ =	shalt  }
0x70: {  	_ =	shalt  }
0x71: {  	_ =	shalt  }
0x72: {  	_ =	shalt  }
0x73: {  	_ =	shalt  }
0x74: {  	_ =	shalt  }
0x75: {  	_ =	shalt  }
0x76: {  	_ =	shalt  }
0x77: {  	_ =	shalt  }
0x78: {  	_ =	shalt  }
0x79: {  	_ =	shalt  }
0x7a: {  	_ =	shalt  }
0x7b: {  	_ =	shalt  }
0x7c: {  	_ =	shalt  }
0x7d: {  	_ =	shalt  }
0x7e: {  	_ =	shalt  }
0x7f: {  	_ =	shalt  }
0x80: {  	_ =	shalt  }
0x81: {  	_ =	shalt  }
0x82: {  	_ =	shalt  }
0x83: {  	_ =	shalt  }
0x84: {  	_ =	shalt  }
0x85: {  	_ =	shalt  }
0x86: {  	_ =	shalt  }
0x87: {  	_ =	shalt  }
.Lfunc_end0:
.L_simem_size_0:
called_computation_lowered:
.L_overlay_start_0:
0x88: {  	s2 =	sld [smem:$0x3FD9]  }
0x89: {  	s3 =	sld [smem:$0x3FFE];
	_ =	sdelay $0x1  }
0x8a: {  	s1 =	srdreg.scid  }
0x8b: {  	s0 =	sand.u32 $0x1, s1  }
0x8c: {  	s17 =	sshll.u32 s0, $0xA;
	s2 =	sadd.s32 s3, s2  }
0x8d: {  	s2 =	sadd.s32 s2, s17  }
0x8e: {  	[smem:$0x3FC4] =	sst s2  }
0x8f: {  	_ = 	snop  }
0x90: {  	s2 =	sld [smem:$0x3FD0];
	(tm) =	ssettm $0x1  }
0x91: {  	s18 =	sld [smem:$0x3FFB];
	_ =	sdelay $0x3  }
0x92: {  	_ =	strace s18  }
0x93: {  	s3 =	sld [smem:$0x3FFC];
	_ =	sdelay $0x3  }
0x94: {  	_ =	strace s3  }
0x95: {  	s3 =	sld [smem:$0x3FFD];
	_ =	sdelay $0x3  }
0x96: {  	_ =	strace s3  }
0x97: {  	_ =	strace $0x8FFFFFFF  }
0x98: {  	s19 =	sld [smem:$0x3FDB];
	_ =	sdelay $0x1  }
0x99: {  	s4 =	simm.s32 $_scs_section_size  }
0x9a: {  	s5 =	simm.s32 $_size__tile_overlayer_lowered;
	s6 =	simm.s32 $_tile_overlayer_lowered  }
0x9b: {  	s22 =	simm.s32 $0x1BFF;
	s21 =	sshll.u32 s6, $0x1;
	s3 =	sadd.s32 s4, s19  }
0x9c: {  	s7 =	simm.s32 $0x0;
	s20 =	sshll.u32 s5, $0x1;
	s5 =	sadd.s32 s21, s3  }
0x9d: {  	[timem:s7], [sflag:s22] =	dma.local [hbm:s5], s20  }
0x9e: {  	_ =	swait.ge [sflag:s22], s20  }
0x9f: {  	s4 =	ssub.s32 $0x0, s20;
	[sflag:s22] =	ssyncset.done $0x0  }
0xa0: {  	[sflag:s22] =	ssyncadd.s32 s4;
	_ =	sdelay $0x1  }
0xa1: {  	s23 =	simm.s32 $0x1B8B  }
0xa2: {  	_ =	swait.ge [sflag:s23], $0x1  }
0xa3: {  	[sflag:s23] =	ssyncset.done $0x0  }
0xa4: {  	s25 =	simm.s32 $0x1B8E;
	s24 =	sld [smem:$0x3FFE];
	[sflag:s23] =	ssyncadd.s32 $0xFFFFFFFF  }
0xa5: {  	s26 =	simm.s32 $execute0_lowered;
	[smem:$0x3FD2] =	sst s25  }
0xa6: {  	s5 =	sshll.u32 s26, $0x1;
	_ =	strace $0x80000046;
	[dreg:$0x1] =	wrdreg $0xFFFFFFFF  }
0xa7: {  	s28 =	simm.s32 $_size_execute0_lowered;
	s3 =	sadd.s32 s3, s5;
	[dreg:$0x0] =	wrdreg $0x0  }
0xa8: {  	s5 =	sshll.u32 s28, $0x1;
	[dreg:$0x2] =	wrdreg s3  }
0xa9: {  	[dreg:$0x3] =	wrdreg s5  }
0xaa: {  	[dreg:$0x4] =	wrdreg $0xC0  }
0xab: {  	_ =	task [dreg:s7], $0x5FFFF  }
0xac: {  	[dreg:$0x1] =	wrdreg $0xFFFFFFFF  }
0xad: {  	[dreg:$0x0] =	wrdreg $0x60  }
0xae: {  	[dreg:$0x2] =	wrdreg s24  }
0xaf: {  	[dreg:$0x3] =	wrdreg s2  }
0xb0: {  	[dreg:$0x4] =	wrdreg $0x9  }
0xb1: {  	_ =	task.clear_ibuf [dreg:s7], $0x5FFFF;
	_ =	strace $0x90000046  }
0xb2: {  	s29 =	simm.s32 $0x9;
	_ =	strace $0x80000048  }
0xb3: {  	_ =	swait.ge [sflag:s29], $0x1  }
0xb4: {  	[sflag:s29] =	ssyncadd.s32 $0xFFFFFFFF  }
0xb5: {  	_ =	strace $0x90000048  }
0xb6: {  	_ =	sfence  }
0xb7: {  	s30 =	sld [smem:$0x0];
	_ =	sdelay $0x2  }
0xb8: {  	s31 =	sshll.u32 s1, $0xD;
	s1 =	sshrl.u32 s1, $0x2  }
0xb9: {  	s3 =	sand.u32 $0x4000, s31;
	s1 =	sadd.s32 s1, s30  }
0xba: {  	s0 =	sor.u32 s3, s0;
	s1 =	sshll.u32 s1, $0x11  }
0xbb: {  	s0 =	sor.u32 s1, s0  }
0xbc: {  	s0 =	sadd.s32 $0x8F2B, s0  }
0xbd: {  	[sflag:s0] =	ssyncadd.remote.s32 $0x1  }
0xbe: {  	_ =	sfence.sel $0xFFFF  }
0xbf: {  	[dreg:$0x0] =	wrdreg $0xFFFFFFFF;
	(pc) =	sbr.abs _section_cstart, $3  }
0xc0: {  	[dreg:$0x1] =	wrdreg $0xFFFFFFFF  }
0xc1: {  	_ =	task.clear_ibuf [dreg:s7], $0x2FFFF;
	_ =	strace $0x9FFFFFFF  }
0xc2: {  	(tm) =	ssettm $0x7FFFFFFF  }
0xc3: {  	_ =	shalt  }
tec
execute0_lowered:
.L_overlay_start_1:
0x0: {  	(tag) =	ssettag $0x1  }
0x1: {  	s0 =	srdreg.scid  }
0x2: {  	s4 =	rddreg [dreg:$0x0];
	s3 =	sand.u32 $0x1, s0  }
0x3: {  	s5 =	rddreg [dreg:$0x1];
	s0 =	stileid.u32;
	s1 =	sshll.u32 s3, $0x4  }
0x4: {  	s2 =	simm.s32 $0x0;
	s9 =	simm.s32 $0x400;
	s6 =	sor.u32 s0, s1  }
0x5: {  	s10 =	simm.s32 $0x0;
	[smem:$0x7FF] =	sst s2;
	s7 =	sshrl.u32 s6, $0x3  }
0x6: {  	s8 =	sshll.u32 s0, $0x7;
	s3 =	ssub.s32 $0x2, s3;
	s7 =	smul.u32 $0x13C00, s7  }
0x7: {  	s1 =	rddreg [dreg:$0x2];
	s8 =	sand.u32 $0x380, s8;
	s6 =	smul.u32 $0x500, s6  }
0x8: {  	_ =	strace $0x80000047;
	s31 =	sshrl.u32 s3, $0x1;
	s7 =	sor.u32 s8, s7  }
0x9: {  	s4 =	sadd.s32 s6, s4;
	s6 =	ssub.s32 s3, s31;
	s7 =	sshrl.u32 s7, $0x3  }
0xa: {  	s3 =	sadd.s32 $0x1E00, s4;
	s8 =	simm.s32 $0x80;
	s4 =	sadd.s32 s5, s7  }
0xb: {  	v0 =	vimm.f32 $0.0e+00;
	v1 =	vimm.f32 $1.000000000e+00;
	s5 =	smax.u32 s6, $0x1;
	s6 =	simm.s32 $0x2780;
	s7 =	simm.s32 $0x1  }
.LBB2_1:
0xc: {  	s11 =	simm.s32 $0x40;
	s12 =	simm.s32 $0x0  }
.LBB2_2:
0xd: {  	p0 =	sne.s32 s11, $0x9DC0;
	[tilespmem:s12+$0x0] =	vst v0;
	s12 =	smov.u32 s11;
	s11 =	sadd.s32 $0x40, s11  }
.Ltmp0:
0xe: {  	(pc) =	sbr.rel @p0 .LBB2_2-.Ltmp0, $2  }
0xf: {  	_ =	sdelay $0x2  }
0x10: {  	s12 =	sshra.s32 s12, $0x2  }
0x11: {  	[tilespmem:s12+$0x0] =	vst v0;
	s11 =	simm.s32 $0x0  }
0x12: {  	[tilespmem:s6], [sflag:$0x1] =	stream.linear.gather [hbm4b:s3+s11], $0x2800, $0x38;
	[tilespmem:$0x4F80] =	vst v63  }
0x13: {  	_ =	swait.ge [sflag:s7], $0x2800  }
0x14: {  	[sflag:s7] =	ssyncset.done $0x0  }
0x15: {  	s12 =	simm.s32 $0x0;
	s11 =	simm.s32 $0x40;
	[sflag:s7] =	ssyncadd.s32 $0xFFFFD800  }
.LBB2_4:
0x16: {  	p0 =	sne.s32 s11, $0x9FC0;
	v2 =	vld [tilespmem:s12+$0x2780];
	_ =	sdelay $0x3  }
.Ltmp1:
0x17: {  	(pc) =	sbr.rel @p0 .LBB2_4-.Ltmp1, $2  }
0x18: {  	_ =	sdelay $0x2  }
0x19: {  	s12 =	sshra.s32 s11, $0x2;
	s11 =	sadd.s32 $0x40, s11;
	[tilespmem:v2+s2+$0x0] =	vst.idx.add.f32.msk $0xffff, v1  }
0x1a: {  	v2 =	vld [tilespmem:s12+$0x2780];
	_ =	sdelay $0x5  }
0x1b: {  	s10 =	sadd.s32 $0x1, s10  }
0x1c: {  	p0 =	sne.s32 s10, s5  }
.Ltmp2:
0x1d: {  	[tilespmem:v2+s2+$0x0] =	vst.idx.add.f32.msk $0xffff, v1;
	(pc) =	sbr.rel @p0 .LBB2_1-.Ltmp2, $4  }
0x1e: {  	[hbm4b:s4+s8] =	stream.strided.scatter [tilespmem:s2], [sflag:$0x1], $0x2780, s9, s8, $0x38;
	[tilespmem:$0x4F80] =	vst v63  }
0x1f: {  	_ =	swait.ge [sflag:s7], $0x2780  }
0x20: {  	[sflag:s7] =	ssyncset.done $0x0  }
0x21: {  	[sflag:s7] =	ssyncadd.s32 $0xFFFFD880  }
0x22: {  	_ =	sfence.sel $0x180000  }
0x23: {  	[bflag:$0x0] =	sbarrier.arrive $0xFFFF  }
0x24: {  	p0 =	sne.s32 s0, $0x0;
	_ =	strace $0x90000047  }
0x25: {  	s0 =	sadd.s32 @!p0 $0x100000, s1;
	[bflag:$0x2] =	sbarrier.arrive $0xFFFF  }
0x26: {  	[sflag:s0] =	ssyncadd.tile.s32 @!p0 $0x1;
	_ =	shalt  }
.Lfunc_end2:
_tile_overlayer_lowered:
.L_overlay_start_2:
0x27: {  	(tag) =	ssettag $0x2  }
0x28: {  	s0 =	rddreg [dreg:$0x0];
	s2 =	stileid.u32  }
0x29: {  	s1 =	rddreg [dreg:$0x1];
	p0 =	sne.s32 s2, $0x0  }
0x2a: {  	s3 =	rddreg [dreg:$0x2];
	[bflag:$0x3] =	sbarrier.arrive $0xFFFF;
	s2 =	simm.s32 @!p0 $0x1C01  }
0x2b: {  	[timem:s3], [sflag:s2] =	dma.local @!p0 [hbm:s0], s1  }
0x2c: {  	s0 =	simm.s32 @!p0 $0x1  }
0x2d: {  	_ =	swait.ge @!p0 [sflag:s0], s1  }
0x2e: {  	s1 =	ssub.s32 @!p0 $0x0, s1;
	[sflag:s0] =	ssyncset.done @!p0 $0x0  }
0x2f: {  	[sflag:s0] =	ssyncadd.s32 @!p0 s1  }
0x30: {  	[bflag:$0x3] =	sbarrier.arrive $0xFFFF  }
0x31: {  	_ =	shalt  }

</sc_bundles>
